<compile_context>
chip_gen: v7x
topology: tpu7x:2x2x1
jax: 0.10.2.dev20260603
libtpu: 0.0.44.dev20260713+nightly
codegen_flags: <defaults>
</compile_context>

<pallas_src>
import jax
import jax.numpy as jnp
from jax import lax
from jax.experimental import pallas as pl
from jax.experimental.pallas import tpu as pltpu
from jax.experimental.pallas import tpu_sc as plsc

N_NODES = 10000
N_EDGES = 160000
IN_DIM = 256
HID = 512
LAT = 128
N_MAX = 128
NUM_GRAPHS = 64

NC = 2
NS = 16
NW = NC * NS
EPT = N_EDGES // NW
K = 125
STEPS = EPT // K
CHUNK = 128
RPT = 624
RTAIL = N_NODES - NS * RPT
RTOFF = NS * RPT

ROWBLK = 2000
NRB = N_NODES // ROWBLK



DEGW = 128


def _deg_sc_body(dstw, ones_h, zeros_h, out_h, idxd_v, ones_v, acc_sh):
    c = lax.axis_index("c")
    s = lax.axis_index("s")
    w = c * NS + s
    pltpu.sync_copy(dstw.at[w], idxd_v)
    pltpu.sync_copy(ones_h, ones_v)
    r0 = s * RPT
    pltpu.sync_copy(zeros_h.at[pl.ds(r0, RPT)], acc_sh.at[pl.ds(r0, RPT)])

    @pl.when(s == 0)
    def _():
        pltpu.sync_copy(zeros_h.at[pl.ds(RTOFF, RTAIL)],
                        acc_sh.at[pl.ds(RTOFF, RTAIL)])

    plsc.subcore_barrier()

    def step(j, carry):
        pltpu.sync_copy(ones_v, acc_sh.at[idxd_v.at[j]], add=True)
        return carry

    lax.fori_loop(0, STEPS, step, 0)
    plsc.subcore_barrier()
    pltpu.sync_copy(acc_sh.at[pl.ds(r0, RPT)], out_h.at[c].at[pl.ds(r0, RPT)])

    @pl.when(s == 0)
    def _():
        pltpu.sync_copy(acc_sh.at[pl.ds(RTOFF, RTAIL)],
                        out_h.at[c].at[pl.ds(RTOFF, RTAIL)])


_deg_call = pl.kernel(
    _deg_sc_body,
    out_type=jax.ShapeDtypeStruct((NC, N_NODES, DEGW), jnp.float32),
    mesh=plsc.VectorSubcoreMesh(core_axis_name="c", subcore_axis_name="s"),
    scratch_types=[
        pltpu.VMEM((STEPS, K), jnp.int32),
        pltpu.VMEM((K, DEGW), jnp.float32),
        pltpu.VMEM_SHARED((N_NODES, DEGW), jnp.float32),
    ],
)


NPAIR = STEPS // 2


def _agg_sc_body(xk_h, srcw, dstw, zeros_h, out_h, idxs_v, idxd_v,
                 buf0, buf1, sem0, sem1, acc_sh):
    c = lax.axis_index("c")
    s = lax.axis_index("s")
    w = c * NS + s
    pltpu.sync_copy(srcw.at[w], idxs_v)
    pltpu.sync_copy(dstw.at[w], idxd_v)
    r0 = s * RPT
    pltpu.sync_copy(zeros_h.at[pl.ds(r0, RPT)], acc_sh.at[pl.ds(r0, RPT)])

    @pl.when(s == 0)
    def _():
        pltpu.sync_copy(zeros_h.at[pl.ds(RTOFF, RTAIL)],
                        acc_sh.at[pl.ds(RTOFF, RTAIL)])

    plsc.subcore_barrier()
    pltpu.async_copy(xk_h.at[idxs_v.at[0]], buf0, sem0)

    def pair(j2, carry):
        j = j2 * 2
        pltpu.make_async_copy(xk_h.at[idxs_v.at[j]], buf0, sem0).wait()
        pltpu.async_copy(xk_h.at[idxs_v.at[j + 1]], buf1, sem1)
        pltpu.sync_copy(buf0, acc_sh.at[idxd_v.at[j]], add=True)
        pltpu.make_async_copy(xk_h.at[idxs_v.at[j + 1]], buf1, sem1).wait()

        @pl.when(j2 + 1 < NPAIR)
        def _():
            pltpu.async_copy(xk_h.at[idxs_v.at[j + 2]], buf0, sem0)

        pltpu.sync_copy(buf1, acc_sh.at[idxd_v.at[j + 1]], add=True)
        return carry

    lax.fori_loop(0, NPAIR, pair, 0)
    plsc.subcore_barrier()
    pltpu.sync_copy(acc_sh.at[pl.ds(r0, RPT)], out_h.at[c].at[pl.ds(r0, RPT)])

    @pl.when(s == 0)
    def _():
        pltpu.sync_copy(acc_sh.at[pl.ds(RTOFF, RTAIL)],
                        out_h.at[c].at[pl.ds(RTOFF, RTAIL)])


_agg_call = pl.kernel(
    _agg_sc_body,
    out_type=jax.ShapeDtypeStruct((NC, N_NODES, CHUNK), jnp.float32),
    mesh=plsc.VectorSubcoreMesh(core_axis_name="c", subcore_axis_name="s"),
    scratch_types=[
        pltpu.VMEM((STEPS, K), jnp.int32),
        pltpu.VMEM((STEPS, K), jnp.int32),
        pltpu.VMEM((K, CHUNK), jnp.float32),
        pltpu.VMEM((K, CHUNK), jnp.float32),
        pltpu.SemaphoreType.DMA,
        pltpu.SemaphoreType.DMA,
        pltpu.VMEM_SHARED((N_NODES, CHUNK), jnp.float32),
    ],
)



def _scale_body(degp_ref, x_ref, xs_ref, dinv_ref):
    p = degp_ref[...]
    dv = lax.rsqrt(1.0 + p[0, :, 0:1] + p[1, :, 0:1])
    dinv_ref[...] = dv
    xv = x_ref[...]
    for k in range(IN_DIM // CHUNK):
        xs_ref[k] = xv[:, k * CHUNK:(k + 1) * CHUNK] * dv


def _conv1_body(a0_ref, a1_ref, x_ref, dinv_ref, w1_ref, b1_ref,
                h1_ref, hs_ref):
    a = jnp.concatenate([a0_ref[0] + a0_ref[1], a1_ref[0] + a1_ref[1]], axis=1)
    dv = dinv_ref[...]
    t = a * dv + x_ref[...] * (dv * dv)
    h1 = jnp.maximum(
        jnp.dot(t, w1_ref[...], preferred_element_type=jnp.float32)
        + b1_ref[...], 0.0)
    h1_ref[...] = h1
    hs = h1 * dv
    for k in range(HID // CHUNK):
        hs_ref[k] = hs[:, k * CHUNK:(k + 1) * CHUNK]


def _conv2_pool_body(a0_ref, a1_ref, a2_ref, a3_ref, h1_ref, dinv_ref,
                     batch_ref, w2_ref, b2_ref, gsum_ref, cnt_ref):
    i = pl.program_id(0)
    a = jnp.concatenate(
        [a0_ref[0] + a0_ref[1], a1_ref[0] + a1_ref[1],
         a2_ref[0] + a2_ref[1], a3_ref[0] + a3_ref[1]], axis=1)
    dv = dinv_ref[...]
    t = a * dv + h1_ref[...] * (dv * dv)
    h2 = jnp.maximum(
        jnp.dot(t, w2_ref[...], preferred_element_type=jnp.float32)
        + b2_ref[...], 0.0)
    gids = lax.broadcasted_iota(jnp.int32, (ROWBLK, NUM_GRAPHS), 1)
    oh = (batch_ref[...] == gids).astype(jnp.float32)
    gp = lax.dot_general(oh, h2, (((0,), (0,)), ((), ())),
                         preferred_element_type=jnp.float32)
    cp = jnp.sum(oh, axis=0, keepdims=True)

    @pl.when(i == 0)
    def _():
        gsum_ref[...] = jnp.zeros_like(gsum_ref)
        cnt_ref[...] = jnp.zeros_like(cnt_ref)

    gsum_ref[...] += gp
    cnt_ref[...] += cp


def _head_body(gsum_ref, cnt_ref, wmu_ref, bmu_ref, wlv_ref, blv_ref, eps_ref,
               wd1_ref, bd1_ref, wd2_ref, bd2_ref,
               mu_ref, lv_ref, h2_ref):
    cnt = jnp.maximum(cnt_ref[...], 1.0)
    g = gsum_ref[...] / jnp.transpose(cnt)
    mu = jnp.dot(g, wmu_ref[...], preferred_element_type=jnp.float32) + bmu_ref[...]
    lv = jnp.dot(g, wlv_ref[...], preferred_element_type=jnp.float32) + blv_ref[...]
    mu_ref[...] = mu
    lv_ref[...] = lv
    z = mu + jnp.exp(0.5 * lv) * eps_ref[...]
    h = jnp.maximum(jnp.dot(z, wd1_ref[...], preferred_element_type=jnp.float32)
                    + bd1_ref[...], 0.0)
    h = jnp.maximum(jnp.dot(h, wd2_ref[...], preferred_element_type=jnp.float32)
                    + bd2_ref[...], 0.0)
    h2_ref[...] = h


_LCOLS = 4096
_LROWS = _LCOLS // N_MAX


def _logits_body(h2_ref, wd3_ref, bd3_ref, out_ref):
    val = (jnp.dot(h2_ref[...], wd3_ref[...],
                   preferred_element_type=jnp.float32) + bd3_ref[...])
    out_ref[...] = val.reshape(NUM_GRAPHS, _LROWS, N_MAX)


def _sym_body(l_ref, eye_ref, out_ref):
    l = l_ref[...]
    lt = lax.dot_general(l, eye_ref[...], (((1,), (0,)), ((), ())),
                         preferred_element_type=jnp.float32)
    ls = (l + lt) * 0.5
    r = lax.broadcasted_iota(jnp.int32, (NUM_GRAPHS, N_MAX, N_MAX), 1)
    c = lax.broadcasted_iota(jnp.int32, (NUM_GRAPHS, N_MAX, N_MAX), 2)
    out_ref[...] = jnp.where(r == c, 0.0, 1.0 / (1.0 + jnp.exp(-ls)))



def kernel(x, edge_index, batch, W1, b1, W2, b2, Wmu, bmu, Wlv, blv,
           Wd1, bd1, Wd2, bd2, Wd3, bd3):
    f32 = jnp.float32
    src2 = edge_index[0].reshape(NW, STEPS, K)
    dst2 = edge_index[1].reshape(NW, STEPS, K)
    ones_k = jnp.ones((K, DEGW), f32)
    zeros_small = jnp.zeros((N_NODES, CHUNK), f32)

    degp = _deg_call(dst2, ones_k, zeros_small)

    xs_chunks, dinv = pl.pallas_call(
        _scale_body,
        grid=(NRB,),
        in_specs=[
            pl.BlockSpec((NC, ROWBLK, DEGW), lambda i: (0, i, 0)),
            pl.BlockSpec((ROWBLK, IN_DIM), lambda i: (i, 0)),
        ],
        out_specs=(
            pl.BlockSpec((IN_DIM // CHUNK, ROWBLK, CHUNK), lambda i: (0, i, 0)),
            pl.BlockSpec((ROWBLK, 1), lambda i: (i, 0)),
        ),
        out_shape=(
            jax.ShapeDtypeStruct((IN_DIM // CHUNK, N_NODES, CHUNK), f32),
            jax.ShapeDtypeStruct((N_NODES, 1), f32),
        ),
    )(degp, x)

    srcs = [src2 + jnp.int32(k * N_NODES) for k in range(HID // CHUNK)]
    xs_flat = xs_chunks.reshape((IN_DIM // CHUNK) * N_NODES, CHUNK)

    a1 = [_agg_call(xs_flat, srcs[k], dst2, zeros_small)
          for k in range(IN_DIM // CHUNK)]

    h1, hs_chunks = pl.pallas_call(
        _conv1_body,
        grid=(NRB,),
        in_specs=[
            pl.BlockSpec((NC, ROWBLK, CHUNK), lambda i: (0, i, 0)),
            pl.BlockSpec((NC, ROWBLK, CHUNK), lambda i: (0, i, 0)),
            pl.BlockSpec((ROWBLK, IN_DIM), lambda i: (i, 0)),
            pl.BlockSpec((ROWBLK, 1), lambda i: (i, 0)),
            pl.BlockSpec((IN_DIM, HID), lambda i: (0, 0)),
            pl.BlockSpec((HID,), lambda i: (0,)),
        ],
        out_specs=(
            pl.BlockSpec((ROWBLK, HID), lambda i: (i, 0)),
            pl.BlockSpec((HID // CHUNK, ROWBLK, CHUNK), lambda i: (0, i, 0)),
        ),
        out_shape=(
            jax.ShapeDtypeStruct((N_NODES, HID), f32),
            jax.ShapeDtypeStruct((HID // CHUNK, N_NODES, CHUNK), f32),
        ),
    )(a1[0], a1[1], x, dinv, W1, b1)

    hs_flat = hs_chunks.reshape((HID // CHUNK) * N_NODES, CHUNK)
    a2 = [_agg_call(hs_flat, srcs[k], dst2, zeros_small)
          for k in range(HID // CHUNK)]

    gsum, cnt = pl.pallas_call(
        _conv2_pool_body,
        grid=(NRB,),
        in_specs=[
            pl.BlockSpec((NC, ROWBLK, CHUNK), lambda i: (0, i, 0)),
            pl.BlockSpec((NC, ROWBLK, CHUNK), lambda i: (0, i, 0)),
            pl.BlockSpec((NC, ROWBLK, CHUNK), lambda i: (0, i, 0)),
            pl.BlockSpec((NC, ROWBLK, CHUNK), lambda i: (0, i, 0)),
            pl.BlockSpec((ROWBLK, HID), lambda i: (i, 0)),
            pl.BlockSpec((ROWBLK, 1), lambda i: (i, 0)),
            pl.BlockSpec((ROWBLK, 1), lambda i: (i, 0)),
            pl.BlockSpec((HID, HID), lambda i: (0, 0)),
            pl.BlockSpec((HID,), lambda i: (0,)),
        ],
        out_specs=(
            pl.BlockSpec((NUM_GRAPHS, HID), lambda i: (0, 0)),
            pl.BlockSpec((1, NUM_GRAPHS), lambda i: (0, 0)),
        ),
        out_shape=(
            jax.ShapeDtypeStruct((NUM_GRAPHS, HID), f32),
            jax.ShapeDtypeStruct((1, NUM_GRAPHS), f32),
        ),
    )(a2[0], a2[1], a2[2], a2[3], h1, dinv, batch[:, None], W2, b2)

    eps = jax.random.normal(jax.random.key(42), (NUM_GRAPHS, LAT), dtype=f32)

    mu, logv, hdec = pl.pallas_call(
        _head_body,
        out_shape=(
            jax.ShapeDtypeStruct((NUM_GRAPHS, LAT), f32),
            jax.ShapeDtypeStruct((NUM_GRAPHS, LAT), f32),
            jax.ShapeDtypeStruct((NUM_GRAPHS, HID), f32),
        ),
    )(gsum, cnt, Wmu, bmu, Wlv, blv, eps, Wd1, bd1, Wd2, bd2)

    logits = pl.pallas_call(
        _logits_body,
        grid=((N_MAX * N_MAX) // _LCOLS,),
        in_specs=[
            pl.BlockSpec((NUM_GRAPHS, HID), lambda i: (0, 0)),
            pl.BlockSpec((HID, _LCOLS), lambda i: (0, i)),
            pl.BlockSpec((_LCOLS,), lambda i: (i,)),
        ],
        out_specs=pl.BlockSpec((NUM_GRAPHS, _LROWS, N_MAX), lambda i: (0, i, 0)),
        out_shape=jax.ShapeDtypeStruct((NUM_GRAPHS, N_MAX, N_MAX), f32),
    )(hdec, Wd3, bd3)

    probs = pl.pallas_call(
        _sym_body,
        out_shape=jax.ShapeDtypeStruct((NUM_GRAPHS, N_MAX, N_MAX), f32),
    )(logits, jnp.eye(N_MAX, dtype=f32))

    return (probs, mu, logv)

# --- scband reference (transcript-rebuilt; emitter-appended) ---
"""Pipeline reference for scband-graph-vae-120259085025 (READ-ONLY COPY).

The authoritative reference and input builder live on the scoring server;
editing this copy changes nothing except your own understanding.
"""

import jax, jax.numpy as jnp
import numpy as np

N_NODES = 10000
N_EDGES = 160000
IN_DIM = 256
HID = 512
LAT = 128
N_MAX = 128
NUM_GRAPHS = 64


def setup_inputs(seed: int = 0) -> dict:
    key = jax.random.key(seed)
    ks = jax.random.split(key, 20)
    x = jax.random.normal(ks[0], (N_NODES, IN_DIM), dtype=jnp.float32)
    edge_index = jax.random.randint(ks[1], (2, N_EDGES), 0, N_NODES, dtype=jnp.int32)
    batch = jnp.sort(jax.random.randint(ks[2], (N_NODES,), 0, NUM_GRAPHS, dtype=jnp.int32))
    s = 0.05
    W1 = jax.random.normal(ks[3], (IN_DIM, HID), dtype=jnp.float32) * s
    b1 = jnp.zeros((HID,), dtype=jnp.float32)
    W2 = jax.random.normal(ks[4], (HID, HID), dtype=jnp.float32) * s
    b2 = jnp.zeros((HID,), dtype=jnp.float32)
    Wmu = jax.random.normal(ks[5], (HID, LAT), dtype=jnp.float32) * s
    bmu = jnp.zeros((LAT,), dtype=jnp.float32)
    Wlv = jax.random.normal(ks[6], (HID, LAT), dtype=jnp.float32) * s
    blv = jnp.zeros((LAT,), dtype=jnp.float32)
    Wd1 = jax.random.normal(ks[7], (LAT, HID), dtype=jnp.float32) * s
    bd1 = jnp.zeros((HID,), dtype=jnp.float32)
    Wd2 = jax.random.normal(ks[8], (HID, HID), dtype=jnp.float32) * s
    bd2 = jnp.zeros((HID,), dtype=jnp.float32)
    Wd3 = jax.random.normal(ks[9], (HID, N_MAX * N_MAX), dtype=jnp.float32) * s
    bd3 = jnp.zeros((N_MAX * N_MAX,), dtype=jnp.float32)
    return {"x": x, "edge_index": edge_index, "batch": batch,
            "W1": W1, "b1": b1, "W2": W2, "b2": b2,
            "Wmu": Wmu, "bmu": bmu, "Wlv": Wlv, "blv": blv,
            "Wd1": Wd1, "bd1": bd1, "Wd2": Wd2, "bd2": bd2,
            "Wd3": Wd3, "bd3": bd3}


def _gcn_conv(x, edge_index, W, b):
    # PyG-style GCNConv: add self loops, symmetric normalization, scatter-add aggregation
    n = x.shape[0]
    src = edge_index[0]
    dst = edge_index[1]
    loop = jnp.arange(n, dtype=src.dtype)
    src = jnp.concatenate([src, loop])
    dst = jnp.concatenate([dst, loop])
    deg = jnp.zeros((n,), dtype=x.dtype).at[dst].add(1.0)
    dinv = jax.lax.rsqrt(deg)  # deg >= 1 because of self loops
    norm = dinv[src] * dinv[dst]
    h = x @ W
    msgs = h[src] * norm[:, None]
    out = jnp.zeros((n, W.shape[1]), dtype=x.dtype).at[dst].add(msgs)
    return out + b


def reference(x, edge_index, batch, W1, b1, W2, b2, Wmu, bmu, Wlv, blv, Wd1, bd1, Wd2, bd2, Wd3, bd3):
    h = jax.nn.relu(_gcn_conv(x, edge_index, W1, b1))
    h = jax.nn.relu(_gcn_conv(h, edge_index, W2, b2))
    # global_mean_pool
    ssum = jax.ops.segment_sum(h, batch, num_segments=NUM_GRAPHS)
    cnt = jax.ops.segment_sum(jnp.ones((h.shape[0],), dtype=h.dtype), batch, num_segments=NUM_GRAPHS)
    g = ssum / jnp.maximum(cnt, 1.0)[:, None]
    mu = g @ Wmu + bmu
    logv = g @ Wlv + blv
    std = jnp.exp(0.5 * logv)
    eps = jax.random.normal(jax.random.key(42), std.shape, dtype=std.dtype)
    z = mu + std * eps
    # decoder MLP
    h2 = jax.nn.relu(z @ Wd1 + bd1)
    h2 = jax.nn.relu(h2 @ Wd2 + bd2)
    logits = (h2 @ Wd3 + bd3).reshape(NUM_GRAPHS, N_MAX, N_MAX)
    logits = (logits + jnp.swapaxes(logits, 1, 2)) / 2.0
    mask = jnp.eye(N_MAX, dtype=bool)
    logits = jnp.where(mask[None, :, :], jnp.float32(-9e15), logits)
    probs = jax.nn.sigmoid(logits)
    N = min(x.shape[0], N_MAX)  # data.num_nodes = 10000 > N_max, slice is full
    adj_hat = probs[:, :N, :N]
    return (adj_hat, mu, logv)

if __name__ == "__main__":
    import jax
    _d = setup_inputs()
    print(jax.jit(kernel)(*tuple(_d.values())))

</pallas_src>

<mosaic_0001>
#map = affine_map<(d0, d1) -> (0, 0, 0)>
#map1 = affine_map<(d0, d1) -> (0, 0)>
module attributes {stable_mosaic.version = 14 : i64} {
  func.func @_deg_sc_body(%arg0: i32, %arg1: i32, %arg2: memref<32x40x125xi32, #tpu.memory_space<hbm>>, %arg3: memref<125x128xf32, #tpu.memory_space<hbm>>, %arg4: memref<10000x128xf32, #tpu.memory_space<hbm>>, %arg5: memref<2x10000x128xf32, #tpu.memory_space<hbm>>, %arg6: memref<40x125xi32, #tpu.memory_space<vmem>>, %arg7: memref<125x128xf32, #tpu.memory_space<vmem>>, %arg8: memref<10000x128xf32, #tpu.memory_space<vmem_shared>>) attributes {dimension_semantics = [#tpu.dimension_semantics<core_parallel>, #tpu.dimension_semantics<subcore_parallel>], iteration_bounds = array<i64: 2, 16>, scalar_prefetch = 0 : i64, scratch_operands = 3 : i64, tpu.core_type = #tpu.core_type<sc_vector_subcore>, window_params = [{transform_indices = #map}, {transform_indices = #map1}, {transform_indices = #map1}, {transform_indices = #map}]} {
    %mul3A = arith.constant 16 : i32
    %mul3A_0 = arith.muli %arg0, %mul3A : i32
    %add3A = arith.addi %mul3A_0, %arg1 : i32
    "tpu.region"() ({
      %run_scoped3A = tpu.sem_alloc : memref<!tpu.dma_semaphore, #tpu.memory_space<semaphore_mem>>
      %dma_start3A = arith.constant 0 : i32
      %dma_start3A_16 = arith.constant 0 : i32
      %dma_start3A_17 = tpu.memref_slice %arg2[%add3A, %dma_start3A, %dma_start3A_16] : memref<32x40x125xi32, #tpu.memory_space<hbm>> -> memref<1x40x125xi32, #tpu.memory_space<hbm>>
      %dma_start3A_18 = tpu.memref_squeeze %dma_start3A_17 : memref<1x40x125xi32, #tpu.memory_space<hbm>> -> memref<40x125xi32, #tpu.memory_space<hbm>>
      %dma_start3A_19 = arith.constant 0 : i32
      %dma_start3A_20 = arith.constant 0 : i32
      %dma_start3A_21 = tpu.memref_slice %arg2[%add3A, %dma_start3A_19, %dma_start3A_20] : memref<32x40x125xi32, #tpu.memory_space<hbm>> -> memref<1x40x125xi32, #tpu.memory_space<hbm>>
      %dma_start3A_22 = tpu.memref_squeeze %dma_start3A_21 : memref<1x40x125xi32, #tpu.memory_space<hbm>> -> memref<40x125xi32, #tpu.memory_space<hbm>>
      tpu.enqueue_dma source(%dma_start3A_22 : memref<40x125xi32, #tpu.memory_space<hbm>>) target(%arg6 : memref<40x125xi32, #tpu.memory_space<vmem>>) target_semaphore(%run_scoped3A : memref<!tpu.dma_semaphore, #tpu.memory_space<semaphore_mem>>)
      %dma_wait3A = arith.constant 0 : i32
      %dma_wait3A_23 = arith.constant 0 : i32
      %dma_wait3A_24 = tpu.memref_slice %arg2[%add3A, %dma_wait3A, %dma_wait3A_23] : memref<32x40x125xi32, #tpu.memory_space<hbm>> -> memref<1x40x125xi32, #tpu.memory_space<hbm>>
      %dma_wait3A_25 = tpu.memref_squeeze %dma_wait3A_24 : memref<1x40x125xi32, #tpu.memory_space<hbm>> -> memref<40x125xi32, #tpu.memory_space<hbm>>
      %dma_wait3A_26 = arith.constant 0 : i32
      %dma_wait3A_27 = arith.constant 0 : i32
      %dma_wait3A_28 = tpu.memref_slice %arg2[%add3A, %dma_wait3A_26, %dma_wait3A_27] : memref<32x40x125xi32, #tpu.memory_space<hbm>> -> memref<1x40x125xi32, #tpu.memory_space<hbm>>
      %dma_wait3A_29 = tpu.memref_squeeze %dma_wait3A_28 : memref<1x40x125xi32, #tpu.memory_space<hbm>> -> memref<40x125xi32, #tpu.memory_space<hbm>>
      tpu.wait_dma2 semaphore(%run_scoped3A : memref<!tpu.dma_semaphore, #tpu.memory_space<semaphore_mem>>) src(%dma_wait3A_29 : memref<40x125xi32, #tpu.memory_space<hbm>>) dst(%arg6 : memref<40x125xi32, #tpu.memory_space<vmem>>)
      tpu.yield
    }) : () -> ()
    "tpu.region"() ({
      %run_scoped3A = tpu.sem_alloc : memref<!tpu.dma_semaphore, #tpu.memory_space<semaphore_mem>>
      tpu.enqueue_dma source(%arg3 : memref<125x128xf32, #tpu.memory_space<hbm>>) target(%arg7 : memref<125x128xf32, #tpu.memory_space<vmem>>) target_semaphore(%run_scoped3A : memref<!tpu.dma_semaphore, #tpu.memory_space<semaphore_mem>>)
      tpu.wait_dma2 semaphore(%run_scoped3A : memref<!tpu.dma_semaphore, #tpu.memory_space<semaphore_mem>>) src(%arg3 : memref<125x128xf32, #tpu.memory_space<hbm>>) dst(%arg7 : memref<125x128xf32, #tpu.memory_space<vmem>>)
      tpu.yield
    }) : () -> ()
    %mul3A_1 = arith.constant 624 : i32
    %mul3A_2 = arith.muli %arg1, %mul3A_1 : i32
    "tpu.region"() ({
      %run_scoped3A = tpu.sem_alloc : memref<!tpu.dma_semaphore, #tpu.memory_space<semaphore_mem>>
      %dma_start3A = arith.constant 0 : i32
      %dma_start3A_16 = tpu.memref_slice %arg8[%mul3A_2, %dma_start3A] : memref<10000x128xf32, #tpu.memory_space<vmem_shared>> -> memref<624x128xf32, #tpu.memory_space<vmem_shared>>
      %dma_start3A_17 = arith.constant 0 : i32
      %dma_start3A_18 = tpu.memref_slice %arg4[%mul3A_2, %dma_start3A_17] : memref<10000x128xf32, #tpu.memory_space<hbm>> -> memref<624x128xf32, #tpu.memory_space<hbm>>
      tpu.enqueue_dma source(%dma_start3A_18 : memref<624x128xf32, #tpu.memory_space<hbm>>) target(%dma_start3A_16 : memref<624x128xf32, #tpu.memory_space<vmem_shared>>) target_semaphore(%run_scoped3A : memref<!tpu.dma_semaphore, #tpu.memory_space<semaphore_mem>>)
      %dma_wait3A = arith.constant 0 : i32
      %dma_wait3A_19 = tpu.memref_slice %arg8[%mul3A_2, %dma_wait3A] : memref<10000x128xf32, #tpu.memory_space<vmem_shared>> -> memref<624x128xf32, #tpu.memory_space<vmem_shared>>
      %dma_wait3A_20 = arith.constant 0 : i32
      %dma_wait3A_21 = tpu.memref_slice %arg4[%mul3A_2, %dma_wait3A_20] : memref<10000x128xf32, #tpu.memory_space<hbm>> -> memref<624x128xf32, #tpu.memory_space<hbm>>
      tpu.wait_dma2 semaphore(%run_scoped3A : memref<!tpu.dma_semaphore, #tpu.memory_space<semaphore_mem>>) src(%dma_wait3A_21 : memref<624x128xf32, #tpu.memory_space<hbm>>) dst(%dma_wait3A_19 : memref<624x128xf32, #tpu.memory_space<vmem_shared>>)
      tpu.yield
    }) : () -> ()
    %eq3A = arith.constant 0 : i32
    %eq3A_3 = arith.cmpi eq, %arg1, %eq3A : i32
    %convert_element_type3A = arith.extui %eq3A_3 : i1 to i32
    %cond3A = arith.constant 0 : i32
    %cond3A_4 = arith.cmpi ne, %convert_element_type3A, %cond3A : i32
    scf.if %cond3A_4 {
      "tpu.region"() ({
        %run_scoped3A = tpu.sem_alloc : memref<!tpu.dma_semaphore, #tpu.memory_space<semaphore_mem>>
        %dma_start3A = arith.constant 9984 : i32
        %dma_start3A_16 = arith.constant 0 : i32
        %dma_start3A_17 = tpu.memref_slice %arg8[%dma_start3A, %dma_start3A_16] : memref<10000x128xf32, #tpu.memory_space<vmem_shared>> -> memref<16x128xf32, #tpu.memory_space<vmem_shared>>
        %dma_start3A_18 = arith.constant 9984 : i32
        %dma_start3A_19 = arith.constant 0 : i32
        %dma_start3A_20 = tpu.memref_slice %arg4[%dma_start3A_18, %dma_start3A_19] : memref<10000x128xf32, #tpu.memory_space<hbm>> -> memref<16x128xf32, #tpu.memory_space<hbm>>
        tpu.enqueue_dma source(%dma_start3A_20 : memref<16x128xf32, #tpu.memory_space<hbm>>) target(%dma_start3A_17 : memref<16x128xf32, #tpu.memory_space<vmem_shared>>) target_semaphore(%run_scoped3A : memref<!tpu.dma_semaphore, #tpu.memory_space<semaphore_mem>>)
        %dma_wait3A = arith.constant 9984 : i32
        %dma_wait3A_21 = arith.constant 0 : i32
        %dma_wait3A_22 = tpu.memref_slice %arg8[%dma_wait3A, %dma_wait3A_21] : memref<10000x128xf32, #tpu.memory_space<vmem_shared>> -> memref<16x128xf32, #tpu.memory_space<vmem_shared>>
        %dma_wait3A_23 = arith.constant 9984 : i32
        %dma_wait3A_24 = arith.constant 0 : i32
        %dma_wait3A_25 = tpu.memref_slice %arg4[%dma_wait3A_23, %dma_wait3A_24] : memref<10000x128xf32, #tpu.memory_space<hbm>> -> memref<16x128xf32, #tpu.memory_space<hbm>>
        tpu.wait_dma2 semaphore(%run_scoped3A : memref<!tpu.dma_semaphore, #tpu.memory_space<semaphore_mem>>) src(%dma_wait3A_25 : memref<16x128xf32, #tpu.memory_space<hbm>>) dst(%dma_wait3A_22 : memref<16x128xf32, #tpu.memory_space<vmem_shared>>)
        tpu.yield
      }) : () -> ()
    } else {
    }
    %barrier3A = arith.constant 0 : index
    tpu.barrier barrier_id(%barrier3A)
    %scan3A = arith.constant 0 : i32
    %scan3A_5 = arith.constant 0 : i32
    %scan3A_6 = arith.constant 40 : i32
    %scan3A_7 = arith.addi %scan3A_5, %scan3A_6 : i32
    %scan3A_8 = arith.constant 1 : i32
    scf.for %scan3A_16 = %scan3A_5 to %scan3A_7 step %scan3A_8  : i32 {
      "tpu.region"() ({
        %run_scoped3A = tpu.sem_alloc : memref<!tpu.dma_semaphore, #tpu.memory_space<semaphore_mem>>
        %dma_start3A = arith.constant 0 : i32
        %dma_start3A_17 = tpu.memref_slice %arg6[%scan3A_16, %dma_start3A] : memref<40x125xi32, #tpu.memory_space<vmem>> -> memref<1x125xi32, #tpu.memory_space<vmem>>
        %dma_start3A_18 = tpu.memref_squeeze %dma_start3A_17 : memref<1x125xi32, #tpu.memory_space<vmem>> -> memref<125xi32, #tpu.memory_space<vmem>>
        %dma_start3A_19 = arith.constant 0 : i32
        %dma_start3A_20 = arith.constant 0 : i32
        %dma_start3A_21 = tpu.memref_slice %arg8[%dma_start3A_19, %dma_start3A_20] : memref<10000x128xf32, #tpu.memory_space<vmem_shared>> -> memref<10000x128xf32, #tpu.memory_space<vmem_shared>>
        tpu.enqueue_indirect_dma source(%arg7 : memref<125x128xf32, #tpu.memory_space<vmem>>) target(%dma_start3A_21 : memref<10000x128xf32, #tpu.memory_space<vmem_shared>>) offsets(%dma_start3A_18 : memref<125xi32, #tpu.memory_space<vmem>>) semaphore(%run_scoped3A : memref<!tpu.dma_semaphore, #tpu.memory_space<semaphore_mem>>) {add = true}
        %dma_wait3A = arith.constant 0 : i32
        %dma_wait3A_22 = tpu.memref_slice %arg6[%scan3A_16, %dma_wait3A] : memref<40x125xi32, #tpu.memory_space<vmem>> -> memref<1x125xi32, #tpu.memory_space<vmem>>
        %dma_wait3A_23 = tpu.memref_squeeze %dma_wait3A_22 : memref<1x125xi32, #tpu.memory_space<vmem>> -> memref<125xi32, #tpu.memory_space<vmem>>
        %dma_wait3A_24 = arith.constant 0 : i32
        %dma_wait3A_25 = arith.constant 0 : i32
        %dma_wait3A_26 = tpu.memref_slice %arg8[%dma_wait3A_24, %dma_wait3A_25] : memref<10000x128xf32, #tpu.memory_space<vmem_shared>> -> memref<10000x128xf32, #tpu.memory_space<vmem_shared>>
        tpu.wait_indirect_dma semaphore(%run_scoped3A : memref<!tpu.dma_semaphore, #tpu.memory_space<semaphore_mem>>) src(%arg7 : memref<125x128xf32, #tpu.memory_space<vmem>>) dst(%dma_wait3A_26 : memref<10000x128xf32, #tpu.memory_space<vmem_shared>>)
        tpu.yield
      }) : () -> ()
    }
    %scan3A_9 = arith.constant 40 : i32
    %barrier3A_10 = arith.constant 0 : index
    tpu.barrier barrier_id(%barrier3A_10)
    "tpu.region"() ({
      %run_scoped3A = tpu.sem_alloc : memref<!tpu.dma_semaphore, #tpu.memory_space<semaphore_mem>>
      %dma_start3A = arith.constant 0 : i32
      %dma_start3A_16 = arith.constant 0 : i32
      %dma_start3A_17 = tpu.memref_slice %arg5[%arg0, %dma_start3A, %dma_start3A_16] : memref<2x10000x128xf32, #tpu.memory_space<hbm>> -> memref<1x10000x128xf32, #tpu.memory_space<hbm>>
      %dma_start3A_18 = tpu.memref_squeeze %dma_start3A_17 : memref<1x10000x128xf32, #tpu.memory_space<hbm>> -> memref<10000x128xf32, #tpu.memory_space<hbm>>
      %dma_start3A_19 = arith.constant 0 : i32
      %dma_start3A_20 = tpu.memref_slice %dma_start3A_18[%mul3A_2, %dma_start3A_19] : memref<10000x128xf32, #tpu.memory_space<hbm>> -> memref<624x128xf32, #tpu.memory_space<hbm>>
      %dma_start3A_21 = arith.constant 0 : i32
      %dma_start3A_22 = tpu.memref_slice %arg8[%mul3A_2, %dma_start3A_21] : memref<10000x128xf32, #tpu.memory_space<vmem_shared>> -> memref<624x128xf32, #tpu.memory_space<vmem_shared>>
      tpu.enqueue_dma source(%dma_start3A_22 : memref<624x128xf32, #tpu.memory_space<vmem_shared>>) target(%dma_start3A_20 : memref<624x128xf32, #tpu.memory_space<hbm>>) target_semaphore(%run_scoped3A : memref<!tpu.dma_semaphore, #tpu.memory_space<semaphore_mem>>)
      %dma_wait3A = arith.constant 0 : i32
      %dma_wait3A_23 = arith.constant 0 : i32
      %dma_wait3A_24 = tpu.memref_slice %arg5[%arg0, %dma_wait3A, %dma_wait3A_23] : memref<2x10000x128xf32, #tpu.memory_space<hbm>> -> memref<1x10000x128xf32, #tpu.memory_space<hbm>>
      %dma_wait3A_25 = tpu.memref_squeeze %dma_wait3A_24 : memref<1x10000x128xf32, #tpu.memory_space<hbm>> -> memref<10000x128xf32, #tpu.memory_space<hbm>>
      %dma_wait3A_26 = arith.constant 0 : i32
      %dma_wait3A_27 = tpu.memref_slice %dma_wait3A_25[%mul3A_2, %dma_wait3A_26] : memref<10000x128xf32, #tpu.memory_space<hbm>> -> memref<624x128xf32, #tpu.memory_space<hbm>>
      %dma_wait3A_28 = arith.constant 0 : i32
      %dma_wait3A_29 = tpu.memref_slice %arg8[%mul3A_2, %dma_wait3A_28] : memref<10000x128xf32, #tpu.memory_space<vmem_shared>> -> memref<624x128xf32, #tpu.memory_space<vmem_shared>>
      tpu.wait_dma2 semaphore(%run_scoped3A : memref<!tpu.dma_semaphore, #tpu.memory_space<semaphore_mem>>) src(%dma_wait3A_29 : memref<624x128xf32, #tpu.memory_space<vmem_shared>>) dst(%dma_wait3A_27 : memref<624x128xf32, #tpu.memory_space<hbm>>)
      tpu.yield
    }) : () -> ()
    %eq3A_11 = arith.constant 0 : i32
    %eq3A_12 = arith.cmpi eq, %arg1, %eq3A_11 : i32
    %convert_element_type3A_13 = arith.extui %eq3A_12 : i1 to i32
    %cond3A_14 = arith.constant 0 : i32
    %cond3A_15 = arith.cmpi ne, %convert_element_type3A_13, %cond3A_14 : i32
    scf.if %cond3A_15 {
      "tpu.region"() ({
        %run_scoped3A = tpu.sem_alloc : memref<!tpu.dma_semaphore, #tpu.memory_space<semaphore_mem>>
        %dma_start3A = arith.constant 0 : i32
        %dma_start3A_16 = arith.constant 0 : i32
        %dma_start3A_17 = tpu.memref_slice %arg5[%arg0, %dma_start3A, %dma_start3A_16] : memref<2x10000x128xf32, #tpu.memory_space<hbm>> -> memref<1x10000x128xf32, #tpu.memory_space<hbm>>
        %dma_start3A_18 = tpu.memref_squeeze %dma_start3A_17 : memref<1x10000x128xf32, #tpu.memory_space<hbm>> -> memref<10000x128xf32, #tpu.memory_space<hbm>>
        %dma_start3A_19 = arith.constant 9984 : i32
        %dma_start3A_20 = arith.constant 0 : i32
        %dma_start3A_21 = tpu.memref_slice %dma_start3A_18[%dma_start3A_19, %dma_start3A_20] : memref<10000x128xf32, #tpu.memory_space<hbm>> -> memref<16x128xf32, #tpu.memory_space<hbm>>
        %dma_start3A_22 = arith.constant 9984 : i32
        %dma_start3A_23 = arith.constant 0 : i32
        %dma_start3A_24 = tpu.memref_slice %arg8[%dma_start3A_22, %dma_start3A_23] : memref<10000x128xf32, #tpu.memory_space<vmem_shared>> -> memref<16x128xf32, #tpu.memory_space<vmem_shared>>
        tpu.enqueue_dma source(%dma_start3A_24 : memref<16x128xf32, #tpu.memory_space<vmem_shared>>) target(%dma_start3A_21 : memref<16x128xf32, #tpu.memory_space<hbm>>) target_semaphore(%run_scoped3A : memref<!tpu.dma_semaphore, #tpu.memory_space<semaphore_mem>>)
        %dma_wait3A = arith.constant 0 : i32
        %dma_wait3A_25 = arith.constant 0 : i32
        %dma_wait3A_26 = tpu.memref_slice %arg5[%arg0, %dma_wait3A, %dma_wait3A_25] : memref<2x10000x128xf32, #tpu.memory_space<hbm>> -> memref<1x10000x128xf32, #tpu.memory_space<hbm>>
        %dma_wait3A_27 = tpu.memref_squeeze %dma_wait3A_26 : memref<1x10000x128xf32, #tpu.memory_space<hbm>> -> memref<10000x128xf32, #tpu.memory_space<hbm>>
        %dma_wait3A_28 = arith.constant 9984 : i32
        %dma_wait3A_29 = arith.constant 0 : i32
        %dma_wait3A_30 = tpu.memref_slice %dma_wait3A_27[%dma_wait3A_28, %dma_wait3A_29] : memref<10000x128xf32, #tpu.memory_space<hbm>> -> memref<16x128xf32, #tpu.memory_space<hbm>>
        %dma_wait3A_31 = arith.constant 9984 : i32
        %dma_wait3A_32 = arith.constant 0 : i32
        %dma_wait3A_33 = tpu.memref_slice %arg8[%dma_wait3A_31, %dma_wait3A_32] : memref<10000x128xf32, #tpu.memory_space<vmem_shared>> -> memref<16x128xf32, #tpu.memory_space<vmem_shared>>
        tpu.wait_dma2 semaphore(%run_scoped3A : memref<!tpu.dma_semaphore, #tpu.memory_space<semaphore_mem>>) src(%dma_wait3A_33 : memref<16x128xf32, #tpu.memory_space<vmem_shared>>) dst(%dma_wait3A_30 : memref<16x128xf32, #tpu.memory_space<hbm>>)
        tpu.yield
      }) : () -> ()
    } else {
    }
    return
  }
}

#map = affine_map<(d0, d1) -> (0, 0)>
#map1 = affine_map<(d0, d1) -> (0, 0, 0)>
module attributes {stable_mosaic.version = 14 : i64} {
  func.func @_agg_sc_body(%arg0: i32, %arg1: i32, %arg2: memref<20000x128xf32, #tpu.memory_space<hbm>>, %arg3: memref<32x40x125xi32, #tpu.memory_space<hbm>>, %arg4: memref<32x40x125xi32, #tpu.memory_space<hbm>>, %arg5: memref<10000x128xf32, #tpu.memory_space<hbm>>, %arg6: memref<2x10000x128xf32, #tpu.memory_space<hbm>>, %arg7: memref<40x125xi32, #tpu.memory_space<vmem>>, %arg8: memref<40x125xi32, #tpu.memory_space<vmem>>, %arg9: memref<125x128xf32, #tpu.memory_space<vmem>>, %arg10: memref<125x128xf32, #tpu.memory_space<vmem>>, %arg11: memref<!tpu.dma_semaphore, #tpu.memory_space<semaphore_mem>>, %arg12: memref<!tpu.dma_semaphore, #tpu.memory_space<semaphore_mem>>, %arg13: memref<10000x128xf32, #tpu.memory_space<vmem_shared>>) attributes {dimension_semantics = [#tpu.dimension_semantics<core_parallel>, #tpu.dimension_semantics<subcore_parallel>], iteration_bounds = array<i64: 2, 16>, scalar_prefetch = 0 : i64, scratch_operands = 7 : i64, tpu.core_type = #tpu.core_type<sc_vector_subcore>, window_params = [{transform_indices = #map}, {transform_indices = #map1}, {transform_indices = #map1}, {transform_indices = #map}, {transform_indices = #map1}]} {
    %mul3A = arith.constant 16 : i32
    %mul3A_0 = arith.muli %arg0, %mul3A : i32
    %add3A = arith.addi %mul3A_0, %arg1 : i32
    "tpu.region"() ({
      %run_scoped3A = tpu.sem_alloc : memref<!tpu.dma_semaphore, #tpu.memory_space<semaphore_mem>>
      %dma_start3A_22 = arith.constant 0 : i32
      %dma_start3A_23 = arith.constant 0 : i32
      %dma_start3A_24 = tpu.memref_slice %arg3[%add3A, %dma_start3A_22, %dma_start3A_23] : memref<32x40x125xi32, #tpu.memory_space<hbm>> -> memref<1x40x125xi32, #tpu.memory_space<hbm>>
      %dma_start3A_25 = tpu.memref_squeeze %dma_start3A_24 : memref<1x40x125xi32, #tpu.memory_space<hbm>> -> memref<40x125xi32, #tpu.memory_space<hbm>>
      %dma_start3A_26 = arith.constant 0 : i32
      %dma_start3A_27 = arith.constant 0 : i32
      %dma_start3A_28 = tpu.memref_slice %arg3[%add3A, %dma_start3A_26, %dma_start3A_27] : memref<32x40x125xi32, #tpu.memory_space<hbm>> -> memref<1x40x125xi32, #tpu.memory_space<hbm>>
      %dma_start3A_29 = tpu.memref_squeeze %dma_start3A_28 : memref<1x40x125xi32, #tpu.memory_space<hbm>> -> memref<40x125xi32, #tpu.memory_space<hbm>>
      tpu.enqueue_dma source(%dma_start3A_29 : memref<40x125xi32, #tpu.memory_space<hbm>>) target(%arg7 : memref<40x125xi32, #tpu.memory_space<vmem>>) target_semaphore(%run_scoped3A : memref<!tpu.dma_semaphore, #tpu.memory_space<semaphore_mem>>)
      %dma_wait3A = arith.constant 0 : i32
      %dma_wait3A_30 = arith.constant 0 : i32
      %dma_wait3A_31 = tpu.memref_slice %arg3[%add3A, %dma_wait3A, %dma_wait3A_30] : memref<32x40x125xi32, #tpu.memory_space<hbm>> -> memref<1x40x125xi32, #tpu.memory_space<hbm>>
      %dma_wait3A_32 = tpu.memref_squeeze %dma_wait3A_31 : memref<1x40x125xi32, #tpu.memory_space<hbm>> -> memref<40x125xi32, #tpu.memory_space<hbm>>
      %dma_wait3A_33 = arith.constant 0 : i32
      %dma_wait3A_34 = arith.constant 0 : i32
      %dma_wait3A_35 = tpu.memref_slice %arg3[%add3A, %dma_wait3A_33, %dma_wait3A_34] : memref<32x40x125xi32, #tpu.memory_space<hbm>> -> memref<1x40x125xi32, #tpu.memory_space<hbm>>
      %dma_wait3A_36 = tpu.memref_squeeze %dma_wait3A_35 : memref<1x40x125xi32, #tpu.memory_space<hbm>> -> memref<40x125xi32, #tpu.memory_space<hbm>>
      tpu.wait_dma2 semaphore(%run_scoped3A : memref<!tpu.dma_semaphore, #tpu.memory_space<semaphore_mem>>) src(%dma_wait3A_36 : memref<40x125xi32, #tpu.memory_space<hbm>>) dst(%arg7 : memref<40x125xi32, #tpu.memory_space<vmem>>)
      tpu.yield
    }) : () -> ()
    "tpu.region"() ({
      %run_scoped3A = tpu.sem_alloc : memref<!tpu.dma_semaphore, #tpu.memory_space<semaphore_mem>>
      %dma_start3A_22 = arith.constant 0 : i32
      %dma_start3A_23 = arith.constant 0 : i32
      %dma_start3A_24 = tpu.memref_slice %arg4[%add3A, %dma_start3A_22, %dma_start3A_23] : memref<32x40x125xi32, #tpu.memory_space<hbm>> -> memref<1x40x125xi32, #tpu.memory_space<hbm>>
      %dma_start3A_25 = tpu.memref_squeeze %dma_start3A_24 : memref<1x40x125xi32, #tpu.memory_space<hbm>> -> memref<40x125xi32, #tpu.memory_space<hbm>>
      %dma_start3A_26 = arith.constant 0 : i32
      %dma_start3A_27 = arith.constant 0 : i32
      %dma_start3A_28 = tpu.memref_slice %arg4[%add3A, %dma_start3A_26, %dma_start3A_27] : memref<32x40x125xi32, #tpu.memory_space<hbm>> -> memref<1x40x125xi32, #tpu.memory_space<hbm>>
      %dma_start3A_29 = tpu.memref_squeeze %dma_start3A_28 : memref<1x40x125xi32, #tpu.memory_space<hbm>> -> memref<40x125xi32, #tpu.memory_space<hbm>>
      tpu.enqueue_dma source(%dma_start3A_29 : memref<40x125xi32, #tpu.memory_space<hbm>>) target(%arg8 : memref<40x125xi32, #tpu.memory_space<vmem>>) target_semaphore(%run_scoped3A : memref<!tpu.dma_semaphore, #tpu.memory_space<semaphore_mem>>)
      %dma_wait3A = arith.constant 0 : i32
      %dma_wait3A_30 = arith.constant 0 : i32
      %dma_wait3A_31 = tpu.memref_slice %arg4[%add3A, %dma_wait3A, %dma_wait3A_30] : memref<32x40x125xi32, #tpu.memory_space<hbm>> -> memref<1x40x125xi32, #tpu.memory_space<hbm>>
      %dma_wait3A_32 = tpu.memref_squeeze %dma_wait3A_31 : memref<1x40x125xi32, #tpu.memory_space<hbm>> -> memref<40x125xi32, #tpu.memory_space<hbm>>
      %dma_wait3A_33 = arith.constant 0 : i32
      %dma_wait3A_34 = arith.constant 0 : i32
      %dma_wait3A_35 = tpu.memref_slice %arg4[%add3A, %dma_wait3A_33, %dma_wait3A_34] : memref<32x40x125xi32, #tpu.memory_space<hbm>> -> memref<1x40x125xi32, #tpu.memory_space<hbm>>
      %dma_wait3A_36 = tpu.memref_squeeze %dma_wait3A_35 : memref<1x40x125xi32, #tpu.memory_space<hbm>> -> memref<40x125xi32, #tpu.memory_space<hbm>>
      tpu.wait_dma2 semaphore(%run_scoped3A : memref<!tpu.dma_semaphore, #tpu.memory_space<semaphore_mem>>) src(%dma_wait3A_36 : memref<40x125xi32, #tpu.memory_space<hbm>>) dst(%arg8 : memref<40x125xi32, #tpu.memory_space<vmem>>)
      tpu.yield
    }) : () -> ()
    %mul3A_1 = arith.constant 624 : i32
    %mul3A_2 = arith.muli %arg1, %mul3A_1 : i32
    "tpu.region"() ({
      %run_scoped3A = tpu.sem_alloc : memref<!tpu.dma_semaphore, #tpu.memory_space<semaphore_mem>>
      %dma_start3A_22 = arith.constant 0 : i32
      %dma_start3A_23 = tpu.memref_slice %arg13[%mul3A_2, %dma_start3A_22] : memref<10000x128xf32, #tpu.memory_space<vmem_shared>> -> memref<624x128xf32, #tpu.memory_space<vmem_shared>>
      %dma_start3A_24 = arith.constant 0 : i32
      %dma_start3A_25 = tpu.memref_slice %arg5[%mul3A_2, %dma_start3A_24] : memref<10000x128xf32, #tpu.memory_space<hbm>> -> memref<624x128xf32, #tpu.memory_space<hbm>>
      tpu.enqueue_dma source(%dma_start3A_25 : memref<624x128xf32, #tpu.memory_space<hbm>>) target(%dma_start3A_23 : memref<624x128xf32, #tpu.memory_space<vmem_shared>>) target_semaphore(%run_scoped3A : memref<!tpu.dma_semaphore, #tpu.memory_space<semaphore_mem>>)
      %dma_wait3A = arith.constant 0 : i32
      %dma_wait3A_26 = tpu.memref_slice %arg13[%mul3A_2, %dma_wait3A] : memref<10000x128xf32, #tpu.memory_space<vmem_shared>> -> memref<624x128xf32, #tpu.memory_space<vmem_shared>>
      %dma_wait3A_27 = arith.constant 0 : i32
      %dma_wait3A_28 = tpu.memref_slice %arg5[%mul3A_2, %dma_wait3A_27] : memref<10000x128xf32, #tpu.memory_space<hbm>> -> memref<624x128xf32, #tpu.memory_space<hbm>>
      tpu.wait_dma2 semaphore(%run_scoped3A : memref<!tpu.dma_semaphore, #tpu.memory_space<semaphore_mem>>) src(%dma_wait3A_28 : memref<624x128xf32, #tpu.memory_space<hbm>>) dst(%dma_wait3A_26 : memref<624x128xf32, #tpu.memory_space<vmem_shared>>)
      tpu.yield
    }) : () -> ()
    %eq3A = arith.constant 0 : i32
    %eq3A_3 = arith.cmpi eq, %arg1, %eq3A : i32
    %convert_element_type3A = arith.extui %eq3A_3 : i1 to i32
    %cond3A = arith.constant 0 : i32
    %cond3A_4 = arith.cmpi ne, %convert_element_type3A, %cond3A : i32
    scf.if %cond3A_4 {
      "tpu.region"() ({
        %run_scoped3A = tpu.sem_alloc : memref<!tpu.dma_semaphore, #tpu.memory_space<semaphore_mem>>
        %dma_start3A_22 = arith.constant 9984 : i32
        %dma_start3A_23 = arith.constant 0 : i32
        %dma_start3A_24 = tpu.memref_slice %arg13[%dma_start3A_22, %dma_start3A_23] : memref<10000x128xf32, #tpu.memory_space<vmem_shared>> -> memref<16x128xf32, #tpu.memory_space<vmem_shared>>
        %dma_start3A_25 = arith.constant 9984 : i32
        %dma_start3A_26 = arith.constant 0 : i32
        %dma_start3A_27 = tpu.memref_slice %arg5[%dma_start3A_25, %dma_start3A_26] : memref<10000x128xf32, #tpu.memory_space<hbm>> -> memref<16x128xf32, #tpu.memory_space<hbm>>
        tpu.enqueue_dma source(%dma_start3A_27 : memref<16x128xf32, #tpu.memory_space<hbm>>) target(%dma_start3A_24 : memref<16x128xf32, #tpu.memory_space<vmem_shared>>) target_semaphore(%run_scoped3A : memref<!tpu.dma_semaphore, #tpu.memory_space<semaphore_mem>>)
        %dma_wait3A = arith.constant 9984 : i32
        %dma_wait3A_28 = arith.constant 0 : i32
        %dma_wait3A_29 = tpu.memref_slice %arg13[%dma_wait3A, %dma_wait3A_28] : memref<10000x128xf32, #tpu.memory_space<vmem_shared>> -> memref<16x128xf32, #tpu.memory_space<vmem_shared>>
        %dma_wait3A_30 = arith.constant 9984 : i32
        %dma_wait3A_31 = arith.constant 0 : i32
        %dma_wait3A_32 = tpu.memref_slice %arg5[%dma_wait3A_30, %dma_wait3A_31] : memref<10000x128xf32, #tpu.memory_space<hbm>> -> memref<16x128xf32, #tpu.memory_space<hbm>>
        tpu.wait_dma2 semaphore(%run_scoped3A : memref<!tpu.dma_semaphore, #tpu.memory_space<semaphore_mem>>) src(%dma_wait3A_32 : memref<16x128xf32, #tpu.memory_space<hbm>>) dst(%dma_wait3A_29 : memref<16x128xf32, #tpu.memory_space<vmem_shared>>)
        tpu.yield
      }) : () -> ()
    } else {
    }
    %barrier3A = arith.constant 0 : index
    tpu.barrier barrier_id(%barrier3A)
    %dma_start3A = arith.constant 0 : i32
    %dma_start3A_5 = arith.constant 0 : i32
    %dma_start3A_6 = tpu.memref_slice %arg7[%dma_start3A, %dma_start3A_5] : memref<40x125xi32, #tpu.memory_space<vmem>> -> memref<1x125xi32, #tpu.memory_space<vmem>>
    %dma_start3A_7 = tpu.memref_squeeze %dma_start3A_6 : memref<1x125xi32, #tpu.memory_space<vmem>> -> memref<125xi32, #tpu.memory_space<vmem>>
    %dma_start3A_8 = arith.constant 0 : i32
    %dma_start3A_9 = arith.constant 0 : i32
    %dma_start3A_10 = tpu.memref_slice %arg2[%dma_start3A_8, %dma_start3A_9] : memref<20000x128xf32, #tpu.memory_space<hbm>> -> memref<20000x128xf32, #tpu.memory_space<hbm>>
    tpu.enqueue_indirect_dma source(%dma_start3A_10 : memref<20000x128xf32, #tpu.memory_space<hbm>>) target(%arg9 : memref<125x128xf32, #tpu.memory_space<vmem>>) offsets(%dma_start3A_7 : memref<125xi32, #tpu.memory_space<vmem>>) semaphore(%arg11 : memref<!tpu.dma_semaphore, #tpu.memory_space<semaphore_mem>>)
    %scan3A = arith.constant 0 : i32
    %scan3A_11 = arith.constant 0 : i32
    %scan3A_12 = arith.constant 20 : i32
    %scan3A_13 = arith.addi %scan3A_11, %scan3A_12 : i32
    %scan3A_14 = arith.constant 1 : i32
    scf.for %scan3A_22 = %scan3A_11 to %scan3A_13 step %scan3A_14  : i32 {
      %mul3A_23 = arith.constant 2 : i32
      %mul3A_24 = arith.muli %scan3A_22, %mul3A_23 : i32
      %dma_wait3A = arith.constant 0 : i32
      %dma_wait3A_25 = tpu.memref_slice %arg7[%mul3A_24, %dma_wait3A] : memref<40x125xi32, #tpu.memory_space<vmem>> -> memref<1x125xi32, #tpu.memory_space<vmem>>
      %dma_wait3A_26 = tpu.memref_squeeze %dma_wait3A_25 : memref<1x125xi32, #tpu.memory_space<vmem>> -> memref<125xi32, #tpu.memory_space<vmem>>
      %dma_wait3A_27 = arith.constant 0 : i32
      %dma_wait3A_28 = arith.constant 0 : i32
      %dma_wait3A_29 = tpu.memref_slice %arg2[%dma_wait3A_27, %dma_wait3A_28] : memref<20000x128xf32, #tpu.memory_space<hbm>> -> memref<20000x128xf32, #tpu.memory_space<hbm>>
      tpu.wait_indirect_dma semaphore(%arg11 : memref<!tpu.dma_semaphore, #tpu.memory_space<semaphore_mem>>) src(%dma_wait3A_29 : memref<20000x128xf32, #tpu.memory_space<hbm>>) dst(%arg9 : memref<125x128xf32, #tpu.memory_space<vmem>>)
      %add3A_30 = arith.constant 1 : i32
      %add3A_31 = arith.addi %mul3A_24, %add3A_30 : i32
      %dma_start3A_32 = arith.constant 0 : i32
      %dma_start3A_33 = tpu.memref_slice %arg7[%add3A_31, %dma_start3A_32] : memref<40x125xi32, #tpu.memory_space<vmem>> -> memref<1x125xi32, #tpu.memory_space<vmem>>
      %dma_start3A_34 = tpu.memref_squeeze %dma_start3A_33 : memref<1x125xi32, #tpu.memory_space<vmem>> -> memref<125xi32, #tpu.memory_space<vmem>>
      %dma_start3A_35 = arith.constant 0 : i32
      %dma_start3A_36 = arith.constant 0 : i32
      %dma_start3A_37 = tpu.memref_slice %arg2[%dma_start3A_35, %dma_start3A_36] : memref<20000x128xf32, #tpu.memory_space<hbm>> -> memref<20000x128xf32, #tpu.memory_space<hbm>>
      tpu.enqueue_indirect_dma source(%dma_start3A_37 : memref<20000x128xf32, #tpu.memory_space<hbm>>) target(%arg10 : memref<125x128xf32, #tpu.memory_space<vmem>>) offsets(%dma_start3A_34 : memref<125xi32, #tpu.memory_space<vmem>>) semaphore(%arg12 : memref<!tpu.dma_semaphore, #tpu.memory_space<semaphore_mem>>)
      "tpu.region"() ({
        %run_scoped3A = tpu.sem_alloc : memref<!tpu.dma_semaphore, #tpu.memory_space<semaphore_mem>>
        %dma_start3A_54 = arith.constant 0 : i32
        %dma_start3A_55 = tpu.memref_slice %arg8[%mul3A_24, %dma_start3A_54] : memref<40x125xi32, #tpu.memory_space<vmem>> -> memref<1x125xi32, #tpu.memory_space<vmem>>
        %dma_start3A_56 = tpu.memref_squeeze %dma_start3A_55 : memref<1x125xi32, #tpu.memory_space<vmem>> -> memref<125xi32, #tpu.memory_space<vmem>>
        %dma_start3A_57 = arith.constant 0 : i32
        %dma_start3A_58 = arith.constant 0 : i32
        %dma_start3A_59 = tpu.memref_slice %arg13[%dma_start3A_57, %dma_start3A_58] : memref<10000x128xf32, #tpu.memory_space<vmem_shared>> -> memref<10000x128xf32, #tpu.memory_space<vmem_shared>>
        tpu.enqueue_indirect_dma source(%arg9 : memref<125x128xf32, #tpu.memory_space<vmem>>) target(%dma_start3A_59 : memref<10000x128xf32, #tpu.memory_space<vmem_shared>>) offsets(%dma_start3A_56 : memref<125xi32, #tpu.memory_space<vmem>>) semaphore(%run_scoped3A : memref<!tpu.dma_semaphore, #tpu.memory_space<semaphore_mem>>) {add = true}
        %dma_wait3A_60 = arith.constant 0 : i32
        %dma_wait3A_61 = tpu.memref_slice %arg8[%mul3A_24, %dma_wait3A_60] : memref<40x125xi32, #tpu.memory_space<vmem>> -> memref<1x125xi32, #tpu.memory_space<vmem>>
        %dma_wait3A_62 = tpu.memref_squeeze %dma_wait3A_61 : memref<1x125xi32, #tpu.memory_space<vmem>> -> memref<125xi32, #tpu.memory_space<vmem>>
        %dma_wait3A_63 = arith.constant 0 : i32
        %dma_wait3A_64 = arith.constant 0 : i32
        %dma_wait3A_65 = tpu.memref_slice %arg13[%dma_wait3A_63, %dma_wait3A_64] : memref<10000x128xf32, #tpu.memory_space<vmem_shared>> -> memref<10000x128xf32, #tpu.memory_space<vmem_shared>>
        tpu.wait_indirect_dma semaphore(%run_scoped3A : memref<!tpu.dma_semaphore, #tpu.memory_space<semaphore_mem>>) src(%arg9 : memref<125x128xf32, #tpu.memory_space<vmem>>) dst(%dma_wait3A_65 : memref<10000x128xf32, #tpu.memory_space<vmem_shared>>)
        tpu.yield
      }) : () -> ()
      %add3A_38 = arith.constant 1 : i32
      %add3A_39 = arith.addi %mul3A_24, %add3A_38 : i32
      %dma_wait3A_40 = arith.constant 0 : i32
      %dma_wait3A_41 = tpu.memref_slice %arg7[%add3A_39, %dma_wait3A_40] : memref<40x125xi32, #tpu.memory_space<vmem>> -> memref<1x125xi32, #tpu.memory_space<vmem>>
      %dma_wait3A_42 = tpu.memref_squeeze %dma_wait3A_41 : memref<1x125xi32, #tpu.memory_space<vmem>> -> memref<125xi32, #tpu.memory_space<vmem>>
      %dma_wait3A_43 = arith.constant 0 : i32
      %dma_wait3A_44 = arith.constant 0 : i32
      %dma_wait3A_45 = tpu.memref_slice %arg2[%dma_wait3A_43, %dma_wait3A_44] : memref<20000x128xf32, #tpu.memory_space<hbm>> -> memref<20000x128xf32, #tpu.memory_space<hbm>>
      tpu.wait_indirect_dma semaphore(%arg12 : memref<!tpu.dma_semaphore, #tpu.memory_space<semaphore_mem>>) src(%dma_wait3A_45 : memref<20000x128xf32, #tpu.memory_space<hbm>>) dst(%arg10 : memref<125x128xf32, #tpu.memory_space<vmem>>)
      %add3A_46 = arith.constant 1 : i32
      %add3A_47 = arith.addi %scan3A_22, %add3A_46 : i32
      %lt3A = arith.constant 20 : i32
      %lt3A_48 = arith.cmpi slt, %add3A_47, %lt3A : i32
      %convert_element_type3A_49 = arith.extui %lt3A_48 : i1 to i32
      %cond3A_50 = arith.constant 0 : i32
      %cond3A_51 = arith.cmpi ne, %convert_element_type3A_49, %cond3A_50 : i32
      scf.if %cond3A_51 {
        %add3A_54 = arith.constant 2 : i32
        %add3A_55 = arith.addi %mul3A_24, %add3A_54 : i32
        %dma_start3A_56 = arith.constant 0 : i32
        %dma_start3A_57 = tpu.memref_slice %arg7[%add3A_55, %dma_start3A_56] : memref<40x125xi32, #tpu.memory_space<vmem>> -> memref<1x125xi32, #tpu.memory_space<vmem>>
        %dma_start3A_58 = tpu.memref_squeeze %dma_start3A_57 : memref<1x125xi32, #tpu.memory_space<vmem>> -> memref<125xi32, #tpu.memory_space<vmem>>
        %dma_start3A_59 = arith.constant 0 : i32
        %dma_start3A_60 = arith.constant 0 : i32
        %dma_start3A_61 = tpu.memref_slice %arg2[%dma_start3A_59, %dma_start3A_60] : memref<20000x128xf32, #tpu.memory_space<hbm>> -> memref<20000x128xf32, #tpu.memory_space<hbm>>
        tpu.enqueue_indirect_dma source(%dma_start3A_61 : memref<20000x128xf32, #tpu.memory_space<hbm>>) target(%arg9 : memref<125x128xf32, #tpu.memory_space<vmem>>) offsets(%dma_start3A_58 : memref<125xi32, #tpu.memory_space<vmem>>) semaphore(%arg11 : memref<!tpu.dma_semaphore, #tpu.memory_space<semaphore_mem>>)
      } else {
      }
      %add3A_52 = arith.constant 1 : i32
      %add3A_53 = arith.addi %mul3A_24, %add3A_52 : i32
      "tpu.region"() ({
        %run_scoped3A = tpu.sem_alloc : memref<!tpu.dma_semaphore, #tpu.memory_space<semaphore_mem>>
        %dma_start3A_54 = arith.constant 0 : i32
        %dma_start3A_55 = tpu.memref_slice %arg8[%add3A_53, %dma_start3A_54] : memref<40x125xi32, #tpu.memory_space<vmem>> -> memref<1x125xi32, #tpu.memory_space<vmem>>
        %dma_start3A_56 = tpu.memref_squeeze %dma_start3A_55 : memref<1x125xi32, #tpu.memory_space<vmem>> -> memref<125xi32, #tpu.memory_space<vmem>>
        %dma_start3A_57 = arith.constant 0 : i32
        %dma_start3A_58 = arith.constant 0 : i32
        %dma_start3A_59 = tpu.memref_slice %arg13[%dma_start3A_57, %dma_start3A_58] : memref<10000x128xf32, #tpu.memory_space<vmem_shared>> -> memref<10000x128xf32, #tpu.memory_space<vmem_shared>>
        tpu.enqueue_indirect_dma source(%arg10 : memref<125x128xf32, #tpu.memory_space<vmem>>) target(%dma_start3A_59 : memref<10000x128xf32, #tpu.memory_space<vmem_shared>>) offsets(%dma_start3A_56 : memref<125xi32, #tpu.memory_space<vmem>>) semaphore(%run_scoped3A : memref<!tpu.dma_semaphore, #tpu.memory_space<semaphore_mem>>) {add = true}
        %dma_wait3A_60 = arith.constant 0 : i32
        %dma_wait3A_61 = tpu.memref_slice %arg8[%add3A_53, %dma_wait3A_60] : memref<40x125xi32, #tpu.memory_space<vmem>> -> memref<1x125xi32, #tpu.memory_space<vmem>>
        %dma_wait3A_62 = tpu.memref_squeeze %dma_wait3A_61 : memref<1x125xi32, #tpu.memory_space<vmem>> -> memref<125xi32, #tpu.memory_space<vmem>>
        %dma_wait3A_63 = arith.constant 0 : i32
        %dma_wait3A_64 = arith.constant 0 : i32
        %dma_wait3A_65 = tpu.memref_slice %arg13[%dma_wait3A_63, %dma_wait3A_64] : memref<10000x128xf32, #tpu.memory_space<vmem_shared>> -> memref<10000x128xf32, #tpu.memory_space<vmem_shared>>
        tpu.wait_indirect_dma semaphore(%run_scoped3A : memref<!tpu.dma_semaphore, #tpu.memory_space<semaphore_mem>>) src(%arg10 : memref<125x128xf32, #tpu.memory_space<vmem>>) dst(%dma_wait3A_65 : memref<10000x128xf32, #tpu.memory_space<vmem_shared>>)
        tpu.yield
      }) : () -> ()
    }
    %scan3A_15 = arith.constant 20 : i32
    %barrier3A_16 = arith.constant 0 : index
    tpu.barrier barrier_id(%barrier3A_16)
    "tpu.region"() ({
      %run_scoped3A = tpu.sem_alloc : memref<!tpu.dma_semaphore, #tpu.memory_space<semaphore_mem>>
      %dma_start3A_22 = arith.constant 0 : i32
      %dma_start3A_23 = arith.constant 0 : i32
      %dma_start3A_24 = tpu.memref_slice %arg6[%arg0, %dma_start3A_22, %dma_start3A_23] : memref<2x10000x128xf32, #tpu.memory_space<hbm>> -> memref<1x10000x128xf32, #tpu.memory_space<hbm>>
      %dma_start3A_25 = tpu.memref_squeeze %dma_start3A_24 : memref<1x10000x128xf32, #tpu.memory_space<hbm>> -> memref<10000x128xf32, #tpu.memory_space<hbm>>
      %dma_start3A_26 = arith.constant 0 : i32
      %dma_start3A_27 = tpu.memref_slice %dma_start3A_25[%mul3A_2, %dma_start3A_26] : memref<10000x128xf32, #tpu.memory_space<hbm>> -> memref<624x128xf32, #tpu.memory_space<hbm>>
      %dma_start3A_28 = arith.constant 0 : i32
      %dma_start3A_29 = tpu.memref_slice %arg13[%mul3A_2, %dma_start3A_28] : memref<10000x128xf32, #tpu.memory_space<vmem_shared>> -> memref<624x128xf32, #tpu.memory_space<vmem_shared>>
      tpu.enqueue_dma source(%dma_start3A_29 : memref<624x128xf32, #tpu.memory_space<vmem_shared>>) target(%dma_start3A_27 : memref<624x128xf32, #tpu.memory_space<hbm>>) target_semaphore(%run_scoped3A : memref<!tpu.dma_semaphore, #tpu.memory_space<semaphore_mem>>)
      %dma_wait3A = arith.constant 0 : i32
      %dma_wait3A_30 = arith.constant 0 : i32
      %dma_wait3A_31 = tpu.memref_slice %arg6[%arg0, %dma_wait3A, %dma_wait3A_30] : memref<2x10000x128xf32, #tpu.memory_space<hbm>> -> memref<1x10000x128xf32, #tpu.memory_space<hbm>>
      %dma_wait3A_32 = tpu.memref_squeeze %dma_wait3A_31 : memref<1x10000x128xf32, #tpu.memory_space<hbm>> -> memref<10000x128xf32, #tpu.memory_space<hbm>>
      %dma_wait3A_33 = arith.constant 0 : i32
      %dma_wait3A_34 = tpu.memref_slice %dma_wait3A_32[%mul3A_2, %dma_wait3A_33] : memref<10000x128xf32, #tpu.memory_space<hbm>> -> memref<624x128xf32, #tpu.memory_space<hbm>>
      %dma_wait3A_35 = arith.constant 0 : i32
      %dma_wait3A_36 = tpu.memref_slice %arg13[%mul3A_2, %dma_wait3A_35] : memref<10000x128xf32, #tpu.memory_space<vmem_shared>> -> memref<624x128xf32, #tpu.memory_space<vmem_shared>>
      tpu.wait_dma2 semaphore(%run_scoped3A : memref<!tpu.dma_semaphore, #tpu.memory_space<semaphore_mem>>) src(%dma_wait3A_36 : memref<624x128xf32, #tpu.memory_space<vmem_shared>>) dst(%dma_wait3A_34 : memref<624x128xf32, #tpu.memory_space<hbm>>)
      tpu.yield
    }) : () -> ()
    %eq3A_17 = arith.constant 0 : i32
    %eq3A_18 = arith.cmpi eq, %arg1, %eq3A_17 : i32
    %convert_element_type3A_19 = arith.extui %eq3A_18 : i1 to i32
    %cond3A_20 = arith.constant 0 : i32
    %cond3A_21 = arith.cmpi ne, %convert_element_type3A_19, %cond3A_20 : i32
    scf.if %cond3A_21 {
      "tpu.region"() ({
        %run_scoped3A = tpu.sem_alloc : memref<!tpu.dma_semaphore, #tpu.memory_space<semaphore_mem>>
        %dma_start3A_22 = arith.constant 0 : i32
        %dma_start3A_23 = arith.constant 0 : i32
        %dma_start3A_24 = tpu.memref_slice %arg6[%arg0, %dma_start3A_22, %dma_start3A_23] : memref<2x10000x128xf32, #tpu.memory_space<hbm>> -> memref<1x10000x128xf32, #tpu.memory_space<hbm>>
        %dma_start3A_25 = tpu.memref_squeeze %dma_start3A_24 : memref<1x10000x128xf32, #tpu.memory_space<hbm>> -> memref<10000x128xf32, #tpu.memory_space<hbm>>
        %dma_start3A_26 = arith.constant 9984 : i32
        %dma_start3A_27 = arith.constant 0 : i32
        %dma_start3A_28 = tpu.memref_slice %dma_start3A_25[%dma_start3A_26, %dma_start3A_27] : memref<10000x128xf32, #tpu.memory_space<hbm>> -> memref<16x128xf32, #tpu.memory_space<hbm>>
        %dma_start3A_29 = arith.constant 9984 : i32
        %dma_start3A_30 = arith.constant 0 : i32
        %dma_start3A_31 = tpu.memref_slice %arg13[%dma_start3A_29, %dma_start3A_30] : memref<10000x128xf32, #tpu.memory_space<vmem_shared>> -> memref<16x128xf32, #tpu.memory_space<vmem_shared>>
        tpu.enqueue_dma source(%dma_start3A_31 : memref<16x128xf32, #tpu.memory_space<vmem_shared>>) target(%dma_start3A_28 : memref<16x128xf32, #tpu.memory_space<hbm>>) target_semaphore(%run_scoped3A : memref<!tpu.dma_semaphore, #tpu.memory_space<semaphore_mem>>)
        %dma_wait3A = arith.constant 0 : i32
        %dma_wait3A_32 = arith.constant 0 : i32
        %dma_wait3A_33 = tpu.memref_slice %arg6[%arg0, %dma_wait3A, %dma_wait3A_32] : memref<2x10000x128xf32, #tpu.memory_space<hbm>> -> memref<1x10000x128xf32, #tpu.memory_space<hbm>>
        %dma_wait3A_34 = tpu.memref_squeeze %dma_wait3A_33 : memref<1x10000x128xf32, #tpu.memory_space<hbm>> -> memref<10000x128xf32, #tpu.memory_space<hbm>>
        %dma_wait3A_35 = arith.constant 9984 : i32
        %dma_wait3A_36 = arith.constant 0 : i32
        %dma_wait3A_37 = tpu.memref_slice %dma_wait3A_34[%dma_wait3A_35, %dma_wait3A_36] : memref<10000x128xf32, #tpu.memory_space<hbm>> -> memref<16x128xf32, #tpu.memory_space<hbm>>
        %dma_wait3A_38 = arith.constant 9984 : i32
        %dma_wait3A_39 = arith.constant 0 : i32
        %dma_wait3A_40 = tpu.memref_slice %arg13[%dma_wait3A_38, %dma_wait3A_39] : memref<10000x128xf32, #tpu.memory_space<vmem_shared>> -> memref<16x128xf32, #tpu.memory_space<vmem_shared>>
        tpu.wait_dma2 semaphore(%run_scoped3A : memref<!tpu.dma_semaphore, #tpu.memory_space<semaphore_mem>>) src(%dma_wait3A_40 : memref<16x128xf32, #tpu.memory_space<vmem_shared>>) dst(%dma_wait3A_37 : memref<16x128xf32, #tpu.memory_space<hbm>>)
        tpu.yield
      }) : () -> ()
    } else {
    }
    return
  }
}

#map = affine_map<(d0, d1) -> (0, 0)>
#map1 = affine_map<(d0, d1) -> (0, 0, 0)>
module attributes {stable_mosaic.version = 14 : i64} {
  func.func @_agg_sc_body(%arg0: i32, %arg1: i32, %arg2: memref<40000x128xf32, #tpu.memory_space<hbm>>, %arg3: memref<32x40x125xi32, #tpu.memory_space<hbm>>, %arg4: memref<32x40x125xi32, #tpu.memory_space<hbm>>, %arg5: memref<10000x128xf32, #tpu.memory_space<hbm>>, %arg6: memref<2x10000x128xf32, #tpu.memory_space<hbm>>, %arg7: memref<40x125xi32, #tpu.memory_space<vmem>>, %arg8: memref<40x125xi32, #tpu.memory_space<vmem>>, %arg9: memref<125x128xf32, #tpu.memory_space<vmem>>, %arg10: memref<125x128xf32, #tpu.memory_space<vmem>>, %arg11: memref<!tpu.dma_semaphore, #tpu.memory_space<semaphore_mem>>, %arg12: memref<!tpu.dma_semaphore, #tpu.memory_space<semaphore_mem>>, %arg13: memref<10000x128xf32, #tpu.memory_space<vmem_shared>>) attributes {dimension_semantics = [#tpu.dimension_semantics<core_parallel>, #tpu.dimension_semantics<subcore_parallel>], iteration_bounds = array<i64: 2, 16>, scalar_prefetch = 0 : i64, scratch_operands = 7 : i64, tpu.core_type = #tpu.core_type<sc_vector_subcore>, window_params = [{transform_indices = #map}, {transform_indices = #map1}, {transform_indices = #map1}, {transform_indices = #map}, {transform_indices = #map1}]} {
    %mul3A = arith.constant 16 : i32
    %mul3A_0 = arith.muli %arg0, %mul3A : i32
    %add3A = arith.addi %mul3A_0, %arg1 : i32
    "tpu.region"() ({
      %run_scoped3A = tpu.sem_alloc : memref<!tpu.dma_semaphore, #tpu.memory_space<semaphore_mem>>
      %dma_start3A_22 = arith.constant 0 : i32
      %dma_start3A_23 = arith.constant 0 : i32
      %dma_start3A_24 = tpu.memref_slice %arg3[%add3A, %dma_start3A_22, %dma_start3A_23] : memref<32x40x125xi32, #tpu.memory_space<hbm>> -> memref<1x40x125xi32, #tpu.memory_space<hbm>>
      %dma_start3A_25 = tpu.memref_squeeze %dma_start3A_24 : memref<1x40x125xi32, #tpu.memory_space<hbm>> -> memref<40x125xi32, #tpu.memory_space<hbm>>
      %dma_start3A_26 = arith.constant 0 : i32
      %dma_start3A_27 = arith.constant 0 : i32
      %dma_start3A_28 = tpu.memref_slice %arg3[%add3A, %dma_start3A_26, %dma_start3A_27] : memref<32x40x125xi32, #tpu.memory_space<hbm>> -> memref<1x40x125xi32, #tpu.memory_space<hbm>>
      %dma_start3A_29 = tpu.memref_squeeze %dma_start3A_28 : memref<1x40x125xi32, #tpu.memory_space<hbm>> -> memref<40x125xi32, #tpu.memory_space<hbm>>
      tpu.enqueue_dma source(%dma_start3A_29 : memref<40x125xi32, #tpu.memory_space<hbm>>) target(%arg7 : memref<40x125xi32, #tpu.memory_space<vmem>>) target_semaphore(%run_scoped3A : memref<!tpu.dma_semaphore, #tpu.memory_space<semaphore_mem>>)
      %dma_wait3A = arith.constant 0 : i32
      %dma_wait3A_30 = arith.constant 0 : i32
      %dma_wait3A_31 = tpu.memref_slice %arg3[%add3A, %dma_wait3A, %dma_wait3A_30] : memref<32x40x125xi32, #tpu.memory_space<hbm>> -> memref<1x40x125xi32, #tpu.memory_space<hbm>>
      %dma_wait3A_32 = tpu.memref_squeeze %dma_wait3A_31 : memref<1x40x125xi32, #tpu.memory_space<hbm>> -> memref<40x125xi32, #tpu.memory_space<hbm>>
      %dma_wait3A_33 = arith.constant 0 : i32
      %dma_wait3A_34 = arith.constant 0 : i32
      %dma_wait3A_35 = tpu.memref_slice %arg3[%add3A, %dma_wait3A_33, %dma_wait3A_34] : memref<32x40x125xi32, #tpu.memory_space<hbm>> -> memref<1x40x125xi32, #tpu.memory_space<hbm>>
      %dma_wait3A_36 = tpu.memref_squeeze %dma_wait3A_35 : memref<1x40x125xi32, #tpu.memory_space<hbm>> -> memref<40x125xi32, #tpu.memory_space<hbm>>
      tpu.wait_dma2 semaphore(%run_scoped3A : memref<!tpu.dma_semaphore, #tpu.memory_space<semaphore_mem>>) src(%dma_wait3A_36 : memref<40x125xi32, #tpu.memory_space<hbm>>) dst(%arg7 : memref<40x125xi32, #tpu.memory_space<vmem>>)
      tpu.yield
    }) : () -> ()
    "tpu.region"() ({
      %run_scoped3A = tpu.sem_alloc : memref<!tpu.dma_semaphore, #tpu.memory_space<semaphore_mem>>
      %dma_start3A_22 = arith.constant 0 : i32
      %dma_start3A_23 = arith.constant 0 : i32
      %dma_start3A_24 = tpu.memref_slice %arg4[%add3A, %dma_start3A_22, %dma_start3A_23] : memref<32x40x125xi32, #tpu.memory_space<hbm>> -> memref<1x40x125xi32, #tpu.memory_space<hbm>>
      %dma_start3A_25 = tpu.memref_squeeze %dma_start3A_24 : memref<1x40x125xi32, #tpu.memory_space<hbm>> -> memref<40x125xi32, #tpu.memory_space<hbm>>
      %dma_start3A_26 = arith.constant 0 : i32
      %dma_start3A_27 = arith.constant 0 : i32
      %dma_start3A_28 = tpu.memref_slice %arg4[%add3A, %dma_start3A_26, %dma_start3A_27] : memref<32x40x125xi32, #tpu.memory_space<hbm>> -> memref<1x40x125xi32, #tpu.memory_space<hbm>>
      %dma_start3A_29 = tpu.memref_squeeze %dma_start3A_28 : memref<1x40x125xi32, #tpu.memory_space<hbm>> -> memref<40x125xi32, #tpu.memory_space<hbm>>
      tpu.enqueue_dma source(%dma_start3A_29 : memref<40x125xi32, #tpu.memory_space<hbm>>) target(%arg8 : memref<40x125xi32, #tpu.memory_space<vmem>>) target_semaphore(%run_scoped3A : memref<!tpu.dma_semaphore, #tpu.memory_space<semaphore_mem>>)
      %dma_wait3A = arith.constant 0 : i32
      %dma_wait3A_30 = arith.constant 0 : i32
      %dma_wait3A_31 = tpu.memref_slice %arg4[%add3A, %dma_wait3A, %dma_wait3A_30] : memref<32x40x125xi32, #tpu.memory_space<hbm>> -> memref<1x40x125xi32, #tpu.memory_space<hbm>>
      %dma_wait3A_32 = tpu.memref_squeeze %dma_wait3A_31 : memref<1x40x125xi32, #tpu.memory_space<hbm>> -> memref<40x125xi32, #tpu.memory_space<hbm>>
      %dma_wait3A_33 = arith.constant 0 : i32
      %dma_wait3A_34 = arith.constant 0 : i32
      %dma_wait3A_35 = tpu.memref_slice %arg4[%add3A, %dma_wait3A_33, %dma_wait3A_34] : memref<32x40x125xi32, #tpu.memory_space<hbm>> -> memref<1x40x125xi32, #tpu.memory_space<hbm>>
      %dma_wait3A_36 = tpu.memref_squeeze %dma_wait3A_35 : memref<1x40x125xi32, #tpu.memory_space<hbm>> -> memref<40x125xi32, #tpu.memory_space<hbm>>
      tpu.wait_dma2 semaphore(%run_scoped3A : memref<!tpu.dma_semaphore, #tpu.memory_space<semaphore_mem>>) src(%dma_wait3A_36 : memref<40x125xi32, #tpu.memory_space<hbm>>) dst(%arg8 : memref<40x125xi32, #tpu.memory_space<vmem>>)
      tpu.yield
    }) : () -> ()
    %mul3A_1 = arith.constant 624 : i32
    %mul3A_2 = arith.muli %arg1, %mul3A_1 : i32
    "tpu.region"() ({
      %run_scoped3A = tpu.sem_alloc : memref<!tpu.dma_semaphore, #tpu.memory_space<semaphore_mem>>
      %dma_start3A_22 = arith.constant 0 : i32
      %dma_start3A_23 = tpu.memref_slice %arg13[%mul3A_2, %dma_start3A_22] : memref<10000x128xf32, #tpu.memory_space<vmem_shared>> -> memref<624x128xf32, #tpu.memory_space<vmem_shared>>
      %dma_start3A_24 = arith.constant 0 : i32
      %dma_start3A_25 = tpu.memref_slice %arg5[%mul3A_2, %dma_start3A_24] : memref<10000x128xf32, #tpu.memory_space<hbm>> -> memref<624x128xf32, #tpu.memory_space<hbm>>
      tpu.enqueue_dma source(%dma_start3A_25 : memref<624x128xf32, #tpu.memory_space<hbm>>) target(%dma_start3A_23 : memref<624x128xf32, #tpu.memory_space<vmem_shared>>) target_semaphore(%run_scoped3A : memref<!tpu.dma_semaphore, #tpu.memory_space<semaphore_mem>>)
      %dma_wait3A = arith.constant 0 : i32
      %dma_wait3A_26 = tpu.memref_slice %arg13[%mul3A_2, %dma_wait3A] : memref<10000x128xf32, #tpu.memory_space<vmem_shared>> -> memref<624x128xf32, #tpu.memory_space<vmem_shared>>
      %dma_wait3A_27 = arith.constant 0 : i32
      %dma_wait3A_28 = tpu.memref_slice %arg5[%mul3A_2, %dma_wait3A_27] : memref<10000x128xf32, #tpu.memory_space<hbm>> -> memref<624x128xf32, #tpu.memory_space<hbm>>
      tpu.wait_dma2 semaphore(%run_scoped3A : memref<!tpu.dma_semaphore, #tpu.memory_space<semaphore_mem>>) src(%dma_wait3A_28 : memref<624x128xf32, #tpu.memory_space<hbm>>) dst(%dma_wait3A_26 : memref<624x128xf32, #tpu.memory_space<vmem_shared>>)
      tpu.yield
    }) : () -> ()
    %eq3A = arith.constant 0 : i32
    %eq3A_3 = arith.cmpi eq, %arg1, %eq3A : i32
    %convert_element_type3A = arith.extui %eq3A_3 : i1 to i32
    %cond3A = arith.constant 0 : i32
    %cond3A_4 = arith.cmpi ne, %convert_element_type3A, %cond3A : i32
    scf.if %cond3A_4 {
      "tpu.region"() ({
        %run_scoped3A = tpu.sem_alloc : memref<!tpu.dma_semaphore, #tpu.memory_space<semaphore_mem>>
        %dma_start3A_22 = arith.constant 9984 : i32
        %dma_start3A_23 = arith.constant 0 : i32
        %dma_start3A_24 = tpu.memref_slice %arg13[%dma_start3A_22, %dma_start3A_23] : memref<10000x128xf32, #tpu.memory_space<vmem_shared>> -> memref<16x128xf32, #tpu.memory_space<vmem_shared>>
        %dma_start3A_25 = arith.constant 9984 : i32
        %dma_start3A_26 = arith.constant 0 : i32
        %dma_start3A_27 = tpu.memref_slice %arg5[%dma_start3A_25, %dma_start3A_26] : memref<10000x128xf32, #tpu.memory_space<hbm>> -> memref<16x128xf32, #tpu.memory_space<hbm>>
        tpu.enqueue_dma source(%dma_start3A_27 : memref<16x128xf32, #tpu.memory_space<hbm>>) target(%dma_start3A_24 : memref<16x128xf32, #tpu.memory_space<vmem_shared>>) target_semaphore(%run_scoped3A : memref<!tpu.dma_semaphore, #tpu.memory_space<semaphore_mem>>)
        %dma_wait3A = arith.constant 9984 : i32
        %dma_wait3A_28 = arith.constant 0 : i32
        %dma_wait3A_29 = tpu.memref_slice %arg13[%dma_wait3A, %dma_wait3A_28] : memref<10000x128xf32, #tpu.memory_space<vmem_shared>> -> memref<16x128xf32, #tpu.memory_space<vmem_shared>>
        %dma_wait3A_30 = arith.constant 9984 : i32
        %dma_wait3A_31 = arith.constant 0 : i32
        %dma_wait3A_32 = tpu.memref_slice %arg5[%dma_wait3A_30, %dma_wait3A_31] : memref<10000x128xf32, #tpu.memory_space<hbm>> -> memref<16x128xf32, #tpu.memory_space<hbm>>
        tpu.wait_dma2 semaphore(%run_scoped3A : memref<!tpu.dma_semaphore, #tpu.memory_space<semaphore_mem>>) src(%dma_wait3A_32 : memref<16x128xf32, #tpu.memory_space<hbm>>) dst(%dma_wait3A_29 : memref<16x128xf32, #tpu.memory_space<vmem_shared>>)
        tpu.yield
      }) : () -> ()
    } else {
    }
    %barrier3A = arith.constant 0 : index
    tpu.barrier barrier_id(%barrier3A)
    %dma_start3A = arith.constant 0 : i32
    %dma_start3A_5 = arith.constant 0 : i32
    %dma_start3A_6 = tpu.memref_slice %arg7[%dma_start3A, %dma_start3A_5] : memref<40x125xi32, #tpu.memory_space<vmem>> -> memref<1x125xi32, #tpu.memory_space<vmem>>
    %dma_start3A_7 = tpu.memref_squeeze %dma_start3A_6 : memref<1x125xi32, #tpu.memory_space<vmem>> -> memref<125xi32, #tpu.memory_space<vmem>>
    %dma_start3A_8 = arith.constant 0 : i32
    %dma_start3A_9 = arith.constant 0 : i32
    %dma_start3A_10 = tpu.memref_slice %arg2[%dma_start3A_8, %dma_start3A_9] : memref<40000x128xf32, #tpu.memory_space<hbm>> -> memref<40000x128xf32, #tpu.memory_space<hbm>>
    tpu.enqueue_indirect_dma source(%dma_start3A_10 : memref<40000x128xf32, #tpu.memory_space<hbm>>) target(%arg9 : memref<125x128xf32, #tpu.memory_space<vmem>>) offsets(%dma_start3A_7 : memref<125xi32, #tpu.memory_space<vmem>>) semaphore(%arg11 : memref<!tpu.dma_semaphore, #tpu.memory_space<semaphore_mem>>)
    %scan3A = arith.constant 0 : i32
    %scan3A_11 = arith.constant 0 : i32
    %scan3A_12 = arith.constant 20 : i32
    %scan3A_13 = arith.addi %scan3A_11, %scan3A_12 : i32
    %scan3A_14 = arith.constant 1 : i32
    scf.for %scan3A_22 = %scan3A_11 to %scan3A_13 step %scan3A_14  : i32 {
      %mul3A_23 = arith.constant 2 : i32
      %mul3A_24 = arith.muli %scan3A_22, %mul3A_23 : i32
      %dma_wait3A = arith.constant 0 : i32
      %dma_wait3A_25 = tpu.memref_slice %arg7[%mul3A_24, %dma_wait3A] : memref<40x125xi32, #tpu.memory_space<vmem>> -> memref<1x125xi32, #tpu.memory_space<vmem>>
      %dma_wait3A_26 = tpu.memref_squeeze %dma_wait3A_25 : memref<1x125xi32, #tpu.memory_space<vmem>> -> memref<125xi32, #tpu.memory_space<vmem>>
      %dma_wait3A_27 = arith.constant 0 : i32
      %dma_wait3A_28 = arith.constant 0 : i32
      %dma_wait3A_29 = tpu.memref_slice %arg2[%dma_wait3A_27, %dma_wait3A_28] : memref<40000x128xf32, #tpu.memory_space<hbm>> -> memref<40000x128xf32, #tpu.memory_space<hbm>>
      tpu.wait_indirect_dma semaphore(%arg11 : memref<!tpu.dma_semaphore, #tpu.memory_space<semaphore_mem>>) src(%dma_wait3A_29 : memref<40000x128xf32, #tpu.memory_space<hbm>>) dst(%arg9 : memref<125x128xf32, #tpu.memory_space<vmem>>)
      %add3A_30 = arith.constant 1 : i32
      %add3A_31 = arith.addi %mul3A_24, %add3A_30 : i32
      %dma_start3A_32 = arith.constant 0 : i32
      %dma_start3A_33 = tpu.memref_slice %arg7[%add3A_31, %dma_start3A_32] : memref<40x125xi32, #tpu.memory_space<vmem>> -> memref<1x125xi32, #tpu.memory_space<vmem>>
      %dma_start3A_34 = tpu.memref_squeeze %dma_start3A_33 : memref<1x125xi32, #tpu.memory_space<vmem>> -> memref<125xi32, #tpu.memory_space<vmem>>
      %dma_start3A_35 = arith.constant 0 : i32
      %dma_start3A_36 = arith.constant 0 : i32
      %dma_start3A_37 = tpu.memref_slice %arg2[%dma_start3A_35, %dma_start3A_36] : memref<40000x128xf32, #tpu.memory_space<hbm>> -> memref<40000x128xf32, #tpu.memory_space<hbm>>
      tpu.enqueue_indirect_dma source(%dma_start3A_37 : memref<40000x128xf32, #tpu.memory_space<hbm>>) target(%arg10 : memref<125x128xf32, #tpu.memory_space<vmem>>) offsets(%dma_start3A_34 : memref<125xi32, #tpu.memory_space<vmem>>) semaphore(%arg12 : memref<!tpu.dma_semaphore, #tpu.memory_space<semaphore_mem>>)
      "tpu.region"() ({
        %run_scoped3A = tpu.sem_alloc : memref<!tpu.dma_semaphore, #tpu.memory_space<semaphore_mem>>
        %dma_start3A_54 = arith.constant 0 : i32
        %dma_start3A_55 = tpu.memref_slice %arg8[%mul3A_24, %dma_start3A_54] : memref<40x125xi32, #tpu.memory_space<vmem>> -> memref<1x125xi32, #tpu.memory_space<vmem>>
        %dma_start3A_56 = tpu.memref_squeeze %dma_start3A_55 : memref<1x125xi32, #tpu.memory_space<vmem>> -> memref<125xi32, #tpu.memory_space<vmem>>
        %dma_start3A_57 = arith.constant 0 : i32
        %dma_start3A_58 = arith.constant 0 : i32
        %dma_start3A_59 = tpu.memref_slice %arg13[%dma_start3A_57, %dma_start3A_58] : memref<10000x128xf32, #tpu.memory_space<vmem_shared>> -> memref<10000x128xf32, #tpu.memory_space<vmem_shared>>
        tpu.enqueue_indirect_dma source(%arg9 : memref<125x128xf32, #tpu.memory_space<vmem>>) target(%dma_start3A_59 : memref<10000x128xf32, #tpu.memory_space<vmem_shared>>) offsets(%dma_start3A_56 : memref<125xi32, #tpu.memory_space<vmem>>) semaphore(%run_scoped3A : memref<!tpu.dma_semaphore, #tpu.memory_space<semaphore_mem>>) {add = true}
        %dma_wait3A_60 = arith.constant 0 : i32
        %dma_wait3A_61 = tpu.memref_slice %arg8[%mul3A_24, %dma_wait3A_60] : memref<40x125xi32, #tpu.memory_space<vmem>> -> memref<1x125xi32, #tpu.memory_space<vmem>>
        %dma_wait3A_62 = tpu.memref_squeeze %dma_wait3A_61 : memref<1x125xi32, #tpu.memory_space<vmem>> -> memref<125xi32, #tpu.memory_space<vmem>>
        %dma_wait3A_63 = arith.constant 0 : i32
        %dma_wait3A_64 = arith.constant 0 : i32
        %dma_wait3A_65 = tpu.memref_slice %arg13[%dma_wait3A_63, %dma_wait3A_64] : memref<10000x128xf32, #tpu.memory_space<vmem_shared>> -> memref<10000x128xf32, #tpu.memory_space<vmem_shared>>
        tpu.wait_indirect_dma semaphore(%run_scoped3A : memref<!tpu.dma_semaphore, #tpu.memory_space<semaphore_mem>>) src(%arg9 : memref<125x128xf32, #tpu.memory_space<vmem>>) dst(%dma_wait3A_65 : memref<10000x128xf32, #tpu.memory_space<vmem_shared>>)
        tpu.yield
      }) : () -> ()
      %add3A_38 = arith.constant 1 : i32
      %add3A_39 = arith.addi %mul3A_24, %add3A_38 : i32
      %dma_wait3A_40 = arith.constant 0 : i32
      %dma_wait3A_41 = tpu.memref_slice %arg7[%add3A_39, %dma_wait3A_40] : memref<40x125xi32, #tpu.memory_space<vmem>> -> memref<1x125xi32, #tpu.memory_space<vmem>>
      %dma_wait3A_42 = tpu.memref_squeeze %dma_wait3A_41 : memref<1x125xi32, #tpu.memory_space<vmem>> -> memref<125xi32, #tpu.memory_space<vmem>>
      %dma_wait3A_43 = arith.constant 0 : i32
      %dma_wait3A_44 = arith.constant 0 : i32
      %dma_wait3A_45 = tpu.memref_slice %arg2[%dma_wait3A_43, %dma_wait3A_44] : memref<40000x128xf32, #tpu.memory_space<hbm>> -> memref<40000x128xf32, #tpu.memory_space<hbm>>
      tpu.wait_indirect_dma semaphore(%arg12 : memref<!tpu.dma_semaphore, #tpu.memory_space<semaphore_mem>>) src(%dma_wait3A_45 : memref<40000x128xf32, #tpu.memory_space<hbm>>) dst(%arg10 : memref<125x128xf32, #tpu.memory_space<vmem>>)
      %add3A_46 = arith.constant 1 : i32
      %add3A_47 = arith.addi %scan3A_22, %add3A_46 : i32
      %lt3A = arith.constant 20 : i32
      %lt3A_48 = arith.cmpi slt, %add3A_47, %lt3A : i32
      %convert_element_type3A_49 = arith.extui %lt3A_48 : i1 to i32
      %cond3A_50 = arith.constant 0 : i32
      %cond3A_51 = arith.cmpi ne, %convert_element_type3A_49, %cond3A_50 : i32
      scf.if %cond3A_51 {
        %add3A_54 = arith.constant 2 : i32
        %add3A_55 = arith.addi %mul3A_24, %add3A_54 : i32
        %dma_start3A_56 = arith.constant 0 : i32
        %dma_start3A_57 = tpu.memref_slice %arg7[%add3A_55, %dma_start3A_56] : memref<40x125xi32, #tpu.memory_space<vmem>> -> memref<1x125xi32, #tpu.memory_space<vmem>>
        %dma_start3A_58 = tpu.memref_squeeze %dma_start3A_57 : memref<1x125xi32, #tpu.memory_space<vmem>> -> memref<125xi32, #tpu.memory_space<vmem>>
        %dma_start3A_59 = arith.constant 0 : i32
        %dma_start3A_60 = arith.constant 0 : i32
        %dma_start3A_61 = tpu.memref_slice %arg2[%dma_start3A_59, %dma_start3A_60] : memref<40000x128xf32, #tpu.memory_space<hbm>> -> memref<40000x128xf32, #tpu.memory_space<hbm>>
        tpu.enqueue_indirect_dma source(%dma_start3A_61 : memref<40000x128xf32, #tpu.memory_space<hbm>>) target(%arg9 : memref<125x128xf32, #tpu.memory_space<vmem>>) offsets(%dma_start3A_58 : memref<125xi32, #tpu.memory_space<vmem>>) semaphore(%arg11 : memref<!tpu.dma_semaphore, #tpu.memory_space<semaphore_mem>>)
      } else {
      }
      %add3A_52 = arith.constant 1 : i32
      %add3A_53 = arith.addi %mul3A_24, %add3A_52 : i32
      "tpu.region"() ({
        %run_scoped3A = tpu.sem_alloc : memref<!tpu.dma_semaphore, #tpu.memory_space<semaphore_mem>>
        %dma_start3A_54 = arith.constant 0 : i32
        %dma_start3A_55 = tpu.memref_slice %arg8[%add3A_53, %dma_start3A_54] : memref<40x125xi32, #tpu.memory_space<vmem>> -> memref<1x125xi32, #tpu.memory_space<vmem>>
        %dma_start3A_56 = tpu.memref_squeeze %dma_start3A_55 : memref<1x125xi32, #tpu.memory_space<vmem>> -> memref<125xi32, #tpu.memory_space<vmem>>
        %dma_start3A_57 = arith.constant 0 : i32
        %dma_start3A_58 = arith.constant 0 : i32
        %dma_start3A_59 = tpu.memref_slice %arg13[%dma_start3A_57, %dma_start3A_58] : memref<10000x128xf32, #tpu.memory_space<vmem_shared>> -> memref<10000x128xf32, #tpu.memory_space<vmem_shared>>
        tpu.enqueue_indirect_dma source(%arg10 : memref<125x128xf32, #tpu.memory_space<vmem>>) target(%dma_start3A_59 : memref<10000x128xf32, #tpu.memory_space<vmem_shared>>) offsets(%dma_start3A_56 : memref<125xi32, #tpu.memory_space<vmem>>) semaphore(%run_scoped3A : memref<!tpu.dma_semaphore, #tpu.memory_space<semaphore_mem>>) {add = true}
        %dma_wait3A_60 = arith.constant 0 : i32
        %dma_wait3A_61 = tpu.memref_slice %arg8[%add3A_53, %dma_wait3A_60] : memref<40x125xi32, #tpu.memory_space<vmem>> -> memref<1x125xi32, #tpu.memory_space<vmem>>
        %dma_wait3A_62 = tpu.memref_squeeze %dma_wait3A_61 : memref<1x125xi32, #tpu.memory_space<vmem>> -> memref<125xi32, #tpu.memory_space<vmem>>
        %dma_wait3A_63 = arith.constant 0 : i32
        %dma_wait3A_64 = arith.constant 0 : i32
        %dma_wait3A_65 = tpu.memref_slice %arg13[%dma_wait3A_63, %dma_wait3A_64] : memref<10000x128xf32, #tpu.memory_space<vmem_shared>> -> memref<10000x128xf32, #tpu.memory_space<vmem_shared>>
        tpu.wait_indirect_dma semaphore(%run_scoped3A : memref<!tpu.dma_semaphore, #tpu.memory_space<semaphore_mem>>) src(%arg10 : memref<125x128xf32, #tpu.memory_space<vmem>>) dst(%dma_wait3A_65 : memref<10000x128xf32, #tpu.memory_space<vmem_shared>>)
        tpu.yield
      }) : () -> ()
    }
    %scan3A_15 = arith.constant 20 : i32
    %barrier3A_16 = arith.constant 0 : index
    tpu.barrier barrier_id(%barrier3A_16)
    "tpu.region"() ({
      %run_scoped3A = tpu.sem_alloc : memref<!tpu.dma_semaphore, #tpu.memory_space<semaphore_mem>>
      %dma_start3A_22 = arith.constant 0 : i32
      %dma_start3A_23 = arith.constant 0 : i32
      %dma_start3A_24 = tpu.memref_slice %arg6[%arg0, %dma_start3A_22, %dma_start3A_23] : memref<2x10000x128xf32, #tpu.memory_space<hbm>> -> memref<1x10000x128xf32, #tpu.memory_space<hbm>>
      %dma_start3A_25 = tpu.memref_squeeze %dma_start3A_24 : memref<1x10000x128xf32, #tpu.memory_space<hbm>> -> memref<10000x128xf32, #tpu.memory_space<hbm>>
      %dma_start3A_26 = arith.constant 0 : i32
      %dma_start3A_27 = tpu.memref_slice %dma_start3A_25[%mul3A_2, %dma_start3A_26] : memref<10000x128xf32, #tpu.memory_space<hbm>> -> memref<624x128xf32, #tpu.memory_space<hbm>>
      %dma_start3A_28 = arith.constant 0 : i32
      %dma_start3A_29 = tpu.memref_slice %arg13[%mul3A_2, %dma_start3A_28] : memref<10000x128xf32, #tpu.memory_space<vmem_shared>> -> memref<624x128xf32, #tpu.memory_space<vmem_shared>>
      tpu.enqueue_dma source(%dma_start3A_29 : memref<624x128xf32, #tpu.memory_space<vmem_shared>>) target(%dma_start3A_27 : memref<624x128xf32, #tpu.memory_space<hbm>>) target_semaphore(%run_scoped3A : memref<!tpu.dma_semaphore, #tpu.memory_space<semaphore_mem>>)
      %dma_wait3A = arith.constant 0 : i32
      %dma_wait3A_30 = arith.constant 0 : i32
      %dma_wait3A_31 = tpu.memref_slice %arg6[%arg0, %dma_wait3A, %dma_wait3A_30] : memref<2x10000x128xf32, #tpu.memory_space<hbm>> -> memref<1x10000x128xf32, #tpu.memory_space<hbm>>
      %dma_wait3A_32 = tpu.memref_squeeze %dma_wait3A_31 : memref<1x10000x128xf32, #tpu.memory_space<hbm>> -> memref<10000x128xf32, #tpu.memory_space<hbm>>
      %dma_wait3A_33 = arith.constant 0 : i32
      %dma_wait3A_34 = tpu.memref_slice %dma_wait3A_32[%mul3A_2, %dma_wait3A_33] : memref<10000x128xf32, #tpu.memory_space<hbm>> -> memref<624x128xf32, #tpu.memory_space<hbm>>
      %dma_wait3A_35 = arith.constant 0 : i32
      %dma_wait3A_36 = tpu.memref_slice %arg13[%mul3A_2, %dma_wait3A_35] : memref<10000x128xf32, #tpu.memory_space<vmem_shared>> -> memref<624x128xf32, #tpu.memory_space<vmem_shared>>
      tpu.wait_dma2 semaphore(%run_scoped3A : memref<!tpu.dma_semaphore, #tpu.memory_space<semaphore_mem>>) src(%dma_wait3A_36 : memref<624x128xf32, #tpu.memory_space<vmem_shared>>) dst(%dma_wait3A_34 : memref<624x128xf32, #tpu.memory_space<hbm>>)
      tpu.yield
    }) : () -> ()
    %eq3A_17 = arith.constant 0 : i32
    %eq3A_18 = arith.cmpi eq, %arg1, %eq3A_17 : i32
    %convert_element_type3A_19 = arith.extui %eq3A_18 : i1 to i32
    %cond3A_20 = arith.constant 0 : i32
    %cond3A_21 = arith.cmpi ne, %convert_element_type3A_19, %cond3A_20 : i32
    scf.if %cond3A_21 {
      "tpu.region"() ({
        %run_scoped3A = tpu.sem_alloc : memref<!tpu.dma_semaphore, #tpu.memory_space<semaphore_mem>>
        %dma_start3A_22 = arith.constant 0 : i32
        %dma_start3A_23 = arith.constant 0 : i32
        %dma_start3A_24 = tpu.memref_slice %arg6[%arg0, %dma_start3A_22, %dma_start3A_23] : memref<2x10000x128xf32, #tpu.memory_space<hbm>> -> memref<1x10000x128xf32, #tpu.memory_space<hbm>>
        %dma_start3A_25 = tpu.memref_squeeze %dma_start3A_24 : memref<1x10000x128xf32, #tpu.memory_space<hbm>> -> memref<10000x128xf32, #tpu.memory_space<hbm>>
        %dma_start3A_26 = arith.constant 9984 : i32
        %dma_start3A_27 = arith.constant 0 : i32
        %dma_start3A_28 = tpu.memref_slice %dma_start3A_25[%dma_start3A_26, %dma_start3A_27] : memref<10000x128xf32, #tpu.memory_space<hbm>> -> memref<16x128xf32, #tpu.memory_space<hbm>>
        %dma_start3A_29 = arith.constant 9984 : i32
        %dma_start3A_30 = arith.constant 0 : i32
        %dma_start3A_31 = tpu.memref_slice %arg13[%dma_start3A_29, %dma_start3A_30] : memref<10000x128xf32, #tpu.memory_space<vmem_shared>> -> memref<16x128xf32, #tpu.memory_space<vmem_shared>>
        tpu.enqueue_dma source(%dma_start3A_31 : memref<16x128xf32, #tpu.memory_space<vmem_shared>>) target(%dma_start3A_28 : memref<16x128xf32, #tpu.memory_space<hbm>>) target_semaphore(%run_scoped3A : memref<!tpu.dma_semaphore, #tpu.memory_space<semaphore_mem>>)
        %dma_wait3A = arith.constant 0 : i32
        %dma_wait3A_32 = arith.constant 0 : i32
        %dma_wait3A_33 = tpu.memref_slice %arg6[%arg0, %dma_wait3A, %dma_wait3A_32] : memref<2x10000x128xf32, #tpu.memory_space<hbm>> -> memref<1x10000x128xf32, #tpu.memory_space<hbm>>
        %dma_wait3A_34 = tpu.memref_squeeze %dma_wait3A_33 : memref<1x10000x128xf32, #tpu.memory_space<hbm>> -> memref<10000x128xf32, #tpu.memory_space<hbm>>
        %dma_wait3A_35 = arith.constant 9984 : i32
        %dma_wait3A_36 = arith.constant 0 : i32
        %dma_wait3A_37 = tpu.memref_slice %dma_wait3A_34[%dma_wait3A_35, %dma_wait3A_36] : memref<10000x128xf32, #tpu.memory_space<hbm>> -> memref<16x128xf32, #tpu.memory_space<hbm>>
        %dma_wait3A_38 = arith.constant 9984 : i32
        %dma_wait3A_39 = arith.constant 0 : i32
        %dma_wait3A_40 = tpu.memref_slice %arg13[%dma_wait3A_38, %dma_wait3A_39] : memref<10000x128xf32, #tpu.memory_space<vmem_shared>> -> memref<16x128xf32, #tpu.memory_space<vmem_shared>>
        tpu.wait_dma2 semaphore(%run_scoped3A : memref<!tpu.dma_semaphore, #tpu.memory_space<semaphore_mem>>) src(%dma_wait3A_40 : memref<16x128xf32, #tpu.memory_space<vmem_shared>>) dst(%dma_wait3A_37 : memref<16x128xf32, #tpu.memory_space<hbm>>)
        tpu.yield
      }) : () -> ()
    } else {
    }
    return
  }
}

#map = affine_map<(d0, d1) -> (0, 0)>
#map1 = affine_map<(d0, d1) -> (0, 0, 0)>
module attributes {stable_mosaic.version = 14 : i64} {
  func.func @_agg_sc_body(%arg0: i32, %arg1: i32, %arg2: memref<20000x128xf32, #tpu.memory_space<hbm>>, %arg3: memref<32x40x125xi32, #tpu.memory_space<hbm>>, %arg4: memref<32x40x125xi32, #tpu.memory_space<hbm>>, %arg5: memref<10000x128xf32, #tpu.memory_space<hbm>>, %arg6: memref<2x10000x128xf32, #tpu.memory_space<hbm>>, %arg7: memref<40x125xi32, #tpu.memory_space<vmem>>, %arg8: memref<40x125xi32, #tpu.memory_space<vmem>>, %arg9: memref<125x128xf32, #tpu.memory_space<vmem>>, %arg10: memref<125x128xf32, #tpu.memory_space<vmem>>, %arg11: memref<!tpu.dma_semaphore, #tpu.memory_space<semaphore_mem>>, %arg12: memref<!tpu.dma_semaphore, #tpu.memory_space<semaphore_mem>>, %arg13: memref<10000x128xf32, #tpu.memory_space<vmem_shared>>) attributes {dimension_semantics = [#tpu.dimension_semantics<core_parallel>, #tpu.dimension_semantics<subcore_parallel>], iteration_bounds = array<i64: 2, 16>, scalar_prefetch = 0 : i64, scratch_operands = 7 : i64, tpu.core_type = #tpu.core_type<sc_vector_subcore>, window_params = [{transform_indices = #map}, {transform_indices = #map1}, {transform_indices = #map1}, {transform_indices = #map}, {transform_indices = #map1}]} {
    %mul3A = arith.constant 16 : i32
    %mul3A_0 = arith.muli %arg0, %mul3A : i32
    %add3A = arith.addi %mul3A_0, %arg1 : i32
    "tpu.region"() ({
      %run_scoped3A = tpu.sem_alloc : memref<!tpu.dma_semaphore, #tpu.memory_space<semaphore_mem>>
      %dma_start3A_22 = arith.constant 0 : i32
      %dma_start3A_23 = arith.constant 0 : i32
      %dma_start3A_24 = tpu.memref_slice %arg3[%add3A, %dma_start3A_22, %dma_start3A_23] : memref<32x40x125xi32, #tpu.memory_space<hbm>> -> memref<1x40x125xi32, #tpu.memory_space<hbm>>
      %dma_start3A_25 = tpu.memref_squeeze %dma_start3A_24 : memref<1x40x125xi32, #tpu.memory_space<hbm>> -> memref<40x125xi32, #tpu.memory_space<hbm>>
      %dma_start3A_26 = arith.constant 0 : i32
      %dma_start3A_27 = arith.constant 0 : i32
      %dma_start3A_28 = tpu.memref_slice %arg3[%add3A, %dma_start3A_26, %dma_start3A_27] : memref<32x40x125xi32, #tpu.memory_space<hbm>> -> memref<1x40x125xi32, #tpu.memory_space<hbm>>
      %dma_start3A_29 = tpu.memref_squeeze %dma_start3A_28 : memref<1x40x125xi32, #tpu.memory_space<hbm>> -> memref<40x125xi32, #tpu.memory_space<hbm>>
      tpu.enqueue_dma source(%dma_start3A_29 : memref<40x125xi32, #tpu.memory_space<hbm>>) target(%arg7 : memref<40x125xi32, #tpu.memory_space<vmem>>) target_semaphore(%run_scoped3A : memref<!tpu.dma_semaphore, #tpu.memory_space<semaphore_mem>>)
      %dma_wait3A = arith.constant 0 : i32
      %dma_wait3A_30 = arith.constant 0 : i32
      %dma_wait3A_31 = tpu.memref_slice %arg3[%add3A, %dma_wait3A, %dma_wait3A_30] : memref<32x40x125xi32, #tpu.memory_space<hbm>> -> memref<1x40x125xi32, #tpu.memory_space<hbm>>
      %dma_wait3A_32 = tpu.memref_squeeze %dma_wait3A_31 : memref<1x40x125xi32, #tpu.memory_space<hbm>> -> memref<40x125xi32, #tpu.memory_space<hbm>>
      %dma_wait3A_33 = arith.constant 0 : i32
      %dma_wait3A_34 = arith.constant 0 : i32
      %dma_wait3A_35 = tpu.memref_slice %arg3[%add3A, %dma_wait3A_33, %dma_wait3A_34] : memref<32x40x125xi32, #tpu.memory_space<hbm>> -> memref<1x40x125xi32, #tpu.memory_space<hbm>>
      %dma_wait3A_36 = tpu.memref_squeeze %dma_wait3A_35 : memref<1x40x125xi32, #tpu.memory_space<hbm>> -> memref<40x125xi32, #tpu.memory_space<hbm>>
      tpu.wait_dma2 semaphore(%run_scoped3A : memref<!tpu.dma_semaphore, #tpu.memory_space<semaphore_mem>>) src(%dma_wait3A_36 : memref<40x125xi32, #tpu.memory_space<hbm>>) dst(%arg7 : memref<40x125xi32, #tpu.memory_space<vmem>>)
      tpu.yield
    }) : () -> ()
    "tpu.region"() ({
      %run_scoped3A = tpu.sem_alloc : memref<!tpu.dma_semaphore, #tpu.memory_space<semaphore_mem>>
      %dma_start3A_22 = arith.constant 0 : i32
      %dma_start3A_23 = arith.constant 0 : i32
      %dma_start3A_24 = tpu.memref_slice %arg4[%add3A, %dma_start3A_22, %dma_start3A_23] : memref<32x40x125xi32, #tpu.memory_space<hbm>> -> memref<1x40x125xi32, #tpu.memory_space<hbm>>
      %dma_start3A_25 = tpu.memref_squeeze %dma_start3A_24 : memref<1x40x125xi32, #tpu.memory_space<hbm>> -> memref<40x125xi32, #tpu.memory_space<hbm>>
      %dma_start3A_26 = arith.constant 0 : i32
      %dma_start3A_27 = arith.constant 0 : i32
      %dma_start3A_28 = tpu.memref_slice %arg4[%add3A, %dma_start3A_26, %dma_start3A_27] : memref<32x40x125xi32, #tpu.memory_space<hbm>> -> memref<1x40x125xi32, #tpu.memory_space<hbm>>
      %dma_start3A_29 = tpu.memref_squeeze %dma_start3A_28 : memref<1x40x125xi32, #tpu.memory_space<hbm>> -> memref<40x125xi32, #tpu.memory_space<hbm>>
      tpu.enqueue_dma source(%dma_start3A_29 : memref<40x125xi32, #tpu.memory_space<hbm>>) target(%arg8 : memref<40x125xi32, #tpu.memory_space<vmem>>) target_semaphore(%run_scoped3A : memref<!tpu.dma_semaphore, #tpu.memory_space<semaphore_mem>>)
      %dma_wait3A = arith.constant 0 : i32
      %dma_wait3A_30 = arith.constant 0 : i32
      %dma_wait3A_31 = tpu.memref_slice %arg4[%add3A, %dma_wait3A, %dma_wait3A_30] : memref<32x40x125xi32, #tpu.memory_space<hbm>> -> memref<1x40x125xi32, #tpu.memory_space<hbm>>
      %dma_wait3A_32 = tpu.memref_squeeze %dma_wait3A_31 : memref<1x40x125xi32, #tpu.memory_space<hbm>> -> memref<40x125xi32, #tpu.memory_space<hbm>>
      %dma_wait3A_33 = arith.constant 0 : i32
      %dma_wait3A_34 = arith.constant 0 : i32
      %dma_wait3A_35 = tpu.memref_slice %arg4[%add3A, %dma_wait3A_33, %dma_wait3A_34] : memref<32x40x125xi32, #tpu.memory_space<hbm>> -> memref<1x40x125xi32, #tpu.memory_space<hbm>>
      %dma_wait3A_36 = tpu.memref_squeeze %dma_wait3A_35 : memref<1x40x125xi32, #tpu.memory_space<hbm>> -> memref<40x125xi32, #tpu.memory_space<hbm>>
      tpu.wait_dma2 semaphore(%run_scoped3A : memref<!tpu.dma_semaphore, #tpu.memory_space<semaphore_mem>>) src(%dma_wait3A_36 : memref<40x125xi32, #tpu.memory_space<hbm>>) dst(%arg8 : memref<40x125xi32, #tpu.memory_space<vmem>>)
      tpu.yield
    }) : () -> ()
    %mul3A_1 = arith.constant 624 : i32
    %mul3A_2 = arith.muli %arg1, %mul3A_1 : i32
    "tpu.region"() ({
      %run_scoped3A = tpu.sem_alloc : memref<!tpu.dma_semaphore, #tpu.memory_space<semaphore_mem>>
      %dma_start3A_22 = arith.constant 0 : i32
      %dma_start3A_23 = tpu.memref_slice %arg13[%mul3A_2, %dma_start3A_22] : memref<10000x128xf32, #tpu.memory_space<vmem_shared>> -> memref<624x128xf32, #tpu.memory_space<vmem_shared>>
      %dma_start3A_24 = arith.constant 0 : i32
      %dma_start3A_25 = tpu.memref_slice %arg5[%mul3A_2, %dma_start3A_24] : memref<10000x128xf32, #tpu.memory_space<hbm>> -> memref<624x128xf32, #tpu.memory_space<hbm>>
      tpu.enqueue_dma source(%dma_start3A_25 : memref<624x128xf32, #tpu.memory_space<hbm>>) target(%dma_start3A_23 : memref<624x128xf32, #tpu.memory_space<vmem_shared>>) target_semaphore(%run_scoped3A : memref<!tpu.dma_semaphore, #tpu.memory_space<semaphore_mem>>)
      %dma_wait3A = arith.constant 0 : i32
      %dma_wait3A_26 = tpu.memref_slice %arg13[%mul3A_2, %dma_wait3A] : memref<10000x128xf32, #tpu.memory_space<vmem_shared>> -> memref<624x128xf32, #tpu.memory_space<vmem_shared>>
      %dma_wait3A_27 = arith.constant 0 : i32
      %dma_wait3A_28 = tpu.memref_slice %arg5[%mul3A_2, %dma_wait3A_27] : memref<10000x128xf32, #tpu.memory_space<hbm>> -> memref<624x128xf32, #tpu.memory_space<hbm>>
      tpu.wait_dma2 semaphore(%run_scoped3A : memref<!tpu.dma_semaphore, #tpu.memory_space<semaphore_mem>>) src(%dma_wait3A_28 : memref<624x128xf32, #tpu.memory_space<hbm>>) dst(%dma_wait3A_26 : memref<624x128xf32, #tpu.memory_space<vmem_shared>>)
      tpu.yield
    }) : () -> ()
    %eq3A = arith.constant 0 : i32
    %eq3A_3 = arith.cmpi eq, %arg1, %eq3A : i32
    %convert_element_type3A = arith.extui %eq3A_3 : i1 to i32
    %cond3A = arith.constant 0 : i32
    %cond3A_4 = arith.cmpi ne, %convert_element_type3A, %cond3A : i32
    scf.if %cond3A_4 {
      "tpu.region"() ({
        %run_scoped3A = tpu.sem_alloc : memref<!tpu.dma_semaphore, #tpu.memory_space<semaphore_mem>>
        %dma_start3A_22 = arith.constant 9984 : i32
        %dma_start3A_23 = arith.constant 0 : i32
        %dma_start3A_24 = tpu.memref_slice %arg13[%dma_start3A_22, %dma_start3A_23] : memref<10000x128xf32, #tpu.memory_space<vmem_shared>> -> memref<16x128xf32, #tpu.memory_space<vmem_shared>>
        %dma_start3A_25 = arith.constant 9984 : i32
        %dma_start3A_26 = arith.constant 0 : i32
        %dma_start3A_27 = tpu.memref_slice %arg5[%dma_start3A_25, %dma_start3A_26] : memref<10000x128xf32, #tpu.memory_space<hbm>> -> memref<16x128xf32, #tpu.memory_space<hbm>>
        tpu.enqueue_dma source(%dma_start3A_27 : memref<16x128xf32, #tpu.memory_space<hbm>>) target(%dma_start3A_24 : memref<16x128xf32, #tpu.memory_space<vmem_shared>>) target_semaphore(%run_scoped3A : memref<!tpu.dma_semaphore, #tpu.memory_space<semaphore_mem>>)
        %dma_wait3A = arith.constant 9984 : i32
        %dma_wait3A_28 = arith.constant 0 : i32
        %dma_wait3A_29 = tpu.memref_slice %arg13[%dma_wait3A, %dma_wait3A_28] : memref<10000x128xf32, #tpu.memory_space<vmem_shared>> -> memref<16x128xf32, #tpu.memory_space<vmem_shared>>
        %dma_wait3A_30 = arith.constant 9984 : i32
        %dma_wait3A_31 = arith.constant 0 : i32
        %dma_wait3A_32 = tpu.memref_slice %arg5[%dma_wait3A_30, %dma_wait3A_31] : memref<10000x128xf32, #tpu.memory_space<hbm>> -> memref<16x128xf32, #tpu.memory_space<hbm>>
        tpu.wait_dma2 semaphore(%run_scoped3A : memref<!tpu.dma_semaphore, #tpu.memory_space<semaphore_mem>>) src(%dma_wait3A_32 : memref<16x128xf32, #tpu.memory_space<hbm>>) dst(%dma_wait3A_29 : memref<16x128xf32, #tpu.memory_space<vmem_shared>>)
        tpu.yield
      }) : () -> ()
    } else {
    }
    %barrier3A = arith.constant 0 : index
    tpu.barrier barrier_id(%barrier3A)
    %dma_start3A = arith.constant 0 : i32
    %dma_start3A_5 = arith.constant 0 : i32
    %dma_start3A_6 = tpu.memref_slice %arg7[%dma_start3A, %dma_start3A_5] : memref<40x125xi32, #tpu.memory_space<vmem>> -> memref<1x125xi32, #tpu.memory_space<vmem>>
    %dma_start3A_7 = tpu.memref_squeeze %dma_start3A_6 : memref<1x125xi32, #tpu.memory_space<vmem>> -> memref<125xi32, #tpu.memory_space<vmem>>
    %dma_start3A_8 = arith.constant 0 : i32
    %dma_start3A_9 = arith.constant 0 : i32
    %dma_start3A_10 = tpu.memref_slice %arg2[%dma_start3A_8, %dma_start3A_9] : memref<20000x128xf32, #tpu.memory_space<hbm>> -> memref<20000x128xf32, #tpu.memory_space<hbm>>
    tpu.enqueue_indirect_dma source(%dma_start3A_10 : memref<20000x128xf32, #tpu.memory_space<hbm>>) target(%arg9 : memref<125x128xf32, #tpu.memory_space<vmem>>) offsets(%dma_start3A_7 : memref<125xi32, #tpu.memory_space<vmem>>) semaphore(%arg11 : memref<!tpu.dma_semaphore, #tpu.memory_space<semaphore_mem>>)
    %scan3A = arith.constant 0 : i32
    %scan3A_11 = arith.constant 0 : i32
    %scan3A_12 = arith.constant 20 : i32
    %scan3A_13 = arith.addi %scan3A_11, %scan3A_12 : i32
    %scan3A_14 = arith.constant 1 : i32
    scf.for %scan3A_22 = %scan3A_11 to %scan3A_13 step %scan3A_14  : i32 {
      %mul3A_23 = arith.constant 2 : i32
      %mul3A_24 = arith.muli %scan3A_22, %mul3A_23 : i32
      %dma_wait3A = arith.constant 0 : i32
      %dma_wait3A_25 = tpu.memref_slice %arg7[%mul3A_24, %dma_wait3A] : memref<40x125xi32, #tpu.memory_space<vmem>> -> memref<1x125xi32, #tpu.memory_space<vmem>>
      %dma_wait3A_26 = tpu.memref_squeeze %dma_wait3A_25 : memref<1x125xi32, #tpu.memory_space<vmem>> -> memref<125xi32, #tpu.memory_space<vmem>>
      %dma_wait3A_27 = arith.constant 0 : i32
      %dma_wait3A_28 = arith.constant 0 : i32
      %dma_wait3A_29 = tpu.memref_slice %arg2[%dma_wait3A_27, %dma_wait3A_28] : memref<20000x128xf32, #tpu.memory_space<hbm>> -> memref<20000x128xf32, #tpu.memory_space<hbm>>
      tpu.wait_indirect_dma semaphore(%arg11 : memref<!tpu.dma_semaphore, #tpu.memory_space<semaphore_mem>>) src(%dma_wait3A_29 : memref<20000x128xf32, #tpu.memory_space<hbm>>) dst(%arg9 : memref<125x128xf32, #tpu.memory_space<vmem>>)
      %add3A_30 = arith.constant 1 : i32
      %add3A_31 = arith.addi %mul3A_24, %add3A_30 : i32
      %dma_start3A_32 = arith.constant 0 : i32
      %dma_start3A_33 = tpu.memref_slice %arg7[%add3A_31, %dma_start3A_32] : memref<40x125xi32, #tpu.memory_space<vmem>> -> memref<1x125xi32, #tpu.memory_space<vmem>>
      %dma_start3A_34 = tpu.memref_squeeze %dma_start3A_33 : memref<1x125xi32, #tpu.memory_space<vmem>> -> memref<125xi32, #tpu.memory_space<vmem>>
      %dma_start3A_35 = arith.constant 0 : i32
      %dma_start3A_36 = arith.constant 0 : i32
      %dma_start3A_37 = tpu.memref_slice %arg2[%dma_start3A_35, %dma_start3A_36] : memref<20000x128xf32, #tpu.memory_space<hbm>> -> memref<20000x128xf32, #tpu.memory_space<hbm>>
      tpu.enqueue_indirect_dma source(%dma_start3A_37 : memref<20000x128xf32, #tpu.memory_space<hbm>>) target(%arg10 : memref<125x128xf32, #tpu.memory_space<vmem>>) offsets(%dma_start3A_34 : memref<125xi32, #tpu.memory_space<vmem>>) semaphore(%arg12 : memref<!tpu.dma_semaphore, #tpu.memory_space<semaphore_mem>>)
      "tpu.region"() ({
        %run_scoped3A = tpu.sem_alloc : memref<!tpu.dma_semaphore, #tpu.memory_space<semaphore_mem>>
        %dma_start3A_54 = arith.constant 0 : i32
        %dma_start3A_55 = tpu.memref_slice %arg8[%mul3A_24, %dma_start3A_54] : memref<40x125xi32, #tpu.memory_space<vmem>> -> memref<1x125xi32, #tpu.memory_space<vmem>>
        %dma_start3A_56 = tpu.memref_squeeze %dma_start3A_55 : memref<1x125xi32, #tpu.memory_space<vmem>> -> memref<125xi32, #tpu.memory_space<vmem>>
        %dma_start3A_57 = arith.constant 0 : i32
        %dma_start3A_58 = arith.constant 0 : i32
        %dma_start3A_59 = tpu.memref_slice %arg13[%dma_start3A_57, %dma_start3A_58] : memref<10000x128xf32, #tpu.memory_space<vmem_shared>> -> memref<10000x128xf32, #tpu.memory_space<vmem_shared>>
        tpu.enqueue_indirect_dma source(%arg9 : memref<125x128xf32, #tpu.memory_space<vmem>>) target(%dma_start3A_59 : memref<10000x128xf32, #tpu.memory_space<vmem_shared>>) offsets(%dma_start3A_56 : memref<125xi32, #tpu.memory_space<vmem>>) semaphore(%run_scoped3A : memref<!tpu.dma_semaphore, #tpu.memory_space<semaphore_mem>>) {add = true}
        %dma_wait3A_60 = arith.constant 0 : i32
        %dma_wait3A_61 = tpu.memref_slice %arg8[%mul3A_24, %dma_wait3A_60] : memref<40x125xi32, #tpu.memory_space<vmem>> -> memref<1x125xi32, #tpu.memory_space<vmem>>
        %dma_wait3A_62 = tpu.memref_squeeze %dma_wait3A_61 : memref<1x125xi32, #tpu.memory_space<vmem>> -> memref<125xi32, #tpu.memory_space<vmem>>
        %dma_wait3A_63 = arith.constant 0 : i32
        %dma_wait3A_64 = arith.constant 0 : i32
        %dma_wait3A_65 = tpu.memref_slice %arg13[%dma_wait3A_63, %dma_wait3A_64] : memref<10000x128xf32, #tpu.memory_space<vmem_shared>> -> memref<10000x128xf32, #tpu.memory_space<vmem_shared>>
        tpu.wait_indirect_dma semaphore(%run_scoped3A : memref<!tpu.dma_semaphore, #tpu.memory_space<semaphore_mem>>) src(%arg9 : memref<125x128xf32, #tpu.memory_space<vmem>>) dst(%dma_wait3A_65 : memref<10000x128xf32, #tpu.memory_space<vmem_shared>>)
        tpu.yield
      }) : () -> ()
      %add3A_38 = arith.constant 1 : i32
      %add3A_39 = arith.addi %mul3A_24, %add3A_38 : i32
      %dma_wait3A_40 = arith.constant 0 : i32
      %dma_wait3A_41 = tpu.memref_slice %arg7[%add3A_39, %dma_wait3A_40] : memref<40x125xi32, #tpu.memory_space<vmem>> -> memref<1x125xi32, #tpu.memory_space<vmem>>
      %dma_wait3A_42 = tpu.memref_squeeze %dma_wait3A_41 : memref<1x125xi32, #tpu.memory_space<vmem>> -> memref<125xi32, #tpu.memory_space<vmem>>
      %dma_wait3A_43 = arith.constant 0 : i32
      %dma_wait3A_44 = arith.constant 0 : i32
      %dma_wait3A_45 = tpu.memref_slice %arg2[%dma_wait3A_43, %dma_wait3A_44] : memref<20000x128xf32, #tpu.memory_space<hbm>> -> memref<20000x128xf32, #tpu.memory_space<hbm>>
      tpu.wait_indirect_dma semaphore(%arg12 : memref<!tpu.dma_semaphore, #tpu.memory_space<semaphore_mem>>) src(%dma_wait3A_45 : memref<20000x128xf32, #tpu.memory_space<hbm>>) dst(%arg10 : memref<125x128xf32, #tpu.memory_space<vmem>>)
      %add3A_46 = arith.constant 1 : i32
      %add3A_47 = arith.addi %scan3A_22, %add3A_46 : i32
      %lt3A = arith.constant 20 : i32
      %lt3A_48 = arith.cmpi slt, %add3A_47, %lt3A : i32
      %convert_element_type3A_49 = arith.extui %lt3A_48 : i1 to i32
      %cond3A_50 = arith.constant 0 : i32
      %cond3A_51 = arith.cmpi ne, %convert_element_type3A_49, %cond3A_50 : i32
      scf.if %cond3A_51 {
        %add3A_54 = arith.constant 2 : i32
        %add3A_55 = arith.addi %mul3A_24, %add3A_54 : i32
        %dma_start3A_56 = arith.constant 0 : i32
        %dma_start3A_57 = tpu.memref_slice %arg7[%add3A_55, %dma_start3A_56] : memref<40x125xi32, #tpu.memory_space<vmem>> -> memref<1x125xi32, #tpu.memory_space<vmem>>
        %dma_start3A_58 = tpu.memref_squeeze %dma_start3A_57 : memref<1x125xi32, #tpu.memory_space<vmem>> -> memref<125xi32, #tpu.memory_space<vmem>>
        %dma_start3A_59 = arith.constant 0 : i32
        %dma_start3A_60 = arith.constant 0 : i32
        %dma_start3A_61 = tpu.memref_slice %arg2[%dma_start3A_59, %dma_start3A_60] : memref<20000x128xf32, #tpu.memory_space<hbm>> -> memref<20000x128xf32, #tpu.memory_space<hbm>>
        tpu.enqueue_indirect_dma source(%dma_start3A_61 : memref<20000x128xf32, #tpu.memory_space<hbm>>) target(%arg9 : memref<125x128xf32, #tpu.memory_space<vmem>>) offsets(%dma_start3A_58 : memref<125xi32, #tpu.memory_space<vmem>>) semaphore(%arg11 : memref<!tpu.dma_semaphore, #tpu.memory_space<semaphore_mem>>)
      } else {
      }
      %add3A_52 = arith.constant 1 : i32
      %add3A_53 = arith.addi %mul3A_24, %add3A_52 : i32
      "tpu.region"() ({
        %run_scoped3A = tpu.sem_alloc : memref<!tpu.dma_semaphore, #tpu.memory_space<semaphore_mem>>
        %dma_start3A_54 = arith.constant 0 : i32
        %dma_start3A_55 = tpu.memref_slice %arg8[%add3A_53, %dma_start3A_54] : memref<40x125xi32, #tpu.memory_space<vmem>> -> memref<1x125xi32, #tpu.memory_space<vmem>>
        %dma_start3A_56 = tpu.memref_squeeze %dma_start3A_55 : memref<1x125xi32, #tpu.memory_space<vmem>> -> memref<125xi32, #tpu.memory_space<vmem>>
        %dma_start3A_57 = arith.constant 0 : i32
        %dma_start3A_58 = arith.constant 0 : i32
        %dma_start3A_59 = tpu.memref_slice %arg13[%dma_start3A_57, %dma_start3A_58] : memref<10000x128xf32, #tpu.memory_space<vmem_shared>> -> memref<10000x128xf32, #tpu.memory_space<vmem_shared>>
        tpu.enqueue_indirect_dma source(%arg10 : memref<125x128xf32, #tpu.memory_space<vmem>>) target(%dma_start3A_59 : memref<10000x128xf32, #tpu.memory_space<vmem_shared>>) offsets(%dma_start3A_56 : memref<125xi32, #tpu.memory_space<vmem>>) semaphore(%run_scoped3A : memref<!tpu.dma_semaphore, #tpu.memory_space<semaphore_mem>>) {add = true}
        %dma_wait3A_60 = arith.constant 0 : i32
        %dma_wait3A_61 = tpu.memref_slice %arg8[%add3A_53, %dma_wait3A_60] : memref<40x125xi32, #tpu.memory_space<vmem>> -> memref<1x125xi32, #tpu.memory_space<vmem>>
        %dma_wait3A_62 = tpu.memref_squeeze %dma_wait3A_61 : memref<1x125xi32, #tpu.memory_space<vmem>> -> memref<125xi32, #tpu.memory_space<vmem>>
        %dma_wait3A_63 = arith.constant 0 : i32
        %dma_wait3A_64 = arith.constant 0 : i32
        %dma_wait3A_65 = tpu.memref_slice %arg13[%dma_wait3A_63, %dma_wait3A_64] : memref<10000x128xf32, #tpu.memory_space<vmem_shared>> -> memref<10000x128xf32, #tpu.memory_space<vmem_shared>>
        tpu.wait_indirect_dma semaphore(%run_scoped3A : memref<!tpu.dma_semaphore, #tpu.memory_space<semaphore_mem>>) src(%arg10 : memref<125x128xf32, #tpu.memory_space<vmem>>) dst(%dma_wait3A_65 : memref<10000x128xf32, #tpu.memory_space<vmem_shared>>)
        tpu.yield
      }) : () -> ()
    }
    %scan3A_15 = arith.constant 20 : i32
    %barrier3A_16 = arith.constant 0 : index
    tpu.barrier barrier_id(%barrier3A_16)
    "tpu.region"() ({
      %run_scoped3A = tpu.sem_alloc : memref<!tpu.dma_semaphore, #tpu.memory_space<semaphore_mem>>
      %dma_start3A_22 = arith.constant 0 : i32
      %dma_start3A_23 = arith.constant 0 : i32
      %dma_start3A_24 = tpu.memref_slice %arg6[%arg0, %dma_start3A_22, %dma_start3A_23] : memref<2x10000x128xf32, #tpu.memory_space<hbm>> -> memref<1x10000x128xf32, #tpu.memory_space<hbm>>
      %dma_start3A_25 = tpu.memref_squeeze %dma_start3A_24 : memref<1x10000x128xf32, #tpu.memory_space<hbm>> -> memref<10000x128xf32, #tpu.memory_space<hbm>>
      %dma_start3A_26 = arith.constant 0 : i32
      %dma_start3A_27 = tpu.memref_slice %dma_start3A_25[%mul3A_2, %dma_start3A_26] : memref<10000x128xf32, #tpu.memory_space<hbm>> -> memref<624x128xf32, #tpu.memory_space<hbm>>
      %dma_start3A_28 = arith.constant 0 : i32
      %dma_start3A_29 = tpu.memref_slice %arg13[%mul3A_2, %dma_start3A_28] : memref<10000x128xf32, #tpu.memory_space<vmem_shared>> -> memref<624x128xf32, #tpu.memory_space<vmem_shared>>
      tpu.enqueue_dma source(%dma_start3A_29 : memref<624x128xf32, #tpu.memory_space<vmem_shared>>) target(%dma_start3A_27 : memref<624x128xf32, #tpu.memory_space<hbm>>) target_semaphore(%run_scoped3A : memref<!tpu.dma_semaphore, #tpu.memory_space<semaphore_mem>>)
      %dma_wait3A = arith.constant 0 : i32
      %dma_wait3A_30 = arith.constant 0 : i32
      %dma_wait3A_31 = tpu.memref_slice %arg6[%arg0, %dma_wait3A, %dma_wait3A_30] : memref<2x10000x128xf32, #tpu.memory_space<hbm>> -> memref<1x10000x128xf32, #tpu.memory_space<hbm>>
      %dma_wait3A_32 = tpu.memref_squeeze %dma_wait3A_31 : memref<1x10000x128xf32, #tpu.memory_space<hbm>> -> memref<10000x128xf32, #tpu.memory_space<hbm>>
      %dma_wait3A_33 = arith.constant 0 : i32
      %dma_wait3A_34 = tpu.memref_slice %dma_wait3A_32[%mul3A_2, %dma_wait3A_33] : memref<10000x128xf32, #tpu.memory_space<hbm>> -> memref<624x128xf32, #tpu.memory_space<hbm>>
      %dma_wait3A_35 = arith.constant 0 : i32
      %dma_wait3A_36 = tpu.memref_slice %arg13[%mul3A_2, %dma_wait3A_35] : memref<10000x128xf32, #tpu.memory_space<vmem_shared>> -> memref<624x128xf32, #tpu.memory_space<vmem_shared>>
      tpu.wait_dma2 semaphore(%run_scoped3A : memref<!tpu.dma_semaphore, #tpu.memory_space<semaphore_mem>>) src(%dma_wait3A_36 : memref<624x128xf32, #tpu.memory_space<vmem_shared>>) dst(%dma_wait3A_34 : memref<624x128xf32, #tpu.memory_space<hbm>>)
      tpu.yield
    }) : () -> ()
    %eq3A_17 = arith.constant 0 : i32
    %eq3A_18 = arith.cmpi eq, %arg1, %eq3A_17 : i32
    %convert_element_type3A_19 = arith.extui %eq3A_18 : i1 to i32
    %cond3A_20 = arith.constant 0 : i32
    %cond3A_21 = arith.cmpi ne, %convert_element_type3A_19, %cond3A_20 : i32
    scf.if %cond3A_21 {
      "tpu.region"() ({
        %run_scoped3A = tpu.sem_alloc : memref<!tpu.dma_semaphore, #tpu.memory_space<semaphore_mem>>
        %dma_start3A_22 = arith.constant 0 : i32
        %dma_start3A_23 = arith.constant 0 : i32
        %dma_start3A_24 = tpu.memref_slice %arg6[%arg0, %dma_start3A_22, %dma_start3A_23] : memref<2x10000x128xf32, #tpu.memory_space<hbm>> -> memref<1x10000x128xf32, #tpu.memory_space<hbm>>
        %dma_start3A_25 = tpu.memref_squeeze %dma_start3A_24 : memref<1x10000x128xf32, #tpu.memory_space<hbm>> -> memref<10000x128xf32, #tpu.memory_space<hbm>>
        %dma_start3A_26 = arith.constant 9984 : i32
        %dma_start3A_27 = arith.constant 0 : i32
        %dma_start3A_28 = tpu.memref_slice %dma_start3A_25[%dma_start3A_26, %dma_start3A_27] : memref<10000x128xf32, #tpu.memory_space<hbm>> -> memref<16x128xf32, #tpu.memory_space<hbm>>
        %dma_start3A_29 = arith.constant 9984 : i32
        %dma_start3A_30 = arith.constant 0 : i32
        %dma_start3A_31 = tpu.memref_slice %arg13[%dma_start3A_29, %dma_start3A_30] : memref<10000x128xf32, #tpu.memory_space<vmem_shared>> -> memref<16x128xf32, #tpu.memory_space<vmem_shared>>
        tpu.enqueue_dma source(%dma_start3A_31 : memref<16x128xf32, #tpu.memory_space<vmem_shared>>) target(%dma_start3A_28 : memref<16x128xf32, #tpu.memory_space<hbm>>) target_semaphore(%run_scoped3A : memref<!tpu.dma_semaphore, #tpu.memory_space<semaphore_mem>>)
        %dma_wait3A = arith.constant 0 : i32
        %dma_wait3A_32 = arith.constant 0 : i32
        %dma_wait3A_33 = tpu.memref_slice %arg6[%arg0, %dma_wait3A, %dma_wait3A_32] : memref<2x10000x128xf32, #tpu.memory_space<hbm>> -> memref<1x10000x128xf32, #tpu.memory_space<hbm>>
        %dma_wait3A_34 = tpu.memref_squeeze %dma_wait3A_33 : memref<1x10000x128xf32, #tpu.memory_space<hbm>> -> memref<10000x128xf32, #tpu.memory_space<hbm>>
        %dma_wait3A_35 = arith.constant 9984 : i32
        %dma_wait3A_36 = arith.constant 0 : i32
        %dma_wait3A_37 = tpu.memref_slice %dma_wait3A_34[%dma_wait3A_35, %dma_wait3A_36] : memref<10000x128xf32, #tpu.memory_space<hbm>> -> memref<16x128xf32, #tpu.memory_space<hbm>>
        %dma_wait3A_38 = arith.constant 9984 : i32
        %dma_wait3A_39 = arith.constant 0 : i32
        %dma_wait3A_40 = tpu.memref_slice %arg13[%dma_wait3A_38, %dma_wait3A_39] : memref<10000x128xf32, #tpu.memory_space<vmem_shared>> -> memref<16x128xf32, #tpu.memory_space<vmem_shared>>
        tpu.wait_dma2 semaphore(%run_scoped3A : memref<!tpu.dma_semaphore, #tpu.memory_space<semaphore_mem>>) src(%dma_wait3A_40 : memref<16x128xf32, #tpu.memory_space<vmem_shared>>) dst(%dma_wait3A_37 : memref<16x128xf32, #tpu.memory_space<hbm>>)
        tpu.yield
      }) : () -> ()
    } else {
    }
    return
  }
}

#map = affine_map<(d0, d1) -> (0, 0)>
#map1 = affine_map<(d0, d1) -> (0, 0, 0)>
module attributes {stable_mosaic.version = 14 : i64} {
  func.func @_agg_sc_body(%arg0: i32, %arg1: i32, %arg2: memref<40000x128xf32, #tpu.memory_space<hbm>>, %arg3: memref<32x40x125xi32, #tpu.memory_space<hbm>>, %arg4: memref<32x40x125xi32, #tpu.memory_space<hbm>>, %arg5: memref<10000x128xf32, #tpu.memory_space<hbm>>, %arg6: memref<2x10000x128xf32, #tpu.memory_space<hbm>>, %arg7: memref<40x125xi32, #tpu.memory_space<vmem>>, %arg8: memref<40x125xi32, #tpu.memory_space<vmem>>, %arg9: memref<125x128xf32, #tpu.memory_space<vmem>>, %arg10: memref<125x128xf32, #tpu.memory_space<vmem>>, %arg11: memref<!tpu.dma_semaphore, #tpu.memory_space<semaphore_mem>>, %arg12: memref<!tpu.dma_semaphore, #tpu.memory_space<semaphore_mem>>, %arg13: memref<10000x128xf32, #tpu.memory_space<vmem_shared>>) attributes {dimension_semantics = [#tpu.dimension_semantics<core_parallel>, #tpu.dimension_semantics<subcore_parallel>], iteration_bounds = array<i64: 2, 16>, scalar_prefetch = 0 : i64, scratch_operands = 7 : i64, tpu.core_type = #tpu.core_type<sc_vector_subcore>, window_params = [{transform_indices = #map}, {transform_indices = #map1}, {transform_indices = #map1}, {transform_indices = #map}, {transform_indices = #map1}]} {
    %mul3A = arith.constant 16 : i32
    %mul3A_0 = arith.muli %arg0, %mul3A : i32
    %add3A = arith.addi %mul3A_0, %arg1 : i32
    "tpu.region"() ({
      %run_scoped3A = tpu.sem_alloc : memref<!tpu.dma_semaphore, #tpu.memory_space<semaphore_mem>>
      %dma_start3A_22 = arith.constant 0 : i32
      %dma_start3A_23 = arith.constant 0 : i32
      %dma_start3A_24 = tpu.memref_slice %arg3[%add3A, %dma_start3A_22, %dma_start3A_23] : memref<32x40x125xi32, #tpu.memory_space<hbm>> -> memref<1x40x125xi32, #tpu.memory_space<hbm>>
      %dma_start3A_25 = tpu.memref_squeeze %dma_start3A_24 : memref<1x40x125xi32, #tpu.memory_space<hbm>> -> memref<40x125xi32, #tpu.memory_space<hbm>>
      %dma_start3A_26 = arith.constant 0 : i32
      %dma_start3A_27 = arith.constant 0 : i32
      %dma_start3A_28 = tpu.memref_slice %arg3[%add3A, %dma_start3A_26, %dma_start3A_27] : memref<32x40x125xi32, #tpu.memory_space<hbm>> -> memref<1x40x125xi32, #tpu.memory_space<hbm>>
      %dma_start3A_29 = tpu.memref_squeeze %dma_start3A_28 : memref<1x40x125xi32, #tpu.memory_space<hbm>> -> memref<40x125xi32, #tpu.memory_space<hbm>>
      tpu.enqueue_dma source(%dma_start3A_29 : memref<40x125xi32, #tpu.memory_space<hbm>>) target(%arg7 : memref<40x125xi32, #tpu.memory_space<vmem>>) target_semaphore(%run_scoped3A : memref<!tpu.dma_semaphore, #tpu.memory_space<semaphore_mem>>)
      %dma_wait3A = arith.constant 0 : i32
      %dma_wait3A_30 = arith.constant 0 : i32
      %dma_wait3A_31 = tpu.memref_slice %arg3[%add3A, %dma_wait3A, %dma_wait3A_30] : memref<32x40x125xi32, #tpu.memory_space<hbm>> -> memref<1x40x125xi32, #tpu.memory_space<hbm>>
      %dma_wait3A_32 = tpu.memref_squeeze %dma_wait3A_31 : memref<1x40x125xi32, #tpu.memory_space<hbm>> -> memref<40x125xi32, #tpu.memory_space<hbm>>
      %dma_wait3A_33 = arith.constant 0 : i32
      %dma_wait3A_34 = arith.constant 0 : i32
      %dma_wait3A_35 = tpu.memref_slice %arg3[%add3A, %dma_wait3A_33, %dma_wait3A_34] : memref<32x40x125xi32, #tpu.memory_space<hbm>> -> memref<1x40x125xi32, #tpu.memory_space<hbm>>
      %dma_wait3A_36 = tpu.memref_squeeze %dma_wait3A_35 : memref<1x40x125xi32, #tpu.memory_space<hbm>> -> memref<40x125xi32, #tpu.memory_space<hbm>>
      tpu.wait_dma2 semaphore(%run_scoped3A : memref<!tpu.dma_semaphore, #tpu.memory_space<semaphore_mem>>) src(%dma_wait3A_36 : memref<40x125xi32, #tpu.memory_space<hbm>>) dst(%arg7 : memref<40x125xi32, #tpu.memory_space<vmem>>)
      tpu.yield
    }) : () -> ()
    "tpu.region"() ({
      %run_scoped3A = tpu.sem_alloc : memref<!tpu.dma_semaphore, #tpu.memory_space<semaphore_mem>>
      %dma_start3A_22 = arith.constant 0 : i32
      %dma_start3A_23 = arith.constant 0 : i32
      %dma_start3A_24 = tpu.memref_slice %arg4[%add3A, %dma_start3A_22, %dma_start3A_23] : memref<32x40x125xi32, #tpu.memory_space<hbm>> -> memref<1x40x125xi32, #tpu.memory_space<hbm>>
      %dma_start3A_25 = tpu.memref_squeeze %dma_start3A_24 : memref<1x40x125xi32, #tpu.memory_space<hbm>> -> memref<40x125xi32, #tpu.memory_space<hbm>>
      %dma_start3A_26 = arith.constant 0 : i32
      %dma_start3A_27 = arith.constant 0 : i32
      %dma_start3A_28 = tpu.memref_slice %arg4[%add3A, %dma_start3A_26, %dma_start3A_27] : memref<32x40x125xi32, #tpu.memory_space<hbm>> -> memref<1x40x125xi32, #tpu.memory_space<hbm>>
      %dma_start3A_29 = tpu.memref_squeeze %dma_start3A_28 : memref<1x40x125xi32, #tpu.memory_space<hbm>> -> memref<40x125xi32, #tpu.memory_space<hbm>>
      tpu.enqueue_dma source(%dma_start3A_29 : memref<40x125xi32, #tpu.memory_space<hbm>>) target(%arg8 : memref<40x125xi32, #tpu.memory_space<vmem>>) target_semaphore(%run_scoped3A : memref<!tpu.dma_semaphore, #tpu.memory_space<semaphore_mem>>)
      %dma_wait3A = arith.constant 0 : i32
      %dma_wait3A_30 = arith.constant 0 : i32
      %dma_wait3A_31 = tpu.memref_slice %arg4[%add3A, %dma_wait3A, %dma_wait3A_30] : memref<32x40x125xi32, #tpu.memory_space<hbm>> -> memref<1x40x125xi32, #tpu.memory_space<hbm>>
      %dma_wait3A_32 = tpu.memref_squeeze %dma_wait3A_31 : memref<1x40x125xi32, #tpu.memory_space<hbm>> -> memref<40x125xi32, #tpu.memory_space<hbm>>
      %dma_wait3A_33 = arith.constant 0 : i32
      %dma_wait3A_34 = arith.constant 0 : i32
      %dma_wait3A_35 = tpu.memref_slice %arg4[%add3A, %dma_wait3A_33, %dma_wait3A_34] : memref<32x40x125xi32, #tpu.memory_space<hbm>> -> memref<1x40x125xi32, #tpu.memory_space<hbm>>
      %dma_wait3A_36 = tpu.memref_squeeze %dma_wait3A_35 : memref<1x40x125xi32, #tpu.memory_space<hbm>> -> memref<40x125xi32, #tpu.memory_space<hbm>>
      tpu.wait_dma2 semaphore(%run_scoped3A : memref<!tpu.dma_semaphore, #tpu.memory_space<semaphore_mem>>) src(%dma_wait3A_36 : memref<40x125xi32, #tpu.memory_space<hbm>>) dst(%arg8 : memref<40x125xi32, #tpu.memory_space<vmem>>)
      tpu.yield
    }) : () -> ()
    %mul3A_1 = arith.constant 624 : i32
    %mul3A_2 = arith.muli %arg1, %mul3A_1 : i32
    "tpu.region"() ({
      %run_scoped3A = tpu.sem_alloc : memref<!tpu.dma_semaphore, #tpu.memory_space<semaphore_mem>>
      %dma_start3A_22 = arith.constant 0 : i32
      %dma_start3A_23 = tpu.memref_slice %arg13[%mul3A_2, %dma_start3A_22] : memref<10000x128xf32, #tpu.memory_space<vmem_shared>> -> memref<624x128xf32, #tpu.memory_space<vmem_shared>>
      %dma_start3A_24 = arith.constant 0 : i32
      %dma_start3A_25 = tpu.memref_slice %arg5[%mul3A_2, %dma_start3A_24] : memref<10000x128xf32, #tpu.memory_space<hbm>> -> memref<624x128xf32, #tpu.memory_space<hbm>>
      tpu.enqueue_dma source(%dma_start3A_25 : memref<624x128xf32, #tpu.memory_space<hbm>>) target(%dma_start3A_23 : memref<624x128xf32, #tpu.memory_space<vmem_shared>>) target_semaphore(%run_scoped3A : memref<!tpu.dma_semaphore, #tpu.memory_space<semaphore_mem>>)
      %dma_wait3A = arith.constant 0 : i32
      %dma_wait3A_26 = tpu.memref_slice %arg13[%mul3A_2, %dma_wait3A] : memref<10000x128xf32, #tpu.memory_space<vmem_shared>> -> memref<624x128xf32, #tpu.memory_space<vmem_shared>>
      %dma_wait3A_27 = arith.constant 0 : i32
      %dma_wait3A_28 = tpu.memref_slice %arg5[%mul3A_2, %dma_wait3A_27] : memref<10000x128xf32, #tpu.memory_space<hbm>> -> memref<624x128xf32, #tpu.memory_space<hbm>>
      tpu.wait_dma2 semaphore(%run_scoped3A : memref<!tpu.dma_semaphore, #tpu.memory_space<semaphore_mem>>) src(%dma_wait3A_28 : memref<624x128xf32, #tpu.memory_space<hbm>>) dst(%dma_wait3A_26 : memref<624x128xf32, #tpu.memory_space<vmem_shared>>)
      tpu.yield
    }) : () -> ()
    %eq3A = arith.constant 0 : i32
    %eq3A_3 = arith.cmpi eq, %arg1, %eq3A : i32
    %convert_element_type3A = arith.extui %eq3A_3 : i1 to i32
    %cond3A = arith.constant 0 : i32
    %cond3A_4 = arith.cmpi ne, %convert_element_type3A, %cond3A : i32
    scf.if %cond3A_4 {
      "tpu.region"() ({
        %run_scoped3A = tpu.sem_alloc : memref<!tpu.dma_semaphore, #tpu.memory_space<semaphore_mem>>
        %dma_start3A_22 = arith.constant 9984 : i32
        %dma_start3A_23 = arith.constant 0 : i32
        %dma_start3A_24 = tpu.memref_slice %arg13[%dma_start3A_22, %dma_start3A_23] : memref<10000x128xf32, #tpu.memory_space<vmem_shared>> -> memref<16x128xf32, #tpu.memory_space<vmem_shared>>
        %dma_start3A_25 = arith.constant 9984 : i32
        %dma_start3A_26 = arith.constant 0 : i32
        %dma_start3A_27 = tpu.memref_slice %arg5[%dma_start3A_25, %dma_start3A_26] : memref<10000x128xf32, #tpu.memory_space<hbm>> -> memref<16x128xf32, #tpu.memory_space<hbm>>
        tpu.enqueue_dma source(%dma_start3A_27 : memref<16x128xf32, #tpu.memory_space<hbm>>) target(%dma_start3A_24 : memref<16x128xf32, #tpu.memory_space<vmem_shared>>) target_semaphore(%run_scoped3A : memref<!tpu.dma_semaphore, #tpu.memory_space<semaphore_mem>>)
        %dma_wait3A = arith.constant 9984 : i32
        %dma_wait3A_28 = arith.constant 0 : i32
        %dma_wait3A_29 = tpu.memref_slice %arg13[%dma_wait3A, %dma_wait3A_28] : memref<10000x128xf32, #tpu.memory_space<vmem_shared>> -> memref<16x128xf32, #tpu.memory_space<vmem_shared>>
        %dma_wait3A_30 = arith.constant 9984 : i32
        %dma_wait3A_31 = arith.constant 0 : i32
        %dma_wait3A_32 = tpu.memref_slice %arg5[%dma_wait3A_30, %dma_wait3A_31] : memref<10000x128xf32, #tpu.memory_space<hbm>> -> memref<16x128xf32, #tpu.memory_space<hbm>>
        tpu.wait_dma2 semaphore(%run_scoped3A : memref<!tpu.dma_semaphore, #tpu.memory_space<semaphore_mem>>) src(%dma_wait3A_32 : memref<16x128xf32, #tpu.memory_space<hbm>>) dst(%dma_wait3A_29 : memref<16x128xf32, #tpu.memory_space<vmem_shared>>)
        tpu.yield
      }) : () -> ()
    } else {
    }
    %barrier3A = arith.constant 0 : index
    tpu.barrier barrier_id(%barrier3A)
    %dma_start3A = arith.constant 0 : i32
    %dma_start3A_5 = arith.constant 0 : i32
    %dma_start3A_6 = tpu.memref_slice %arg7[%dma_start3A, %dma_start3A_5] : memref<40x125xi32, #tpu.memory_space<vmem>> -> memref<1x125xi32, #tpu.memory_space<vmem>>
    %dma_start3A_7 = tpu.memref_squeeze %dma_start3A_6 : memref<1x125xi32, #tpu.memory_space<vmem>> -> memref<125xi32, #tpu.memory_space<vmem>>
    %dma_start3A_8 = arith.constant 0 : i32
    %dma_start3A_9 = arith.constant 0 : i32
    %dma_start3A_10 = tpu.memref_slice %arg2[%dma_start3A_8, %dma_start3A_9] : memref<40000x128xf32, #tpu.memory_space<hbm>> -> memref<40000x128xf32, #tpu.memory_space<hbm>>
    tpu.enqueue_indirect_dma source(%dma_start3A_10 : memref<40000x128xf32, #tpu.memory_space<hbm>>) target(%arg9 : memref<125x128xf32, #tpu.memory_space<vmem>>) offsets(%dma_start3A_7 : memref<125xi32, #tpu.memory_space<vmem>>) semaphore(%arg11 : memref<!tpu.dma_semaphore, #tpu.memory_space<semaphore_mem>>)
    %scan3A = arith.constant 0 : i32
    %scan3A_11 = arith.constant 0 : i32
    %scan3A_12 = arith.constant 20 : i32
    %scan3A_13 = arith.addi %scan3A_11, %scan3A_12 : i32
    %scan3A_14 = arith.constant 1 : i32
    scf.for %scan3A_22 = %scan3A_11 to %scan3A_13 step %scan3A_14  : i32 {
      %mul3A_23 = arith.constant 2 : i32
      %mul3A_24 = arith.muli %scan3A_22, %mul3A_23 : i32
      %dma_wait3A = arith.constant 0 : i32
      %dma_wait3A_25 = tpu.memref_slice %arg7[%mul3A_24, %dma_wait3A] : memref<40x125xi32, #tpu.memory_space<vmem>> -> memref<1x125xi32, #tpu.memory_space<vmem>>
      %dma_wait3A_26 = tpu.memref_squeeze %dma_wait3A_25 : memref<1x125xi32, #tpu.memory_space<vmem>> -> memref<125xi32, #tpu.memory_space<vmem>>
      %dma_wait3A_27 = arith.constant 0 : i32
      %dma_wait3A_28 = arith.constant 0 : i32
      %dma_wait3A_29 = tpu.memref_slice %arg2[%dma_wait3A_27, %dma_wait3A_28] : memref<40000x128xf32, #tpu.memory_space<hbm>> -> memref<40000x128xf32, #tpu.memory_space<hbm>>
      tpu.wait_indirect_dma semaphore(%arg11 : memref<!tpu.dma_semaphore, #tpu.memory_space<semaphore_mem>>) src(%dma_wait3A_29 : memref<40000x128xf32, #tpu.memory_space<hbm>>) dst(%arg9 : memref<125x128xf32, #tpu.memory_space<vmem>>)
      %add3A_30 = arith.constant 1 : i32
      %add3A_31 = arith.addi %mul3A_24, %add3A_30 : i32
      %dma_start3A_32 = arith.constant 0 : i32
      %dma_start3A_33 = tpu.memref_slice %arg7[%add3A_31, %dma_start3A_32] : memref<40x125xi32, #tpu.memory_space<vmem>> -> memref<1x125xi32, #tpu.memory_space<vmem>>
      %dma_start3A_34 = tpu.memref_squeeze %dma_start3A_33 : memref<1x125xi32, #tpu.memory_space<vmem>> -> memref<125xi32, #tpu.memory_space<vmem>>
      %dma_start3A_35 = arith.constant 0 : i32
      %dma_start3A_36 = arith.constant 0 : i32
      %dma_start3A_37 = tpu.memref_slice %arg2[%dma_start3A_35, %dma_start3A_36] : memref<40000x128xf32, #tpu.memory_space<hbm>> -> memref<40000x128xf32, #tpu.memory_space<hbm>>
      tpu.enqueue_indirect_dma source(%dma_start3A_37 : memref<40000x128xf32, #tpu.memory_space<hbm>>) target(%arg10 : memref<125x128xf32, #tpu.memory_space<vmem>>) offsets(%dma_start3A_34 : memref<125xi32, #tpu.memory_space<vmem>>) semaphore(%arg12 : memref<!tpu.dma_semaphore, #tpu.memory_space<semaphore_mem>>)
      "tpu.region"() ({
        %run_scoped3A = tpu.sem_alloc : memref<!tpu.dma_semaphore, #tpu.memory_space<semaphore_mem>>
        %dma_start3A_54 = arith.constant 0 : i32
        %dma_start3A_55 = tpu.memref_slice %arg8[%mul3A_24, %dma_start3A_54] : memref<40x125xi32, #tpu.memory_space<vmem>> -> memref<1x125xi32, #tpu.memory_space<vmem>>
        %dma_start3A_56 = tpu.memref_squeeze %dma_start3A_55 : memref<1x125xi32, #tpu.memory_space<vmem>> -> memref<125xi32, #tpu.memory_space<vmem>>
        %dma_start3A_57 = arith.constant 0 : i32
        %dma_start3A_58 = arith.constant 0 : i32
        %dma_start3A_59 = tpu.memref_slice %arg13[%dma_start3A_57, %dma_start3A_58] : memref<10000x128xf32, #tpu.memory_space<vmem_shared>> -> memref<10000x128xf32, #tpu.memory_space<vmem_shared>>
        tpu.enqueue_indirect_dma source(%arg9 : memref<125x128xf32, #tpu.memory_space<vmem>>) target(%dma_start3A_59 : memref<10000x128xf32, #tpu.memory_space<vmem_shared>>) offsets(%dma_start3A_56 : memref<125xi32, #tpu.memory_space<vmem>>) semaphore(%run_scoped3A : memref<!tpu.dma_semaphore, #tpu.memory_space<semaphore_mem>>) {add = true}
        %dma_wait3A_60 = arith.constant 0 : i32
        %dma_wait3A_61 = tpu.memref_slice %arg8[%mul3A_24, %dma_wait3A_60] : memref<40x125xi32, #tpu.memory_space<vmem>> -> memref<1x125xi32, #tpu.memory_space<vmem>>
        %dma_wait3A_62 = tpu.memref_squeeze %dma_wait3A_61 : memref<1x125xi32, #tpu.memory_space<vmem>> -> memref<125xi32, #tpu.memory_space<vmem>>
        %dma_wait3A_63 = arith.constant 0 : i32
        %dma_wait3A_64 = arith.constant 0 : i32
        %dma_wait3A_65 = tpu.memref_slice %arg13[%dma_wait3A_63, %dma_wait3A_64] : memref<10000x128xf32, #tpu.memory_space<vmem_shared>> -> memref<10000x128xf32, #tpu.memory_space<vmem_shared>>
        tpu.wait_indirect_dma semaphore(%run_scoped3A : memref<!tpu.dma_semaphore, #tpu.memory_space<semaphore_mem>>) src(%arg9 : memref<125x128xf32, #tpu.memory_space<vmem>>) dst(%dma_wait3A_65 : memref<10000x128xf32, #tpu.memory_space<vmem_shared>>)
        tpu.yield
      }) : () -> ()
      %add3A_38 = arith.constant 1 : i32
      %add3A_39 = arith.addi %mul3A_24, %add3A_38 : i32
      %dma_wait3A_40 = arith.constant 0 : i32
      %dma_wait3A_41 = tpu.memref_slice %arg7[%add3A_39, %dma_wait3A_40] : memref<40x125xi32, #tpu.memory_space<vmem>> -> memref<1x125xi32, #tpu.memory_space<vmem>>
      %dma_wait3A_42 = tpu.memref_squeeze %dma_wait3A_41 : memref<1x125xi32, #tpu.memory_space<vmem>> -> memref<125xi32, #tpu.memory_space<vmem>>
      %dma_wait3A_43 = arith.constant 0 : i32
      %dma_wait3A_44 = arith.constant 0 : i32
      %dma_wait3A_45 = tpu.memref_slice %arg2[%dma_wait3A_43, %dma_wait3A_44] : memref<40000x128xf32, #tpu.memory_space<hbm>> -> memref<40000x128xf32, #tpu.memory_space<hbm>>
      tpu.wait_indirect_dma semaphore(%arg12 : memref<!tpu.dma_semaphore, #tpu.memory_space<semaphore_mem>>) src(%dma_wait3A_45 : memref<40000x128xf32, #tpu.memory_space<hbm>>) dst(%arg10 : memref<125x128xf32, #tpu.memory_space<vmem>>)
      %add3A_46 = arith.constant 1 : i32
      %add3A_47 = arith.addi %scan3A_22, %add3A_46 : i32
      %lt3A = arith.constant 20 : i32
      %lt3A_48 = arith.cmpi slt, %add3A_47, %lt3A : i32
      %convert_element_type3A_49 = arith.extui %lt3A_48 : i1 to i32
      %cond3A_50 = arith.constant 0 : i32
      %cond3A_51 = arith.cmpi ne, %convert_element_type3A_49, %cond3A_50 : i32
      scf.if %cond3A_51 {
        %add3A_54 = arith.constant 2 : i32
        %add3A_55 = arith.addi %mul3A_24, %add3A_54 : i32
        %dma_start3A_56 = arith.constant 0 : i32
        %dma_start3A_57 = tpu.memref_slice %arg7[%add3A_55, %dma_start3A_56] : memref<40x125xi32, #tpu.memory_space<vmem>> -> memref<1x125xi32, #tpu.memory_space<vmem>>
        %dma_start3A_58 = tpu.memref_squeeze %dma_start3A_57 : memref<1x125xi32, #tpu.memory_space<vmem>> -> memref<125xi32, #tpu.memory_space<vmem>>
        %dma_start3A_59 = arith.constant 0 : i32
        %dma_start3A_60 = arith.constant 0 : i32
        %dma_start3A_61 = tpu.memref_slice %arg2[%dma_start3A_59, %dma_start3A_60] : memref<40000x128xf32, #tpu.memory_space<hbm>> -> memref<40000x128xf32, #tpu.memory_space<hbm>>
        tpu.enqueue_indirect_dma source(%dma_start3A_61 : memref<40000x128xf32, #tpu.memory_space<hbm>>) target(%arg9 : memref<125x128xf32, #tpu.memory_space<vmem>>) offsets(%dma_start3A_58 : memref<125xi32, #tpu.memory_space<vmem>>) semaphore(%arg11 : memref<!tpu.dma_semaphore, #tpu.memory_space<semaphore_mem>>)
      } else {
      }
      %add3A_52 = arith.constant 1 : i32
      %add3A_53 = arith.addi %mul3A_24, %add3A_52 : i32
      "tpu.region"() ({
        %run_scoped3A = tpu.sem_alloc : memref<!tpu.dma_semaphore, #tpu.memory_space<semaphore_mem>>
        %dma_start3A_54 = arith.constant 0 : i32
        %dma_start3A_55 = tpu.memref_slice %arg8[%add3A_53, %dma_start3A_54] : memref<40x125xi32, #tpu.memory_space<vmem>> -> memref<1x125xi32, #tpu.memory_space<vmem>>
        %dma_start3A_56 = tpu.memref_squeeze %dma_start3A_55 : memref<1x125xi32, #tpu.memory_space<vmem>> -> memref<125xi32, #tpu.memory_space<vmem>>
        %dma_start3A_57 = arith.constant 0 : i32
        %dma_start3A_58 = arith.constant 0 : i32
        %dma_start3A_59 = tpu.memref_slice %arg13[%dma_start3A_57, %dma_start3A_58] : memref<10000x128xf32, #tpu.memory_space<vmem_shared>> -> memref<10000x128xf32, #tpu.memory_space<vmem_shared>>
        tpu.enqueue_indirect_dma source(%arg10 : memref<125x128xf32, #tpu.memory_space<vmem>>) target(%dma_start3A_59 : memref<10000x128xf32, #tpu.memory_space<vmem_shared>>) offsets(%dma_start3A_56 : memref<125xi32, #tpu.memory_space<vmem>>) semaphore(%run_scoped3A : memref<!tpu.dma_semaphore, #tpu.memory_space<semaphore_mem>>) {add = true}
        %dma_wait3A_60 = arith.constant 0 : i32
        %dma_wait3A_61 = tpu.memref_slice %arg8[%add3A_53, %dma_wait3A_60] : memref<40x125xi32, #tpu.memory_space<vmem>> -> memref<1x125xi32, #tpu.memory_space<vmem>>
        %dma_wait3A_62 = tpu.memref_squeeze %dma_wait3A_61 : memref<1x125xi32, #tpu.memory_space<vmem>> -> memref<125xi32, #tpu.memory_space<vmem>>
        %dma_wait3A_63 = arith.constant 0 : i32
        %dma_wait3A_64 = arith.constant 0 : i32
        %dma_wait3A_65 = tpu.memref_slice %arg13[%dma_wait3A_63, %dma_wait3A_64] : memref<10000x128xf32, #tpu.memory_space<vmem_shared>> -> memref<10000x128xf32, #tpu.memory_space<vmem_shared>>
        tpu.wait_indirect_dma semaphore(%run_scoped3A : memref<!tpu.dma_semaphore, #tpu.memory_space<semaphore_mem>>) src(%arg10 : memref<125x128xf32, #tpu.memory_space<vmem>>) dst(%dma_wait3A_65 : memref<10000x128xf32, #tpu.memory_space<vmem_shared>>)
        tpu.yield
      }) : () -> ()
    }
    %scan3A_15 = arith.constant 20 : i32
    %barrier3A_16 = arith.constant 0 : index
    tpu.barrier barrier_id(%barrier3A_16)
    "tpu.region"() ({
      %run_scoped3A = tpu.sem_alloc : memref<!tpu.dma_semaphore, #tpu.memory_space<semaphore_mem>>
      %dma_start3A_22 = arith.constant 0 : i32
      %dma_start3A_23 = arith.constant 0 : i32
      %dma_start3A_24 = tpu.memref_slice %arg6[%arg0, %dma_start3A_22, %dma_start3A_23] : memref<2x10000x128xf32, #tpu.memory_space<hbm>> -> memref<1x10000x128xf32, #tpu.memory_space<hbm>>
      %dma_start3A_25 = tpu.memref_squeeze %dma_start3A_24 : memref<1x10000x128xf32, #tpu.memory_space<hbm>> -> memref<10000x128xf32, #tpu.memory_space<hbm>>
      %dma_start3A_26 = arith.constant 0 : i32
      %dma_start3A_27 = tpu.memref_slice %dma_start3A_25[%mul3A_2, %dma_start3A_26] : memref<10000x128xf32, #tpu.memory_space<hbm>> -> memref<624x128xf32, #tpu.memory_space<hbm>>
      %dma_start3A_28 = arith.constant 0 : i32
      %dma_start3A_29 = tpu.memref_slice %arg13[%mul3A_2, %dma_start3A_28] : memref<10000x128xf32, #tpu.memory_space<vmem_shared>> -> memref<624x128xf32, #tpu.memory_space<vmem_shared>>
      tpu.enqueue_dma source(%dma_start3A_29 : memref<624x128xf32, #tpu.memory_space<vmem_shared>>) target(%dma_start3A_27 : memref<624x128xf32, #tpu.memory_space<hbm>>) target_semaphore(%run_scoped3A : memref<!tpu.dma_semaphore, #tpu.memory_space<semaphore_mem>>)
      %dma_wait3A = arith.constant 0 : i32
      %dma_wait3A_30 = arith.constant 0 : i32
      %dma_wait3A_31 = tpu.memref_slice %arg6[%arg0, %dma_wait3A, %dma_wait3A_30] : memref<2x10000x128xf32, #tpu.memory_space<hbm>> -> memref<1x10000x128xf32, #tpu.memory_space<hbm>>
      %dma_wait3A_32 = tpu.memref_squeeze %dma_wait3A_31 : memref<1x10000x128xf32, #tpu.memory_space<hbm>> -> memref<10000x128xf32, #tpu.memory_space<hbm>>
      %dma_wait3A_33 = arith.constant 0 : i32
      %dma_wait3A_34 = tpu.memref_slice %dma_wait3A_32[%mul3A_2, %dma_wait3A_33] : memref<10000x128xf32, #tpu.memory_space<hbm>> -> memref<624x128xf32, #tpu.memory_space<hbm>>
      %dma_wait3A_35 = arith.constant 0 : i32
      %dma_wait3A_36 = tpu.memref_slice %arg13[%mul3A_2, %dma_wait3A_35] : memref<10000x128xf32, #tpu.memory_space<vmem_shared>> -> memref<624x128xf32, #tpu.memory_space<vmem_shared>>
      tpu.wait_dma2 semaphore(%run_scoped3A : memref<!tpu.dma_semaphore, #tpu.memory_space<semaphore_mem>>) src(%dma_wait3A_36 : memref<624x128xf32, #tpu.memory_space<vmem_shared>>) dst(%dma_wait3A_34 : memref<624x128xf32, #tpu.memory_space<hbm>>)
      tpu.yield
    }) : () -> ()
    %eq3A_17 = arith.constant 0 : i32
    %eq3A_18 = arith.cmpi eq, %arg1, %eq3A_17 : i32
    %convert_element_type3A_19 = arith.extui %eq3A_18 : i1 to i32
    %cond3A_20 = arith.constant 0 : i32
    %cond3A_21 = arith.cmpi ne, %convert_element_type3A_19, %cond3A_20 : i32
    scf.if %cond3A_21 {
      "tpu.region"() ({
        %run_scoped3A = tpu.sem_alloc : memref<!tpu.dma_semaphore, #tpu.memory_space<semaphore_mem>>
        %dma_start3A_22 = arith.constant 0 : i32
        %dma_start3A_23 = arith.constant 0 : i32
        %dma_start3A_24 = tpu.memref_slice %arg6[%arg0, %dma_start3A_22, %dma_start3A_23] : memref<2x10000x128xf32, #tpu.memory_space<hbm>> -> memref<1x10000x128xf32, #tpu.memory_space<hbm>>
        %dma_start3A_25 = tpu.memref_squeeze %dma_start3A_24 : memref<1x10000x128xf32, #tpu.memory_space<hbm>> -> memref<10000x128xf32, #tpu.memory_space<hbm>>
        %dma_start3A_26 = arith.constant 9984 : i32
        %dma_start3A_27 = arith.constant 0 : i32
        %dma_start3A_28 = tpu.memref_slice %dma_start3A_25[%dma_start3A_26, %dma_start3A_27] : memref<10000x128xf32, #tpu.memory_space<hbm>> -> memref<16x128xf32, #tpu.memory_space<hbm>>
        %dma_start3A_29 = arith.constant 9984 : i32
        %dma_start3A_30 = arith.constant 0 : i32
        %dma_start3A_31 = tpu.memref_slice %arg13[%dma_start3A_29, %dma_start3A_30] : memref<10000x128xf32, #tpu.memory_space<vmem_shared>> -> memref<16x128xf32, #tpu.memory_space<vmem_shared>>
        tpu.enqueue_dma source(%dma_start3A_31 : memref<16x128xf32, #tpu.memory_space<vmem_shared>>) target(%dma_start3A_28 : memref<16x128xf32, #tpu.memory_space<hbm>>) target_semaphore(%run_scoped3A : memref<!tpu.dma_semaphore, #tpu.memory_space<semaphore_mem>>)
        %dma_wait3A = arith.constant 0 : i32
        %dma_wait3A_32 = arith.constant 0 : i32
        %dma_wait3A_33 = tpu.memref_slice %arg6[%arg0, %dma_wait3A, %dma_wait3A_32] : memref<2x10000x128xf32, #tpu.memory_space<hbm>> -> memref<1x10000x128xf32, #tpu.memory_space<hbm>>
        %dma_wait3A_34 = tpu.memref_squeeze %dma_wait3A_33 : memref<1x10000x128xf32, #tpu.memory_space<hbm>> -> memref<10000x128xf32, #tpu.memory_space<hbm>>
        %dma_wait3A_35 = arith.constant 9984 : i32
        %dma_wait3A_36 = arith.constant 0 : i32
        %dma_wait3A_37 = tpu.memref_slice %dma_wait3A_34[%dma_wait3A_35, %dma_wait3A_36] : memref<10000x128xf32, #tpu.memory_space<hbm>> -> memref<16x128xf32, #tpu.memory_space<hbm>>
        %dma_wait3A_38 = arith.constant 9984 : i32
        %dma_wait3A_39 = arith.constant 0 : i32
        %dma_wait3A_40 = tpu.memref_slice %arg13[%dma_wait3A_38, %dma_wait3A_39] : memref<10000x128xf32, #tpu.memory_space<vmem_shared>> -> memref<16x128xf32, #tpu.memory_space<vmem_shared>>
        tpu.wait_dma2 semaphore(%run_scoped3A : memref<!tpu.dma_semaphore, #tpu.memory_space<semaphore_mem>>) src(%dma_wait3A_40 : memref<16x128xf32, #tpu.memory_space<vmem_shared>>) dst(%dma_wait3A_37 : memref<16x128xf32, #tpu.memory_space<hbm>>)
        tpu.yield
      }) : () -> ()
    } else {
    }
    return
  }
}

#map = affine_map<(d0, d1) -> (0, 0)>
#map1 = affine_map<(d0, d1) -> (0, 0, 0)>
module attributes {stable_mosaic.version = 14 : i64} {
  func.func @_agg_sc_body(%arg0: i32, %arg1: i32, %arg2: memref<40000x128xf32, #tpu.memory_space<hbm>>, %arg3: memref<32x40x125xi32, #tpu.memory_space<hbm>>, %arg4: memref<32x40x125xi32, #tpu.memory_space<hbm>>, %arg5: memref<10000x128xf32, #tpu.memory_space<hbm>>, %arg6: memref<2x10000x128xf32, #tpu.memory_space<hbm>>, %arg7: memref<40x125xi32, #tpu.memory_space<vmem>>, %arg8: memref<40x125xi32, #tpu.memory_space<vmem>>, %arg9: memref<125x128xf32, #tpu.memory_space<vmem>>, %arg10: memref<125x128xf32, #tpu.memory_space<vmem>>, %arg11: memref<!tpu.dma_semaphore, #tpu.memory_space<semaphore_mem>>, %arg12: memref<!tpu.dma_semaphore, #tpu.memory_space<semaphore_mem>>, %arg13: memref<10000x128xf32, #tpu.memory_space<vmem_shared>>) attributes {dimension_semantics = [#tpu.dimension_semantics<core_parallel>, #tpu.dimension_semantics<subcore_parallel>], iteration_bounds = array<i64: 2, 16>, scalar_prefetch = 0 : i64, scratch_operands = 7 : i64, tpu.core_type = #tpu.core_type<sc_vector_subcore>, window_params = [{transform_indices = #map}, {transform_indices = #map1}, {transform_indices = #map1}, {transform_indices = #map}, {transform_indices = #map1}]} {
    %mul3A = arith.constant 16 : i32
    %mul3A_0 = arith.muli %arg0, %mul3A : i32
    %add3A = arith.addi %mul3A_0, %arg1 : i32
    "tpu.region"() ({
      %run_scoped3A = tpu.sem_alloc : memref<!tpu.dma_semaphore, #tpu.memory_space<semaphore_mem>>
      %dma_start3A_22 = arith.constant 0 : i32
      %dma_start3A_23 = arith.constant 0 : i32
      %dma_start3A_24 = tpu.memref_slice %arg3[%add3A, %dma_start3A_22, %dma_start3A_23] : memref<32x40x125xi32, #tpu.memory_space<hbm>> -> memref<1x40x125xi32, #tpu.memory_space<hbm>>
      %dma_start3A_25 = tpu.memref_squeeze %dma_start3A_24 : memref<1x40x125xi32, #tpu.memory_space<hbm>> -> memref<40x125xi32, #tpu.memory_space<hbm>>
      %dma_start3A_26 = arith.constant 0 : i32
      %dma_start3A_27 = arith.constant 0 : i32
      %dma_start3A_28 = tpu.memref_slice %arg3[%add3A, %dma_start3A_26, %dma_start3A_27] : memref<32x40x125xi32, #tpu.memory_space<hbm>> -> memref<1x40x125xi32, #tpu.memory_space<hbm>>
      %dma_start3A_29 = tpu.memref_squeeze %dma_start3A_28 : memref<1x40x125xi32, #tpu.memory_space<hbm>> -> memref<40x125xi32, #tpu.memory_space<hbm>>
      tpu.enqueue_dma source(%dma_start3A_29 : memref<40x125xi32, #tpu.memory_space<hbm>>) target(%arg7 : memref<40x125xi32, #tpu.memory_space<vmem>>) target_semaphore(%run_scoped3A : memref<!tpu.dma_semaphore, #tpu.memory_space<semaphore_mem>>)
      %dma_wait3A = arith.constant 0 : i32
      %dma_wait3A_30 = arith.constant 0 : i32
      %dma_wait3A_31 = tpu.memref_slice %arg3[%add3A, %dma_wait3A, %dma_wait3A_30] : memref<32x40x125xi32, #tpu.memory_space<hbm>> -> memref<1x40x125xi32, #tpu.memory_space<hbm>>
      %dma_wait3A_32 = tpu.memref_squeeze %dma_wait3A_31 : memref<1x40x125xi32, #tpu.memory_space<hbm>> -> memref<40x125xi32, #tpu.memory_space<hbm>>
      %dma_wait3A_33 = arith.constant 0 : i32
      %dma_wait3A_34 = arith.constant 0 : i32
      %dma_wait3A_35 = tpu.memref_slice %arg3[%add3A, %dma_wait3A_33, %dma_wait3A_34] : memref<32x40x125xi32, #tpu.memory_space<hbm>> -> memref<1x40x125xi32, #tpu.memory_space<hbm>>
      %dma_wait3A_36 = tpu.memref_squeeze %dma_wait3A_35 : memref<1x40x125xi32, #tpu.memory_space<hbm>> -> memref<40x125xi32, #tpu.memory_space<hbm>>
      tpu.wait_dma2 semaphore(%run_scoped3A : memref<!tpu.dma_semaphore, #tpu.memory_space<semaphore_mem>>) src(%dma_wait3A_36 : memref<40x125xi32, #tpu.memory_space<hbm>>) dst(%arg7 : memref<40x125xi32, #tpu.memory_space<vmem>>)
      tpu.yield
    }) : () -> ()
    "tpu.region"() ({
      %run_scoped3A = tpu.sem_alloc : memref<!tpu.dma_semaphore, #tpu.memory_space<semaphore_mem>>
      %dma_start3A_22 = arith.constant 0 : i32
      %dma_start3A_23 = arith.constant 0 : i32
      %dma_start3A_24 = tpu.memref_slice %arg4[%add3A, %dma_start3A_22, %dma_start3A_23] : memref<32x40x125xi32, #tpu.memory_space<hbm>> -> memref<1x40x125xi32, #tpu.memory_space<hbm>>
      %dma_start3A_25 = tpu.memref_squeeze %dma_start3A_24 : memref<1x40x125xi32, #tpu.memory_space<hbm>> -> memref<40x125xi32, #tpu.memory_space<hbm>>
      %dma_start3A_26 = arith.constant 0 : i32
      %dma_start3A_27 = arith.constant 0 : i32
      %dma_start3A_28 = tpu.memref_slice %arg4[%add3A, %dma_start3A_26, %dma_start3A_27] : memref<32x40x125xi32, #tpu.memory_space<hbm>> -> memref<1x40x125xi32, #tpu.memory_space<hbm>>
      %dma_start3A_29 = tpu.memref_squeeze %dma_start3A_28 : memref<1x40x125xi32, #tpu.memory_space<hbm>> -> memref<40x125xi32, #tpu.memory_space<hbm>>
      tpu.enqueue_dma source(%dma_start3A_29 : memref<40x125xi32, #tpu.memory_space<hbm>>) target(%arg8 : memref<40x125xi32, #tpu.memory_space<vmem>>) target_semaphore(%run_scoped3A : memref<!tpu.dma_semaphore, #tpu.memory_space<semaphore_mem>>)
      %dma_wait3A = arith.constant 0 : i32
      %dma_wait3A_30 = arith.constant 0 : i32
      %dma_wait3A_31 = tpu.memref_slice %arg4[%add3A, %dma_wait3A, %dma_wait3A_30] : memref<32x40x125xi32, #tpu.memory_space<hbm>> -> memref<1x40x125xi32, #tpu.memory_space<hbm>>
      %dma_wait3A_32 = tpu.memref_squeeze %dma_wait3A_31 : memref<1x40x125xi32, #tpu.memory_space<hbm>> -> memref<40x125xi32, #tpu.memory_space<hbm>>
      %dma_wait3A_33 = arith.constant 0 : i32
      %dma_wait3A_34 = arith.constant 0 : i32
      %dma_wait3A_35 = tpu.memref_slice %arg4[%add3A, %dma_wait3A_33, %dma_wait3A_34] : memref<32x40x125xi32, #tpu.memory_space<hbm>> -> memref<1x40x125xi32, #tpu.memory_space<hbm>>
      %dma_wait3A_36 = tpu.memref_squeeze %dma_wait3A_35 : memref<1x40x125xi32, #tpu.memory_space<hbm>> -> memref<40x125xi32, #tpu.memory_space<hbm>>
      tpu.wait_dma2 semaphore(%run_scoped3A : memref<!tpu.dma_semaphore, #tpu.memory_space<semaphore_mem>>) src(%dma_wait3A_36 : memref<40x125xi32, #tpu.memory_space<hbm>>) dst(%arg8 : memref<40x125xi32, #tpu.memory_space<vmem>>)
      tpu.yield
    }) : () -> ()
    %mul3A_1 = arith.constant 624 : i32
    %mul3A_2 = arith.muli %arg1, %mul3A_1 : i32
    "tpu.region"() ({
      %run_scoped3A = tpu.sem_alloc : memref<!tpu.dma_semaphore, #tpu.memory_space<semaphore_mem>>
      %dma_start3A_22 = arith.constant 0 : i32
      %dma_start3A_23 = tpu.memref_slice %arg13[%mul3A_2, %dma_start3A_22] : memref<10000x128xf32, #tpu.memory_space<vmem_shared>> -> memref<624x128xf32, #tpu.memory_space<vmem_shared>>
      %dma_start3A_24 = arith.constant 0 : i32
      %dma_start3A_25 = tpu.memref_slice %arg5[%mul3A_2, %dma_start3A_24] : memref<10000x128xf32, #tpu.memory_space<hbm>> -> memref<624x128xf32, #tpu.memory_space<hbm>>
      tpu.enqueue_dma source(%dma_start3A_25 : memref<624x128xf32, #tpu.memory_space<hbm>>) target(%dma_start3A_23 : memref<624x128xf32, #tpu.memory_space<vmem_shared>>) target_semaphore(%run_scoped3A : memref<!tpu.dma_semaphore, #tpu.memory_space<semaphore_mem>>)
      %dma_wait3A = arith.constant 0 : i32
      %dma_wait3A_26 = tpu.memref_slice %arg13[%mul3A_2, %dma_wait3A] : memref<10000x128xf32, #tpu.memory_space<vmem_shared>> -> memref<624x128xf32, #tpu.memory_space<vmem_shared>>
      %dma_wait3A_27 = arith.constant 0 : i32
      %dma_wait3A_28 = tpu.memref_slice %arg5[%mul3A_2, %dma_wait3A_27] : memref<10000x128xf32, #tpu.memory_space<hbm>> -> memref<624x128xf32, #tpu.memory_space<hbm>>
      tpu.wait_dma2 semaphore(%run_scoped3A : memref<!tpu.dma_semaphore, #tpu.memory_space<semaphore_mem>>) src(%dma_wait3A_28 : memref<624x128xf32, #tpu.memory_space<hbm>>) dst(%dma_wait3A_26 : memref<624x128xf32, #tpu.memory_space<vmem_shared>>)
      tpu.yield
    }) : () -> ()
    %eq3A = arith.constant 0 : i32
    %eq3A_3 = arith.cmpi eq, %arg1, %eq3A : i32
    %convert_element_type3A = arith.extui %eq3A_3 : i1 to i32
    %cond3A = arith.constant 0 : i32
    %cond3A_4 = arith.cmpi ne, %convert_element_type3A, %cond3A : i32
    scf.if %cond3A_4 {
      "tpu.region"() ({
        %run_scoped3A = tpu.sem_alloc : memref<!tpu.dma_semaphore, #tpu.memory_space<semaphore_mem>>
        %dma_start3A_22 = arith.constant 9984 : i32
        %dma_start3A_23 = arith.constant 0 : i32
        %dma_start3A_24 = tpu.memref_slice %arg13[%dma_start3A_22, %dma_start3A_23] : memref<10000x128xf32, #tpu.memory_space<vmem_shared>> -> memref<16x128xf32, #tpu.memory_space<vmem_shared>>
        %dma_start3A_25 = arith.constant 9984 : i32
        %dma_start3A_26 = arith.constant 0 : i32
        %dma_start3A_27 = tpu.memref_slice %arg5[%dma_start3A_25, %dma_start3A_26] : memref<10000x128xf32, #tpu.memory_space<hbm>> -> memref<16x128xf32, #tpu.memory_space<hbm>>
        tpu.enqueue_dma source(%dma_start3A_27 : memref<16x128xf32, #tpu.memory_space<hbm>>) target(%dma_start3A_24 : memref<16x128xf32, #tpu.memory_space<vmem_shared>>) target_semaphore(%run_scoped3A : memref<!tpu.dma_semaphore, #tpu.memory_space<semaphore_mem>>)
        %dma_wait3A = arith.constant 9984 : i32
        %dma_wait3A_28 = arith.constant 0 : i32
        %dma_wait3A_29 = tpu.memref_slice %arg13[%dma_wait3A, %dma_wait3A_28] : memref<10000x128xf32, #tpu.memory_space<vmem_shared>> -> memref<16x128xf32, #tpu.memory_space<vmem_shared>>
        %dma_wait3A_30 = arith.constant 9984 : i32
        %dma_wait3A_31 = arith.constant 0 : i32
        %dma_wait3A_32 = tpu.memref_slice %arg5[%dma_wait3A_30, %dma_wait3A_31] : memref<10000x128xf32, #tpu.memory_space<hbm>> -> memref<16x128xf32, #tpu.memory_space<hbm>>
        tpu.wait_dma2 semaphore(%run_scoped3A : memref<!tpu.dma_semaphore, #tpu.memory_space<semaphore_mem>>) src(%dma_wait3A_32 : memref<16x128xf32, #tpu.memory_space<hbm>>) dst(%dma_wait3A_29 : memref<16x128xf32, #tpu.memory_space<vmem_shared>>)
        tpu.yield
      }) : () -> ()
    } else {
    }
    %barrier3A = arith.constant 0 : index
    tpu.barrier barrier_id(%barrier3A)
    %dma_start3A = arith.constant 0 : i32
    %dma_start3A_5 = arith.constant 0 : i32
    %dma_start3A_6 = tpu.memref_slice %arg7[%dma_start3A, %dma_start3A_5] : memref<40x125xi32, #tpu.memory_space<vmem>> -> memref<1x125xi32, #tpu.memory_space<vmem>>
    %dma_start3A_7 = tpu.memref_squeeze %dma_start3A_6 : memref<1x125xi32, #tpu.memory_space<vmem>> -> memref<125xi32, #tpu.memory_space<vmem>>
    %dma_start3A_8 = arith.constant 0 : i32
    %dma_start3A_9 = arith.constant 0 : i32
    %dma_start3A_10 = tpu.memref_slice %arg2[%dma_start3A_8, %dma_start3A_9] : memref<40000x128xf32, #tpu.memory_space<hbm>> -> memref<40000x128xf32, #tpu.memory_space<hbm>>
    tpu.enqueue_indirect_dma source(%dma_start3A_10 : memref<40000x128xf32, #tpu.memory_space<hbm>>) target(%arg9 : memref<125x128xf32, #tpu.memory_space<vmem>>) offsets(%dma_start3A_7 : memref<125xi32, #tpu.memory_space<vmem>>) semaphore(%arg11 : memref<!tpu.dma_semaphore, #tpu.memory_space<semaphore_mem>>)
    %scan3A = arith.constant 0 : i32
    %scan3A_11 = arith.constant 0 : i32
    %scan3A_12 = arith.constant 20 : i32
    %scan3A_13 = arith.addi %scan3A_11, %scan3A_12 : i32
    %scan3A_14 = arith.constant 1 : i32
    scf.for %scan3A_22 = %scan3A_11 to %scan3A_13 step %scan3A_14  : i32 {
      %mul3A_23 = arith.constant 2 : i32
      %mul3A_24 = arith.muli %scan3A_22, %mul3A_23 : i32
      %dma_wait3A = arith.constant 0 : i32
      %dma_wait3A_25 = tpu.memref_slice %arg7[%mul3A_24, %dma_wait3A] : memref<40x125xi32, #tpu.memory_space<vmem>> -> memref<1x125xi32, #tpu.memory_space<vmem>>
      %dma_wait3A_26 = tpu.memref_squeeze %dma_wait3A_25 : memref<1x125xi32, #tpu.memory_space<vmem>> -> memref<125xi32, #tpu.memory_space<vmem>>
      %dma_wait3A_27 = arith.constant 0 : i32
      %dma_wait3A_28 = arith.constant 0 : i32
      %dma_wait3A_29 = tpu.memref_slice %arg2[%dma_wait3A_27, %dma_wait3A_28] : memref<40000x128xf32, #tpu.memory_space<hbm>> -> memref<40000x128xf32, #tpu.memory_space<hbm>>
      tpu.wait_indirect_dma semaphore(%arg11 : memref<!tpu.dma_semaphore, #tpu.memory_space<semaphore_mem>>) src(%dma_wait3A_29 : memref<40000x128xf32, #tpu.memory_space<hbm>>) dst(%arg9 : memref<125x128xf32, #tpu.memory_space<vmem>>)
      %add3A_30 = arith.constant 1 : i32
      %add3A_31 = arith.addi %mul3A_24, %add3A_30 : i32
      %dma_start3A_32 = arith.constant 0 : i32
      %dma_start3A_33 = tpu.memref_slice %arg7[%add3A_31, %dma_start3A_32] : memref<40x125xi32, #tpu.memory_space<vmem>> -> memref<1x125xi32, #tpu.memory_space<vmem>>
      %dma_start3A_34 = tpu.memref_squeeze %dma_start3A_33 : memref<1x125xi32, #tpu.memory_space<vmem>> -> memref<125xi32, #tpu.memory_space<vmem>>
      %dma_start3A_35 = arith.constant 0 : i32
      %dma_start3A_36 = arith.constant 0 : i32
      %dma_start3A_37 = tpu.memref_slice %arg2[%dma_start3A_35, %dma_start3A_36] : memref<40000x128xf32, #tpu.memory_space<hbm>> -> memref<40000x128xf32, #tpu.memory_space<hbm>>
      tpu.enqueue_indirect_dma source(%dma_start3A_37 : memref<40000x128xf32, #tpu.memory_space<hbm>>) target(%arg10 : memref<125x128xf32, #tpu.memory_space<vmem>>) offsets(%dma_start3A_34 : memref<125xi32, #tpu.memory_space<vmem>>) semaphore(%arg12 : memref<!tpu.dma_semaphore, #tpu.memory_space<semaphore_mem>>)
      "tpu.region"() ({
        %run_scoped3A = tpu.sem_alloc : memref<!tpu.dma_semaphore, #tpu.memory_space<semaphore_mem>>
        %dma_start3A_54 = arith.constant 0 : i32
        %dma_start3A_55 = tpu.memref_slice %arg8[%mul3A_24, %dma_start3A_54] : memref<40x125xi32, #tpu.memory_space<vmem>> -> memref<1x125xi32, #tpu.memory_space<vmem>>
        %dma_start3A_56 = tpu.memref_squeeze %dma_start3A_55 : memref<1x125xi32, #tpu.memory_space<vmem>> -> memref<125xi32, #tpu.memory_space<vmem>>
        %dma_start3A_57 = arith.constant 0 : i32
        %dma_start3A_58 = arith.constant 0 : i32
        %dma_start3A_59 = tpu.memref_slice %arg13[%dma_start3A_57, %dma_start3A_58] : memref<10000x128xf32, #tpu.memory_space<vmem_shared>> -> memref<10000x128xf32, #tpu.memory_space<vmem_shared>>
        tpu.enqueue_indirect_dma source(%arg9 : memref<125x128xf32, #tpu.memory_space<vmem>>) target(%dma_start3A_59 : memref<10000x128xf32, #tpu.memory_space<vmem_shared>>) offsets(%dma_start3A_56 : memref<125xi32, #tpu.memory_space<vmem>>) semaphore(%run_scoped3A : memref<!tpu.dma_semaphore, #tpu.memory_space<semaphore_mem>>) {add = true}
        %dma_wait3A_60 = arith.constant 0 : i32
        %dma_wait3A_61 = tpu.memref_slice %arg8[%mul3A_24, %dma_wait3A_60] : memref<40x125xi32, #tpu.memory_space<vmem>> -> memref<1x125xi32, #tpu.memory_space<vmem>>
        %dma_wait3A_62 = tpu.memref_squeeze %dma_wait3A_61 : memref<1x125xi32, #tpu.memory_space<vmem>> -> memref<125xi32, #tpu.memory_space<vmem>>
        %dma_wait3A_63 = arith.constant 0 : i32
        %dma_wait3A_64 = arith.constant 0 : i32
        %dma_wait3A_65 = tpu.memref_slice %arg13[%dma_wait3A_63, %dma_wait3A_64] : memref<10000x128xf32, #tpu.memory_space<vmem_shared>> -> memref<10000x128xf32, #tpu.memory_space<vmem_shared>>
        tpu.wait_indirect_dma semaphore(%run_scoped3A : memref<!tpu.dma_semaphore, #tpu.memory_space<semaphore_mem>>) src(%arg9 : memref<125x128xf32, #tpu.memory_space<vmem>>) dst(%dma_wait3A_65 : memref<10000x128xf32, #tpu.memory_space<vmem_shared>>)
        tpu.yield
      }) : () -> ()
      %add3A_38 = arith.constant 1 : i32
      %add3A_39 = arith.addi %mul3A_24, %add3A_38 : i32
      %dma_wait3A_40 = arith.constant 0 : i32
      %dma_wait3A_41 = tpu.memref_slice %arg7[%add3A_39, %dma_wait3A_40] : memref<40x125xi32, #tpu.memory_space<vmem>> -> memref<1x125xi32, #tpu.memory_space<vmem>>
      %dma_wait3A_42 = tpu.memref_squeeze %dma_wait3A_41 : memref<1x125xi32, #tpu.memory_space<vmem>> -> memref<125xi32, #tpu.memory_space<vmem>>
      %dma_wait3A_43 = arith.constant 0 : i32
      %dma_wait3A_44 = arith.constant 0 : i32
      %dma_wait3A_45 = tpu.memref_slice %arg2[%dma_wait3A_43, %dma_wait3A_44] : memref<40000x128xf32, #tpu.memory_space<hbm>> -> memref<40000x128xf32, #tpu.memory_space<hbm>>
      tpu.wait_indirect_dma semaphore(%arg12 : memref<!tpu.dma_semaphore, #tpu.memory_space<semaphore_mem>>) src(%dma_wait3A_45 : memref<40000x128xf32, #tpu.memory_space<hbm>>) dst(%arg10 : memref<125x128xf32, #tpu.memory_space<vmem>>)
      %add3A_46 = arith.constant 1 : i32
      %add3A_47 = arith.addi %scan3A_22, %add3A_46 : i32
      %lt3A = arith.constant 20 : i32
      %lt3A_48 = arith.cmpi slt, %add3A_47, %lt3A : i32
      %convert_element_type3A_49 = arith.extui %lt3A_48 : i1 to i32
      %cond3A_50 = arith.constant 0 : i32
      %cond3A_51 = arith.cmpi ne, %convert_element_type3A_49, %cond3A_50 : i32
      scf.if %cond3A_51 {
        %add3A_54 = arith.constant 2 : i32
        %add3A_55 = arith.addi %mul3A_24, %add3A_54 : i32
        %dma_start3A_56 = arith.constant 0 : i32
        %dma_start3A_57 = tpu.memref_slice %arg7[%add3A_55, %dma_start3A_56] : memref<40x125xi32, #tpu.memory_space<vmem>> -> memref<1x125xi32, #tpu.memory_space<vmem>>
        %dma_start3A_58 = tpu.memref_squeeze %dma_start3A_57 : memref<1x125xi32, #tpu.memory_space<vmem>> -> memref<125xi32, #tpu.memory_space<vmem>>
        %dma_start3A_59 = arith.constant 0 : i32
        %dma_start3A_60 = arith.constant 0 : i32
        %dma_start3A_61 = tpu.memref_slice %arg2[%dma_start3A_59, %dma_start3A_60] : memref<40000x128xf32, #tpu.memory_space<hbm>> -> memref<40000x128xf32, #tpu.memory_space<hbm>>
        tpu.enqueue_indirect_dma source(%dma_start3A_61 : memref<40000x128xf32, #tpu.memory_space<hbm>>) target(%arg9 : memref<125x128xf32, #tpu.memory_space<vmem>>) offsets(%dma_start3A_58 : memref<125xi32, #tpu.memory_space<vmem>>) semaphore(%arg11 : memref<!tpu.dma_semaphore, #tpu.memory_space<semaphore_mem>>)
      } else {
      }
      %add3A_52 = arith.constant 1 : i32
      %add3A_53 = arith.addi %mul3A_24, %add3A_52 : i32
      "tpu.region"() ({
        %run_scoped3A = tpu.sem_alloc : memref<!tpu.dma_semaphore, #tpu.memory_space<semaphore_mem>>
        %dma_start3A_54 = arith.constant 0 : i32
        %dma_start3A_55 = tpu.memref_slice %arg8[%add3A_53, %dma_start3A_54] : memref<40x125xi32, #tpu.memory_space<vmem>> -> memref<1x125xi32, #tpu.memory_space<vmem>>
        %dma_start3A_56 = tpu.memref_squeeze %dma_start3A_55 : memref<1x125xi32, #tpu.memory_space<vmem>> -> memref<125xi32, #tpu.memory_space<vmem>>
        %dma_start3A_57 = arith.constant 0 : i32
        %dma_start3A_58 = arith.constant 0 : i32
        %dma_start3A_59 = tpu.memref_slice %arg13[%dma_start3A_57, %dma_start3A_58] : memref<10000x128xf32, #tpu.memory_space<vmem_shared>> -> memref<10000x128xf32, #tpu.memory_space<vmem_shared>>
        tpu.enqueue_indirect_dma source(%arg10 : memref<125x128xf32, #tpu.memory_space<vmem>>) target(%dma_start3A_59 : memref<10000x128xf32, #tpu.memory_space<vmem_shared>>) offsets(%dma_start3A_56 : memref<125xi32, #tpu.memory_space<vmem>>) semaphore(%run_scoped3A : memref<!tpu.dma_semaphore, #tpu.memory_space<semaphore_mem>>) {add = true}
        %dma_wait3A_60 = arith.constant 0 : i32
        %dma_wait3A_61 = tpu.memref_slice %arg8[%add3A_53, %dma_wait3A_60] : memref<40x125xi32, #tpu.memory_space<vmem>> -> memref<1x125xi32, #tpu.memory_space<vmem>>
        %dma_wait3A_62 = tpu.memref_squeeze %dma_wait3A_61 : memref<1x125xi32, #tpu.memory_space<vmem>> -> memref<125xi32, #tpu.memory_space<vmem>>
        %dma_wait3A_63 = arith.constant 0 : i32
        %dma_wait3A_64 = arith.constant 0 : i32
        %dma_wait3A_65 = tpu.memref_slice %arg13[%dma_wait3A_63, %dma_wait3A_64] : memref<10000x128xf32, #tpu.memory_space<vmem_shared>> -> memref<10000x128xf32, #tpu.memory_space<vmem_shared>>
        tpu.wait_indirect_dma semaphore(%run_scoped3A : memref<!tpu.dma_semaphore, #tpu.memory_space<semaphore_mem>>) src(%arg10 : memref<125x128xf32, #tpu.memory_space<vmem>>) dst(%dma_wait3A_65 : memref<10000x128xf32, #tpu.memory_space<vmem_shared>>)
        tpu.yield
      }) : () -> ()
    }
    %scan3A_15 = arith.constant 20 : i32
    %barrier3A_16 = arith.constant 0 : index
    tpu.barrier barrier_id(%barrier3A_16)
    "tpu.region"() ({
      %run_scoped3A = tpu.sem_alloc : memref<!tpu.dma_semaphore, #tpu.memory_space<semaphore_mem>>
      %dma_start3A_22 = arith.constant 0 : i32
      %dma_start3A_23 = arith.constant 0 : i32
      %dma_start3A_24 = tpu.memref_slice %arg6[%arg0, %dma_start3A_22, %dma_start3A_23] : memref<2x10000x128xf32, #tpu.memory_space<hbm>> -> memref<1x10000x128xf32, #tpu.memory_space<hbm>>
      %dma_start3A_25 = tpu.memref_squeeze %dma_start3A_24 : memref<1x10000x128xf32, #tpu.memory_space<hbm>> -> memref<10000x128xf32, #tpu.memory_space<hbm>>
      %dma_start3A_26 = arith.constant 0 : i32
      %dma_start3A_27 = tpu.memref_slice %dma_start3A_25[%mul3A_2, %dma_start3A_26] : memref<10000x128xf32, #tpu.memory_space<hbm>> -> memref<624x128xf32, #tpu.memory_space<hbm>>
      %dma_start3A_28 = arith.constant 0 : i32
      %dma_start3A_29 = tpu.memref_slice %arg13[%mul3A_2, %dma_start3A_28] : memref<10000x128xf32, #tpu.memory_space<vmem_shared>> -> memref<624x128xf32, #tpu.memory_space<vmem_shared>>
      tpu.enqueue_dma source(%dma_start3A_29 : memref<624x128xf32, #tpu.memory_space<vmem_shared>>) target(%dma_start3A_27 : memref<624x128xf32, #tpu.memory_space<hbm>>) target_semaphore(%run_scoped3A : memref<!tpu.dma_semaphore, #tpu.memory_space<semaphore_mem>>)
      %dma_wait3A = arith.constant 0 : i32
      %dma_wait3A_30 = arith.constant 0 : i32
      %dma_wait3A_31 = tpu.memref_slice %arg6[%arg0, %dma_wait3A, %dma_wait3A_30] : memref<2x10000x128xf32, #tpu.memory_space<hbm>> -> memref<1x10000x128xf32, #tpu.memory_space<hbm>>
      %dma_wait3A_32 = tpu.memref_squeeze %dma_wait3A_31 : memref<1x10000x128xf32, #tpu.memory_space<hbm>> -> memref<10000x128xf32, #tpu.memory_space<hbm>>
      %dma_wait3A_33 = arith.constant 0 : i32
      %dma_wait3A_34 = tpu.memref_slice %dma_wait3A_32[%mul3A_2, %dma_wait3A_33] : memref<10000x128xf32, #tpu.memory_space<hbm>> -> memref<624x128xf32, #tpu.memory_space<hbm>>
      %dma_wait3A_35 = arith.constant 0 : i32
      %dma_wait3A_36 = tpu.memref_slice %arg13[%mul3A_2, %dma_wait3A_35] : memref<10000x128xf32, #tpu.memory_space<vmem_shared>> -> memref<624x128xf32, #tpu.memory_space<vmem_shared>>
      tpu.wait_dma2 semaphore(%run_scoped3A : memref<!tpu.dma_semaphore, #tpu.memory_space<semaphore_mem>>) src(%dma_wait3A_36 : memref<624x128xf32, #tpu.memory_space<vmem_shared>>) dst(%dma_wait3A_34 : memref<624x128xf32, #tpu.memory_space<hbm>>)
      tpu.yield
    }) : () -> ()
    %eq3A_17 = arith.constant 0 : i32
    %eq3A_18 = arith.cmpi eq, %arg1, %eq3A_17 : i32
    %convert_element_type3A_19 = arith.extui %eq3A_18 : i1 to i32
    %cond3A_20 = arith.constant 0 : i32
    %cond3A_21 = arith.cmpi ne, %convert_element_type3A_19, %cond3A_20 : i32
    scf.if %cond3A_21 {
      "tpu.region"() ({
        %run_scoped3A = tpu.sem_alloc : memref<!tpu.dma_semaphore, #tpu.memory_space<semaphore_mem>>
        %dma_start3A_22 = arith.constant 0 : i32
        %dma_start3A_23 = arith.constant 0 : i32
        %dma_start3A_24 = tpu.memref_slice %arg6[%arg0, %dma_start3A_22, %dma_start3A_23] : memref<2x10000x128xf32, #tpu.memory_space<hbm>> -> memref<1x10000x128xf32, #tpu.memory_space<hbm>>
        %dma_start3A_25 = tpu.memref_squeeze %dma_start3A_24 : memref<1x10000x128xf32, #tpu.memory_space<hbm>> -> memref<10000x128xf32, #tpu.memory_space<hbm>>
        %dma_start3A_26 = arith.constant 9984 : i32
        %dma_start3A_27 = arith.constant 0 : i32
        %dma_start3A_28 = tpu.memref_slice %dma_start3A_25[%dma_start3A_26, %dma_start3A_27] : memref<10000x128xf32, #tpu.memory_space<hbm>> -> memref<16x128xf32, #tpu.memory_space<hbm>>
        %dma_start3A_29 = arith.constant 9984 : i32
        %dma_start3A_30 = arith.constant 0 : i32
        %dma_start3A_31 = tpu.memref_slice %arg13[%dma_start3A_29, %dma_start3A_30] : memref<10000x128xf32, #tpu.memory_space<vmem_shared>> -> memref<16x128xf32, #tpu.memory_space<vmem_shared>>
        tpu.enqueue_dma source(%dma_start3A_31 : memref<16x128xf32, #tpu.memory_space<vmem_shared>>) target(%dma_start3A_28 : memref<16x128xf32, #tpu.memory_space<hbm>>) target_semaphore(%run_scoped3A : memref<!tpu.dma_semaphore, #tpu.memory_space<semaphore_mem>>)
        %dma_wait3A = arith.constant 0 : i32
        %dma_wait3A_32 = arith.constant 0 : i32
        %dma_wait3A_33 = tpu.memref_slice %arg6[%arg0, %dma_wait3A, %dma_wait3A_32] : memref<2x10000x128xf32, #tpu.memory_space<hbm>> -> memref<1x10000x128xf32, #tpu.memory_space<hbm>>
        %dma_wait3A_34 = tpu.memref_squeeze %dma_wait3A_33 : memref<1x10000x128xf32, #tpu.memory_space<hbm>> -> memref<10000x128xf32, #tpu.memory_space<hbm>>
        %dma_wait3A_35 = arith.constant 9984 : i32
        %dma_wait3A_36 = arith.constant 0 : i32
        %dma_wait3A_37 = tpu.memref_slice %dma_wait3A_34[%dma_wait3A_35, %dma_wait3A_36] : memref<10000x128xf32, #tpu.memory_space<hbm>> -> memref<16x128xf32, #tpu.memory_space<hbm>>
        %dma_wait3A_38 = arith.constant 9984 : i32
        %dma_wait3A_39 = arith.constant 0 : i32
        %dma_wait3A_40 = tpu.memref_slice %arg13[%dma_wait3A_38, %dma_wait3A_39] : memref<10000x128xf32, #tpu.memory_space<vmem_shared>> -> memref<16x128xf32, #tpu.memory_space<vmem_shared>>
        tpu.wait_dma2 semaphore(%run_scoped3A : memref<!tpu.dma_semaphore, #tpu.memory_space<semaphore_mem>>) src(%dma_wait3A_40 : memref<16x128xf32, #tpu.memory_space<vmem_shared>>) dst(%dma_wait3A_37 : memref<16x128xf32, #tpu.memory_space<hbm>>)
        tpu.yield
      }) : () -> ()
    } else {
    }
    return
  }
}

#map = affine_map<(d0, d1) -> (0, 0)>
#map1 = affine_map<(d0, d1) -> (0, 0, 0)>
module attributes {stable_mosaic.version = 14 : i64} {
  func.func @_agg_sc_body(%arg0: i32, %arg1: i32, %arg2: memref<40000x128xf32, #tpu.memory_space<hbm>>, %arg3: memref<32x40x125xi32, #tpu.memory_space<hbm>>, %arg4: memref<32x40x125xi32, #tpu.memory_space<hbm>>, %arg5: memref<10000x128xf32, #tpu.memory_space<hbm>>, %arg6: memref<2x10000x128xf32, #tpu.memory_space<hbm>>, %arg7: memref<40x125xi32, #tpu.memory_space<vmem>>, %arg8: memref<40x125xi32, #tpu.memory_space<vmem>>, %arg9: memref<125x128xf32, #tpu.memory_space<vmem>>, %arg10: memref<125x128xf32, #tpu.memory_space<vmem>>, %arg11: memref<!tpu.dma_semaphore, #tpu.memory_space<semaphore_mem>>, %arg12: memref<!tpu.dma_semaphore, #tpu.memory_space<semaphore_mem>>, %arg13: memref<10000x128xf32, #tpu.memory_space<vmem_shared>>) attributes {dimension_semantics = [#tpu.dimension_semantics<core_parallel>, #tpu.dimension_semantics<subcore_parallel>], iteration_bounds = array<i64: 2, 16>, scalar_prefetch = 0 : i64, scratch_operands = 7 : i64, tpu.core_type = #tpu.core_type<sc_vector_subcore>, window_params = [{transform_indices = #map}, {transform_indices = #map1}, {transform_indices = #map1}, {transform_indices = #map}, {transform_indices = #map1}]} {
    %mul3A = arith.constant 16 : i32
    %mul3A_0 = arith.muli %arg0, %mul3A : i32
    %add3A = arith.addi %mul3A_0, %arg1 : i32
    "tpu.region"() ({
      %run_scoped3A = tpu.sem_alloc : memref<!tpu.dma_semaphore, #tpu.memory_space<semaphore_mem>>
      %dma_start3A_22 = arith.constant 0 : i32
      %dma_start3A_23 = arith.constant 0 : i32
      %dma_start3A_24 = tpu.memref_slice %arg3[%add3A, %dma_start3A_22, %dma_start3A_23] : memref<32x40x125xi32, #tpu.memory_space<hbm>> -> memref<1x40x125xi32, #tpu.memory_space<hbm>>
      %dma_start3A_25 = tpu.memref_squeeze %dma_start3A_24 : memref<1x40x125xi32, #tpu.memory_space<hbm>> -> memref<40x125xi32, #tpu.memory_space<hbm>>
      %dma_start3A_26 = arith.constant 0 : i32
      %dma_start3A_27 = arith.constant 0 : i32
      %dma_start3A_28 = tpu.memref_slice %arg3[%add3A, %dma_start3A_26, %dma_start3A_27] : memref<32x40x125xi32, #tpu.memory_space<hbm>> -> memref<1x40x125xi32, #tpu.memory_space<hbm>>
      %dma_start3A_29 = tpu.memref_squeeze %dma_start3A_28 : memref<1x40x125xi32, #tpu.memory_space<hbm>> -> memref<40x125xi32, #tpu.memory_space<hbm>>
      tpu.enqueue_dma source(%dma_start3A_29 : memref<40x125xi32, #tpu.memory_space<hbm>>) target(%arg7 : memref<40x125xi32, #tpu.memory_space<vmem>>) target_semaphore(%run_scoped3A : memref<!tpu.dma_semaphore, #tpu.memory_space<semaphore_mem>>)
      %dma_wait3A = arith.constant 0 : i32
      %dma_wait3A_30 = arith.constant 0 : i32
      %dma_wait3A_31 = tpu.memref_slice %arg3[%add3A, %dma_wait3A, %dma_wait3A_30] : memref<32x40x125xi32, #tpu.memory_space<hbm>> -> memref<1x40x125xi32, #tpu.memory_space<hbm>>
      %dma_wait3A_32 = tpu.memref_squeeze %dma_wait3A_31 : memref<1x40x125xi32, #tpu.memory_space<hbm>> -> memref<40x125xi32, #tpu.memory_space<hbm>>
      %dma_wait3A_33 = arith.constant 0 : i32
      %dma_wait3A_34 = arith.constant 0 : i32
      %dma_wait3A_35 = tpu.memref_slice %arg3[%add3A, %dma_wait3A_33, %dma_wait3A_34] : memref<32x40x125xi32, #tpu.memory_space<hbm>> -> memref<1x40x125xi32, #tpu.memory_space<hbm>>
      %dma_wait3A_36 = tpu.memref_squeeze %dma_wait3A_35 : memref<1x40x125xi32, #tpu.memory_space<hbm>> -> memref<40x125xi32, #tpu.memory_space<hbm>>
      tpu.wait_dma2 semaphore(%run_scoped3A : memref<!tpu.dma_semaphore, #tpu.memory_space<semaphore_mem>>) src(%dma_wait3A_36 : memref<40x125xi32, #tpu.memory_space<hbm>>) dst(%arg7 : memref<40x125xi32, #tpu.memory_space<vmem>>)
      tpu.yield
    }) : () -> ()
    "tpu.region"() ({
      %run_scoped3A = tpu.sem_alloc : memref<!tpu.dma_semaphore, #tpu.memory_space<semaphore_mem>>
      %dma_start3A_22 = arith.constant 0 : i32
      %dma_start3A_23 = arith.constant 0 : i32
      %dma_start3A_24 = tpu.memref_slice %arg4[%add3A, %dma_start3A_22, %dma_start3A_23] : memref<32x40x125xi32, #tpu.memory_space<hbm>> -> memref<1x40x125xi32, #tpu.memory_space<hbm>>
      %dma_start3A_25 = tpu.memref_squeeze %dma_start3A_24 : memref<1x40x125xi32, #tpu.memory_space<hbm>> -> memref<40x125xi32, #tpu.memory_space<hbm>>
      %dma_start3A_26 = arith.constant 0 : i32
      %dma_start3A_27 = arith.constant 0 : i32
      %dma_start3A_28 = tpu.memref_slice %arg4[%add3A, %dma_start3A_26, %dma_start3A_27] : memref<32x40x125xi32, #tpu.memory_space<hbm>> -> memref<1x40x125xi32, #tpu.memory_space<hbm>>
      %dma_start3A_29 = tpu.memref_squeeze %dma_start3A_28 : memref<1x40x125xi32, #tpu.memory_space<hbm>> -> memref<40x125xi32, #tpu.memory_space<hbm>>
      tpu.enqueue_dma source(%dma_start3A_29 : memref<40x125xi32, #tpu.memory_space<hbm>>) target(%arg8 : memref<40x125xi32, #tpu.memory_space<vmem>>) target_semaphore(%run_scoped3A : memref<!tpu.dma_semaphore, #tpu.memory_space<semaphore_mem>>)
      %dma_wait3A = arith.constant 0 : i32
      %dma_wait3A_30 = arith.constant 0 : i32
      %dma_wait3A_31 = tpu.memref_slice %arg4[%add3A, %dma_wait3A, %dma_wait3A_30] : memref<32x40x125xi32, #tpu.memory_space<hbm>> -> memref<1x40x125xi32, #tpu.memory_space<hbm>>
      %dma_wait3A_32 = tpu.memref_squeeze %dma_wait3A_31 : memref<1x40x125xi32, #tpu.memory_space<hbm>> -> memref<40x125xi32, #tpu.memory_space<hbm>>
      %dma_wait3A_33 = arith.constant 0 : i32
      %dma_wait3A_34 = arith.constant 0 : i32
      %dma_wait3A_35 = tpu.memref_slice %arg4[%add3A, %dma_wait3A_33, %dma_wait3A_34] : memref<32x40x125xi32, #tpu.memory_space<hbm>> -> memref<1x40x125xi32, #tpu.memory_space<hbm>>
      %dma_wait3A_36 = tpu.memref_squeeze %dma_wait3A_35 : memref<1x40x125xi32, #tpu.memory_space<hbm>> -> memref<40x125xi32, #tpu.memory_space<hbm>>
      tpu.wait_dma2 semaphore(%run_scoped3A : memref<!tpu.dma_semaphore, #tpu.memory_space<semaphore_mem>>) src(%dma_wait3A_36 : memref<40x125xi32, #tpu.memory_space<hbm>>) dst(%arg8 : memref<40x125xi32, #tpu.memory_space<vmem>>)
      tpu.yield
    }) : () -> ()
    %mul3A_1 = arith.constant 624 : i32
    %mul3A_2 = arith.muli %arg1, %mul3A_1 : i32
    "tpu.region"() ({
      %run_scoped3A = tpu.sem_alloc : memref<!tpu.dma_semaphore, #tpu.memory_space<semaphore_mem>>
      %dma_start3A_22 = arith.constant 0 : i32
      %dma_start3A_23 = tpu.memref_slice %arg13[%mul3A_2, %dma_start3A_22] : memref<10000x128xf32, #tpu.memory_space<vmem_shared>> -> memref<624x128xf32, #tpu.memory_space<vmem_shared>>
      %dma_start3A_24 = arith.constant 0 : i32
      %dma_start3A_25 = tpu.memref_slice %arg5[%mul3A_2, %dma_start3A_24] : memref<10000x128xf32, #tpu.memory_space<hbm>> -> memref<624x128xf32, #tpu.memory_space<hbm>>
      tpu.enqueue_dma source(%dma_start3A_25 : memref<624x128xf32, #tpu.memory_space<hbm>>) target(%dma_start3A_23 : memref<624x128xf32, #tpu.memory_space<vmem_shared>>) target_semaphore(%run_scoped3A : memref<!tpu.dma_semaphore, #tpu.memory_space<semaphore_mem>>)
      %dma_wait3A = arith.constant 0 : i32
      %dma_wait3A_26 = tpu.memref_slice %arg13[%mul3A_2, %dma_wait3A] : memref<10000x128xf32, #tpu.memory_space<vmem_shared>> -> memref<624x128xf32, #tpu.memory_space<vmem_shared>>
      %dma_wait3A_27 = arith.constant 0 : i32
      %dma_wait3A_28 = tpu.memref_slice %arg5[%mul3A_2, %dma_wait3A_27] : memref<10000x128xf32, #tpu.memory_space<hbm>> -> memref<624x128xf32, #tpu.memory_space<hbm>>
      tpu.wait_dma2 semaphore(%run_scoped3A : memref<!tpu.dma_semaphore, #tpu.memory_space<semaphore_mem>>) src(%dma_wait3A_28 : memref<624x128xf32, #tpu.memory_space<hbm>>) dst(%dma_wait3A_26 : memref<624x128xf32, #tpu.memory_space<vmem_shared>>)
      tpu.yield
    }) : () -> ()
    %eq3A = arith.constant 0 : i32
    %eq3A_3 = arith.cmpi eq, %arg1, %eq3A : i32
    %convert_element_type3A = arith.extui %eq3A_3 : i1 to i32
    %cond3A = arith.constant 0 : i32
    %cond3A_4 = arith.cmpi ne, %convert_element_type3A, %cond3A : i32
    scf.if %cond3A_4 {
      "tpu.region"() ({
        %run_scoped3A = tpu.sem_alloc : memref<!tpu.dma_semaphore, #tpu.memory_space<semaphore_mem>>
        %dma_start3A_22 = arith.constant 9984 : i32
        %dma_start3A_23 = arith.constant 0 : i32
        %dma_start3A_24 = tpu.memref_slice %arg13[%dma_start3A_22, %dma_start3A_23] : memref<10000x128xf32, #tpu.memory_space<vmem_shared>> -> memref<16x128xf32, #tpu.memory_space<vmem_shared>>
        %dma_start3A_25 = arith.constant 9984 : i32
        %dma_start3A_26 = arith.constant 0 : i32
        %dma_start3A_27 = tpu.memref_slice %arg5[%dma_start3A_25, %dma_start3A_26] : memref<10000x128xf32, #tpu.memory_space<hbm>> -> memref<16x128xf32, #tpu.memory_space<hbm>>
        tpu.enqueue_dma source(%dma_start3A_27 : memref<16x128xf32, #tpu.memory_space<hbm>>) target(%dma_start3A_24 : memref<16x128xf32, #tpu.memory_space<vmem_shared>>) target_semaphore(%run_scoped3A : memref<!tpu.dma_semaphore, #tpu.memory_space<semaphore_mem>>)
        %dma_wait3A = arith.constant 9984 : i32
        %dma_wait3A_28 = arith.constant 0 : i32
        %dma_wait3A_29 = tpu.memref_slice %arg13[%dma_wait3A, %dma_wait3A_28] : memref<10000x128xf32, #tpu.memory_space<vmem_shared>> -> memref<16x128xf32, #tpu.memory_space<vmem_shared>>
        %dma_wait3A_30 = arith.constant 9984 : i32
        %dma_wait3A_31 = arith.constant 0 : i32
        %dma_wait3A_32 = tpu.memref_slice %arg5[%dma_wait3A_30, %dma_wait3A_31] : memref<10000x128xf32, #tpu.memory_space<hbm>> -> memref<16x128xf32, #tpu.memory_space<hbm>>
        tpu.wait_dma2 semaphore(%run_scoped3A : memref<!tpu.dma_semaphore, #tpu.memory_space<semaphore_mem>>) src(%dma_wait3A_32 : memref<16x128xf32, #tpu.memory_space<hbm>>) dst(%dma_wait3A_29 : memref<16x128xf32, #tpu.memory_space<vmem_shared>>)
        tpu.yield
      }) : () -> ()
    } else {
    }
    %barrier3A = arith.constant 0 : index
    tpu.barrier barrier_id(%barrier3A)
    %dma_start3A = arith.constant 0 : i32
    %dma_start3A_5 = arith.constant 0 : i32
    %dma_start3A_6 = tpu.memref_slice %arg7[%dma_start3A, %dma_start3A_5] : memref<40x125xi32, #tpu.memory_space<vmem>> -> memref<1x125xi32, #tpu.memory_space<vmem>>
    %dma_start3A_7 = tpu.memref_squeeze %dma_start3A_6 : memref<1x125xi32, #tpu.memory_space<vmem>> -> memref<125xi32, #tpu.memory_space<vmem>>
    %dma_start3A_8 = arith.constant 0 : i32
    %dma_start3A_9 = arith.constant 0 : i32
    %dma_start3A_10 = tpu.memref_slice %arg2[%dma_start3A_8, %dma_start3A_9] : memref<40000x128xf32, #tpu.memory_space<hbm>> -> memref<40000x128xf32, #tpu.memory_space<hbm>>
    tpu.enqueue_indirect_dma source(%dma_start3A_10 : memref<40000x128xf32, #tpu.memory_space<hbm>>) target(%arg9 : memref<125x128xf32, #tpu.memory_space<vmem>>) offsets(%dma_start3A_7 : memref<125xi32, #tpu.memory_space<vmem>>) semaphore(%arg11 : memref<!tpu.dma_semaphore, #tpu.memory_space<semaphore_mem>>)
    %scan3A = arith.constant 0 : i32
    %scan3A_11 = arith.constant 0 : i32
    %scan3A_12 = arith.constant 20 : i32
    %scan3A_13 = arith.addi %scan3A_11, %scan3A_12 : i32
    %scan3A_14 = arith.constant 1 : i32
    scf.for %scan3A_22 = %scan3A_11 to %scan3A_13 step %scan3A_14  : i32 {
      %mul3A_23 = arith.constant 2 : i32
      %mul3A_24 = arith.muli %scan3A_22, %mul3A_23 : i32
      %dma_wait3A = arith.constant 0 : i32
      %dma_wait3A_25 = tpu.memref_slice %arg7[%mul3A_24, %dma_wait3A] : memref<40x125xi32, #tpu.memory_space<vmem>> -> memref<1x125xi32, #tpu.memory_space<vmem>>
      %dma_wait3A_26 = tpu.memref_squeeze %dma_wait3A_25 : memref<1x125xi32, #tpu.memory_space<vmem>> -> memref<125xi32, #tpu.memory_space<vmem>>
      %dma_wait3A_27 = arith.constant 0 : i32
      %dma_wait3A_28 = arith.constant 0 : i32
      %dma_wait3A_29 = tpu.memref_slice %arg2[%dma_wait3A_27, %dma_wait3A_28] : memref<40000x128xf32, #tpu.memory_space<hbm>> -> memref<40000x128xf32, #tpu.memory_space<hbm>>
      tpu.wait_indirect_dma semaphore(%arg11 : memref<!tpu.dma_semaphore, #tpu.memory_space<semaphore_mem>>) src(%dma_wait3A_29 : memref<40000x128xf32, #tpu.memory_space<hbm>>) dst(%arg9 : memref<125x128xf32, #tpu.memory_space<vmem>>)
      %add3A_30 = arith.constant 1 : i32
      %add3A_31 = arith.addi %mul3A_24, %add3A_30 : i32
      %dma_start3A_32 = arith.constant 0 : i32
      %dma_start3A_33 = tpu.memref_slice %arg7[%add3A_31, %dma_start3A_32] : memref<40x125xi32, #tpu.memory_space<vmem>> -> memref<1x125xi32, #tpu.memory_space<vmem>>
      %dma_start3A_34 = tpu.memref_squeeze %dma_start3A_33 : memref<1x125xi32, #tpu.memory_space<vmem>> -> memref<125xi32, #tpu.memory_space<vmem>>
      %dma_start3A_35 = arith.constant 0 : i32
      %dma_start3A_36 = arith.constant 0 : i32
      %dma_start3A_37 = tpu.memref_slice %arg2[%dma_start3A_35, %dma_start3A_36] : memref<40000x128xf32, #tpu.memory_space<hbm>> -> memref<40000x128xf32, #tpu.memory_space<hbm>>
      tpu.enqueue_indirect_dma source(%dma_start3A_37 : memref<40000x128xf32, #tpu.memory_space<hbm>>) target(%arg10 : memref<125x128xf32, #tpu.memory_space<vmem>>) offsets(%dma_start3A_34 : memref<125xi32, #tpu.memory_space<vmem>>) semaphore(%arg12 : memref<!tpu.dma_semaphore, #tpu.memory_space<semaphore_mem>>)
      "tpu.region"() ({
        %run_scoped3A = tpu.sem_alloc : memref<!tpu.dma_semaphore, #tpu.memory_space<semaphore_mem>>
        %dma_start3A_54 = arith.constant 0 : i32
        %dma_start3A_55 = tpu.memref_slice %arg8[%mul3A_24, %dma_start3A_54] : memref<40x125xi32, #tpu.memory_space<vmem>> -> memref<1x125xi32, #tpu.memory_space<vmem>>
        %dma_start3A_56 = tpu.memref_squeeze %dma_start3A_55 : memref<1x125xi32, #tpu.memory_space<vmem>> -> memref<125xi32, #tpu.memory_space<vmem>>
        %dma_start3A_57 = arith.constant 0 : i32
        %dma_start3A_58 = arith.constant 0 : i32
        %dma_start3A_59 = tpu.memref_slice %arg13[%dma_start3A_57, %dma_start3A_58] : memref<10000x128xf32, #tpu.memory_space<vmem_shared>> -> memref<10000x128xf32, #tpu.memory_space<vmem_shared>>
        tpu.enqueue_indirect_dma source(%arg9 : memref<125x128xf32, #tpu.memory_space<vmem>>) target(%dma_start3A_59 : memref<10000x128xf32, #tpu.memory_space<vmem_shared>>) offsets(%dma_start3A_56 : memref<125xi32, #tpu.memory_space<vmem>>) semaphore(%run_scoped3A : memref<!tpu.dma_semaphore, #tpu.memory_space<semaphore_mem>>) {add = true}
        %dma_wait3A_60 = arith.constant 0 : i32
        %dma_wait3A_61 = tpu.memref_slice %arg8[%mul3A_24, %dma_wait3A_60] : memref<40x125xi32, #tpu.memory_space<vmem>> -> memref<1x125xi32, #tpu.memory_space<vmem>>
        %dma_wait3A_62 = tpu.memref_squeeze %dma_wait3A_61 : memref<1x125xi32, #tpu.memory_space<vmem>> -> memref<125xi32, #tpu.memory_space<vmem>>
        %dma_wait3A_63 = arith.constant 0 : i32
        %dma_wait3A_64 = arith.constant 0 : i32
        %dma_wait3A_65 = tpu.memref_slice %arg13[%dma_wait3A_63, %dma_wait3A_64] : memref<10000x128xf32, #tpu.memory_space<vmem_shared>> -> memref<10000x128xf32, #tpu.memory_space<vmem_shared>>
        tpu.wait_indirect_dma semaphore(%run_scoped3A : memref<!tpu.dma_semaphore, #tpu.memory_space<semaphore_mem>>) src(%arg9 : memref<125x128xf32, #tpu.memory_space<vmem>>) dst(%dma_wait3A_65 : memref<10000x128xf32, #tpu.memory_space<vmem_shared>>)
        tpu.yield
      }) : () -> ()
      %add3A_38 = arith.constant 1 : i32
      %add3A_39 = arith.addi %mul3A_24, %add3A_38 : i32
      %dma_wait3A_40 = arith.constant 0 : i32
      %dma_wait3A_41 = tpu.memref_slice %arg7[%add3A_39, %dma_wait3A_40] : memref<40x125xi32, #tpu.memory_space<vmem>> -> memref<1x125xi32, #tpu.memory_space<vmem>>
      %dma_wait3A_42 = tpu.memref_squeeze %dma_wait3A_41 : memref<1x125xi32, #tpu.memory_space<vmem>> -> memref<125xi32, #tpu.memory_space<vmem>>
      %dma_wait3A_43 = arith.constant 0 : i32
      %dma_wait3A_44 = arith.constant 0 : i32
      %dma_wait3A_45 = tpu.memref_slice %arg2[%dma_wait3A_43, %dma_wait3A_44] : memref<40000x128xf32, #tpu.memory_space<hbm>> -> memref<40000x128xf32, #tpu.memory_space<hbm>>
      tpu.wait_indirect_dma semaphore(%arg12 : memref<!tpu.dma_semaphore, #tpu.memory_space<semaphore_mem>>) src(%dma_wait3A_45 : memref<40000x128xf32, #tpu.memory_space<hbm>>) dst(%arg10 : memref<125x128xf32, #tpu.memory_space<vmem>>)
      %add3A_46 = arith.constant 1 : i32
      %add3A_47 = arith.addi %scan3A_22, %add3A_46 : i32
      %lt3A = arith.constant 20 : i32
      %lt3A_48 = arith.cmpi slt, %add3A_47, %lt3A : i32
      %convert_element_type3A_49 = arith.extui %lt3A_48 : i1 to i32
      %cond3A_50 = arith.constant 0 : i32
      %cond3A_51 = arith.cmpi ne, %convert_element_type3A_49, %cond3A_50 : i32
      scf.if %cond3A_51 {
        %add3A_54 = arith.constant 2 : i32
        %add3A_55 = arith.addi %mul3A_24, %add3A_54 : i32
        %dma_start3A_56 = arith.constant 0 : i32
        %dma_start3A_57 = tpu.memref_slice %arg7[%add3A_55, %dma_start3A_56] : memref<40x125xi32, #tpu.memory_space<vmem>> -> memref<1x125xi32, #tpu.memory_space<vmem>>
        %dma_start3A_58 = tpu.memref_squeeze %dma_start3A_57 : memref<1x125xi32, #tpu.memory_space<vmem>> -> memref<125xi32, #tpu.memory_space<vmem>>
        %dma_start3A_59 = arith.constant 0 : i32
        %dma_start3A_60 = arith.constant 0 : i32
        %dma_start3A_61 = tpu.memref_slice %arg2[%dma_start3A_59, %dma_start3A_60] : memref<40000x128xf32, #tpu.memory_space<hbm>> -> memref<40000x128xf32, #tpu.memory_space<hbm>>
        tpu.enqueue_indirect_dma source(%dma_start3A_61 : memref<40000x128xf32, #tpu.memory_space<hbm>>) target(%arg9 : memref<125x128xf32, #tpu.memory_space<vmem>>) offsets(%dma_start3A_58 : memref<125xi32, #tpu.memory_space<vmem>>) semaphore(%arg11 : memref<!tpu.dma_semaphore, #tpu.memory_space<semaphore_mem>>)
      } else {
      }
      %add3A_52 = arith.constant 1 : i32
      %add3A_53 = arith.addi %mul3A_24, %add3A_52 : i32
      "tpu.region"() ({
        %run_scoped3A = tpu.sem_alloc : memref<!tpu.dma_semaphore, #tpu.memory_space<semaphore_mem>>
        %dma_start3A_54 = arith.constant 0 : i32
        %dma_start3A_55 = tpu.memref_slice %arg8[%add3A_53, %dma_start3A_54] : memref<40x125xi32, #tpu.memory_space<vmem>> -> memref<1x125xi32, #tpu.memory_space<vmem>>
        %dma_start3A_56 = tpu.memref_squeeze %dma_start3A_55 : memref<1x125xi32, #tpu.memory_space<vmem>> -> memref<125xi32, #tpu.memory_space<vmem>>
        %dma_start3A_57 = arith.constant 0 : i32
        %dma_start3A_58 = arith.constant 0 : i32
        %dma_start3A_59 = tpu.memref_slice %arg13[%dma_start3A_57, %dma_start3A_58] : memref<10000x128xf32, #tpu.memory_space<vmem_shared>> -> memref<10000x128xf32, #tpu.memory_space<vmem_shared>>
        tpu.enqueue_indirect_dma source(%arg10 : memref<125x128xf32, #tpu.memory_space<vmem>>) target(%dma_start3A_59 : memref<10000x128xf32, #tpu.memory_space<vmem_shared>>) offsets(%dma_start3A_56 : memref<125xi32, #tpu.memory_space<vmem>>) semaphore(%run_scoped3A : memref<!tpu.dma_semaphore, #tpu.memory_space<semaphore_mem>>) {add = true}
        %dma_wait3A_60 = arith.constant 0 : i32
        %dma_wait3A_61 = tpu.memref_slice %arg8[%add3A_53, %dma_wait3A_60] : memref<40x125xi32, #tpu.memory_space<vmem>> -> memref<1x125xi32, #tpu.memory_space<vmem>>
        %dma_wait3A_62 = tpu.memref_squeeze %dma_wait3A_61 : memref<1x125xi32, #tpu.memory_space<vmem>> -> memref<125xi32, #tpu.memory_space<vmem>>
        %dma_wait3A_63 = arith.constant 0 : i32
        %dma_wait3A_64 = arith.constant 0 : i32
        %dma_wait3A_65 = tpu.memref_slice %arg13[%dma_wait3A_63, %dma_wait3A_64] : memref<10000x128xf32, #tpu.memory_space<vmem_shared>> -> memref<10000x128xf32, #tpu.memory_space<vmem_shared>>
        tpu.wait_indirect_dma semaphore(%run_scoped3A : memref<!tpu.dma_semaphore, #tpu.memory_space<semaphore_mem>>) src(%arg10 : memref<125x128xf32, #tpu.memory_space<vmem>>) dst(%dma_wait3A_65 : memref<10000x128xf32, #tpu.memory_space<vmem_shared>>)
        tpu.yield
      }) : () -> ()
    }
    %scan3A_15 = arith.constant 20 : i32
    %barrier3A_16 = arith.constant 0 : index
    tpu.barrier barrier_id(%barrier3A_16)
    "tpu.region"() ({
      %run_scoped3A = tpu.sem_alloc : memref<!tpu.dma_semaphore, #tpu.memory_space<semaphore_mem>>
      %dma_start3A_22 = arith.constant 0 : i32
      %dma_start3A_23 = arith.constant 0 : i32
      %dma_start3A_24 = tpu.memref_slice %arg6[%arg0, %dma_start3A_22, %dma_start3A_23] : memref<2x10000x128xf32, #tpu.memory_space<hbm>> -> memref<1x10000x128xf32, #tpu.memory_space<hbm>>
      %dma_start3A_25 = tpu.memref_squeeze %dma_start3A_24 : memref<1x10000x128xf32, #tpu.memory_space<hbm>> -> memref<10000x128xf32, #tpu.memory_space<hbm>>
      %dma_start3A_26 = arith.constant 0 : i32
      %dma_start3A_27 = tpu.memref_slice %dma_start3A_25[%mul3A_2, %dma_start3A_26] : memref<10000x128xf32, #tpu.memory_space<hbm>> -> memref<624x128xf32, #tpu.memory_space<hbm>>
      %dma_start3A_28 = arith.constant 0 : i32
      %dma_start3A_29 = tpu.memref_slice %arg13[%mul3A_2, %dma_start3A_28] : memref<10000x128xf32, #tpu.memory_space<vmem_shared>> -> memref<624x128xf32, #tpu.memory_space<vmem_shared>>
      tpu.enqueue_dma source(%dma_start3A_29 : memref<624x128xf32, #tpu.memory_space<vmem_shared>>) target(%dma_start3A_27 : memref<624x128xf32, #tpu.memory_space<hbm>>) target_semaphore(%run_scoped3A : memref<!tpu.dma_semaphore, #tpu.memory_space<semaphore_mem>>)
      %dma_wait3A = arith.constant 0 : i32
      %dma_wait3A_30 = arith.constant 0 : i32
      %dma_wait3A_31 = tpu.memref_slice %arg6[%arg0, %dma_wait3A, %dma_wait3A_30] : memref<2x10000x128xf32, #tpu.memory_space<hbm>> -> memref<1x10000x128xf32, #tpu.memory_space<hbm>>
      %dma_wait3A_32 = tpu.memref_squeeze %dma_wait3A_31 : memref<1x10000x128xf32, #tpu.memory_space<hbm>> -> memref<10000x128xf32, #tpu.memory_space<hbm>>
      %dma_wait3A_33 = arith.constant 0 : i32
      %dma_wait3A_34 = tpu.memref_slice %dma_wait3A_32[%mul3A_2, %dma_wait3A_33] : memref<10000x128xf32, #tpu.memory_space<hbm>> -> memref<624x128xf32, #tpu.memory_space<hbm>>
      %dma_wait3A_35 = arith.constant 0 : i32
      %dma_wait3A_36 = tpu.memref_slice %arg13[%mul3A_2, %dma_wait3A_35] : memref<10000x128xf32, #tpu.memory_space<vmem_shared>> -> memref<624x128xf32, #tpu.memory_space<vmem_shared>>
      tpu.wait_dma2 semaphore(%run_scoped3A : memref<!tpu.dma_semaphore, #tpu.memory_space<semaphore_mem>>) src(%dma_wait3A_36 : memref<624x128xf32, #tpu.memory_space<vmem_shared>>) dst(%dma_wait3A_34 : memref<624x128xf32, #tpu.memory_space<hbm>>)
      tpu.yield
    }) : () -> ()
    %eq3A_17 = arith.constant 0 : i32
    %eq3A_18 = arith.cmpi eq, %arg1, %eq3A_17 : i32
    %convert_element_type3A_19 = arith.extui %eq3A_18 : i1 to i32
    %cond3A_20 = arith.constant 0 : i32
    %cond3A_21 = arith.cmpi ne, %convert_element_type3A_19, %cond3A_20 : i32
    scf.if %cond3A_21 {
      "tpu.region"() ({
        %run_scoped3A = tpu.sem_alloc : memref<!tpu.dma_semaphore, #tpu.memory_space<semaphore_mem>>
        %dma_start3A_22 = arith.constant 0 : i32
        %dma_start3A_23 = arith.constant 0 : i32
        %dma_start3A_24 = tpu.memref_slice %arg6[%arg0, %dma_start3A_22, %dma_start3A_23] : memref<2x10000x128xf32, #tpu.memory_space<hbm>> -> memref<1x10000x128xf32, #tpu.memory_space<hbm>>
        %dma_start3A_25 = tpu.memref_squeeze %dma_start3A_24 : memref<1x10000x128xf32, #tpu.memory_space<hbm>> -> memref<10000x128xf32, #tpu.memory_space<hbm>>
        %dma_start3A_26 = arith.constant 9984 : i32
        %dma_start3A_27 = arith.constant 0 : i32
        %dma_start3A_28 = tpu.memref_slice %dma_start3A_25[%dma_start3A_26, %dma_start3A_27] : memref<10000x128xf32, #tpu.memory_space<hbm>> -> memref<16x128xf32, #tpu.memory_space<hbm>>
        %dma_start3A_29 = arith.constant 9984 : i32
        %dma_start3A_30 = arith.constant 0 : i32
        %dma_start3A_31 = tpu.memref_slice %arg13[%dma_start3A_29, %dma_start3A_30] : memref<10000x128xf32, #tpu.memory_space<vmem_shared>> -> memref<16x128xf32, #tpu.memory_space<vmem_shared>>
        tpu.enqueue_dma source(%dma_start3A_31 : memref<16x128xf32, #tpu.memory_space<vmem_shared>>) target(%dma_start3A_28 : memref<16x128xf32, #tpu.memory_space<hbm>>) target_semaphore(%run_scoped3A : memref<!tpu.dma_semaphore, #tpu.memory_space<semaphore_mem>>)
        %dma_wait3A = arith.constant 0 : i32
        %dma_wait3A_32 = arith.constant 0 : i32
        %dma_wait3A_33 = tpu.memref_slice %arg6[%arg0, %dma_wait3A, %dma_wait3A_32] : memref<2x10000x128xf32, #tpu.memory_space<hbm>> -> memref<1x10000x128xf32, #tpu.memory_space<hbm>>
        %dma_wait3A_34 = tpu.memref_squeeze %dma_wait3A_33 : memref<1x10000x128xf32, #tpu.memory_space<hbm>> -> memref<10000x128xf32, #tpu.memory_space<hbm>>
        %dma_wait3A_35 = arith.constant 9984 : i32
        %dma_wait3A_36 = arith.constant 0 : i32
        %dma_wait3A_37 = tpu.memref_slice %dma_wait3A_34[%dma_wait3A_35, %dma_wait3A_36] : memref<10000x128xf32, #tpu.memory_space<hbm>> -> memref<16x128xf32, #tpu.memory_space<hbm>>
        %dma_wait3A_38 = arith.constant 9984 : i32
        %dma_wait3A_39 = arith.constant 0 : i32
        %dma_wait3A_40 = tpu.memref_slice %arg13[%dma_wait3A_38, %dma_wait3A_39] : memref<10000x128xf32, #tpu.memory_space<vmem_shared>> -> memref<16x128xf32, #tpu.memory_space<vmem_shared>>
        tpu.wait_dma2 semaphore(%run_scoped3A : memref<!tpu.dma_semaphore, #tpu.memory_space<semaphore_mem>>) src(%dma_wait3A_40 : memref<16x128xf32, #tpu.memory_space<vmem_shared>>) dst(%dma_wait3A_37 : memref<16x128xf32, #tpu.memory_space<hbm>>)
        tpu.yield
      }) : () -> ()
    } else {
    }
    return
  }
}

module attributes {stable_mosaic.version = 14 : i64} {
  func.func @_scale_body(%arg0: i32, %arg1: memref<2x2000x128xf32, #tpu.memory_space<vmem>>, %arg2: memref<2000x256xf32, #tpu.memory_space<vmem>>, %arg3: memref<2x2000x128xf32, #tpu.memory_space<vmem>>, %arg4: memref<2000x1xf32, #tpu.memory_space<vmem>>) attributes {dimension_semantics = [#tpu.dimension_semantics<arbitrary>], iteration_bounds = array<i64: 5>, scalar_prefetch = 0 : i64, scratch_operands = 0 : i64, tpu.core_type = #tpu.core_type<tc>, window_params = [{transform_indices = @transform_0, window_bounds = array<i64: 2, 2000, 128>}, {transform_indices = @transform_1, window_bounds = array<i64: 2000, 256>}, {transform_indices = @transform_2, window_bounds = array<i64: 2, 2000, 128>}, {transform_indices = @transform_3, window_bounds = array<i64: 2000, 1>}]} {
    %get3A = arith.constant 0 : index
    %get3A_0 = arith.constant 0 : index
    %get3A_1 = arith.constant 0 : index
    %get3A_2 = vector.load %arg1[%get3A, %get3A_0, %get3A_1] : memref<2x2000x128xf32, #tpu.memory_space<vmem>>, vector<2x2000x128xf32>
    %slice3A = vector.extract_strided_slice %get3A_2 {offsets = [0, 0, 0], sizes = [1, 2000, 1], strides = [1, 1, 1]} : vector<2x2000x128xf32> to vector<1x2000x1xf32>
    %squeeze3A = vector.shape_cast %slice3A : vector<1x2000x1xf32> to vector<2000x1xf32>
    %add3A = arith.constant 1.000000e+00 : f32
    %add3A_3 = vector.broadcast %add3A : f32 to vector<2000x1xf32>
    %add3A_4 = arith.addf %add3A_3, %squeeze3A : vector<2000x1xf32>
    %slice3A_5 = vector.extract_strided_slice %get3A_2 {offsets = [1, 0, 0], sizes = [1, 2000, 1], strides = [1, 1, 1]} : vector<2x2000x128xf32> to vector<1x2000x1xf32>
    %squeeze3A_6 = vector.shape_cast %slice3A_5 : vector<1x2000x1xf32> to vector<2000x1xf32>
    %add3A_7 = arith.addf %add3A_4, %squeeze3A_6 : vector<2000x1xf32>
    %rsqrt3A = math.rsqrt %add3A_7 : vector<2000x1xf32>
    %swap3A = arith.constant 0 : index
    %swap3A_8 = arith.constant 0 : index
    %swap3A_9 = vector.load %arg4[%swap3A, %swap3A_8] : memref<2000x1xf32, #tpu.memory_space<vmem>>, vector<2000x1xf32>
    tpu.vector_store %arg4[%swap3A, %swap3A_8], %rsqrt3A {strides = array<i32>} : memref<2000x1xf32, #tpu.memory_space<vmem>>, vector<2000x1xf32>,
    %get3A_10 = arith.constant 0 : index
    %get3A_11 = arith.constant 0 : index
    %get3A_12 = vector.load %arg2[%get3A_10, %get3A_11] : memref<2000x256xf32, #tpu.memory_space<vmem>>, vector<2000x256xf32>
    %slice3A_13 = vector.extract_strided_slice %get3A_12 {offsets = [0, 0], sizes = [2000, 128], strides = [1, 1]} : vector<2000x256xf32> to vector<2000x128xf32>
    %mul3A = vector.broadcast %rsqrt3A : vector<2000x1xf32> to vector<2000x128xf32>
    %mul3A_14 = arith.mulf %slice3A_13, %mul3A : vector<2000x128xf32>
    %swap3A_15 = arith.constant 0 : index
    %swap3A_16 = arith.constant 0 : index
    %swap3A_17 = arith.constant 0 : index
    %swap3A_18 = vector.load %arg3[%swap3A_15, %swap3A_16, %swap3A_17] : memref<2x2000x128xf32, #tpu.memory_space<vmem>>, vector<1x2000x128xf32>
    %swap3A_19 = vector.shape_cast %swap3A_18 : vector<1x2000x128xf32> to vector<2000x128xf32>
    %swap3A_20 = vector.shape_cast %mul3A_14 : vector<2000x128xf32> to vector<1x2000x128xf32>
    tpu.vector_store %arg3[%swap3A_15, %swap3A_16, %swap3A_17], %swap3A_20 {strides = array<i32>} : memref<2x2000x128xf32, #tpu.memory_space<vmem>>, vector<1x2000x128xf32>,
    %slice3A_21 = vector.extract_strided_slice %get3A_12 {offsets = [0, 128], sizes = [2000, 128], strides = [1, 1]} : vector<2000x256xf32> to vector<2000x128xf32>
    %mul3A_22 = vector.broadcast %rsqrt3A : vector<2000x1xf32> to vector<2000x128xf32>
    %mul3A_23 = arith.mulf %slice3A_21, %mul3A_22 : vector<2000x128xf32>
    %swap3A_24 = arith.constant 1 : index
    %swap3A_25 = arith.constant 0 : index
    %swap3A_26 = arith.constant 0 : index
    %swap3A_27 = vector.load %arg3[%swap3A_24, %swap3A_25, %swap3A_26] : memref<2x2000x128xf32, #tpu.memory_space<vmem>>, vector<1x2000x128xf32>
    %swap3A_28 = vector.shape_cast %swap3A_27 : vector<1x2000x128xf32> to vector<2000x128xf32>
    %swap3A_29 = vector.shape_cast %mul3A_23 : vector<2000x128xf32> to vector<1x2000x128xf32>
    tpu.vector_store %arg3[%swap3A_24, %swap3A_25, %swap3A_26], %swap3A_29 {strides = array<i32>} : memref<2x2000x128xf32, #tpu.memory_space<vmem>>, vector<1x2000x128xf32>,
    return
  }
  func.func @transform_0(%arg0: i32) -> (i32, i32, i32) {
    %c0_i32 = arith.constant 0 : i32
    %c0_i32_0 = arith.constant 0 : i32
    %c0_i32_1 = arith.constant 0 : i32
    return %c0_i32, %arg0, %c0_i32_0 : i32, i32, i32
  }
  func.func @transform_1(%arg0: i32) -> (i32, i32) {
    %c0_i32 = arith.constant 0 : i32
    %c0_i32_0 = arith.constant 0 : i32
    return %arg0, %c0_i32 : i32, i32
  }
  func.func @transform_2(%arg0: i32) -> (i32, i32, i32) {
    %c0_i32 = arith.constant 0 : i32
    %c0_i32_0 = arith.constant 0 : i32
    %c0_i32_1 = arith.constant 0 : i32
    return %c0_i32, %arg0, %c0_i32_0 : i32, i32, i32
  }
  func.func @transform_3(%arg0: i32) -> (i32, i32) {
    %c0_i32 = arith.constant 0 : i32
    %c0_i32_0 = arith.constant 0 : i32
    return %arg0, %c0_i32 : i32, i32
  }
}

module attributes {stable_mosaic.version = 14 : i64} {
  func.func @_conv1_body(%arg0: i32, %arg1: memref<2x2000x128xf32, #tpu.memory_space<vmem>>, %arg2: memref<2x2000x128xf32, #tpu.memory_space<vmem>>, %arg3: memref<2000x256xf32, #tpu.memory_space<vmem>>, %arg4: memref<2000x1xf32, #tpu.memory_space<vmem>>, %arg5: memref<256x512xf32, #tpu.memory_space<vmem>>, %arg6: memref<512xf32, #tpu.memory_space<vmem>>, %arg7: memref<2000x512xf32, #tpu.memory_space<vmem>>, %arg8: memref<4x2000x128xf32, #tpu.memory_space<vmem>>) attributes {dimension_semantics = [#tpu.dimension_semantics<arbitrary>], iteration_bounds = array<i64: 5>, scalar_prefetch = 0 : i64, scratch_operands = 0 : i64, tpu.core_type = #tpu.core_type<tc>, window_params = [{transform_indices = @transform_0, window_bounds = array<i64: 2, 2000, 128>}, {transform_indices = @transform_1, window_bounds = array<i64: 2, 2000, 128>}, {transform_indices = @transform_2, window_bounds = array<i64: 2000, 256>}, {transform_indices = @transform_3, window_bounds = array<i64: 2000, 1>}, {pipeline_mode = #tpu.pipeline_mode<synchronous>, transform_indices = @transform_4, window_bounds = array<i64: 256, 512>}, {pipeline_mode = #tpu.pipeline_mode<synchronous>, transform_indices = @transform_5, window_bounds = array<i64: 512>}, {transform_indices = @transform_6, window_bounds = array<i64: 2000, 512>}, {transform_indices = @transform_7, window_bounds = array<i64: 4, 2000, 128>}]} {
    %get3A = arith.constant 0 : index
    %get3A_0 = arith.constant 0 : index
    %get3A_1 = arith.constant 0 : index
    %get3A_2 = vector.load %arg1[%get3A, %get3A_0, %get3A_1] : memref<2x2000x128xf32, #tpu.memory_space<vmem>>, vector<1x2000x128xf32>
    %get3A_3 = vector.shape_cast %get3A_2 : vector<1x2000x128xf32> to vector<2000x128xf32>
    %get3A_4 = arith.constant 1 : index
    %get3A_5 = arith.constant 0 : index
    %get3A_6 = arith.constant 0 : index
    %get3A_7 = vector.load %arg1[%get3A_4, %get3A_5, %get3A_6] : memref<2x2000x128xf32, #tpu.memory_space<vmem>>, vector<1x2000x128xf32>
    %get3A_8 = vector.shape_cast %get3A_7 : vector<1x2000x128xf32> to vector<2000x128xf32>
    %add3A = arith.addf %get3A_3, %get3A_8 : vector<2000x128xf32>
    %get3A_9 = arith.constant 0 : index
    %get3A_10 = arith.constant 0 : index
    %get3A_11 = arith.constant 0 : index
    %get3A_12 = vector.load %arg2[%get3A_9, %get3A_10, %get3A_11] : memref<2x2000x128xf32, #tpu.memory_space<vmem>>, vector<1x2000x128xf32>
    %get3A_13 = vector.shape_cast %get3A_12 : vector<1x2000x128xf32> to vector<2000x128xf32>
    %get3A_14 = arith.constant 1 : index
    %get3A_15 = arith.constant 0 : index
    %get3A_16 = arith.constant 0 : index
    %get3A_17 = vector.load %arg2[%get3A_14, %get3A_15, %get3A_16] : memref<2x2000x128xf32, #tpu.memory_space<vmem>>, vector<1x2000x128xf32>
    %get3A_18 = vector.shape_cast %get3A_17 : vector<1x2000x128xf32> to vector<2000x128xf32>
    %add3A_19 = arith.addf %get3A_13, %get3A_18 : vector<2000x128xf32>
    %concatenate3A = tpu.concatenate %add3A, %add3A_19 in 1 : vector<2000x128xf32>, vector<2000x128xf32> -> vector<2000x256xf32>
    %get3A_20 = arith.constant 0 : index
    %get3A_21 = arith.constant 0 : index
    %get3A_22 = vector.load %arg4[%get3A_20, %get3A_21] : memref<2000x1xf32, #tpu.memory_space<vmem>>, vector<2000x1xf32>
    %mul3A = vector.broadcast %get3A_22 : vector<2000x1xf32> to vector<2000x256xf32>
    %mul3A_23 = arith.mulf %concatenate3A, %mul3A : vector<2000x256xf32>
    %get3A_24 = arith.constant 0 : index
    %get3A_25 = arith.constant 0 : index
    %get3A_26 = vector.load %arg3[%get3A_24, %get3A_25] : memref<2000x256xf32, #tpu.memory_space<vmem>>, vector<2000x256xf32>
    %mul3A_27 = arith.mulf %get3A_22, %get3A_22 : vector<2000x1xf32>
    %mul3A_28 = vector.broadcast %mul3A_27 : vector<2000x1xf32> to vector<2000x256xf32>
    %mul3A_29 = arith.mulf %get3A_26, %mul3A_28 : vector<2000x256xf32>
    %add3A_30 = arith.addf %mul3A_23, %mul3A_29 : vector<2000x256xf32>
    %get3A_31 = arith.constant 0 : index
    %get3A_32 = arith.constant 0 : index
    %get3A_33 = vector.load %arg5[%get3A_31, %get3A_32] : memref<256x512xf32, #tpu.memory_space<vmem>>, vector<256x512xf32>
    %dot_general3A = arith.constant dense<0.000000e+00> : vector<2000x512xf32>
    %dot_general3A_34 = tpu.matmul %add3A_30, %get3A_33, %dot_general3A {dimension_numbers = #tpu.dot_dimension_numbers<[1], [0], [0], [1], [0, 0, 1, 1], [], []>, transpose_lhs_hint = false} : vector<2000x256xf32>, vector<256x512xf32>, vector<2000x512xf32> -> vector<2000x512xf32>
    %get3A_35 = arith.constant 0 : index
    %get3A_36 = vector.load %arg6[%get3A_35] : memref<512xf32, #tpu.memory_space<vmem>>, vector<512xf32>
    %broadcast_in_dim3A = vector.shape_cast %get3A_36 : vector<512xf32> to vector<1x512xf32>
    %add3A_37 = vector.broadcast %broadcast_in_dim3A : vector<1x512xf32> to vector<2000x512xf32>
    %add3A_38 = arith.addf %dot_general3A_34, %add3A_37 : vector<2000x512xf32>
    %max3A = arith.constant 0.000000e+00 : f32
    %max3A_39 = vector.broadcast %max3A : f32 to vector<2000x512xf32>
    %max3A_40 = arith.maximumf %add3A_38, %max3A_39 : vector<2000x512xf32>
    %swap3A = arith.constant 0 : index
    %swap3A_41 = arith.constant 0 : index
    %swap3A_42 = vector.load %arg7[%swap3A, %swap3A_41] : memref<2000x512xf32, #tpu.memory_space<vmem>>, vector<2000x512xf32>
    tpu.vector_store %arg7[%swap3A, %swap3A_41], %max3A_40 {strides = array<i32>} : memref<2000x512xf32, #tpu.memory_space<vmem>>, vector<2000x512xf32>,
    %mul3A_43 = vector.broadcast %get3A_22 : vector<2000x1xf32> to vector<2000x512xf32>
    %mul3A_44 = arith.mulf %max3A_40, %mul3A_43 : vector<2000x512xf32>
    %slice3A = vector.extract_strided_slice %mul3A_44 {offsets = [0, 0], sizes = [2000, 128], strides = [1, 1]} : vector<2000x512xf32> to vector<2000x128xf32>
    %swap3A_45 = arith.constant 0 : index
    %swap3A_46 = arith.constant 0 : index
    %swap3A_47 = arith.constant 0 : index
    %swap3A_48 = vector.load %arg8[%swap3A_45, %swap3A_46, %swap3A_47] : memref<4x2000x128xf32, #tpu.memory_space<vmem>>, vector<1x2000x128xf32>
    %swap3A_49 = vector.shape_cast %swap3A_48 : vector<1x2000x128xf32> to vector<2000x128xf32>
    %swap3A_50 = vector.shape_cast %slice3A : vector<2000x128xf32> to vector<1x2000x128xf32>
    tpu.vector_store %arg8[%swap3A_45, %swap3A_46, %swap3A_47], %swap3A_50 {strides = array<i32>} : memref<4x2000x128xf32, #tpu.memory_space<vmem>>, vector<1x2000x128xf32>,
    %slice3A_51 = vector.extract_strided_slice %mul3A_44 {offsets = [0, 128], sizes = [2000, 128], strides = [1, 1]} : vector<2000x512xf32> to vector<2000x128xf32>
    %swap3A_52 = arith.constant 1 : index
    %swap3A_53 = arith.constant 0 : index
    %swap3A_54 = arith.constant 0 : index
    %swap3A_55 = vector.load %arg8[%swap3A_52, %swap3A_53, %swap3A_54] : memref<4x2000x128xf32, #tpu.memory_space<vmem>>, vector<1x2000x128xf32>
    %swap3A_56 = vector.shape_cast %swap3A_55 : vector<1x2000x128xf32> to vector<2000x128xf32>
    %swap3A_57 = vector.shape_cast %slice3A_51 : vector<2000x128xf32> to vector<1x2000x128xf32>
    tpu.vector_store %arg8[%swap3A_52, %swap3A_53, %swap3A_54], %swap3A_57 {strides = array<i32>} : memref<4x2000x128xf32, #tpu.memory_space<vmem>>, vector<1x2000x128xf32>,
    %slice3A_58 = vector.extract_strided_slice %mul3A_44 {offsets = [0, 256], sizes = [2000, 128], strides = [1, 1]} : vector<2000x512xf32> to vector<2000x128xf32>
    %swap3A_59 = arith.constant 2 : index
    %swap3A_60 = arith.constant 0 : index
    %swap3A_61 = arith.constant 0 : index
    %swap3A_62 = vector.load %arg8[%swap3A_59, %swap3A_60, %swap3A_61] : memref<4x2000x128xf32, #tpu.memory_space<vmem>>, vector<1x2000x128xf32>
    %swap3A_63 = vector.shape_cast %swap3A_62 : vector<1x2000x128xf32> to vector<2000x128xf32>
    %swap3A_64 = vector.shape_cast %slice3A_58 : vector<2000x128xf32> to vector<1x2000x128xf32>
    tpu.vector_store %arg8[%swap3A_59, %swap3A_60, %swap3A_61], %swap3A_64 {strides = array<i32>} : memref<4x2000x128xf32, #tpu.memory_space<vmem>>, vector<1x2000x128xf32>,
    %slice3A_65 = vector.extract_strided_slice %mul3A_44 {offsets = [0, 384], sizes = [2000, 128], strides = [1, 1]} : vector<2000x512xf32> to vector<2000x128xf32>
    %swap3A_66 = arith.constant 3 : index
    %swap3A_67 = arith.constant 0 : index
    %swap3A_68 = arith.constant 0 : index
    %swap3A_69 = vector.load %arg8[%swap3A_66, %swap3A_67, %swap3A_68] : memref<4x2000x128xf32, #tpu.memory_space<vmem>>, vector<1x2000x128xf32>
    %swap3A_70 = vector.shape_cast %swap3A_69 : vector<1x2000x128xf32> to vector<2000x128xf32>
    %swap3A_71 = vector.shape_cast %slice3A_65 : vector<2000x128xf32> to vector<1x2000x128xf32>
    tpu.vector_store %arg8[%swap3A_66, %swap3A_67, %swap3A_68], %swap3A_71 {strides = array<i32>} : memref<4x2000x128xf32, #tpu.memory_space<vmem>>, vector<1x2000x128xf32>,
    return
  }
  func.func @transform_0(%arg0: i32) -> (i32, i32, i32) {
    %c0_i32 = arith.constant 0 : i32
    %c0_i32_0 = arith.constant 0 : i32
    %c0_i32_1 = arith.constant 0 : i32
    return %c0_i32, %arg0, %c0_i32_0 : i32, i32, i32
  }
  func.func @transform_1(%arg0: i32) -> (i32, i32, i32) {
    %c0_i32 = arith.constant 0 : i32
    %c0_i32_0 = arith.constant 0 : i32
    %c0_i32_1 = arith.constant 0 : i32
    return %c0_i32, %arg0, %c0_i32_0 : i32, i32, i32
  }
  func.func @transform_2(%arg0: i32) -> (i32, i32) {
    %c0_i32 = arith.constant 0 : i32
    %c0_i32_0 = arith.constant 0 : i32
    return %arg0, %c0_i32 : i32, i32
  }
  func.func @transform_3(%arg0: i32) -> (i32, i32) {
    %c0_i32 = arith.constant 0 : i32
    %c0_i32_0 = arith.constant 0 : i32
    return %arg0, %c0_i32 : i32, i32
  }
  func.func @transform_4(%arg0: i32) -> (i32, i32) {
    %c0_i32 = arith.constant 0 : i32
    %c0_i32_0 = arith.constant 0 : i32
    %c0_i32_1 = arith.constant 0 : i32
    return %c0_i32, %c0_i32_0 : i32, i32
  }
  func.func @transform_5(%arg0: i32) -> i32 {
    %c0_i32 = arith.constant 0 : i32
    %c0_i32_0 = arith.constant 0 : i32
    return %c0_i32 : i32
  }
  func.func @transform_6(%arg0: i32) -> (i32, i32) {
    %c0_i32 = arith.constant 0 : i32
    %c0_i32_0 = arith.constant 0 : i32
    return %arg0, %c0_i32 : i32, i32
  }
  func.func @transform_7(%arg0: i32) -> (i32, i32, i32) {
    %c0_i32 = arith.constant 0 : i32
    %c0_i32_0 = arith.constant 0 : i32
    %c0_i32_1 = arith.constant 0 : i32
    return %c0_i32, %arg0, %c0_i32_0 : i32, i32, i32
  }
}

module attributes {stable_mosaic.version = 14 : i64} {
  func.func @_conv2_pool_body(%arg0: i32, %arg1: memref<2x2000x128xf32, #tpu.memory_space<vmem>>, %arg2: memref<2x2000x128xf32, #tpu.memory_space<vmem>>, %arg3: memref<2x2000x128xf32, #tpu.memory_space<vmem>>, %arg4: memref<2x2000x128xf32, #tpu.memory_space<vmem>>, %arg5: memref<2000x512xf32, #tpu.memory_space<vmem>>, %arg6: memref<2000x1xf32, #tpu.memory_space<vmem>>, %arg7: memref<2000x1xi32, #tpu.memory_space<vmem>>, %arg8: memref<512x512xf32, #tpu.memory_space<vmem>>, %arg9: memref<512xf32, #tpu.memory_space<vmem>>, %arg10: memref<64x512xf32, #tpu.memory_space<vmem>>, %arg11: memref<1x64xf32, #tpu.memory_space<vmem>>) attributes {dimension_semantics = [#tpu.dimension_semantics<arbitrary>], iteration_bounds = array<i64: 5>, scalar_prefetch = 0 : i64, scratch_operands = 0 : i64, tpu.core_type = #tpu.core_type<tc>, window_params = [{transform_indices = @transform_0, window_bounds = array<i64: 2, 2000, 128>}, {transform_indices = @transform_1, window_bounds = array<i64: 2, 2000, 128>}, {transform_indices = @transform_2, window_bounds = array<i64: 2, 2000, 128>}, {transform_indices = @transform_3, window_bounds = array<i64: 2, 2000, 128>}, {transform_indices = @transform_4, window_bounds = array<i64: 2000, 512>}, {transform_indices = @transform_5, window_bounds = array<i64: 2000, 1>}, {transform_indices = @transform_6, window_bounds = array<i64: 2000, 1>}, {pipeline_mode = #tpu.pipeline_mode<synchronous>, transform_indices = @transform_7, window_bounds = array<i64: 512, 512>}, {pipeline_mode = #tpu.pipeline_mode<synchronous>, transform_indices = @transform_8, window_bounds = array<i64: 512>}, {pipeline_mode = #tpu.pipeline_mode<synchronous>, transform_indices = @transform_9, window_bounds = array<i64: 64, 512>}, {pipeline_mode = #tpu.pipeline_mode<synchronous>, transform_indices = @transform_10, window_bounds = array<i64: 1, 64>}]} {
    %get3A = arith.constant 0 : index
    %get3A_0 = arith.constant 0 : index
    %get3A_1 = arith.constant 0 : index
    %get3A_2 = vector.load %arg1[%get3A, %get3A_0, %get3A_1] : memref<2x2000x128xf32, #tpu.memory_space<vmem>>, vector<1x2000x128xf32>
    %get3A_3 = vector.shape_cast %get3A_2 : vector<1x2000x128xf32> to vector<2000x128xf32>
    %get3A_4 = arith.constant 1 : index
    %get3A_5 = arith.constant 0 : index
    %get3A_6 = arith.constant 0 : index
    %get3A_7 = vector.load %arg1[%get3A_4, %get3A_5, %get3A_6] : memref<2x2000x128xf32, #tpu.memory_space<vmem>>, vector<1x2000x128xf32>
    %get3A_8 = vector.shape_cast %get3A_7 : vector<1x2000x128xf32> to vector<2000x128xf32>
    %add3A = arith.addf %get3A_3, %get3A_8 : vector<2000x128xf32>
    %get3A_9 = arith.constant 0 : index
    %get3A_10 = arith.constant 0 : index
    %get3A_11 = arith.constant 0 : index
    %get3A_12 = vector.load %arg2[%get3A_9, %get3A_10, %get3A_11] : memref<2x2000x128xf32, #tpu.memory_space<vmem>>, vector<1x2000x128xf32>
    %get3A_13 = vector.shape_cast %get3A_12 : vector<1x2000x128xf32> to vector<2000x128xf32>
    %get3A_14 = arith.constant 1 : index
    %get3A_15 = arith.constant 0 : index
    %get3A_16 = arith.constant 0 : index
    %get3A_17 = vector.load %arg2[%get3A_14, %get3A_15, %get3A_16] : memref<2x2000x128xf32, #tpu.memory_space<vmem>>, vector<1x2000x128xf32>
    %get3A_18 = vector.shape_cast %get3A_17 : vector<1x2000x128xf32> to vector<2000x128xf32>
    %add3A_19 = arith.addf %get3A_13, %get3A_18 : vector<2000x128xf32>
    %get3A_20 = arith.constant 0 : index
    %get3A_21 = arith.constant 0 : index
    %get3A_22 = arith.constant 0 : index
    %get3A_23 = vector.load %arg3[%get3A_20, %get3A_21, %get3A_22] : memref<2x2000x128xf32, #tpu.memory_space<vmem>>, vector<1x2000x128xf32>
    %get3A_24 = vector.shape_cast %get3A_23 : vector<1x2000x128xf32> to vector<2000x128xf32>
    %get3A_25 = arith.constant 1 : index
    %get3A_26 = arith.constant 0 : index
    %get3A_27 = arith.constant 0 : index
    %get3A_28 = vector.load %arg3[%get3A_25, %get3A_26, %get3A_27] : memref<2x2000x128xf32, #tpu.memory_space<vmem>>, vector<1x2000x128xf32>
    %get3A_29 = vector.shape_cast %get3A_28 : vector<1x2000x128xf32> to vector<2000x128xf32>
    %add3A_30 = arith.addf %get3A_24, %get3A_29 : vector<2000x128xf32>
    %get3A_31 = arith.constant 0 : index
    %get3A_32 = arith.constant 0 : index
    %get3A_33 = arith.constant 0 : index
    %get3A_34 = vector.load %arg4[%get3A_31, %get3A_32, %get3A_33] : memref<2x2000x128xf32, #tpu.memory_space<vmem>>, vector<1x2000x128xf32>
    %get3A_35 = vector.shape_cast %get3A_34 : vector<1x2000x128xf32> to vector<2000x128xf32>
    %get3A_36 = arith.constant 1 : index
    %get3A_37 = arith.constant 0 : index
    %get3A_38 = arith.constant 0 : index
    %get3A_39 = vector.load %arg4[%get3A_36, %get3A_37, %get3A_38] : memref<2x2000x128xf32, #tpu.memory_space<vmem>>, vector<1x2000x128xf32>
    %get3A_40 = vector.shape_cast %get3A_39 : vector<1x2000x128xf32> to vector<2000x128xf32>
    %add3A_41 = arith.addf %get3A_35, %get3A_40 : vector<2000x128xf32>
    %concatenate3A = tpu.concatenate %add3A, %add3A_19, %add3A_30, %add3A_41 in 1 : vector<2000x128xf32>, vector<2000x128xf32>, vector<2000x128xf32>, vector<2000x128xf32> -> vector<2000x512xf32>
    %get3A_42 = arith.constant 0 : index
    %get3A_43 = arith.constant 0 : index
    %get3A_44 = vector.load %arg6[%get3A_42, %get3A_43] : memref<2000x1xf32, #tpu.memory_space<vmem>>, vector<2000x1xf32>
    %mul3A = vector.broadcast %get3A_44 : vector<2000x1xf32> to vector<2000x512xf32>
    %mul3A_45 = arith.mulf %concatenate3A, %mul3A : vector<2000x512xf32>
    %get3A_46 = arith.constant 0 : index
    %get3A_47 = arith.constant 0 : index
    %get3A_48 = vector.load %arg5[%get3A_46, %get3A_47] : memref<2000x512xf32, #tpu.memory_space<vmem>>, vector<2000x512xf32>
    %mul3A_49 = arith.mulf %get3A_44, %get3A_44 : vector<2000x1xf32>
    %mul3A_50 = vector.broadcast %mul3A_49 : vector<2000x1xf32> to vector<2000x512xf32>
    %mul3A_51 = arith.mulf %get3A_48, %mul3A_50 : vector<2000x512xf32>
    %add3A_52 = arith.addf %mul3A_45, %mul3A_51 : vector<2000x512xf32>
    %get3A_53 = arith.constant 0 : index
    %get3A_54 = arith.constant 0 : index
    %get3A_55 = vector.load %arg8[%get3A_53, %get3A_54] : memref<512x512xf32, #tpu.memory_space<vmem>>, vector<512x512xf32>
    %dot_general3A = arith.constant dense<0.000000e+00> : vector<2000x512xf32>
    %dot_general3A_56 = tpu.matmul %add3A_52, %get3A_55, %dot_general3A {dimension_numbers = #tpu.dot_dimension_numbers<[1], [0], [0], [1], [0, 0, 1, 1], [], []>, transpose_lhs_hint = false} : vector<2000x512xf32>, vector<512x512xf32>, vector<2000x512xf32> -> vector<2000x512xf32>
    %get3A_57 = arith.constant 0 : index
    %get3A_58 = vector.load %arg9[%get3A_57] : memref<512xf32, #tpu.memory_space<vmem>>, vector<512xf32>
    %broadcast_in_dim3A = vector.shape_cast %get3A_58 : vector<512xf32> to vector<1x512xf32>
    %add3A_59 = vector.broadcast %broadcast_in_dim3A : vector<1x512xf32> to vector<2000x512xf32>
    %add3A_60 = arith.addf %dot_general3A_56, %add3A_59 : vector<2000x512xf32>
    %max3A = arith.constant 0.000000e+00 : f32
    %max3A_61 = vector.broadcast %max3A : f32 to vector<2000x512xf32>
    %max3A_62 = arith.maximumf %add3A_60, %max3A_61 : vector<2000x512xf32>
    %iota3A = tpu.iota {dimensions = array<i32: 1>} : vector<2000x64xi32>
    %get3A_63 = arith.constant 0 : index
    %get3A_64 = arith.constant 0 : index
    %get3A_65 = vector.load %arg7[%get3A_63, %get3A_64] : memref<2000x1xi32, #tpu.memory_space<vmem>>, vector<2000x1xi32>
    %eq3A = vector.broadcast %get3A_65 : vector<2000x1xi32> to vector<2000x64xi32>
    %eq3A_66 = arith.cmpi eq, %eq3A, %iota3A : vector<2000x64xi32>
    %convert_element_type3A = arith.extui %eq3A_66 : vector<2000x64xi1> to vector<2000x64xi32>
    %convert_element_type3A_67 = arith.sitofp %convert_element_type3A : vector<2000x64xi32> to vector<2000x64xf32>
    %dot_general3A_68 = arith.constant dense<0.000000e+00> : vector<64x512xf32>
    %dot_general3A_69 = tpu.matmul %convert_element_type3A_67, %max3A_62, %dot_general3A_68 {dimension_numbers = #tpu.dot_dimension_numbers<[0], [0], [1], [1], [0, 1, 1, 1], [], []>, transpose_lhs_hint = false} : vector<2000x64xf32>, vector<2000x512xf32>, vector<64x512xf32> -> vector<64x512xf32>
    %reduce_sum3A = arith.constant dense<0.000000e+00> : vector<64xf32>
    %reduce_sum3A_70 = vector.multi_reduction <add>, %convert_element_type3A_67, %reduce_sum3A [0] : vector<2000x64xf32> to vector<64xf32>
    %broadcast_in_dim3A_71 = vector.shape_cast %reduce_sum3A_70 : vector<64xf32> to vector<1x64xf32>
    %eq3A_72 = arith.constant 0 : i32
    %eq3A_73 = arith.cmpi eq, %arg0, %eq3A_72 : i32
    %convert_element_type3A_74 = arith.extui %eq3A_73 : i1 to i32
    %cond3A = arith.constant 0 : i32
    %cond3A_75 = arith.cmpi ne, %convert_element_type3A_74, %cond3A : i32
    scf.if %cond3A_75 {
      %broadcast_in_dim3A_89 = arith.constant 0.000000e+00 : f32
      %broadcast_in_dim3A_90 = vector.broadcast %broadcast_in_dim3A_89 : f32 to vector<64x512xf32>
      %swap3A_91 = arith.constant 0 : index
      %swap3A_92 = arith.constant 0 : index
      %swap3A_93 = vector.load %arg10[%swap3A_91, %swap3A_92] : memref<64x512xf32, #tpu.memory_space<vmem>>, vector<64x512xf32>
      tpu.vector_store %arg10[%swap3A_91, %swap3A_92], %broadcast_in_dim3A_90 {strides = array<i32>} : memref<64x512xf32, #tpu.memory_space<vmem>>, vector<64x512xf32>,
      %broadcast_in_dim3A_94 = arith.constant 0.000000e+00 : f32
      %broadcast_in_dim3A_95 = vector.broadcast %broadcast_in_dim3A_94 : f32 to vector<1x64xf32>
      %swap3A_96 = arith.constant 0 : index
      %swap3A_97 = arith.constant 0 : index
      %swap3A_98 = vector.load %arg11[%swap3A_96, %swap3A_97] : memref<1x64xf32, #tpu.memory_space<vmem>>, vector<1x64xf32>
      tpu.vector_store %arg11[%swap3A_96, %swap3A_97], %broadcast_in_dim3A_95 {strides = array<i32>} : memref<1x64xf32, #tpu.memory_space<vmem>>, vector<1x64xf32>,
    } else {
    }
    %get3A_76 = arith.constant 0 : index
    %get3A_77 = arith.constant 0 : index
    %get3A_78 = vector.load %arg10[%get3A_76, %get3A_77] : memref<64x512xf32, #tpu.memory_space<vmem>>, vector<64x512xf32>
    %add3A_79 = arith.addf %get3A_78, %dot_general3A_69 : vector<64x512xf32>
    %swap3A = arith.constant 0 : index
    %swap3A_80 = arith.constant 0 : index
    %swap3A_81 = vector.load %arg10[%swap3A, %swap3A_80] : memref<64x512xf32, #tpu.memory_space<vmem>>, vector<64x512xf32>
    tpu.vector_store %arg10[%swap3A, %swap3A_80], %add3A_79 {strides = array<i32>} : memref<64x512xf32, #tpu.memory_space<vmem>>, vector<64x512xf32>,
    %get3A_82 = arith.constant 0 : index
    %get3A_83 = arith.constant 0 : index
    %get3A_84 = vector.load %arg11[%get3A_82, %get3A_83] : memref<1x64xf32, #tpu.memory_space<vmem>>, vector<1x64xf32>
    %add3A_85 = arith.addf %get3A_84, %broadcast_in_dim3A_71 : vector<1x64xf32>
    %swap3A_86 = arith.constant 0 : index
    %swap3A_87 = arith.constant 0 : index
    %swap3A_88 = vector.load %arg11[%swap3A_86, %swap3A_87] : memref<1x64xf32, #tpu.memory_space<vmem>>, vector<1x64xf32>
    tpu.vector_store %arg11[%swap3A_86, %swap3A_87], %add3A_85 {strides = array<i32>} : memref<1x64xf32, #tpu.memory_space<vmem>>, vector<1x64xf32>,
    return
  }
  func.func @transform_0(%arg0: i32) -> (i32, i32, i32) {
    %c0_i32 = arith.constant 0 : i32
    %c0_i32_0 = arith.constant 0 : i32
    %c0_i32_1 = arith.constant 0 : i32
    return %c0_i32, %arg0, %c0_i32_0 : i32, i32, i32
  }
  func.func @transform_1(%arg0: i32) -> (i32, i32, i32) {
    %c0_i32 = arith.constant 0 : i32
    %c0_i32_0 = arith.constant 0 : i32
    %c0_i32_1 = arith.constant 0 : i32
    return %c0_i32, %arg0, %c0_i32_0 : i32, i32, i32
  }
  func.func @transform_2(%arg0: i32) -> (i32, i32, i32) {
    %c0_i32 = arith.constant 0 : i32
    %c0_i32_0 = arith.constant 0 : i32
    %c0_i32_1 = arith.constant 0 : i32
    return %c0_i32, %arg0, %c0_i32_0 : i32, i32, i32
  }
  func.func @transform_3(%arg0: i32) -> (i32, i32, i32) {
    %c0_i32 = arith.constant 0 : i32
    %c0_i32_0 = arith.constant 0 : i32
    %c0_i32_1 = arith.constant 0 : i32
    return %c0_i32, %arg0, %c0_i32_0 : i32, i32, i32
  }
  func.func @transform_4(%arg0: i32) -> (i32, i32) {
    %c0_i32 = arith.constant 0 : i32
    %c0_i32_0 = arith.constant 0 : i32
    return %arg0, %c0_i32 : i32, i32
  }
  func.func @transform_5(%arg0: i32) -> (i32, i32) {
    %c0_i32 = arith.constant 0 : i32
    %c0_i32_0 = arith.constant 0 : i32
    return %arg0, %c0_i32 : i32, i32
  }
  func.func @transform_6(%arg0: i32) -> (i32, i32) {
    %c0_i32 = arith.constant 0 : i32
    %c0_i32_0 = arith.constant 0 : i32
    return %arg0, %c0_i32 : i32, i32
  }
  func.func @transform_7(%arg0: i32) -> (i32, i32) {
    %c0_i32 = arith.constant 0 : i32
    %c0_i32_0 = arith.constant 0 : i32
    %c0_i32_1 = arith.constant 0 : i32
    return %c0_i32, %c0_i32_0 : i32, i32
  }
  func.func @transform_8(%arg0: i32) -> i32 {
    %c0_i32 = arith.constant 0 : i32
    %c0_i32_0 = arith.constant 0 : i32
    return %c0_i32 : i32
  }
  func.func @transform_9(%arg0: i32) -> (i32, i32) {
    %c0_i32 = arith.constant 0 : i32
    %c0_i32_0 = arith.constant 0 : i32
    %c0_i32_1 = arith.constant 0 : i32
    return %c0_i32, %c0_i32_0 : i32, i32
  }
  func.func @transform_10(%arg0: i32) -> (i32, i32) {
    %c0_i32 = arith.constant 0 : i32
    %c0_i32_0 = arith.constant 0 : i32
    %c0_i32_1 = arith.constant 0 : i32
    return %c0_i32, %c0_i32_0 : i32, i32
  }
}

module attributes {stable_mosaic.version = 14 : i64} {
  func.func @_head_body(%arg0: memref<64x512xf32, #tpu.memory_space<vmem>>, %arg1: memref<1x64xf32, #tpu.memory_space<vmem>>, %arg2: memref<512x128xf32, #tpu.memory_space<vmem>>, %arg3: memref<128xf32, #tpu.memory_space<vmem>>, %arg4: memref<512x128xf32, #tpu.memory_space<vmem>>, %arg5: memref<128xf32, #tpu.memory_space<vmem>>, %arg6: memref<64x128xf32, #tpu.memory_space<vmem>>, %arg7: memref<128x512xf32, #tpu.memory_space<vmem>>, %arg8: memref<512xf32, #tpu.memory_space<vmem>>, %arg9: memref<512x512xf32, #tpu.memory_space<vmem>>, %arg10: memref<512xf32, #tpu.memory_space<vmem>>, %arg11: memref<64x128xf32, #tpu.memory_space<vmem>>, %arg12: memref<64x128xf32, #tpu.memory_space<vmem>>, %arg13: memref<64x512xf32, #tpu.memory_space<vmem>>) attributes {dimension_semantics = [], scalar_prefetch = 0 : i64, scratch_operands = 0 : i64, tpu.core_type = #tpu.core_type<tc>} {
    %get3A = arith.constant 0 : index
    %get3A_0 = arith.constant 0 : index
    %get3A_1 = vector.load %arg1[%get3A, %get3A_0] : memref<1x64xf32, #tpu.memory_space<vmem>>, vector<1x64xf32>
    %max3A = arith.constant 1.000000e+00 : f32
    %max3A_2 = vector.broadcast %max3A : f32 to vector<1x64xf32>
    %max3A_3 = arith.maximumf %get3A_1, %max3A_2 : vector<1x64xf32>
    %get3A_4 = arith.constant 0 : index
    %get3A_5 = arith.constant 0 : index
    %get3A_6 = vector.load %arg0[%get3A_4, %get3A_5] : memref<64x512xf32, #tpu.memory_space<vmem>>, vector<64x512xf32>
    %transpose3A = tpu.transpose %max3A_3, [1, 0] : vector<1x64xf32> -> vector<64x1xf32>
    %div3A = vector.broadcast %transpose3A : vector<64x1xf32> to vector<64x512xf32>
    %div3A_7 = arith.divf %get3A_6, %div3A : vector<64x512xf32>
    %get3A_8 = arith.constant 0 : index
    %get3A_9 = arith.constant 0 : index
    %get3A_10 = vector.load %arg2[%get3A_8, %get3A_9] : memref<512x128xf32, #tpu.memory_space<vmem>>, vector<512x128xf32>
    %dot_general3A = arith.constant dense<0.000000e+00> : vector<64x128xf32>
    %dot_general3A_11 = tpu.matmul %div3A_7, %get3A_10, %dot_general3A {dimension_numbers = #tpu.dot_dimension_numbers<[1], [0], [0], [1], [0, 0, 1, 1], [], []>, transpose_lhs_hint = false} : vector<64x512xf32>, vector<512x128xf32>, vector<64x128xf32> -> vector<64x128xf32>
    %get3A_12 = arith.constant 0 : index
    %get3A_13 = vector.load %arg3[%get3A_12] : memref<128xf32, #tpu.memory_space<vmem>>, vector<128xf32>
    %broadcast_in_dim3A = vector.shape_cast %get3A_13 : vector<128xf32> to vector<1x128xf32>
    %add3A = vector.broadcast %broadcast_in_dim3A : vector<1x128xf32> to vector<64x128xf32>
    %add3A_14 = arith.addf %dot_general3A_11, %add3A : vector<64x128xf32>
    %get3A_15 = arith.constant 0 : index
    %get3A_16 = arith.constant 0 : index
    %get3A_17 = vector.load %arg4[%get3A_15, %get3A_16] : memref<512x128xf32, #tpu.memory_space<vmem>>, vector<512x128xf32>
    %dot_general3A_18 = arith.constant dense<0.000000e+00> : vector<64x128xf32>
    %dot_general3A_19 = tpu.matmul %div3A_7, %get3A_17, %dot_general3A_18 {dimension_numbers = #tpu.dot_dimension_numbers<[1], [0], [0], [1], [0, 0, 1, 1], [], []>, transpose_lhs_hint = false} : vector<64x512xf32>, vector<512x128xf32>, vector<64x128xf32> -> vector<64x128xf32>
    %get3A_20 = arith.constant 0 : index
    %get3A_21 = vector.load %arg5[%get3A_20] : memref<128xf32, #tpu.memory_space<vmem>>, vector<128xf32>
    %broadcast_in_dim3A_22 = vector.shape_cast %get3A_21 : vector<128xf32> to vector<1x128xf32>
    %add3A_23 = vector.broadcast %broadcast_in_dim3A_22 : vector<1x128xf32> to vector<64x128xf32>
    %add3A_24 = arith.addf %dot_general3A_19, %add3A_23 : vector<64x128xf32>
    %swap3A = arith.constant 0 : index
    %swap3A_25 = arith.constant 0 : index
    %swap3A_26 = vector.load %arg11[%swap3A, %swap3A_25] : memref<64x128xf32, #tpu.memory_space<vmem>>, vector<64x128xf32>
    tpu.vector_store %arg11[%swap3A, %swap3A_25], %add3A_14 {strides = array<i32>} : memref<64x128xf32, #tpu.memory_space<vmem>>, vector<64x128xf32>,
    %swap3A_27 = arith.constant 0 : index
    %swap3A_28 = arith.constant 0 : index
    %swap3A_29 = vector.load %arg12[%swap3A_27, %swap3A_28] : memref<64x128xf32, #tpu.memory_space<vmem>>, vector<64x128xf32>
    tpu.vector_store %arg12[%swap3A_27, %swap3A_28], %add3A_24 {strides = array<i32>} : memref<64x128xf32, #tpu.memory_space<vmem>>, vector<64x128xf32>,
    %mul3A = arith.constant 5.000000e-01 : f32
    %mul3A_30 = vector.broadcast %mul3A : f32 to vector<64x128xf32>
    %mul3A_31 = arith.mulf %mul3A_30, %add3A_24 : vector<64x128xf32>
    %exp3A = math.exp %mul3A_31 : vector<64x128xf32>
    %get3A_32 = arith.constant 0 : index
    %get3A_33 = arith.constant 0 : index
    %get3A_34 = vector.load %arg6[%get3A_32, %get3A_33] : memref<64x128xf32, #tpu.memory_space<vmem>>, vector<64x128xf32>
    %mul3A_35 = arith.mulf %exp3A, %get3A_34 : vector<64x128xf32>
    %add3A_36 = arith.addf %add3A_14, %mul3A_35 : vector<64x128xf32>
    %get3A_37 = arith.constant 0 : index
    %get3A_38 = arith.constant 0 : index
    %get3A_39 = vector.load %arg7[%get3A_37, %get3A_38] : memref<128x512xf32, #tpu.memory_space<vmem>>, vector<128x512xf32>
    %dot_general3A_40 = arith.constant dense<0.000000e+00> : vector<64x512xf32>
    %dot_general3A_41 = tpu.matmul %add3A_36, %get3A_39, %dot_general3A_40 {dimension_numbers = #tpu.dot_dimension_numbers<[1], [0], [0], [1], [0, 0, 1, 1], [], []>, transpose_lhs_hint = false} : vector<64x128xf32>, vector<128x512xf32>, vector<64x512xf32> -> vector<64x512xf32>
    %get3A_42 = arith.constant 0 : index
    %get3A_43 = vector.load %arg8[%get3A_42] : memref<512xf32, #tpu.memory_space<vmem>>, vector<512xf32>
    %broadcast_in_dim3A_44 = vector.shape_cast %get3A_43 : vector<512xf32> to vector<1x512xf32>
    %add3A_45 = vector.broadcast %broadcast_in_dim3A_44 : vector<1x512xf32> to vector<64x512xf32>
    %add3A_46 = arith.addf %dot_general3A_41, %add3A_45 : vector<64x512xf32>
    %max3A_47 = arith.constant 0.000000e+00 : f32
    %max3A_48 = vector.broadcast %max3A_47 : f32 to vector<64x512xf32>
    %max3A_49 = arith.maximumf %add3A_46, %max3A_48 : vector<64x512xf32>
    %get3A_50 = arith.constant 0 : index
    %get3A_51 = arith.constant 0 : index
    %get3A_52 = vector.load %arg9[%get3A_50, %get3A_51] : memref<512x512xf32, #tpu.memory_space<vmem>>, vector<512x512xf32>
    %dot_general3A_53 = arith.constant dense<0.000000e+00> : vector<64x512xf32>
    %dot_general3A_54 = tpu.matmul %max3A_49, %get3A_52, %dot_general3A_53 {dimension_numbers = #tpu.dot_dimension_numbers<[1], [0], [0], [1], [0, 0, 1, 1], [], []>, transpose_lhs_hint = false} : vector<64x512xf32>, vector<512x512xf32>, vector<64x512xf32> -> vector<64x512xf32>
    %get3A_55 = arith.constant 0 : index
    %get3A_56 = vector.load %arg10[%get3A_55] : memref<512xf32, #tpu.memory_space<vmem>>, vector<512xf32>
    %broadcast_in_dim3A_57 = vector.shape_cast %get3A_56 : vector<512xf32> to vector<1x512xf32>
    %add3A_58 = vector.broadcast %broadcast_in_dim3A_57 : vector<1x512xf32> to vector<64x512xf32>
    %add3A_59 = arith.addf %dot_general3A_54, %add3A_58 : vector<64x512xf32>
    %max3A_60 = arith.constant 0.000000e+00 : f32
    %max3A_61 = vector.broadcast %max3A_60 : f32 to vector<64x512xf32>
    %max3A_62 = arith.maximumf %add3A_59, %max3A_61 : vector<64x512xf32>
    %swap3A_63 = arith.constant 0 : index
    %swap3A_64 = arith.constant 0 : index
    %swap3A_65 = vector.load %arg13[%swap3A_63, %swap3A_64] : memref<64x512xf32, #tpu.memory_space<vmem>>, vector<64x512xf32>
    tpu.vector_store %arg13[%swap3A_63, %swap3A_64], %max3A_62 {strides = array<i32>} : memref<64x512xf32, #tpu.memory_space<vmem>>, vector<64x512xf32>,
    return
  }
}

module attributes {stable_mosaic.version = 14 : i64} {
  func.func @_logits_body(%arg0: i32, %arg1: memref<64x512xf32, #tpu.memory_space<vmem>>, %arg2: memref<512x4096xf32, #tpu.memory_space<vmem>>, %arg3: memref<4096xf32, #tpu.memory_space<vmem>>, %arg4: memref<64x32x128xf32, #tpu.memory_space<vmem>>) attributes {dimension_semantics = [#tpu.dimension_semantics<arbitrary>], iteration_bounds = array<i64: 4>, scalar_prefetch = 0 : i64, scratch_operands = 0 : i64, tpu.core_type = #tpu.core_type<tc>, window_params = [{pipeline_mode = #tpu.pipeline_mode<synchronous>, transform_indices = @transform_0, window_bounds = array<i64: 64, 512>}, {transform_indices = @transform_1, window_bounds = array<i64: 512, 4096>}, {transform_indices = @transform_2, window_bounds = array<i64: 4096>}, {transform_indices = @transform_3, window_bounds = array<i64: 64, 32, 128>}]} {
    %get3A = arith.constant 0 : index
    %get3A_0 = arith.constant 0 : index
    %get3A_1 = vector.load %arg1[%get3A, %get3A_0] : memref<64x512xf32, #tpu.memory_space<vmem>>, vector<64x512xf32>
    %get3A_2 = arith.constant 0 : index
    %get3A_3 = arith.constant 0 : index
    %get3A_4 = vector.load %arg2[%get3A_2, %get3A_3] : memref<512x4096xf32, #tpu.memory_space<vmem>>, vector<512x4096xf32>
    %dot_general3A = arith.constant dense<0.000000e+00> : vector<64x4096xf32>
    %dot_general3A_5 = tpu.matmul %get3A_1, %get3A_4, %dot_general3A {dimension_numbers = #tpu.dot_dimension_numbers<[1], [0], [0], [1], [0, 0, 1, 1], [], []>, transpose_lhs_hint = false} : vector<64x512xf32>, vector<512x4096xf32>, vector<64x4096xf32> -> vector<64x4096xf32>
    %get3A_6 = arith.constant 0 : index
    %get3A_7 = vector.load %arg3[%get3A_6] : memref<4096xf32, #tpu.memory_space<vmem>>, vector<4096xf32>
    %broadcast_in_dim3A = vector.shape_cast %get3A_7 : vector<4096xf32> to vector<1x4096xf32>
    %add3A = vector.broadcast %broadcast_in_dim3A : vector<1x4096xf32> to vector<64x4096xf32>
    %add3A_8 = arith.addf %dot_general3A_5, %add3A : vector<64x4096xf32>
    %reshape3A = vector.shape_cast %add3A_8 : vector<64x4096xf32> to vector<64x32x128xf32>
    %swap3A = arith.constant 0 : index
    %swap3A_9 = arith.constant 0 : index
    %swap3A_10 = arith.constant 0 : index
    %swap3A_11 = vector.load %arg4[%swap3A, %swap3A_9, %swap3A_10] : memref<64x32x128xf32, #tpu.memory_space<vmem>>, vector<64x32x128xf32>
    tpu.vector_store %arg4[%swap3A, %swap3A_9, %swap3A_10], %reshape3A {strides = array<i32>} : memref<64x32x128xf32, #tpu.memory_space<vmem>>, vector<64x32x128xf32>,
    return
  }
  func.func @transform_0(%arg0: i32) -> (i32, i32) {
    %c0_i32 = arith.constant 0 : i32
    %c0_i32_0 = arith.constant 0 : i32
    %c0_i32_1 = arith.constant 0 : i32
    return %c0_i32, %c0_i32_0 : i32, i32
  }
  func.func @transform_1(%arg0: i32) -> (i32, i32) {
    %c0_i32 = arith.constant 0 : i32
    %c0_i32_0 = arith.constant 0 : i32
    return %c0_i32, %arg0 : i32, i32
  }
  func.func @transform_2(%arg0: i32) -> i32 {
    %c0_i32 = arith.constant 0 : i32
    return %arg0 : i32
  }
  func.func @transform_3(%arg0: i32) -> (i32, i32, i32) {
    %c0_i32 = arith.constant 0 : i32
    %c0_i32_0 = arith.constant 0 : i32
    %c0_i32_1 = arith.constant 0 : i32
    return %c0_i32, %arg0, %c0_i32_0 : i32, i32, i32
  }
}

module attributes {stable_mosaic.version = 14 : i64} {
  func.func @_sym_body(%arg0: memref<64x128x128xf32, #tpu.memory_space<vmem>>, %arg1: memref<128x128xf32, #tpu.memory_space<vmem>>, %arg2: memref<64x128x128xf32, #tpu.memory_space<vmem>>) attributes {dimension_semantics = [], scalar_prefetch = 0 : i64, scratch_operands = 0 : i64, tpu.core_type = #tpu.core_type<tc>} {
    %get3A = arith.constant 0 : index
    %get3A_0 = arith.constant 0 : index
    %get3A_1 = arith.constant 0 : index
    %get3A_2 = vector.load %arg0[%get3A, %get3A_0, %get3A_1] : memref<64x128x128xf32, #tpu.memory_space<vmem>>, vector<64x128x128xf32>
    %get3A_3 = arith.constant 0 : index
    %get3A_4 = arith.constant 0 : index
    %get3A_5 = vector.load %arg1[%get3A_3, %get3A_4] : memref<128x128xf32, #tpu.memory_space<vmem>>, vector<128x128xf32>
    %dot_general3A = arith.constant dense<0.000000e+00> : vector<64x128x128xf32>
    %dot_general3A_6 = tpu.matmul %get3A_2, %get3A_5, %dot_general3A {dimension_numbers = #tpu.dot_dimension_numbers<[1], [0], [0, 2], [1], [0, 0, 0, 2, 1, 1], [], []>, transpose_lhs_hint = false} : vector<64x128x128xf32>, vector<128x128xf32>, vector<64x128x128xf32> -> vector<64x128x128xf32>
    %add3A = arith.addf %get3A_2, %dot_general3A_6 : vector<64x128x128xf32>
    %mul3A = arith.constant 5.000000e-01 : f32
    %mul3A_7 = vector.broadcast %mul3A : f32 to vector<64x128x128xf32>
    %mul3A_8 = arith.mulf %add3A, %mul3A_7 : vector<64x128x128xf32>
    %iota3A = tpu.iota {dimensions = array<i32: 1>} : vector<64x128x128xi32>
    %iota3A_9 = tpu.iota {dimensions = array<i32: 2>} : vector<64x128x128xi32>
    %eq3A = arith.cmpi eq, %iota3A, %iota3A_9 : vector<64x128x128xi32>
    %neg3A = arith.constant 0.000000e+00 : f32
    %neg3A_10 = vector.broadcast %neg3A : f32 to vector<64x128x128xf32>
    %neg3A_11 = arith.subf %neg3A_10, %mul3A_8 : vector<64x128x128xf32>
    %exp3A = math.exp %neg3A_11 : vector<64x128x128xf32>
    %add3A_12 = arith.constant 1.000000e+00 : f32
    %add3A_13 = vector.broadcast %add3A_12 : f32 to vector<64x128x128xf32>
    %add3A_14 = arith.addf %add3A_13, %exp3A : vector<64x128x128xf32>
    %div3A = arith.constant 1.000000e+00 : f32
    %div3A_15 = vector.broadcast %div3A : f32 to vector<64x128x128xf32>
    %div3A_16 = arith.divf %div3A_15, %add3A_14 : vector<64x128x128xf32>
    %jit3A = arith.constant 0.000000e+00 : f32
    %broadcast_in_dim3A = vector.broadcast %jit3A : f32 to vector<64x128x128xf32>
    %select_n3A = arith.select %eq3A, %broadcast_in_dim3A, %div3A_16 : vector<64x128x128xi1>, vector<64x128x128xf32>
    %swap3A = arith.constant 0 : index
    %swap3A_17 = arith.constant 0 : index
    %swap3A_18 = arith.constant 0 : index
    %swap3A_19 = vector.load %arg2[%swap3A, %swap3A_17, %swap3A_18] : memref<64x128x128xf32, #tpu.memory_space<vmem>>, vector<64x128x128xf32>
    tpu.vector_store %arg2[%swap3A, %swap3A_17, %swap3A_18], %select_n3A {strides = array<i32>} : memref<64x128x128xf32, #tpu.memory_space<vmem>>, vector<64x128x128xf32>,
    return
  }
}

</mosaic_0001>

<sc_bundles>
// kernel: kernel.15.cloned.1.call-start
scs
__scs_entry_jumppad:
0x0: {  	(pc) =	sbr.rel $0x88, $3  }
0x1: {  	(tag) =	ssettag $0x0;
	lr =	simm.s32 $0x1  }
0x2: {  	[smem:$0x3F90] =	sst lr;
	_ =	strace $0xD0000000  }
0x3: {  	_ = 	snop  }
0x4: {  	_ = 	snop  }
0x5: {  	_ = 	snop  }
0x6: {  	_ = 	snop  }
0x7: {  	_ = 	snop  }
__scs_overlays_trampoline_lowered:
0x8: {  	[smem:$0x3F9F] =	sst s0  }
0x9: {  	[smem:$0x3FA0] =	sst s1  }
0xa: {  	[smem:$0x3FA1] =	sst s2  }
0xb: {  	[smem:$0x3FA2] =	sst s3  }
0xc: {  	[smem:$0x3FA3] =	sst s4  }
0xd: {  	[smem:$0x3FA4] =	sst s5  }
0xe: {  	[smem:$0x3FA5] =	sst s6  }
0xf: {  	[smem:$0x3FA6] =	sst s7  }
0x10: {  	[smem:$0x3FA7] =	sst s8  }
0x11: {  	[smem:$0x3FA8] =	sst s9;
	s0 =	simm.s32 @!p0 $0x0  }
0x12: {  	s1 =	sld [smem:$0x3F8E];
	s0 =	simm.s32 @p0 $0x1  }
0x13: {  	[smem:$0x3FA9] =	sst s0;
	s0 =	simm.s32 @!p1 $0x0  }
0x14: {  	s2 =	sld [smem:$0x3F8D];
	s0 =	simm.s32 @p1 $0x1  }
0x15: {  	[smem:$0x3FAA] =	sst s0;
	s0 =	simm.s32 @!p2 $0x0  }
0x16: {  	s3 =	sld [smem:$0x3FDB];
	s0 =	simm.s32 @p2 $0x1  }
0x17: {  	s4 =	simm.s32 $0x1BF5;
	[smem:$0x3FAC] =	sst s0  }
0x18: {  	s0 =	sld [smem:$0x3F8F];
	_ =	swait.ge [sflag:s4], $0x0  }
0x19: {  	s7 =	sld [smem:$0x3F90]  }
0x1a: {  	s8 =	sadd.s32 $0xFFFFE003, lr  }
0x1b: {  	s9 =	sadd.s32 $0xFFFFFEF7, lr;
	s5 =	simm.s32 $0xFFFFFFFF;
	p2 =	slt.u32 s8, $0xFFFFF086  }
0x1c: {  	p1 =	slt.u32 s9, $0xF7A;
	s5 =	simm.s32 @!p2 $0x0  }
0x1d: {  	s5 =	simm.s32 @p1 $0x1;
	p0 =	seq.s32 s7, s2  }
0x1e: {  	s7 =	smul.u32 @!p0 $0xF7A, s2;
	p2 =	seq.s32 @!p0 s5, $0x0  }
0x1f: {  	s9 =	smul.u32 $0xF7A, s1;
	s8 =	simm.s32 @!p0 $0x1BF5;
	p2 =	por !p2, p0  }
0x20: {  	[sflag:s8] =	ssyncset.s32 @!p0 $0xFFFFF086;
	s6 =	sadd.s32 @!p0 s3, s7;
	s7 =	simm.s32 @!p0 $0x108  }
0x21: {  	s3 =	sadd.s32 s3, s9;
	s6 =	sadd.s32 @!p0 $0x88, s6;
	s7 =	simm.s32 @p2 $0x1082  }
0x22: {  	[simem:s7], [sflag:s8] =	dma.local @!p0 [hbm:s6], $0xF7A  }
0x23: {  	s9 =	sor.u32 $0xD0000000, s2;
	s6 =	simm.s32 $0x108;
	_ =	swait.ge @!p0 [sflag:s8], $0x0  }
0x24: {  	s3 =	sadd.s32 $0x88, s3;
	s6 =	simm.s32 @!p1 $0x1082;
	[sflag:s4] =	ssyncset.s32 $0xFFFFF086  }
0x25: {  	[simem:s6], [sflag:s4] =	dma.local [hbm:s3], $0xF7A  }
0x26: {  	[smem:$0x3F90] =	sst s1;
	(tag) =	ssettag s2;
	_ =	strace s9  }
0x27: {  	s1 =	sld [smem:$0x3FA0]  }
0x28: {  	s2 =	sld [smem:$0x3FA1]  }
0x29: {  	s4 =	sld [smem:$0x3FA3]  }
0x2a: {  	p0 =	seq.s32 s5, $0x0;
	s5 =	sld [smem:$0x3FA4]  }
0x2b: {  	s6 =	sld [smem:$0x3FA5]  }
0x2c: {  	s7 =	sld [smem:$0x3FA6]  }
0x2d: {  	s3 =	simm.s32 $0x108;
	s8 =	sld [smem:$0x3FA7]  }
0x2e: {  	s3 =	simm.s32 @!p0 $0x1082;
	s9 =	sld [smem:$0x3FA8]  }
0x2f: {  	lr =	sadd.s32 s0, s3;
	s0 =	sld [smem:$0x3F9F]  }
0x30: {  	s3 =	sld [smem:$0x3FA2]  }
0x31: {  	[smem:$0x3FAB] =	sst s10  }
0x32: {  	s10 =	sld [smem:$0x3FA9];
	_ =	sdelay $0x3  }
0x33: {  	p0 =	seq.s32 s10, $0x1;
	s10 =	sld [smem:$0x3FAB];
	_ =	sdelay $0x3  }
0x34: {  	[smem:$0x3FAB] =	sst s10  }
0x35: {  	s10 =	sld [smem:$0x3FAA];
	_ =	sdelay $0x3  }
0x36: {  	p1 =	seq.s32 s10, $0x1;
	s10 =	sld [smem:$0x3FAB];
	_ =	sdelay $0x3  }
0x37: {  	[smem:$0x3FAB] =	sst s10  }
0x38: {  	s10 =	sld [smem:$0x3FAC]  }
0x39: {  	_ = 	snop;
	(pc) =	sbr.ind lr, $3  }
0x3a: {  	_ = 	snop  }
0x3b: {  	_ = 	snop  }
0x3c: {  	p2 =	seq.s32 s10, $0x1;
	s10 =	sld [smem:$0x3FAB]  }
0x3d: {  	_ =	shalt  }
0x3e: {  	_ =	shalt  }
0x3f: {  	_ =	shalt  }
0x40: {  	_ =	shalt  }
0x41: {  	_ =	shalt  }
0x42: {  	_ =	shalt  }
0x43: {  	_ =	shalt  }
0x44: {  	_ =	shalt  }
0x45: {  	_ =	shalt  }
0x46: {  	_ =	shalt  }
0x47: {  	_ =	shalt  }
0x48: {  	_ =	shalt  }
0x49: {  	_ =	shalt  }
0x4a: {  	_ =	shalt  }
0x4b: {  	_ =	shalt  }
0x4c: {  	_ =	shalt  }
0x4d: {  	_ =	shalt  }
0x4e: {  	_ =	shalt  }
0x4f: {  	_ =	shalt  }
0x50: {  	_ =	shalt  }
0x51: {  	_ =	shalt  }
0x52: {  	_ =	shalt  }
0x53: {  	_ =	shalt  }
0x54: {  	_ =	shalt  }
0x55: {  	_ =	shalt  }
0x56: {  	_ =	shalt  }
0x57: {  	_ =	shalt  }
0x58: {  	_ =	shalt  }
0x59: {  	_ =	shalt  }
0x5a: {  	_ =	shalt  }
0x5b: {  	_ =	shalt  }
0x5c: {  	_ =	shalt  }
0x5d: {  	_ =	shalt  }
0x5e: {  	_ =	shalt  }
0x5f: {  	_ =	shalt  }
0x60: {  	_ =	shalt  }
0x61: {  	_ =	shalt  }
0x62: {  	_ =	shalt  }
0x63: {  	_ =	shalt  }
0x64: {  	_ =	shalt  }
0x65: {  	_ =	shalt  }
0x66: {  	_ =	shalt  }
0x67: {  	_ =	shalt  }
0x68: {  	_ =	shalt  }
0x69: {  	_ =	shalt  }
0x6a: {  	_ =	shalt  }
0x6b: {  	_ =	shalt  }
0x6c: {  	_ =	shalt  }
0x6d: {  	_ =	shalt  }
0x6e: {  	_ =	shalt  }
0x6f: {  	_ =	shalt  }
0x70: {  	_ =	shalt  }
0x71: {  	_ =	shalt  }
0x72: {  	_ =	shalt  }
0x73: {  	_ =	shalt  }
0x74: {  	_ =	shalt  }
0x75: {  	_ =	shalt  }
0x76: {  	_ =	shalt  }
0x77: {  	_ =	shalt  }
0x78: {  	_ =	shalt  }
0x79: {  	_ =	shalt  }
0x7a: {  	_ =	shalt  }
0x7b: {  	_ =	shalt  }
0x7c: {  	_ =	shalt  }
0x7d: {  	_ =	shalt  }
0x7e: {  	_ =	shalt  }
0x7f: {  	_ =	shalt  }
0x80: {  	_ =	shalt  }
0x81: {  	_ =	shalt  }
0x82: {  	_ =	shalt  }
0x83: {  	_ =	shalt  }
0x84: {  	_ =	shalt  }
0x85: {  	_ =	shalt  }
0x86: {  	_ =	shalt  }
0x87: {  	_ =	shalt  }
.Lfunc_end0:
.L_simem_size_0:
called_computation_lowered:
.L_overlay_start_0:
0x88: {  	s2 =	sld [smem:$0x3FD9]  }
0x89: {  	s3 =	sld [smem:$0x3FFE];
	_ =	sdelay $0x1  }
0x8a: {  	s1 =	srdreg.scid  }
0x8b: {  	s0 =	sand.u32 $0x1, s1  }
0x8c: {  	s14 =	sshll.u32 s0, $0xA;
	s2 =	sadd.s32 s3, s2  }
0x8d: {  	s2 =	sadd.s32 s2, s14  }
0x8e: {  	[smem:$0x3FB7] =	sst s2  }
0x8f: {  	_ = 	snop  }
0x90: {  	s2 =	sld [smem:$0x3FD0];
	_ =	sdelay $0x2  }
0x91: {  	s15 =	simm.s32 $0xD;
	s4 =	simm.s32 $0x10  }
0x92: {  	[smem:s4], [sflag:s15] =	dma.local [hbm:s2], $0x1  }
0x93: {  	_ =	swait.eq [sflag:s15], $0x1  }
0x94: {  	[sflag:s15] =	ssyncset.done $0x0  }
0x95: {  	[sflag:s15] =	ssyncadd.s32 $0xFFFFFFFF  }
0x96: {  	s16 =	sld [smem:$0x10];
	(tm) =	ssettm $0x1  }
0x97: {  	s17 =	sld [smem:$0x3FFB];
	_ =	sdelay $0x3  }
0x98: {  	_ =	strace s17  }
0x99: {  	s3 =	sld [smem:$0x3FFC];
	_ =	sdelay $0x3  }
0x9a: {  	_ =	strace s3  }
0x9b: {  	s3 =	sld [smem:$0x3FFD];
	_ =	sdelay $0x3  }
0x9c: {  	_ =	strace s3  }
0x9d: {  	_ =	strace $0x8FFFFFFF  }
0x9e: {  	s18 =	sld [smem:$0x3FDB];
	_ =	sdelay $0x1  }
0x9f: {  	s19 =	simm.s32 $_scs_section_size  }
0xa0: {  	s5 =	simm.s32 $_size__tile_overlayer_lowered;
	s6 =	simm.s32 $_tile_overlayer_lowered  }
0xa1: {  	s22 =	simm.s32 $0x1BFF;
	s21 =	sshll.u32 s6, $0x1;
	s3 =	sadd.s32 s19, s18  }
0xa2: {  	s7 =	simm.s32 $0x0;
	s20 =	sshll.u32 s5, $0x1;
	s5 =	sadd.s32 s21, s3  }
0xa3: {  	[timem:s7], [sflag:s22] =	dma.local [hbm:s5], s20  }
0xa4: {  	_ =	swait.ge [sflag:s22], s20  }
0xa5: {  	s4 =	ssub.s32 $0x0, s20;
	[sflag:s22] =	ssyncset.done $0x0  }
0xa6: {  	[sflag:s22] =	ssyncadd.s32 s4;
	_ =	sdelay $0x1  }
0xa7: {  	s23 =	simm.s32 $0x1B8B  }
0xa8: {  	_ =	swait.ge [sflag:s23], $0x1  }
0xa9: {  	[sflag:s23] =	ssyncset.done $0x0  }
0xaa: {  	s25 =	simm.s32 $0x1B8E;
	s24 =	sld [smem:$0x3FFE];
	[sflag:s23] =	ssyncadd.s32 $0xFFFFFFFF  }
0xab: {  	s26 =	simm.s32 $execute0_lowered;
	[smem:$0x3FD2] =	sst s25  }
0xac: {  	s5 =	sshll.u32 s26, $0x1;
	_ =	strace $0x80000046;
	[dreg:$0x1] =	wrdreg $0xFFFFFFFF  }
0xad: {  	s28 =	simm.s32 $_size_execute0_lowered;
	s3 =	sadd.s32 s3, s5;
	[dreg:$0x0] =	wrdreg $0x0  }
0xae: {  	s5 =	sshll.u32 s28, $0x1;
	[dreg:$0x2] =	wrdreg s3  }
0xaf: {  	[dreg:$0x3] =	wrdreg s5  }
0xb0: {  	[dreg:$0x4] =	wrdreg $0xC0  }
0xb1: {  	_ =	task [dreg:s7], $0x5FFFF  }
0xb2: {  	[dreg:$0x1] =	wrdreg $0xFFFFFFFF  }
0xb3: {  	[dreg:$0x0] =	wrdreg $0x60  }
0xb4: {  	[dreg:$0x2] =	wrdreg s16  }
0xb5: {  	[dreg:$0x3] =	wrdreg s24  }
0xb6: {  	[dreg:$0x4] =	wrdreg $0x54000  }
0xb7: {  	[dreg:$0x5] =	wrdreg $0x9  }
0xb8: {  	_ =	task.clear_ibuf [dreg:s7], $0x6FFFF;
	_ =	strace $0x90000046  }
0xb9: {  	s29 =	simm.s32 $0x9;
	_ =	strace $0x80000048  }
0xba: {  	_ =	swait.ge [sflag:s29], $0x1  }
0xbb: {  	[sflag:s29] =	ssyncadd.s32 $0xFFFFFFFF  }
0xbc: {  	_ =	strace $0x90000048  }
0xbd: {  	_ =	sfence  }
0xbe: {  	s30 =	sld [smem:$0x0];
	_ =	sdelay $0x2  }
0xbf: {  	s31 =	sshll.u32 s1, $0xD;
	s1 =	sshrl.u32 s1, $0x2  }
0xc0: {  	s3 =	sand.u32 $0x4000, s31;
	s1 =	sadd.s32 s1, s30  }
0xc1: {  	s0 =	sor.u32 s3, s0;
	s1 =	sshll.u32 s1, $0x11  }
0xc2: {  	s0 =	sor.u32 s1, s0  }
0xc3: {  	s0 =	sadd.s32 $0x8F2B, s0  }
0xc4: {  	[sflag:s0] =	ssyncadd.remote.s32 $0x1  }
0xc5: {  	_ =	sfence.sel $0xFFFF  }
0xc6: {  	[dreg:$0x0] =	wrdreg $0xFFFFFFFF;
	(pc) =	sbr.abs _section_cstart, $3  }
0xc7: {  	[dreg:$0x1] =	wrdreg $0xFFFFFFFF  }
0xc8: {  	_ =	task.clear_ibuf [dreg:s7], $0x2FFFF;
	_ =	strace $0x9FFFFFFF  }
0xc9: {  	(tm) =	ssettm $0x7FFFFFFF  }
tec
execute0_lowered:
.L_overlay_start_1:
0x0: {  	(tag) =	ssettag $0x1  }
0x1: {  	s4 =	rddreg [dreg:$0x0]  }
0x2: {  	s6 =	rddreg [dreg:$0x1]  }
0x3: {  	s1 =	rddreg [dreg:$0x2]  }
0x4: {  	s0 =	rddreg [dreg:$0x3];
	s2 =	simm.s32 $0x0;
	s8 =	stileid.u32  }
0x5: {  	s3 =	srdreg.scid;
	[smem:$0x7FF] =	sst s2  }
0x6: {  	s14 =	smul.u32 $0x2700, s8;
	s5 =	sand.u32 $0x1, s3;
	s3 =	sadd.s32 $0x2B600, s6  }
0x7: {  	s10 =	smul.u32 $0x4E000, s8;
	s15 =	sadd.s32 $0x138000, s1;
	p0 =	sne.s32 s8, $0x0  }
0x8: {  	s31 =	sshll.u32 s8, $0x6;
	_ =	strace $0x80000047;
	s9 =	sshll.u32 s5, $0x4  }
0x9: {  	s7 =	smul.u32 $0x27100, s5;
	s5 =	ssub.s32 $0x2, s5;
	s9 =	sor.u32 s8, s9  }
0xa: {  	s11 =	sadd.s32 s14, s6;
	s12 =	sshrl.u32 s5, $0x1;
	s30 =	sshrl.u32 s10, $0x2  }
0xb: {  	s8 =	simm.s32 $0x1;
	s10 =	sor.u32 $0x1C01, s31;
	s9 =	smul.u32 $0x280, s9  }
0xc: {  	s7 =	sadd.s32 s7, s6;
	s12 =	ssub.s32 s5, s12;
	s13 =	sadd.s32 s30, s1  }
0xd: {  	s5 =	sadd.s32 $0x4400, s11;
	s6 =	sadd.s32 $0x2B400, s6;
	s16 =	sadd.s32 $0x2BE00, s7  }
0xe: {  	s7 =	smax.u32 s12, $0x1;
	s11 =	sshrl.u32 s13, $0x3;
	s12 =	sshrl.u32 @!p0 s15, $0x3  }
0xf: {  	s13 =	simm.s32 $0x7D;
	s4 =	sadd.s32 s4, s9;
	s9 =	simm.s32 $0x1400  }
0x10: {  	s14 =	sadd.s32 s14, s16;
	s15 =	sadd.s32 @!p0 $0x27000, s16;
	s16 =	simm.s32 $0x0  }
.LBB2_1:
0x11: {  	[tilespmem:s2], [sflag:$0x1] =	stream.linear.gather [hbm4b:s4+s2], $0x1400, $0x38;
	[tilespmem:$0x18C80] =	vst v63  }
0x12: {  	_ =	swait.ge [sflag:s8], $0x1400  }
0x13: {  	[sflag:s8] =	ssyncset.done $0x0  }
0x14: {  	[sflag:s8] =	ssyncadd.s32 $0xFFFFEC00  }
0x15: {  	[tilespmem:s9], [sflag:$0x1] =	stream.linear.gather [hbm4b:s3+s2], $0x3E80, $0x38;
	[tilespmem:$0x18C80] =	vst v63  }
0x16: {  	_ =	swait.ge [sflag:s8], $0x3E80  }
0x17: {  	[sflag:s8] =	ssyncset.done $0x0  }
0x18: {  	[sflag:s8] =	ssyncadd.s32 $0xFFFFC180  }
0x19: {  	[spmem:s11], [sflag:s10] =	dma.local [hbm:s5], $0x2700  }
0x1a: {  	_ =	swait.ge [sflag:s8], $0x2700  }
0x1b: {  	[sflag:s8] =	ssyncset.done $0x0  }
0x1c: {  	s17 =	simm.s32 @!p0 $0x1;
	[sflag:s8] =	ssyncadd.s32 $0xFFFFD900  }
0x1d: {  	[spmem:s12], [sflag:s10] =	dma.local @!p0 [hbm:s6], $0x100  }
0x1e: {  	_ =	swait.ge @!p0 [sflag:s17], $0x100  }
0x1f: {  	[sflag:s17] =	ssyncset.done @!p0 $0x0  }
0x20: {  	[sflag:s17] =	ssyncadd.s32 @!p0 $0xFFFFFF00  }
0x21: {  	s31 =	simm.s32 $0x0;
	[bflag:$0x0] =	sbarrier.arrive $0xFFFF  }
0x22: {  	[spmem:s1] =	stream.indirect.scatter.add.f32 [tilespmem:s9], [sflag:$0x1], $0x80, s31, s13, $0xb8;
	[tilespmem:$0x18C80] =	vst v63  }
0x23: {  	_ =	swait.ge [sflag:s8], $0x3E80  }
0x24: {  	s17 =	simm.s32 $0x200;
	[sflag:s8] =	ssyncset.done $0x0  }
.LBB2_2:
0x25: {  	s18 =	sshra.s32 s17, $0x2;
	[sflag:s8] =	ssyncadd.s32 $0xFFFFC180;
	p1 =	sne.s32 s17, $0x4E00  }
0x26: {  	[spmem:s1] =	stream.indirect.scatter.add.f32 [tilespmem:s9], [sflag:$0x1], $0x80, s18, s13, $0xb8;
	[tilespmem:$0x18C80] =	vst v63  }
.Ltmp0:
0x27: {  	_ = 	snop;
	(pc) =	sbr.rel @p1 .LBB2_2-.Ltmp0, $4  }
0x28: {  	_ = 	snop  }
0x29: {  	s17 =	sadd.s32 $0x200, s17  }
0x2a: {  	_ =	swait.ge [sflag:s8], $0x3E80  }
0x2b: {  	[sflag:s8] =	ssyncset.done $0x0  }
0x2c: {  	[sflag:s8] =	ssyncadd.s32 $0xFFFFC180  }
0x2d: {  	[bflag:$0x0] =	sbarrier.arrive $0xFFFF  }
0x2e: {  	[hbm:s14], [sflag:s10] =	dma.local [spmem:s11], $0x2700  }
0x2f: {  	s16 =	sadd.s32 $0x1, s16;
	_ =	swait.ge [sflag:s8], $0x2700  }
0x30: {  	p1 =	sne.s32 s16, s7;
	[sflag:s8] =	ssyncset.done $0x0  }
.Ltmp1:
0x31: {  	s17 =	simm.s32 @!p0 $0x1;
	[sflag:s8] =	ssyncadd.s32 $0xFFFFD900;
	(pc) =	sbr.rel @p1 .LBB2_1-.Ltmp1, $4  }
0x32: {  	[hbm:s15], [sflag:s10] =	dma.local @!p0 [spmem:s12], $0x100  }
0x33: {  	_ =	swait.ge @!p0 [sflag:s17], $0x100  }
0x34: {  	[sflag:s17] =	ssyncset.done @!p0 $0x0  }
0x35: {  	[sflag:s17] =	ssyncadd.s32 @!p0 $0xFFFFFF00  }
0x36: {  	_ =	sfence.sel $0x180000  }
0x37: {  	[bflag:$0x0] =	sbarrier.arrive $0xFFFF  }
0x38: {  	_ =	strace $0x90000047  }
0x39: {  	s0 =	sadd.s32 @!p0 $0x100000, s0;
	[bflag:$0x2] =	sbarrier.arrive $0xFFFF  }
0x3a: {  	[sflag:s0] =	ssyncadd.tile.s32 @!p0 $0x1;
	_ =	shalt  }
.Lfunc_end2:
_tile_overlayer_lowered:
.L_overlay_start_2:
0x3b: {  	(tag) =	ssettag $0x2  }
0x3c: {  	s0 =	rddreg [dreg:$0x0];
	s2 =	stileid.u32  }
0x3d: {  	s1 =	rddreg [dreg:$0x1];
	p0 =	sne.s32 s2, $0x0  }
0x3e: {  	s3 =	rddreg [dreg:$0x2];
	[bflag:$0x3] =	sbarrier.arrive $0xFFFF;
	s2 =	simm.s32 @!p0 $0x1C01  }
0x3f: {  	[timem:s3], [sflag:s2] =	dma.local @!p0 [hbm:s0], s1  }
0x40: {  	s0 =	simm.s32 @!p0 $0x1  }
0x41: {  	_ =	swait.ge @!p0 [sflag:s0], s1  }
0x42: {  	s1 =	ssub.s32 @!p0 $0x0, s1;
	[sflag:s0] =	ssyncset.done @!p0 $0x0  }
0x43: {  	[sflag:s0] =	ssyncadd.s32 @!p0 s1  }
0x44: {  	[bflag:$0x3] =	sbarrier.arrive $0xFFFF  }
0x45: {  	_ =	shalt  }

// kernel: kernel.18.cloned.1.call-start
scs
__scs_entry_jumppad:
0x0: {  	(pc) =	sbr.rel $0x88, $3  }
0x1: {  	(tag) =	ssettag $0x0;
	lr =	simm.s32 $0x1  }
0x2: {  	[smem:$0x3F90] =	sst lr;
	_ =	strace $0xD0000000  }
0x3: {  	_ = 	snop  }
0x4: {  	_ = 	snop  }
0x5: {  	_ = 	snop  }
0x6: {  	_ = 	snop  }
0x7: {  	_ = 	snop  }
__scs_overlays_trampoline_lowered:
0x8: {  	[smem:$0x3F9F] =	sst s0  }
0x9: {  	[smem:$0x3FA0] =	sst s1  }
0xa: {  	[smem:$0x3FA1] =	sst s2  }
0xb: {  	[smem:$0x3FA2] =	sst s3  }
0xc: {  	[smem:$0x3FA3] =	sst s4  }
0xd: {  	[smem:$0x3FA4] =	sst s5  }
0xe: {  	[smem:$0x3FA5] =	sst s6  }
0xf: {  	[smem:$0x3FA6] =	sst s7  }
0x10: {  	[smem:$0x3FA7] =	sst s8  }
0x11: {  	[smem:$0x3FA8] =	sst s9;
	s0 =	simm.s32 @!p0 $0x0  }
0x12: {  	s1 =	sld [smem:$0x3F8E];
	s0 =	simm.s32 @p0 $0x1  }
0x13: {  	[smem:$0x3FA9] =	sst s0;
	s0 =	simm.s32 @!p1 $0x0  }
0x14: {  	s2 =	sld [smem:$0x3F8D];
	s0 =	simm.s32 @p1 $0x1  }
0x15: {  	[smem:$0x3FAA] =	sst s0;
	s0 =	simm.s32 @!p2 $0x0  }
0x16: {  	s3 =	sld [smem:$0x3FDB];
	s0 =	simm.s32 @p2 $0x1  }
0x17: {  	s4 =	simm.s32 $0x1BF5;
	[smem:$0x3FAC] =	sst s0  }
0x18: {  	s0 =	sld [smem:$0x3F8F];
	_ =	swait.ge [sflag:s4], $0x0  }
0x19: {  	s7 =	sld [smem:$0x3F90]  }
0x1a: {  	s8 =	sadd.s32 $0xFFFFE003, lr  }
0x1b: {  	s9 =	sadd.s32 $0xFFFFFEF7, lr;
	s5 =	simm.s32 $0xFFFFFFFF;
	p2 =	slt.u32 s8, $0xFFFFF086  }
0x1c: {  	p1 =	slt.u32 s9, $0xF7A;
	s5 =	simm.s32 @!p2 $0x0  }
0x1d: {  	s5 =	simm.s32 @p1 $0x1;
	p0 =	seq.s32 s7, s2  }
0x1e: {  	s7 =	smul.u32 @!p0 $0xF7A, s2;
	p2 =	seq.s32 @!p0 s5, $0x0  }
0x1f: {  	s9 =	smul.u32 $0xF7A, s1;
	s8 =	simm.s32 @!p0 $0x1BF5;
	p2 =	por !p2, p0  }
0x20: {  	[sflag:s8] =	ssyncset.s32 @!p0 $0xFFFFF086;
	s6 =	sadd.s32 @!p0 s3, s7;
	s7 =	simm.s32 @!p0 $0x108  }
0x21: {  	s3 =	sadd.s32 s3, s9;
	s6 =	sadd.s32 @!p0 $0x88, s6;
	s7 =	simm.s32 @p2 $0x1082  }
0x22: {  	[simem:s7], [sflag:s8] =	dma.local @!p0 [hbm:s6], $0xF7A  }
0x23: {  	s9 =	sor.u32 $0xD0000000, s2;
	s6 =	simm.s32 $0x108;
	_ =	swait.ge @!p0 [sflag:s8], $0x0  }
0x24: {  	s3 =	sadd.s32 $0x88, s3;
	s6 =	simm.s32 @!p1 $0x1082;
	[sflag:s4] =	ssyncset.s32 $0xFFFFF086  }
0x25: {  	[simem:s6], [sflag:s4] =	dma.local [hbm:s3], $0xF7A  }
0x26: {  	[smem:$0x3F90] =	sst s1;
	(tag) =	ssettag s2;
	_ =	strace s9  }
0x27: {  	s1 =	sld [smem:$0x3FA0]  }
0x28: {  	s2 =	sld [smem:$0x3FA1]  }
0x29: {  	s4 =	sld [smem:$0x3FA3]  }
0x2a: {  	p0 =	seq.s32 s5, $0x0;
	s5 =	sld [smem:$0x3FA4]  }
0x2b: {  	s6 =	sld [smem:$0x3FA5]  }
0x2c: {  	s7 =	sld [smem:$0x3FA6]  }
0x2d: {  	s3 =	simm.s32 $0x108;
	s8 =	sld [smem:$0x3FA7]  }
0x2e: {  	s3 =	simm.s32 @!p0 $0x1082;
	s9 =	sld [smem:$0x3FA8]  }
0x2f: {  	lr =	sadd.s32 s0, s3;
	s0 =	sld [smem:$0x3F9F]  }
0x30: {  	s3 =	sld [smem:$0x3FA2]  }
0x31: {  	[smem:$0x3FAB] =	sst s10  }
0x32: {  	s10 =	sld [smem:$0x3FA9];
	_ =	sdelay $0x3  }
0x33: {  	p0 =	seq.s32 s10, $0x1;
	s10 =	sld [smem:$0x3FAB];
	_ =	sdelay $0x3  }
0x34: {  	[smem:$0x3FAB] =	sst s10  }
0x35: {  	s10 =	sld [smem:$0x3FAA];
	_ =	sdelay $0x3  }
0x36: {  	p1 =	seq.s32 s10, $0x1;
	s10 =	sld [smem:$0x3FAB];
	_ =	sdelay $0x3  }
0x37: {  	[smem:$0x3FAB] =	sst s10  }
0x38: {  	s10 =	sld [smem:$0x3FAC]  }
0x39: {  	_ = 	snop;
	(pc) =	sbr.ind lr, $3  }
0x3a: {  	_ = 	snop  }
0x3b: {  	_ = 	snop  }
0x3c: {  	p2 =	seq.s32 s10, $0x1;
	s10 =	sld [smem:$0x3FAB]  }
0x3d: {  	_ =	shalt  }
0x3e: {  	_ =	shalt  }
0x3f: {  	_ =	shalt  }
0x40: {  	_ =	shalt  }
0x41: {  	_ =	shalt  }
0x42: {  	_ =	shalt  }
0x43: {  	_ =	shalt  }
0x44: {  	_ =	shalt  }
0x45: {  	_ =	shalt  }
0x46: {  	_ =	shalt  }
0x47: {  	_ =	shalt  }
0x48: {  	_ =	shalt  }
0x49: {  	_ =	shalt  }
0x4a: {  	_ =	shalt  }
0x4b: {  	_ =	shalt  }
0x4c: {  	_ =	shalt  }
0x4d: {  	_ =	shalt  }
0x4e: {  	_ =	shalt  }
0x4f: {  	_ =	shalt  }
0x50: {  	_ =	shalt  }
0x51: {  	_ =	shalt  }
0x52: {  	_ =	shalt  }
0x53: {  	_ =	shalt  }
0x54: {  	_ =	shalt  }
0x55: {  	_ =	shalt  }
0x56: {  	_ =	shalt  }
0x57: {  	_ =	shalt  }
0x58: {  	_ =	shalt  }
0x59: {  	_ =	shalt  }
0x5a: {  	_ =	shalt  }
0x5b: {  	_ =	shalt  }
0x5c: {  	_ =	shalt  }
0x5d: {  	_ =	shalt  }
0x5e: {  	_ =	shalt  }
0x5f: {  	_ =	shalt  }
0x60: {  	_ =	shalt  }
0x61: {  	_ =	shalt  }
0x62: {  	_ =	shalt  }
0x63: {  	_ =	shalt  }
0x64: {  	_ =	shalt  }
0x65: {  	_ =	shalt  }
0x66: {  	_ =	shalt  }
0x67: {  	_ =	shalt  }
0x68: {  	_ =	shalt  }
0x69: {  	_ =	shalt  }
0x6a: {  	_ =	shalt  }
0x6b: {  	_ =	shalt  }
0x6c: {  	_ =	shalt  }
0x6d: {  	_ =	shalt  }
0x6e: {  	_ =	shalt  }
0x6f: {  	_ =	shalt  }
0x70: {  	_ =	shalt  }
0x71: {  	_ =	shalt  }
0x72: {  	_ =	shalt  }
0x73: {  	_ =	shalt  }
0x74: {  	_ =	shalt  }
0x75: {  	_ =	shalt  }
0x76: {  	_ =	shalt  }
0x77: {  	_ =	shalt  }
0x78: {  	_ =	shalt  }
0x79: {  	_ =	shalt  }
0x7a: {  	_ =	shalt  }
0x7b: {  	_ =	shalt  }
0x7c: {  	_ =	shalt  }
0x7d: {  	_ =	shalt  }
0x7e: {  	_ =	shalt  }
0x7f: {  	_ =	shalt  }
0x80: {  	_ =	shalt  }
0x81: {  	_ =	shalt  }
0x82: {  	_ =	shalt  }
0x83: {  	_ =	shalt  }
0x84: {  	_ =	shalt  }
0x85: {  	_ =	shalt  }
0x86: {  	_ =	shalt  }
0x87: {  	_ =	shalt  }
.Lfunc_end0:
.L_simem_size_0:
called_computation.1_lowered:
.L_overlay_start_0:
0x88: {  	s2 =	sld [smem:$0x3FD9]  }
0x89: {  	s3 =	sld [smem:$0x3FFE];
	_ =	sdelay $0x1  }
0x8a: {  	s1 =	srdreg.scid  }
0x8b: {  	s0 =	sand.u32 $0x1, s1  }
0x8c: {  	s15 =	sshll.u32 s0, $0xA;
	s2 =	sadd.s32 s3, s2  }
0x8d: {  	s2 =	sadd.s32 s2, s15  }
0x8e: {  	[smem:$0x3FB7] =	sst s2  }
0x8f: {  	_ = 	snop  }
0x90: {  	s2 =	sld [smem:$0x3FD0];
	_ =	sdelay $0x2  }
0x91: {  	s16 =	simm.s32 $0xD;
	s4 =	simm.s32 $0x10  }
0x92: {  	[smem:s4], [sflag:s16] =	dma.local [hbm:s2], $0x1  }
0x93: {  	_ =	swait.eq [sflag:s16], $0x1  }
0x94: {  	[sflag:s16] =	ssyncset.done $0x0  }
0x95: {  	[sflag:s16] =	ssyncadd.s32 $0xFFFFFFFF  }
0x96: {  	s17 =	sld [smem:$0x10];
	(tm) =	ssettm $0x1  }
0x97: {  	s18 =	sld [smem:$0x3FFB];
	_ =	sdelay $0x3  }
0x98: {  	_ =	strace s18  }
0x99: {  	s2 =	sld [smem:$0x3FFC];
	_ =	sdelay $0x3  }
0x9a: {  	_ =	strace s2  }
0x9b: {  	s2 =	sld [smem:$0x3FFD];
	_ =	sdelay $0x3  }
0x9c: {  	_ =	strace s2  }
0x9d: {  	_ =	strace $0x8FFFFFFF  }
0x9e: {  	s19 =	sld [smem:$0x3FDB];
	_ =	sdelay $0x1  }
0x9f: {  	s20 =	simm.s32 $_scs_section_size  }
0xa0: {  	s5 =	simm.s32 $_size__tile_overlayer_lowered;
	s6 =	simm.s32 $_tile_overlayer_lowered  }
0xa1: {  	s7 =	simm.s32 $0x1BFF;
	s21 =	sshll.u32 s6, $0x1;
	s4 =	sadd.s32 s20, s19  }
0xa2: {  	s22 =	simm.s32 $0x0;
	s5 =	sshll.u32 s5, $0x1;
	s6 =	sadd.s32 s21, s4  }
0xa3: {  	[timem:s22], [sflag:s7] =	dma.local [hbm:s6], s5  }
0xa4: {  	_ =	swait.ge [sflag:s7], s5  }
0xa5: {  	s5 =	ssub.s32 $0x0, s5;
	[sflag:s7] =	ssyncset.done $0x0  }
0xa6: {  	[sflag:s7] =	ssyncadd.s32 s5;
	_ =	sdelay $0x1  }
0xa7: {  	s23 =	simm.s32 $0x1B8B  }
0xa8: {  	_ =	swait.ge [sflag:s23], $0x1  }
0xa9: {  	[sflag:s23] =	ssyncset.done $0x0  }
0xaa: {  	[sflag:s23] =	ssyncadd.s32 $0xFFFFFFFF  }
0xab: {  	s5 =	sld [smem:$0x0]  }
0xac: {  	s6 =	sand.u32 $0xFFFFFFFE, s1  }
0xad: {  	p0 =	sne.s32 s1, s6  }
0xae: {  	s6 =	sshll.u32 @p0 s6, $0xE  }
0xaf: {  	s6 =	sadd.s32 @p0 $0x11B8D, s6;
	s7 =	sshll.u32 @p0 s5, $0x11  }
0xb0: {  	s6 =	sor.u32 @p0 s7, s6  }
0xb1: {  	[sflag:s6] =	ssyncadd.remote.s32 @p0 $0x1;
	_ =	sdelay $0x1  }
0xb2: {  	s6 =	simm.s32 @p0 $0x1B8D  }
0xb3: {  	_ =	swait.eq @p0 [sflag:s6], $0x1  }
0xb4: {  	[sflag:s6] =	ssyncadd.s32 @p0 $0xFFFFFFFF  }
0xb5: {  	s7 =	sshll.u32 @!p0 s1, $0xE  }
0xb6: {  	s7 =	sor.u32 @!p0 $0x4000, s7;
	s6 =	simm.s32 @!p0 $0x1B8D  }
0xb7: {  	s5 =	sshll.u32 @!p0 s5, $0x11;
	s7 =	sadd.s32 @!p0 $0x11B8D, s7;
	_ =	swait.eq @!p0 [sflag:s6], $0x1  }
0xb8: {  	s5 =	sor.u32 @!p0 s5, s7;
	[sflag:s6] =	ssyncadd.s32 @!p0 $0xFFFFFFFF  }
0xb9: {  	s25 =	simm.s32 $0x1B8E;
	s24 =	sld [smem:$0x3FFE];
	[sflag:s5] =	ssyncadd.remote.s32 @!p0 $0x1  }
0xba: {  	s26 =	simm.s32 $execute0_lowered;
	[smem:$0x3FD2] =	sst s25  }
0xbb: {  	s6 =	sshll.u32 s26, $0x1;
	_ =	strace $0x8000004C;
	[dreg:$0x1] =	wrdreg $0xFFFFFFFF  }
0xbc: {  	s28 =	simm.s32 $_size_execute0_lowered;
	s4 =	sadd.s32 s4, s6;
	[dreg:$0x0] =	wrdreg $0x0  }
0xbd: {  	s6 =	sshll.u32 s28, $0x1;
	[dreg:$0x2] =	wrdreg s4  }
0xbe: {  	[dreg:$0x3] =	wrdreg s6  }
0xbf: {  	[dreg:$0x4] =	wrdreg $0xC0  }
0xc0: {  	_ =	task [dreg:s22], $0x5FFFF  }
0xc1: {  	[dreg:$0x1] =	wrdreg $0xFFFFFFFF  }
0xc2: {  	[dreg:$0x0] =	wrdreg $0x60  }
0xc3: {  	[dreg:$0x2] =	wrdreg s24  }
0xc4: {  	[dreg:$0x3] =	wrdreg s17  }
0xc5: {  	[dreg:$0x4] =	wrdreg $0xA8000  }
0xc6: {  	[dreg:$0x5] =	wrdreg $0x9  }
0xc7: {  	_ =	task.clear_ibuf [dreg:s22], $0x6FFFF;
	_ =	strace $0x9000004C  }
0xc8: {  	s29 =	simm.s32 $0x9;
	_ =	strace $0x8000004E  }
0xc9: {  	_ =	swait.ge [sflag:s29], $0x1  }
0xca: {  	[sflag:s29] =	ssyncadd.s32 $0xFFFFFFFF  }
0xcb: {  	_ =	strace $0x9000004E  }
0xcc: {  	_ =	sfence  }
0xcd: {  	s30 =	sld [smem:$0x0];
	_ =	sdelay $0x2  }
0xce: {  	s31 =	sshll.u32 s1, $0xD;
	s1 =	sshrl.u32 s1, $0x2  }
0xcf: {  	s4 =	sand.u32 $0x4000, s31;
	s1 =	sadd.s32 s1, s30  }
0xd0: {  	s0 =	sor.u32 s4, s0;
	s1 =	sshll.u32 s1, $0x11  }
0xd1: {  	s0 =	sor.u32 s1, s0  }
0xd2: {  	s0 =	sadd.s32 $0x8F2B, s0  }
0xd3: {  	[sflag:s0] =	ssyncadd.remote.s32 $0x1  }
0xd4: {  	_ =	sfence.sel $0xFFFF  }
0xd5: {  	[dreg:$0x0] =	wrdreg $0xFFFFFFFF;
	(pc) =	sbr.abs _section_cstart, $3  }
0xd6: {  	[dreg:$0x1] =	wrdreg $0xFFFFFFFF  }
0xd7: {  	_ =	task.clear_ibuf [dreg:s22], $0x2FFFF;
	_ =	strace $0x9FFFFFFF  }
0xd8: {  	(tm) =	ssettm $0x7FFFFFFF  }
0xd9: {  	_ =	shalt  }
tec
execute0_lowered:
.L_overlay_start_1:
0x0: {  	(tag) =	ssettag $0x1  }
0x1: {  	s8 =	rddreg [dreg:$0x0]  }
0x2: {  	s0 =	srdreg.scid;
	s6 =	rddreg [dreg:$0x1]  }
0x3: {  	s13 =	stileid.u32;
	s1 =	rddreg [dreg:$0x2];
	s2 =	simm.s32 $0x0  }
0x4: {  	s17 =	simm.s32 $0x2800;
	s18 =	simm.s32 $0x1;
	s19 =	simm.s32 $0x6800  }
0x5: {  	s20 =	simm.s32 $0x2;
	s21 =	simm.s32 $0x1380;
	s22 =	simm.s32 $0x2700  }
0x6: {  	s23 =	simm.s32 $0x2780;
	s24 =	simm.s32 $0x0;
	s5 =	sand.u32 $0x1, s0  }
0x7: {  	[smem:$0x7FF] =	sst s2;
	s4 =	sadd.s32 $0x2B600, s8;
	s10 =	smul.u32 $0x4E000, s13  }
0x8: {  	s16 =	sadd.s32 $0x138000, s1;
	p0 =	sne.s32 s13, $0x0;
	s0 =	sshll.u32 s5, $0x4  }
0x9: {  	s9 =	smul.u32 $0x27100, s5;
	s5 =	ssub.s32 $0x2, s5;
	s3 =	sor.u32 s13, s0  }
0xa: {  	s0 =	rddreg [dreg:$0x3];
	_ =	strace $0x8000004D;
	s7 =	smul.u32 $0x280, s3  }
0xb: {  	s14 =	sshrl.u32 s5, $0x1;
	s10 =	sshrl.u32 s10, $0x2;
	s3 =	smul.u32 $0x2700, s13  }
0xc: {  	s9 =	sadd.s32 s9, s8;
	s14 =	ssub.s32 s5, s14;
	s15 =	sadd.s32 s10, s1  }
0xd: {  	s13 =	sshll.u32 s13, $0x6;
	s9 =	sadd.s32 $0xDC200, s9;
	s10 =	smax.u32 s14, $0x1  }
0xe: {  	s13 =	sor.u32 $0x1C03, s13;
	s14 =	sshrl.u32 s15, $0x3;
	s15 =	sshrl.u32 @!p0 s16, $0x3  }
0xf: {  	s16 =	simm.s32 $0x7D;
	s11 =	sadd.s32 s7, s8;
	s12 =	sadd.s32 s3, s8  }
0x10: {  	s6 =	sadd.s32 s6, s7;
	s8 =	sadd.s32 $0x2B400, s8;
	s5 =	sadd.s32 $0x7A000, s11  }
0x11: {  	s7 =	sadd.s32 $0x4400, s12;
	s11 =	simm.s32 $0x3;
	s12 =	simm.s32 $0x1400  }
.LBB2_1:
0x12: {  	[tilespmem:s2], [sflag:$0x3] =	stream.linear.gather [hbm4b:s5+s2], $0x1400, $0x38;
	[tilespmem:$0x1E080] =	vst v63  }
0x13: {  	_ =	swait.ge [sflag:s11], $0x1400  }
0x14: {  	[sflag:s11] =	ssyncset.done $0x0  }
0x15: {  	[sflag:s11] =	ssyncadd.s32 $0xFFFFEC00  }
0x16: {  	[tilespmem:s12], [sflag:$0x3] =	stream.linear.gather [hbm4b:s6+s2], $0x1400, $0x38;
	[tilespmem:$0x1E080] =	vst v63  }
0x17: {  	_ =	swait.ge [sflag:s11], $0x1400  }
0x18: {  	[sflag:s11] =	ssyncset.done $0x0  }
0x19: {  	[sflag:s11] =	ssyncadd.s32 $0xFFFFEC00  }
0x1a: {  	[spmem:s14], [sflag:s13] =	dma.local [hbm:s7], $0x2700  }
0x1b: {  	_ =	swait.ge [sflag:s11], $0x2700  }
0x1c: {  	[sflag:s11] =	ssyncset.done $0x0  }
0x1d: {  	s25 =	simm.s32 @!p0 $0x3;
	[sflag:s11] =	ssyncadd.s32 $0xFFFFD900  }
0x1e: {  	[spmem:s15], [sflag:s13] =	dma.local @!p0 [hbm:s8], $0x100  }
0x1f: {  	_ =	swait.ge @!p0 [sflag:s25], $0x100  }
0x20: {  	[sflag:s25] =	ssyncset.done @!p0 $0x0  }
0x21: {  	[sflag:s25] =	ssyncadd.s32 @!p0 $0xFFFFFF00  }
0x22: {  	[bflag:$0x0] =	sbarrier.arrive $0xFFFF  }
0x23: {  	[tilespmem:s17], [sflag:$0x1] =	stream.indirect.gather [hbm4b:s4+s16], $0x80, s2, s16, $0xb8;
	[tilespmem:$0x1E080] =	vst v63  }
0x24: {  	_ =	swait.ge [sflag:s18], $0x3E80  }
0x25: {  	[sflag:s18] =	ssyncset.done $0x0  }
0x26: {  	s28 =	simm.s32 $0x80;
	[sflag:s18] =	ssyncadd.s32 $0xFFFFC180  }
0x27: {  	[tilespmem:s19], [sflag:$0x2] =	stream.indirect.gather [hbm4b:s4+s16], $0x80, s28, s16, $0xb8;
	[tilespmem:$0x1E080] =	vst v63  }
0x28: {  	s29 =	simm.s32 $0x1400  }
0x29: {  	[spmem:s1] =	stream.indirect.scatter.add.f32 [tilespmem:s17], [sflag:$0x3], $0x80, s29, s16, $0xb8;
	[tilespmem:$0x1E080] =	vst v63  }
0x2a: {  	_ =	swait.ge [sflag:s11], $0x3E80  }
0x2b: {  	[sflag:s11] =	ssyncset.done $0x0  }
0x2c: {  	[sflag:s11] =	ssyncadd.s32 $0xFFFFC180  }
0x2d: {  	_ =	swait.ge [sflag:s20], $0x3E80  }
0x2e: {  	[sflag:s20] =	ssyncset.done $0x0  }
0x2f: {  	s30 =	simm.s32 $0x100;
	[sflag:s20] =	ssyncadd.s32 $0xFFFFC180  }
0x30: {  	[tilespmem:s17], [sflag:$0x1] =	stream.indirect.gather [hbm4b:s4+s16], $0x80, s30, s16, $0xb8;
	[tilespmem:$0x1E080] =	vst v63  }
0x31: {  	s31 =	simm.s32 $0x1480  }
0x32: {  	[spmem:s1] =	stream.indirect.scatter.add.f32 [tilespmem:s19], [sflag:$0x3], $0x80, s31, s16, $0xb8;
	[tilespmem:$0x1E080] =	vst v63  }
0x33: {  	_ =	swait.ge [sflag:s11], $0x3E80  }
0x34: {  	s25 =	simm.s32 $0x400;
	[sflag:s11] =	ssyncset.done $0x0  }
.LBB2_2:
0x35: {  	p1 =	sne.s32 s25, $0x4800  }
0x36: {  	[sflag:s11] =	ssyncadd.s32 $0xFFFFC180;
	s26 =	smov.u32 s25;
	s25 =	sadd.s32 $0x400, s25  }
0x37: {  	_ = 	snop  }
0x38: {  	_ =	swait.ge [sflag:s18], $0x3E80  }
0x39: {  	s26 =	sshra.s32 s26, $0x2;
	[sflag:s18] =	ssyncset.done $0x0  }
0x3a: {  	s28 =	sadd.s32 $0x80, s26;
	[sflag:s18] =	ssyncadd.s32 $0xFFFFC180  }
0x3b: {  	[tilespmem:s19], [sflag:$0x2] =	stream.indirect.gather [hbm4b:s4+s16], $0x80, s28, s16, $0xb8;
	[tilespmem:$0x1E080] =	vst v63  }
0x3c: {  	s28 =	sadd.s32 $0x1400, s26  }
0x3d: {  	[spmem:s1] =	stream.indirect.scatter.add.f32 [tilespmem:s17], [sflag:$0x3], $0x80, s28, s16, $0xb8;
	[tilespmem:$0x1E080] =	vst v63  }
0x3e: {  	_ =	swait.ge [sflag:s11], $0x3E80  }
0x3f: {  	[sflag:s11] =	ssyncset.done $0x0  }
0x40: {  	[sflag:s11] =	ssyncadd.s32 $0xFFFFC180  }
0x41: {  	_ =	swait.ge [sflag:s20], $0x3E80  }
0x42: {  	[sflag:s20] =	ssyncset.done $0x0  }
0x43: {  	s28 =	sadd.s32 $0x100, s26;
	[sflag:s20] =	ssyncadd.s32 $0xFFFFC180  }
0x44: {  	[tilespmem:s17], [sflag:$0x1] =	stream.indirect.gather [hbm4b:s4+s16], $0x80, s28, s16, $0xb8;
	[tilespmem:$0x1E080] =	vst v63  }
.Ltmp0:
0x45: {  	_ = 	snop;
	(pc) =	sbr.rel @p1 .LBB2_2-.Ltmp0, $4  }
0x46: {  	s26 =	sadd.s32 $0x1480, s26  }
0x47: {  	[spmem:s1] =	stream.indirect.scatter.add.f32 [tilespmem:s19], [sflag:$0x3], $0x80, s26, s16, $0xb8;
	[tilespmem:$0x1E080] =	vst v63  }
0x48: {  	_ =	swait.ge [sflag:s11], $0x3E80  }
0x49: {  	[sflag:s11] =	ssyncset.done $0x0  }
0x4a: {  	[sflag:s11] =	ssyncadd.s32 $0xFFFFC180  }
0x4b: {  	_ =	swait.ge [sflag:s18], $0x3E80  }
0x4c: {  	[sflag:s18] =	ssyncset.done $0x0  }
0x4d: {  	[sflag:s18] =	ssyncadd.s32 $0xFFFFC180  }
0x4e: {  	[tilespmem:s19], [sflag:$0x2] =	stream.indirect.gather [hbm4b:s4+s16], $0x80, s21, s16, $0xb8;
	[tilespmem:$0x1E080] =	vst v63  }
0x4f: {  	_ = 	snop  }
0x50: {  	[spmem:s1] =	stream.indirect.scatter.add.f32 [tilespmem:s17], [sflag:$0x3], $0x80, s22, s16, $0xb8;
	[tilespmem:$0x1E080] =	vst v63  }
0x51: {  	_ =	swait.ge [sflag:s11], $0x3E80  }
0x52: {  	[sflag:s11] =	ssyncset.done $0x0  }
0x53: {  	[sflag:s11] =	ssyncadd.s32 $0xFFFFC180  }
0x54: {  	_ =	swait.ge [sflag:s20], $0x3E80  }
0x55: {  	[sflag:s20] =	ssyncset.done $0x0  }
0x56: {  	[sflag:s20] =	ssyncadd.s32 $0xFFFFC180  }
0x57: {  	[spmem:s1] =	stream.indirect.scatter.add.f32 [tilespmem:s19], [sflag:$0x3], $0x80, s23, s16, $0xb8;
	[tilespmem:$0x1E080] =	vst v63  }
0x58: {  	_ =	swait.ge [sflag:s11], $0x3E80  }
0x59: {  	[sflag:s11] =	ssyncset.done $0x0  }
0x5a: {  	[sflag:s11] =	ssyncadd.s32 $0xFFFFC180  }
0x5b: {  	s25 =	sadd.s32 s3, s9;
	[bflag:$0x0] =	sbarrier.arrive $0xFFFF  }
0x5c: {  	[hbm:s25], [sflag:s13] =	dma.local [spmem:s14], $0x2700  }
0x5d: {  	_ =	swait.ge [sflag:s11], $0x2700  }
0x5e: {  	s24 =	sadd.s32 $0x1, s24;
	[sflag:s11] =	ssyncset.done $0x0  }
0x5f: {  	p1 =	sne.s32 s24, s10;
	s25 =	sadd.s32 @!p0 $0x27000, s9;
	[sflag:s11] =	ssyncadd.s32 $0xFFFFD900  }
0x60: {  	[hbm:s25], [sflag:s13] =	dma.local @!p0 [spmem:s15], $0x100  }
.Ltmp1:
0x61: {  	_ = 	snop;
	(pc) =	sbr.rel @p1 .LBB2_1-.Ltmp1, $4  }
0x62: {  	s25 =	simm.s32 @!p0 $0x3  }
0x63: {  	_ =	swait.ge @!p0 [sflag:s25], $0x100  }
0x64: {  	[sflag:s25] =	ssyncset.done @!p0 $0x0  }
0x65: {  	[sflag:s25] =	ssyncadd.s32 @!p0 $0xFFFFFF00  }
0x66: {  	_ =	sfence.sel $0x180000  }
0x67: {  	[bflag:$0x0] =	sbarrier.arrive $0xFFFF  }
0x68: {  	_ =	strace $0x9000004D  }
0x69: {  	s0 =	sadd.s32 @!p0 $0x100000, s0;
	[bflag:$0x2] =	sbarrier.arrive $0xFFFF  }
0x6a: {  	[sflag:s0] =	ssyncadd.tile.s32 @!p0 $0x1;
	_ =	shalt  }
.Lfunc_end2:
_tile_overlayer_lowered:
.L_overlay_start_2:
0x6b: {  	(tag) =	ssettag $0x2  }
0x6c: {  	s0 =	rddreg [dreg:$0x0];
	s2 =	stileid.u32  }
0x6d: {  	s1 =	rddreg [dreg:$0x1];
	p0 =	sne.s32 s2, $0x0  }
0x6e: {  	s3 =	rddreg [dreg:$0x2];
	[bflag:$0x3] =	sbarrier.arrive $0xFFFF;
	s2 =	simm.s32 @!p0 $0x1C03  }
0x6f: {  	[timem:s3], [sflag:s2] =	dma.local @!p0 [hbm:s0], s1  }
0x70: {  	s0 =	simm.s32 @!p0 $0x3  }
0x71: {  	_ =	swait.ge @!p0 [sflag:s0], s1  }
0x72: {  	s1 =	ssub.s32 @!p0 $0x0, s1;
	[sflag:s0] =	ssyncset.done @!p0 $0x0  }
0x73: {  	[sflag:s0] =	ssyncadd.s32 @!p0 s1  }
0x74: {  	[bflag:$0x3] =	sbarrier.arrive $0xFFFF  }
0x75: {  	_ =	shalt  }

// kernel: kernel.21.cloned.1.call-start
scs
__scs_entry_jumppad:
0x0: {  	(pc) =	sbr.rel $0x88, $3  }
0x1: {  	(tag) =	ssettag $0x0;
	lr =	simm.s32 $0x1  }
0x2: {  	[smem:$0x3F90] =	sst lr;
	_ =	strace $0xD0000000  }
0x3: {  	_ = 	snop  }
0x4: {  	_ = 	snop  }
0x5: {  	_ = 	snop  }
0x6: {  	_ = 	snop  }
0x7: {  	_ = 	snop  }
__scs_overlays_trampoline_lowered:
0x8: {  	[smem:$0x3F9F] =	sst s0  }
0x9: {  	[smem:$0x3FA0] =	sst s1  }
0xa: {  	[smem:$0x3FA1] =	sst s2  }
0xb: {  	[smem:$0x3FA2] =	sst s3  }
0xc: {  	[smem:$0x3FA3] =	sst s4  }
0xd: {  	[smem:$0x3FA4] =	sst s5  }
0xe: {  	[smem:$0x3FA5] =	sst s6  }
0xf: {  	[smem:$0x3FA6] =	sst s7  }
0x10: {  	[smem:$0x3FA7] =	sst s8  }
0x11: {  	[smem:$0x3FA8] =	sst s9;
	s0 =	simm.s32 @!p0 $0x0  }
0x12: {  	s1 =	sld [smem:$0x3F8E];
	s0 =	simm.s32 @p0 $0x1  }
0x13: {  	[smem:$0x3FA9] =	sst s0;
	s0 =	simm.s32 @!p1 $0x0  }
0x14: {  	s2 =	sld [smem:$0x3F8D];
	s0 =	simm.s32 @p1 $0x1  }
0x15: {  	[smem:$0x3FAA] =	sst s0;
	s0 =	simm.s32 @!p2 $0x0  }
0x16: {  	s3 =	sld [smem:$0x3FDB];
	s0 =	simm.s32 @p2 $0x1  }
0x17: {  	s4 =	simm.s32 $0x1BF5;
	[smem:$0x3FAC] =	sst s0  }
0x18: {  	s0 =	sld [smem:$0x3F8F];
	_ =	swait.ge [sflag:s4], $0x0  }
0x19: {  	s7 =	sld [smem:$0x3F90]  }
0x1a: {  	s8 =	sadd.s32 $0xFFFFE003, lr  }
0x1b: {  	s9 =	sadd.s32 $0xFFFFFEF7, lr;
	s5 =	simm.s32 $0xFFFFFFFF;
	p2 =	slt.u32 s8, $0xFFFFF086  }
0x1c: {  	p1 =	slt.u32 s9, $0xF7A;
	s5 =	simm.s32 @!p2 $0x0  }
0x1d: {  	s5 =	simm.s32 @p1 $0x1;
	p0 =	seq.s32 s7, s2  }
0x1e: {  	s7 =	smul.u32 @!p0 $0xF7A, s2;
	p2 =	seq.s32 @!p0 s5, $0x0  }
0x1f: {  	s9 =	smul.u32 $0xF7A, s1;
	s8 =	simm.s32 @!p0 $0x1BF5;
	p2 =	por !p2, p0  }
0x20: {  	[sflag:s8] =	ssyncset.s32 @!p0 $0xFFFFF086;
	s6 =	sadd.s32 @!p0 s3, s7;
	s7 =	simm.s32 @!p0 $0x108  }
0x21: {  	s3 =	sadd.s32 s3, s9;
	s6 =	sadd.s32 @!p0 $0x88, s6;
	s7 =	simm.s32 @p2 $0x1082  }
0x22: {  	[simem:s7], [sflag:s8] =	dma.local @!p0 [hbm:s6], $0xF7A  }
0x23: {  	s9 =	sor.u32 $0xD0000000, s2;
	s6 =	simm.s32 $0x108;
	_ =	swait.ge @!p0 [sflag:s8], $0x0  }
0x24: {  	s3 =	sadd.s32 $0x88, s3;
	s6 =	simm.s32 @!p1 $0x1082;
	[sflag:s4] =	ssyncset.s32 $0xFFFFF086  }
0x25: {  	[simem:s6], [sflag:s4] =	dma.local [hbm:s3], $0xF7A  }
0x26: {  	[smem:$0x3F90] =	sst s1;
	(tag) =	ssettag s2;
	_ =	strace s9  }
0x27: {  	s1 =	sld [smem:$0x3FA0]  }
0x28: {  	s2 =	sld [smem:$0x3FA1]  }
0x29: {  	s4 =	sld [smem:$0x3FA3]  }
0x2a: {  	p0 =	seq.s32 s5, $0x0;
	s5 =	sld [smem:$0x3FA4]  }
0x2b: {  	s6 =	sld [smem:$0x3FA5]  }
0x2c: {  	s7 =	sld [smem:$0x3FA6]  }
0x2d: {  	s3 =	simm.s32 $0x108;
	s8 =	sld [smem:$0x3FA7]  }
0x2e: {  	s3 =	simm.s32 @!p0 $0x1082;
	s9 =	sld [smem:$0x3FA8]  }
0x2f: {  	lr =	sadd.s32 s0, s3;
	s0 =	sld [smem:$0x3F9F]  }
0x30: {  	s3 =	sld [smem:$0x3FA2]  }
0x31: {  	[smem:$0x3FAB] =	sst s10  }
0x32: {  	s10 =	sld [smem:$0x3FA9];
	_ =	sdelay $0x3  }
0x33: {  	p0 =	seq.s32 s10, $0x1;
	s10 =	sld [smem:$0x3FAB];
	_ =	sdelay $0x3  }
0x34: {  	[smem:$0x3FAB] =	sst s10  }
0x35: {  	s10 =	sld [smem:$0x3FAA];
	_ =	sdelay $0x3  }
0x36: {  	p1 =	seq.s32 s10, $0x1;
	s10 =	sld [smem:$0x3FAB];
	_ =	sdelay $0x3  }
0x37: {  	[smem:$0x3FAB] =	sst s10  }
0x38: {  	s10 =	sld [smem:$0x3FAC]  }
0x39: {  	_ = 	snop;
	(pc) =	sbr.ind lr, $3  }
0x3a: {  	_ = 	snop  }
0x3b: {  	_ = 	snop  }
0x3c: {  	p2 =	seq.s32 s10, $0x1;
	s10 =	sld [smem:$0x3FAB]  }
0x3d: {  	_ =	shalt  }
0x3e: {  	_ =	shalt  }
0x3f: {  	_ =	shalt  }
0x40: {  	_ =	shalt  }
0x41: {  	_ =	shalt  }
0x42: {  	_ =	shalt  }
0x43: {  	_ =	shalt  }
0x44: {  	_ =	shalt  }
0x45: {  	_ =	shalt  }
0x46: {  	_ =	shalt  }
0x47: {  	_ =	shalt  }
0x48: {  	_ =	shalt  }
0x49: {  	_ =	shalt  }
0x4a: {  	_ =	shalt  }
0x4b: {  	_ =	shalt  }
0x4c: {  	_ =	shalt  }
0x4d: {  	_ =	shalt  }
0x4e: {  	_ =	shalt  }
0x4f: {  	_ =	shalt  }
0x50: {  	_ =	shalt  }
0x51: {  	_ =	shalt  }
0x52: {  	_ =	shalt  }
0x53: {  	_ =	shalt  }
0x54: {  	_ =	shalt  }
0x55: {  	_ =	shalt  }
0x56: {  	_ =	shalt  }
0x57: {  	_ =	shalt  }
0x58: {  	_ =	shalt  }
0x59: {  	_ =	shalt  }
0x5a: {  	_ =	shalt  }
0x5b: {  	_ =	shalt  }
0x5c: {  	_ =	shalt  }
0x5d: {  	_ =	shalt  }
0x5e: {  	_ =	shalt  }
0x5f: {  	_ =	shalt  }
0x60: {  	_ =	shalt  }
0x61: {  	_ =	shalt  }
0x62: {  	_ =	shalt  }
0x63: {  	_ =	shalt  }
0x64: {  	_ =	shalt  }
0x65: {  	_ =	shalt  }
0x66: {  	_ =	shalt  }
0x67: {  	_ =	shalt  }
0x68: {  	_ =	shalt  }
0x69: {  	_ =	shalt  }
0x6a: {  	_ =	shalt  }
0x6b: {  	_ =	shalt  }
0x6c: {  	_ =	shalt  }
0x6d: {  	_ =	shalt  }
0x6e: {  	_ =	shalt  }
0x6f: {  	_ =	shalt  }
0x70: {  	_ =	shalt  }
0x71: {  	_ =	shalt  }
0x72: {  	_ =	shalt  }
0x73: {  	_ =	shalt  }
0x74: {  	_ =	shalt  }
0x75: {  	_ =	shalt  }
0x76: {  	_ =	shalt  }
0x77: {  	_ =	shalt  }
0x78: {  	_ =	shalt  }
0x79: {  	_ =	shalt  }
0x7a: {  	_ =	shalt  }
0x7b: {  	_ =	shalt  }
0x7c: {  	_ =	shalt  }
0x7d: {  	_ =	shalt  }
0x7e: {  	_ =	shalt  }
0x7f: {  	_ =	shalt  }
0x80: {  	_ =	shalt  }
0x81: {  	_ =	shalt  }
0x82: {  	_ =	shalt  }
0x83: {  	_ =	shalt  }
0x84: {  	_ =	shalt  }
0x85: {  	_ =	shalt  }
0x86: {  	_ =	shalt  }
0x87: {  	_ =	shalt  }
.Lfunc_end0:
.L_simem_size_0:
called_computation.2_lowered:
.L_overlay_start_0:
0x88: {  	s2 =	sld [smem:$0x3FD9]  }
0x89: {  	s3 =	sld [smem:$0x3FFE];
	_ =	sdelay $0x1  }
0x8a: {  	s1 =	srdreg.scid  }
0x8b: {  	s0 =	sand.u32 $0x1, s1  }
0x8c: {  	s14 =	sshll.u32 s0, $0xA;
	s2 =	sadd.s32 s3, s2  }
0x8d: {  	s2 =	sadd.s32 s2, s14  }
0x8e: {  	[smem:$0x3FB7] =	sst s2  }
0x8f: {  	_ = 	snop  }
0x90: {  	s2 =	sld [smem:$0x3FD0];
	_ =	sdelay $0x2  }
0x91: {  	s15 =	simm.s32 $0xD;
	s4 =	simm.s32 $0x10  }
0x92: {  	[smem:s4], [sflag:s15] =	dma.local [hbm:s2], $0x1  }
0x93: {  	_ =	swait.eq [sflag:s15], $0x1  }
0x94: {  	[sflag:s15] =	ssyncset.done $0x0  }
0x95: {  	[sflag:s15] =	ssyncadd.s32 $0xFFFFFFFF  }
0x96: {  	s16 =	sld [smem:$0x10];
	(tm) =	ssettm $0x1  }
0x97: {  	s17 =	sld [smem:$0x3FFB];
	_ =	sdelay $0x3  }
0x98: {  	_ =	strace s17  }
0x99: {  	s3 =	sld [smem:$0x3FFC];
	_ =	sdelay $0x3  }
0x9a: {  	_ =	strace s3  }
0x9b: {  	s3 =	sld [smem:$0x3FFD];
	_ =	sdelay $0x3  }
0x9c: {  	_ =	strace s3  }
0x9d: {  	_ =	strace $0x8FFFFFFF  }
0x9e: {  	s18 =	sld [smem:$0x3FDB];
	_ =	sdelay $0x1  }
0x9f: {  	s19 =	simm.s32 $_scs_section_size  }
0xa0: {  	s5 =	simm.s32 $_size__tile_overlayer_lowered;
	s6 =	simm.s32 $_tile_overlayer_lowered  }
0xa1: {  	s22 =	simm.s32 $0x1BFF;
	s21 =	sshll.u32 s6, $0x1;
	s3 =	sadd.s32 s19, s18  }
0xa2: {  	s7 =	simm.s32 $0x0;
	s20 =	sshll.u32 s5, $0x1;
	s5 =	sadd.s32 s21, s3  }
0xa3: {  	[timem:s7], [sflag:s22] =	dma.local [hbm:s5], s20  }
0xa4: {  	_ =	swait.ge [sflag:s22], s20  }
0xa5: {  	s4 =	ssub.s32 $0x0, s20;
	[sflag:s22] =	ssyncset.done $0x0  }
0xa6: {  	[sflag:s22] =	ssyncadd.s32 s4;
	_ =	sdelay $0x1  }
0xa7: {  	s23 =	simm.s32 $0x1B8B  }
0xa8: {  	_ =	swait.ge [sflag:s23], $0x1  }
0xa9: {  	[sflag:s23] =	ssyncset.done $0x0  }
0xaa: {  	s25 =	simm.s32 $0x1B8E;
	s24 =	sld [smem:$0x3FFE];
	[sflag:s23] =	ssyncadd.s32 $0xFFFFFFFF  }
0xab: {  	s26 =	simm.s32 $execute0_lowered;
	[smem:$0x3FD2] =	sst s25  }
0xac: {  	s5 =	sshll.u32 s26, $0x1;
	_ =	strace $0x80000049;
	[dreg:$0x1] =	wrdreg $0xFFFFFFFF  }
0xad: {  	s28 =	simm.s32 $_size_execute0_lowered;
	s3 =	sadd.s32 s3, s5;
	[dreg:$0x0] =	wrdreg $0x0  }
0xae: {  	s5 =	sshll.u32 s28, $0x1;
	[dreg:$0x2] =	wrdreg s3  }
0xaf: {  	[dreg:$0x3] =	wrdreg s5  }
0xb0: {  	[dreg:$0x4] =	wrdreg $0xC0  }
0xb1: {  	_ =	task [dreg:s7], $0x5FFFF  }
0xb2: {  	[dreg:$0x1] =	wrdreg $0xFFFFFFFF  }
0xb3: {  	[dreg:$0x0] =	wrdreg $0x60  }
0xb4: {  	[dreg:$0x2] =	wrdreg s24  }
0xb5: {  	[dreg:$0x3] =	wrdreg s16  }
0xb6: {  	[dreg:$0x4] =	wrdreg $0xA8000  }
0xb7: {  	[dreg:$0x5] =	wrdreg $0xA  }
0xb8: {  	_ =	task.clear_ibuf [dreg:s7], $0x6FFFF;
	_ =	strace $0x90000049  }
0xb9: {  	s29 =	simm.s32 $0xA;
	_ =	strace $0x8000004B  }
0xba: {  	_ =	swait.ge [sflag:s29], $0x1  }
0xbb: {  	[sflag:s29] =	ssyncadd.s32 $0xFFFFFFFF  }
0xbc: {  	_ =	strace $0x9000004B  }
0xbd: {  	_ =	sfence  }
0xbe: {  	s30 =	sld [smem:$0x0];
	_ =	sdelay $0x2  }
0xbf: {  	s31 =	sshll.u32 s1, $0xD;
	s1 =	sshrl.u32 s1, $0x2  }
0xc0: {  	s3 =	sand.u32 $0x4000, s31;
	s1 =	sadd.s32 s1, s30  }
0xc1: {  	s0 =	sor.u32 s3, s0;
	s1 =	sshll.u32 s1, $0x11  }
0xc2: {  	s0 =	sor.u32 s1, s0  }
0xc3: {  	s0 =	sadd.s32 $0x8F2B, s0  }
0xc4: {  	[sflag:s0] =	ssyncadd.remote.s32 $0x1  }
0xc5: {  	_ =	sfence.sel $0xFFFF  }
0xc6: {  	[dreg:$0x0] =	wrdreg $0xFFFFFFFF;
	(pc) =	sbr.abs _section_cstart, $3  }
0xc7: {  	[dreg:$0x1] =	wrdreg $0xFFFFFFFF  }
0xc8: {  	_ =	task.clear_ibuf [dreg:s7], $0x2FFFF;
	_ =	strace $0x9FFFFFFF  }
0xc9: {  	(tm) =	ssettm $0x7FFFFFFF  }
tec
execute0_lowered:
.L_overlay_start_1:
0x0: {  	(tag) =	ssettag $0x1  }
0x1: {  	s8 =	rddreg [dreg:$0x0]  }
0x2: {  	s0 =	srdreg.scid;
	s6 =	rddreg [dreg:$0x1]  }
0x3: {  	s13 =	stileid.u32;
	s1 =	rddreg [dreg:$0x2];
	s2 =	simm.s32 $0x0  }
0x4: {  	s17 =	simm.s32 $0x2800;
	s18 =	simm.s32 $0x1;
	s19 =	simm.s32 $0x6800  }
0x5: {  	s20 =	simm.s32 $0x2;
	s21 =	simm.s32 $0x1380;
	s22 =	simm.s32 $0x2700  }
0x6: {  	s23 =	simm.s32 $0x2780;
	s24 =	simm.s32 $0x0;
	s5 =	sand.u32 $0x1, s0  }
0x7: {  	[smem:$0x7FF] =	sst s2;
	s4 =	sadd.s32 $0x2B600, s8;
	s10 =	smul.u32 $0x4E000, s13  }
0x8: {  	s16 =	sadd.s32 $0x138000, s1;
	p0 =	sne.s32 s13, $0x0;
	s0 =	sshll.u32 s5, $0x4  }
0x9: {  	s9 =	smul.u32 $0x27100, s5;
	s5 =	ssub.s32 $0x2, s5;
	s3 =	sor.u32 s13, s0  }
0xa: {  	s0 =	rddreg [dreg:$0x3];
	_ =	strace $0x8000004A;
	s7 =	smul.u32 $0x280, s3  }
0xb: {  	s14 =	sshrl.u32 s5, $0x1;
	s10 =	sshrl.u32 s10, $0x2;
	s3 =	smul.u32 $0x2700, s13  }
0xc: {  	s9 =	sadd.s32 s9, s8;
	s14 =	ssub.s32 s5, s14;
	s15 =	sadd.s32 s10, s1  }
0xd: {  	s13 =	sshll.u32 s13, $0x6;
	s9 =	sadd.s32 $0x8E000, s9;
	s10 =	smax.u32 s14, $0x1  }
0xe: {  	s13 =	sor.u32 $0x1C03, s13;
	s14 =	sshrl.u32 s15, $0x3;
	s15 =	sshrl.u32 @!p0 s16, $0x3  }
0xf: {  	s16 =	simm.s32 $0x7D;
	s11 =	sadd.s32 s7, s8;
	s12 =	sadd.s32 s3, s8  }
0x10: {  	s6 =	sadd.s32 s6, s7;
	s8 =	sadd.s32 $0x2B400, s8;
	s5 =	sadd.s32 $0x89000, s11  }
0x11: {  	s7 =	sadd.s32 $0x4400, s12;
	s11 =	simm.s32 $0x3;
	s12 =	simm.s32 $0x1400  }
.LBB2_1:
0x12: {  	[tilespmem:s2], [sflag:$0x3] =	stream.linear.gather [hbm4b:s5+s2], $0x1400, $0x38;
	[tilespmem:$0x1E080] =	vst v63  }
0x13: {  	_ =	swait.ge [sflag:s11], $0x1400  }
0x14: {  	[sflag:s11] =	ssyncset.done $0x0  }
0x15: {  	[sflag:s11] =	ssyncadd.s32 $0xFFFFEC00  }
0x16: {  	[tilespmem:s12], [sflag:$0x3] =	stream.linear.gather [hbm4b:s6+s2], $0x1400, $0x38;
	[tilespmem:$0x1E080] =	vst v63  }
0x17: {  	_ =	swait.ge [sflag:s11], $0x1400  }
0x18: {  	[sflag:s11] =	ssyncset.done $0x0  }
0x19: {  	[sflag:s11] =	ssyncadd.s32 $0xFFFFEC00  }
0x1a: {  	[spmem:s14], [sflag:s13] =	dma.local [hbm:s7], $0x2700  }
0x1b: {  	_ =	swait.ge [sflag:s11], $0x2700  }
0x1c: {  	[sflag:s11] =	ssyncset.done $0x0  }
0x1d: {  	s25 =	simm.s32 @!p0 $0x3;
	[sflag:s11] =	ssyncadd.s32 $0xFFFFD900  }
0x1e: {  	[spmem:s15], [sflag:s13] =	dma.local @!p0 [hbm:s8], $0x100  }
0x1f: {  	_ =	swait.ge @!p0 [sflag:s25], $0x100  }
0x20: {  	[sflag:s25] =	ssyncset.done @!p0 $0x0  }
0x21: {  	[sflag:s25] =	ssyncadd.s32 @!p0 $0xFFFFFF00  }
0x22: {  	[bflag:$0x0] =	sbarrier.arrive $0xFFFF  }
0x23: {  	[tilespmem:s17], [sflag:$0x1] =	stream.indirect.gather [hbm4b:s4+s16], $0x80, s2, s16, $0xb8;
	[tilespmem:$0x1E080] =	vst v63  }
0x24: {  	_ =	swait.ge [sflag:s18], $0x3E80  }
0x25: {  	[sflag:s18] =	ssyncset.done $0x0  }
0x26: {  	s28 =	simm.s32 $0x80;
	[sflag:s18] =	ssyncadd.s32 $0xFFFFC180  }
0x27: {  	[tilespmem:s19], [sflag:$0x2] =	stream.indirect.gather [hbm4b:s4+s16], $0x80, s28, s16, $0xb8;
	[tilespmem:$0x1E080] =	vst v63  }
0x28: {  	s29 =	simm.s32 $0x1400  }
0x29: {  	[spmem:s1] =	stream.indirect.scatter.add.f32 [tilespmem:s17], [sflag:$0x3], $0x80, s29, s16, $0xb8;
	[tilespmem:$0x1E080] =	vst v63  }
0x2a: {  	_ =	swait.ge [sflag:s11], $0x3E80  }
0x2b: {  	[sflag:s11] =	ssyncset.done $0x0  }
0x2c: {  	[sflag:s11] =	ssyncadd.s32 $0xFFFFC180  }
0x2d: {  	_ =	swait.ge [sflag:s20], $0x3E80  }
0x2e: {  	[sflag:s20] =	ssyncset.done $0x0  }
0x2f: {  	s30 =	simm.s32 $0x100;
	[sflag:s20] =	ssyncadd.s32 $0xFFFFC180  }
0x30: {  	[tilespmem:s17], [sflag:$0x1] =	stream.indirect.gather [hbm4b:s4+s16], $0x80, s30, s16, $0xb8;
	[tilespmem:$0x1E080] =	vst v63  }
0x31: {  	s31 =	simm.s32 $0x1480  }
0x32: {  	[spmem:s1] =	stream.indirect.scatter.add.f32 [tilespmem:s19], [sflag:$0x3], $0x80, s31, s16, $0xb8;
	[tilespmem:$0x1E080] =	vst v63  }
0x33: {  	_ =	swait.ge [sflag:s11], $0x3E80  }
0x34: {  	s25 =	simm.s32 $0x400;
	[sflag:s11] =	ssyncset.done $0x0  }
.LBB2_2:
0x35: {  	p1 =	sne.s32 s25, $0x4800  }
0x36: {  	[sflag:s11] =	ssyncadd.s32 $0xFFFFC180;
	s26 =	smov.u32 s25;
	s25 =	sadd.s32 $0x400, s25  }
0x37: {  	_ = 	snop  }
0x38: {  	_ =	swait.ge [sflag:s18], $0x3E80  }
0x39: {  	s26 =	sshra.s32 s26, $0x2;
	[sflag:s18] =	ssyncset.done $0x0  }
0x3a: {  	s28 =	sadd.s32 $0x80, s26;
	[sflag:s18] =	ssyncadd.s32 $0xFFFFC180  }
0x3b: {  	[tilespmem:s19], [sflag:$0x2] =	stream.indirect.gather [hbm4b:s4+s16], $0x80, s28, s16, $0xb8;
	[tilespmem:$0x1E080] =	vst v63  }
0x3c: {  	s28 =	sadd.s32 $0x1400, s26  }
0x3d: {  	[spmem:s1] =	stream.indirect.scatter.add.f32 [tilespmem:s17], [sflag:$0x3], $0x80, s28, s16, $0xb8;
	[tilespmem:$0x1E080] =	vst v63  }
0x3e: {  	_ =	swait.ge [sflag:s11], $0x3E80  }
0x3f: {  	[sflag:s11] =	ssyncset.done $0x0  }
0x40: {  	[sflag:s11] =	ssyncadd.s32 $0xFFFFC180  }
0x41: {  	_ =	swait.ge [sflag:s20], $0x3E80  }
0x42: {  	[sflag:s20] =	ssyncset.done $0x0  }
0x43: {  	s28 =	sadd.s32 $0x100, s26;
	[sflag:s20] =	ssyncadd.s32 $0xFFFFC180  }
0x44: {  	[tilespmem:s17], [sflag:$0x1] =	stream.indirect.gather [hbm4b:s4+s16], $0x80, s28, s16, $0xb8;
	[tilespmem:$0x1E080] =	vst v63  }
.Ltmp0:
0x45: {  	_ = 	snop;
	(pc) =	sbr.rel @p1 .LBB2_2-.Ltmp0, $4  }
0x46: {  	s26 =	sadd.s32 $0x1480, s26  }
0x47: {  	[spmem:s1] =	stream.indirect.scatter.add.f32 [tilespmem:s19], [sflag:$0x3], $0x80, s26, s16, $0xb8;
	[tilespmem:$0x1E080] =	vst v63  }
0x48: {  	_ =	swait.ge [sflag:s11], $0x3E80  }
0x49: {  	[sflag:s11] =	ssyncset.done $0x0  }
0x4a: {  	[sflag:s11] =	ssyncadd.s32 $0xFFFFC180  }
0x4b: {  	_ =	swait.ge [sflag:s18], $0x3E80  }
0x4c: {  	[sflag:s18] =	ssyncset.done $0x0  }
0x4d: {  	[sflag:s18] =	ssyncadd.s32 $0xFFFFC180  }
0x4e: {  	[tilespmem:s19], [sflag:$0x2] =	stream.indirect.gather [hbm4b:s4+s16], $0x80, s21, s16, $0xb8;
	[tilespmem:$0x1E080] =	vst v63  }
0x4f: {  	_ = 	snop  }
0x50: {  	[spmem:s1] =	stream.indirect.scatter.add.f32 [tilespmem:s17], [sflag:$0x3], $0x80, s22, s16, $0xb8;
	[tilespmem:$0x1E080] =	vst v63  }
0x51: {  	_ =	swait.ge [sflag:s11], $0x3E80  }
0x52: {  	[sflag:s11] =	ssyncset.done $0x0  }
0x53: {  	[sflag:s11] =	ssyncadd.s32 $0xFFFFC180  }
0x54: {  	_ =	swait.ge [sflag:s20], $0x3E80  }
0x55: {  	[sflag:s20] =	ssyncset.done $0x0  }
0x56: {  	[sflag:s20] =	ssyncadd.s32 $0xFFFFC180  }
0x57: {  	[spmem:s1] =	stream.indirect.scatter.add.f32 [tilespmem:s19], [sflag:$0x3], $0x80, s23, s16, $0xb8;
	[tilespmem:$0x1E080] =	vst v63  }
0x58: {  	_ =	swait.ge [sflag:s11], $0x3E80  }
0x59: {  	[sflag:s11] =	ssyncset.done $0x0  }
0x5a: {  	[sflag:s11] =	ssyncadd.s32 $0xFFFFC180  }
0x5b: {  	s25 =	sadd.s32 s3, s9;
	[bflag:$0x0] =	sbarrier.arrive $0xFFFF  }
0x5c: {  	[hbm:s25], [sflag:s13] =	dma.local [spmem:s14], $0x2700  }
0x5d: {  	_ =	swait.ge [sflag:s11], $0x2700  }
0x5e: {  	s24 =	sadd.s32 $0x1, s24;
	[sflag:s11] =	ssyncset.done $0x0  }
0x5f: {  	p1 =	sne.s32 s24, s10;
	s25 =	sadd.s32 @!p0 $0x27000, s9;
	[sflag:s11] =	ssyncadd.s32 $0xFFFFD900  }
0x60: {  	[hbm:s25], [sflag:s13] =	dma.local @!p0 [spmem:s15], $0x100  }
.Ltmp1:
0x61: {  	_ = 	snop;
	(pc) =	sbr.rel @p1 .LBB2_1-.Ltmp1, $4  }
0x62: {  	s25 =	simm.s32 @!p0 $0x3  }
0x63: {  	_ =	swait.ge @!p0 [sflag:s25], $0x100  }
0x64: {  	[sflag:s25] =	ssyncset.done @!p0 $0x0  }
0x65: {  	[sflag:s25] =	ssyncadd.s32 @!p0 $0xFFFFFF00  }
0x66: {  	_ =	sfence.sel $0x180000  }
0x67: {  	[bflag:$0x0] =	sbarrier.arrive $0xFFFF  }
0x68: {  	_ =	strace $0x9000004A  }
0x69: {  	s0 =	sadd.s32 @!p0 $0x100000, s0;
	[bflag:$0x2] =	sbarrier.arrive $0xFFFF  }
0x6a: {  	[sflag:s0] =	ssyncadd.tile.s32 @!p0 $0x1;
	_ =	shalt  }
.Lfunc_end2:
_tile_overlayer_lowered:
.L_overlay_start_2:
0x6b: {  	(tag) =	ssettag $0x2  }
0x6c: {  	s0 =	rddreg [dreg:$0x0];
	s2 =	stileid.u32  }
0x6d: {  	s1 =	rddreg [dreg:$0x1];
	p0 =	sne.s32 s2, $0x0  }
0x6e: {  	s3 =	rddreg [dreg:$0x2];
	[bflag:$0x3] =	sbarrier.arrive $0xFFFF;
	s2 =	simm.s32 @!p0 $0x1C03  }
0x6f: {  	[timem:s3], [sflag:s2] =	dma.local @!p0 [hbm:s0], s1  }
0x70: {  	s0 =	simm.s32 @!p0 $0x3  }
0x71: {  	_ =	swait.ge @!p0 [sflag:s0], s1  }
0x72: {  	s1 =	ssub.s32 @!p0 $0x0, s1;
	[sflag:s0] =	ssyncset.done @!p0 $0x0  }
0x73: {  	[sflag:s0] =	ssyncadd.s32 @!p0 s1  }
0x74: {  	[bflag:$0x3] =	sbarrier.arrive $0xFFFF  }
0x75: {  	_ =	shalt  }

// kernel: kernel.24.cloned.1.call-start
scs
__scs_entry_jumppad:
0x0: {  	(pc) =	sbr.rel $0x88, $3  }
0x1: {  	(tag) =	ssettag $0x0;
	lr =	simm.s32 $0x1  }
0x2: {  	[smem:$0x3F90] =	sst lr;
	_ =	strace $0xD0000000  }
0x3: {  	_ = 	snop  }
0x4: {  	_ = 	snop  }
0x5: {  	_ = 	snop  }
0x6: {  	_ = 	snop  }
0x7: {  	_ = 	snop  }
__scs_overlays_trampoline_lowered:
0x8: {  	[smem:$0x3F9F] =	sst s0  }
0x9: {  	[smem:$0x3FA0] =	sst s1  }
0xa: {  	[smem:$0x3FA1] =	sst s2  }
0xb: {  	[smem:$0x3FA2] =	sst s3  }
0xc: {  	[smem:$0x3FA3] =	sst s4  }
0xd: {  	[smem:$0x3FA4] =	sst s5  }
0xe: {  	[smem:$0x3FA5] =	sst s6  }
0xf: {  	[smem:$0x3FA6] =	sst s7  }
0x10: {  	[smem:$0x3FA7] =	sst s8  }
0x11: {  	[smem:$0x3FA8] =	sst s9;
	s0 =	simm.s32 @!p0 $0x0  }
0x12: {  	s1 =	sld [smem:$0x3F8E];
	s0 =	simm.s32 @p0 $0x1  }
0x13: {  	[smem:$0x3FA9] =	sst s0;
	s0 =	simm.s32 @!p1 $0x0  }
0x14: {  	s2 =	sld [smem:$0x3F8D];
	s0 =	simm.s32 @p1 $0x1  }
0x15: {  	[smem:$0x3FAA] =	sst s0;
	s0 =	simm.s32 @!p2 $0x0  }
0x16: {  	s3 =	sld [smem:$0x3FDB];
	s0 =	simm.s32 @p2 $0x1  }
0x17: {  	s4 =	simm.s32 $0x1BF5;
	[smem:$0x3FAC] =	sst s0  }
0x18: {  	s0 =	sld [smem:$0x3F8F];
	_ =	swait.ge [sflag:s4], $0x0  }
0x19: {  	s7 =	sld [smem:$0x3F90]  }
0x1a: {  	s8 =	sadd.s32 $0xFFFFE003, lr  }
0x1b: {  	s9 =	sadd.s32 $0xFFFFFEF7, lr;
	s5 =	simm.s32 $0xFFFFFFFF;
	p2 =	slt.u32 s8, $0xFFFFF086  }
0x1c: {  	p1 =	slt.u32 s9, $0xF7A;
	s5 =	simm.s32 @!p2 $0x0  }
0x1d: {  	s5 =	simm.s32 @p1 $0x1;
	p0 =	seq.s32 s7, s2  }
0x1e: {  	s7 =	smul.u32 @!p0 $0xF7A, s2;
	p2 =	seq.s32 @!p0 s5, $0x0  }
0x1f: {  	s9 =	smul.u32 $0xF7A, s1;
	s8 =	simm.s32 @!p0 $0x1BF5;
	p2 =	por !p2, p0  }
0x20: {  	[sflag:s8] =	ssyncset.s32 @!p0 $0xFFFFF086;
	s6 =	sadd.s32 @!p0 s3, s7;
	s7 =	simm.s32 @!p0 $0x108  }
0x21: {  	s3 =	sadd.s32 s3, s9;
	s6 =	sadd.s32 @!p0 $0x88, s6;
	s7 =	simm.s32 @p2 $0x1082  }
0x22: {  	[simem:s7], [sflag:s8] =	dma.local @!p0 [hbm:s6], $0xF7A  }
0x23: {  	s9 =	sor.u32 $0xD0000000, s2;
	s6 =	simm.s32 $0x108;
	_ =	swait.ge @!p0 [sflag:s8], $0x0  }
0x24: {  	s3 =	sadd.s32 $0x88, s3;
	s6 =	simm.s32 @!p1 $0x1082;
	[sflag:s4] =	ssyncset.s32 $0xFFFFF086  }
0x25: {  	[simem:s6], [sflag:s4] =	dma.local [hbm:s3], $0xF7A  }
0x26: {  	[smem:$0x3F90] =	sst s1;
	(tag) =	ssettag s2;
	_ =	strace s9  }
0x27: {  	s1 =	sld [smem:$0x3FA0]  }
0x28: {  	s2 =	sld [smem:$0x3FA1]  }
0x29: {  	s4 =	sld [smem:$0x3FA3]  }
0x2a: {  	p0 =	seq.s32 s5, $0x0;
	s5 =	sld [smem:$0x3FA4]  }
0x2b: {  	s6 =	sld [smem:$0x3FA5]  }
0x2c: {  	s7 =	sld [smem:$0x3FA6]  }
0x2d: {  	s3 =	simm.s32 $0x108;
	s8 =	sld [smem:$0x3FA7]  }
0x2e: {  	s3 =	simm.s32 @!p0 $0x1082;
	s9 =	sld [smem:$0x3FA8]  }
0x2f: {  	lr =	sadd.s32 s0, s3;
	s0 =	sld [smem:$0x3F9F]  }
0x30: {  	s3 =	sld [smem:$0x3FA2]  }
0x31: {  	[smem:$0x3FAB] =	sst s10  }
0x32: {  	s10 =	sld [smem:$0x3FA9];
	_ =	sdelay $0x3  }
0x33: {  	p0 =	seq.s32 s10, $0x1;
	s10 =	sld [smem:$0x3FAB];
	_ =	sdelay $0x3  }
0x34: {  	[smem:$0x3FAB] =	sst s10  }
0x35: {  	s10 =	sld [smem:$0x3FAA];
	_ =	sdelay $0x3  }
0x36: {  	p1 =	seq.s32 s10, $0x1;
	s10 =	sld [smem:$0x3FAB];
	_ =	sdelay $0x3  }
0x37: {  	[smem:$0x3FAB] =	sst s10  }
0x38: {  	s10 =	sld [smem:$0x3FAC]  }
0x39: {  	_ = 	snop;
	(pc) =	sbr.ind lr, $3  }
0x3a: {  	_ = 	snop  }
0x3b: {  	_ = 	snop  }
0x3c: {  	p2 =	seq.s32 s10, $0x1;
	s10 =	sld [smem:$0x3FAB]  }
0x3d: {  	_ =	shalt  }
0x3e: {  	_ =	shalt  }
0x3f: {  	_ =	shalt  }
0x40: {  	_ =	shalt  }
0x41: {  	_ =	shalt  }
0x42: {  	_ =	shalt  }
0x43: {  	_ =	shalt  }
0x44: {  	_ =	shalt  }
0x45: {  	_ =	shalt  }
0x46: {  	_ =	shalt  }
0x47: {  	_ =	shalt  }
0x48: {  	_ =	shalt  }
0x49: {  	_ =	shalt  }
0x4a: {  	_ =	shalt  }
0x4b: {  	_ =	shalt  }
0x4c: {  	_ =	shalt  }
0x4d: {  	_ =	shalt  }
0x4e: {  	_ =	shalt  }
0x4f: {  	_ =	shalt  }
0x50: {  	_ =	shalt  }
0x51: {  	_ =	shalt  }
0x52: {  	_ =	shalt  }
0x53: {  	_ =	shalt  }
0x54: {  	_ =	shalt  }
0x55: {  	_ =	shalt  }
0x56: {  	_ =	shalt  }
0x57: {  	_ =	shalt  }
0x58: {  	_ =	shalt  }
0x59: {  	_ =	shalt  }
0x5a: {  	_ =	shalt  }
0x5b: {  	_ =	shalt  }
0x5c: {  	_ =	shalt  }
0x5d: {  	_ =	shalt  }
0x5e: {  	_ =	shalt  }
0x5f: {  	_ =	shalt  }
0x60: {  	_ =	shalt  }
0x61: {  	_ =	shalt  }
0x62: {  	_ =	shalt  }
0x63: {  	_ =	shalt  }
0x64: {  	_ =	shalt  }
0x65: {  	_ =	shalt  }
0x66: {  	_ =	shalt  }
0x67: {  	_ =	shalt  }
0x68: {  	_ =	shalt  }
0x69: {  	_ =	shalt  }
0x6a: {  	_ =	shalt  }
0x6b: {  	_ =	shalt  }
0x6c: {  	_ =	shalt  }
0x6d: {  	_ =	shalt  }
0x6e: {  	_ =	shalt  }
0x6f: {  	_ =	shalt  }
0x70: {  	_ =	shalt  }
0x71: {  	_ =	shalt  }
0x72: {  	_ =	shalt  }
0x73: {  	_ =	shalt  }
0x74: {  	_ =	shalt  }
0x75: {  	_ =	shalt  }
0x76: {  	_ =	shalt  }
0x77: {  	_ =	shalt  }
0x78: {  	_ =	shalt  }
0x79: {  	_ =	shalt  }
0x7a: {  	_ =	shalt  }
0x7b: {  	_ =	shalt  }
0x7c: {  	_ =	shalt  }
0x7d: {  	_ =	shalt  }
0x7e: {  	_ =	shalt  }
0x7f: {  	_ =	shalt  }
0x80: {  	_ =	shalt  }
0x81: {  	_ =	shalt  }
0x82: {  	_ =	shalt  }
0x83: {  	_ =	shalt  }
0x84: {  	_ =	shalt  }
0x85: {  	_ =	shalt  }
0x86: {  	_ =	shalt  }
0x87: {  	_ =	shalt  }
.Lfunc_end0:
.L_simem_size_0:
called_computation.3_lowered:
.L_overlay_start_0:
0x88: {  	s2 =	sld [smem:$0x3FD9]  }
0x89: {  	s3 =	sld [smem:$0x3FFE];
	_ =	sdelay $0x1  }
0x8a: {  	s1 =	srdreg.scid  }
0x8b: {  	s0 =	sand.u32 $0x1, s1  }
0x8c: {  	s15 =	sshll.u32 s0, $0xA;
	s2 =	sadd.s32 s3, s2  }
0x8d: {  	s2 =	sadd.s32 s2, s15  }
0x8e: {  	[smem:$0x3FB7] =	sst s2  }
0x8f: {  	_ = 	snop  }
0x90: {  	s2 =	sld [smem:$0x3FD0];
	_ =	sdelay $0x2  }
0x91: {  	s16 =	simm.s32 $0xD;
	s4 =	simm.s32 $0x10  }
0x92: {  	[smem:s4], [sflag:s16] =	dma.local [hbm:s2], $0x1  }
0x93: {  	_ =	swait.eq [sflag:s16], $0x1  }
0x94: {  	[sflag:s16] =	ssyncset.done $0x0  }
0x95: {  	[sflag:s16] =	ssyncadd.s32 $0xFFFFFFFF  }
0x96: {  	s17 =	sld [smem:$0x10];
	(tm) =	ssettm $0x1  }
0x97: {  	s18 =	sld [smem:$0x3FFB];
	_ =	sdelay $0x3  }
0x98: {  	_ =	strace s18  }
0x99: {  	s2 =	sld [smem:$0x3FFC];
	_ =	sdelay $0x3  }
0x9a: {  	_ =	strace s2  }
0x9b: {  	s2 =	sld [smem:$0x3FFD];
	_ =	sdelay $0x3  }
0x9c: {  	_ =	strace s2  }
0x9d: {  	_ =	strace $0x8FFFFFFF  }
0x9e: {  	s19 =	sld [smem:$0x3FDB];
	_ =	sdelay $0x1  }
0x9f: {  	s20 =	simm.s32 $_scs_section_size  }
0xa0: {  	s5 =	simm.s32 $_size__tile_overlayer_lowered;
	s6 =	simm.s32 $_tile_overlayer_lowered  }
0xa1: {  	s7 =	simm.s32 $0x1BFF;
	s21 =	sshll.u32 s6, $0x1;
	s4 =	sadd.s32 s20, s19  }
0xa2: {  	s22 =	simm.s32 $0x0;
	s5 =	sshll.u32 s5, $0x1;
	s6 =	sadd.s32 s21, s4  }
0xa3: {  	[timem:s22], [sflag:s7] =	dma.local [hbm:s6], s5  }
0xa4: {  	_ =	swait.ge [sflag:s7], s5  }
0xa5: {  	s5 =	ssub.s32 $0x0, s5;
	[sflag:s7] =	ssyncset.done $0x0  }
0xa6: {  	[sflag:s7] =	ssyncadd.s32 s5;
	_ =	sdelay $0x1  }
0xa7: {  	s23 =	simm.s32 $0x1B8B  }
0xa8: {  	_ =	swait.ge [sflag:s23], $0x1  }
0xa9: {  	[sflag:s23] =	ssyncset.done $0x0  }
0xaa: {  	[sflag:s23] =	ssyncadd.s32 $0xFFFFFFFF  }
0xab: {  	s5 =	sld [smem:$0x0]  }
0xac: {  	s6 =	sand.u32 $0xFFFFFFFE, s1  }
0xad: {  	p0 =	sne.s32 s1, s6  }
0xae: {  	s6 =	sshll.u32 @p0 s6, $0xE  }
0xaf: {  	s6 =	sadd.s32 @p0 $0x11B8D, s6;
	s7 =	sshll.u32 @p0 s5, $0x11  }
0xb0: {  	s6 =	sor.u32 @p0 s7, s6  }
0xb1: {  	[sflag:s6] =	ssyncadd.remote.s32 @p0 $0x1;
	_ =	sdelay $0x1  }
0xb2: {  	s6 =	simm.s32 @p0 $0x1B8D  }
0xb3: {  	_ =	swait.eq @p0 [sflag:s6], $0x1  }
0xb4: {  	[sflag:s6] =	ssyncadd.s32 @p0 $0xFFFFFFFF  }
0xb5: {  	s7 =	sshll.u32 @!p0 s1, $0xE  }
0xb6: {  	s7 =	sor.u32 @!p0 $0x4000, s7;
	s6 =	simm.s32 @!p0 $0x1B8D  }
0xb7: {  	s5 =	sshll.u32 @!p0 s5, $0x11;
	s7 =	sadd.s32 @!p0 $0x11B8D, s7;
	_ =	swait.eq @!p0 [sflag:s6], $0x1  }
0xb8: {  	s5 =	sor.u32 @!p0 s5, s7;
	[sflag:s6] =	ssyncadd.s32 @!p0 $0xFFFFFFFF  }
0xb9: {  	s25 =	simm.s32 $0x1B8E;
	s24 =	sld [smem:$0x3FFE];
	[sflag:s5] =	ssyncadd.remote.s32 @!p0 $0x1  }
0xba: {  	s26 =	simm.s32 $execute0_lowered;
	[smem:$0x3FD2] =	sst s25  }
0xbb: {  	s6 =	sshll.u32 s26, $0x1;
	_ =	strace $0x80000058;
	[dreg:$0x1] =	wrdreg $0xFFFFFFFF  }
0xbc: {  	s28 =	simm.s32 $_size_execute0_lowered;
	s4 =	sadd.s32 s4, s6;
	[dreg:$0x0] =	wrdreg $0x0  }
0xbd: {  	s6 =	sshll.u32 s28, $0x1;
	[dreg:$0x2] =	wrdreg s4  }
0xbe: {  	[dreg:$0x3] =	wrdreg s6  }
0xbf: {  	[dreg:$0x4] =	wrdreg $0xC0  }
0xc0: {  	_ =	task [dreg:s22], $0x5FFFF  }
0xc1: {  	[dreg:$0x1] =	wrdreg $0xFFFFFFFF  }
0xc2: {  	[dreg:$0x0] =	wrdreg $0x60  }
0xc3: {  	[dreg:$0x2] =	wrdreg s24  }
0xc4: {  	[dreg:$0x3] =	wrdreg s17  }
0xc5: {  	[dreg:$0x4] =	wrdreg $0xA8000  }
0xc6: {  	[dreg:$0x5] =	wrdreg $0x9  }
0xc7: {  	_ =	task.clear_ibuf [dreg:s22], $0x6FFFF;
	_ =	strace $0x90000058  }
0xc8: {  	s29 =	simm.s32 $0x9;
	_ =	strace $0x8000005A  }
0xc9: {  	_ =	swait.ge [sflag:s29], $0x1  }
0xca: {  	[sflag:s29] =	ssyncadd.s32 $0xFFFFFFFF  }
0xcb: {  	_ =	strace $0x9000005A  }
0xcc: {  	_ =	sfence  }
0xcd: {  	s30 =	sld [smem:$0x0];
	_ =	sdelay $0x2  }
0xce: {  	s31 =	sshll.u32 s1, $0xD;
	s1 =	sshrl.u32 s1, $0x2  }
0xcf: {  	s4 =	sand.u32 $0x4000, s31;
	s1 =	sadd.s32 s1, s30  }
0xd0: {  	s0 =	sor.u32 s4, s0;
	s1 =	sshll.u32 s1, $0x11  }
0xd1: {  	s0 =	sor.u32 s1, s0  }
0xd2: {  	s0 =	sadd.s32 $0x8F2B, s0  }
0xd3: {  	[sflag:s0] =	ssyncadd.remote.s32 $0x1  }
0xd4: {  	_ =	sfence.sel $0xFFFF  }
0xd5: {  	[dreg:$0x0] =	wrdreg $0xFFFFFFFF;
	(pc) =	sbr.abs _section_cstart, $3  }
0xd6: {  	[dreg:$0x1] =	wrdreg $0xFFFFFFFF  }
0xd7: {  	_ =	task.clear_ibuf [dreg:s22], $0x2FFFF;
	_ =	strace $0x9FFFFFFF  }
0xd8: {  	(tm) =	ssettm $0x7FFFFFFF  }
0xd9: {  	_ =	shalt  }
tec
execute0_lowered:
.L_overlay_start_1:
0x0: {  	(tag) =	ssettag $0x1  }
0x1: {  	s8 =	rddreg [dreg:$0x0]  }
0x2: {  	s0 =	srdreg.scid;
	s6 =	rddreg [dreg:$0x1]  }
0x3: {  	s13 =	stileid.u32;
	s1 =	rddreg [dreg:$0x2];
	s2 =	simm.s32 $0x0  }
0x4: {  	s17 =	simm.s32 $0x2800;
	s18 =	simm.s32 $0x1;
	s19 =	simm.s32 $0x6800  }
0x5: {  	s20 =	simm.s32 $0x2;
	s21 =	simm.s32 $0x1380;
	s22 =	simm.s32 $0x2700  }
0x6: {  	s23 =	simm.s32 $0x2780;
	s24 =	simm.s32 $0x0;
	s5 =	sand.u32 $0x1, s0  }
0x7: {  	[smem:$0x7FF] =	sst s2;
	s4 =	sadd.s32 $0xDC200, s8;
	s10 =	smul.u32 $0x4E000, s13  }
0x8: {  	s16 =	sadd.s32 $0x138000, s1;
	p0 =	sne.s32 s13, $0x0;
	s0 =	sshll.u32 s5, $0x4  }
0x9: {  	s9 =	smul.u32 $0x27100, s5;
	s5 =	ssub.s32 $0x2, s5;
	s3 =	sor.u32 s13, s0  }
0xa: {  	s0 =	rddreg [dreg:$0x3];
	_ =	strace $0x80000059;
	s7 =	smul.u32 $0x280, s3  }
0xb: {  	s14 =	sshrl.u32 s5, $0x1;
	s10 =	sshrl.u32 s10, $0x2;
	s3 =	smul.u32 $0x2700, s13  }
0xc: {  	s9 =	sadd.s32 s9, s8;
	s14 =	ssub.s32 s5, s14;
	s15 =	sadd.s32 s10, s1  }
0xd: {  	s13 =	sshll.u32 s13, $0x6;
	s9 =	sadd.s32 $0x262C00, s9;
	s10 =	smax.u32 s14, $0x1  }
0xe: {  	s13 =	sor.u32 $0x1C03, s13;
	s14 =	sshrl.u32 s15, $0x3;
	s15 =	sshrl.u32 @!p0 s16, $0x3  }
0xf: {  	s16 =	simm.s32 $0x7D;
	s11 =	sadd.s32 s7, s8;
	s12 =	sadd.s32 s3, s8  }
0x10: {  	s6 =	sadd.s32 s6, s7;
	s8 =	sadd.s32 $0x2B400, s8;
	s5 =	sadd.s32 $0x7A000, s11  }
0x11: {  	s7 =	sadd.s32 $0x4400, s12;
	s11 =	simm.s32 $0x3;
	s12 =	simm.s32 $0x1400  }
.LBB2_1:
0x12: {  	[tilespmem:s2], [sflag:$0x3] =	stream.linear.gather [hbm4b:s5+s2], $0x1400, $0x38;
	[tilespmem:$0x1E080] =	vst v63  }
0x13: {  	_ =	swait.ge [sflag:s11], $0x1400  }
0x14: {  	[sflag:s11] =	ssyncset.done $0x0  }
0x15: {  	[sflag:s11] =	ssyncadd.s32 $0xFFFFEC00  }
0x16: {  	[tilespmem:s12], [sflag:$0x3] =	stream.linear.gather [hbm4b:s6+s2], $0x1400, $0x38;
	[tilespmem:$0x1E080] =	vst v63  }
0x17: {  	_ =	swait.ge [sflag:s11], $0x1400  }
0x18: {  	[sflag:s11] =	ssyncset.done $0x0  }
0x19: {  	[sflag:s11] =	ssyncadd.s32 $0xFFFFEC00  }
0x1a: {  	[spmem:s14], [sflag:s13] =	dma.local [hbm:s7], $0x2700  }
0x1b: {  	_ =	swait.ge [sflag:s11], $0x2700  }
0x1c: {  	[sflag:s11] =	ssyncset.done $0x0  }
0x1d: {  	s25 =	simm.s32 @!p0 $0x3;
	[sflag:s11] =	ssyncadd.s32 $0xFFFFD900  }
0x1e: {  	[spmem:s15], [sflag:s13] =	dma.local @!p0 [hbm:s8], $0x100  }
0x1f: {  	_ =	swait.ge @!p0 [sflag:s25], $0x100  }
0x20: {  	[sflag:s25] =	ssyncset.done @!p0 $0x0  }
0x21: {  	[sflag:s25] =	ssyncadd.s32 @!p0 $0xFFFFFF00  }
0x22: {  	[bflag:$0x0] =	sbarrier.arrive $0xFFFF  }
0x23: {  	[tilespmem:s17], [sflag:$0x1] =	stream.indirect.gather [hbm4b:s4+s16], $0x80, s2, s16, $0xb8;
	[tilespmem:$0x1E080] =	vst v63  }
0x24: {  	_ =	swait.ge [sflag:s18], $0x3E80  }
0x25: {  	[sflag:s18] =	ssyncset.done $0x0  }
0x26: {  	s28 =	simm.s32 $0x80;
	[sflag:s18] =	ssyncadd.s32 $0xFFFFC180  }
0x27: {  	[tilespmem:s19], [sflag:$0x2] =	stream.indirect.gather [hbm4b:s4+s16], $0x80, s28, s16, $0xb8;
	[tilespmem:$0x1E080] =	vst v63  }
0x28: {  	s29 =	simm.s32 $0x1400  }
0x29: {  	[spmem:s1] =	stream.indirect.scatter.add.f32 [tilespmem:s17], [sflag:$0x3], $0x80, s29, s16, $0xb8;
	[tilespmem:$0x1E080] =	vst v63  }
0x2a: {  	_ =	swait.ge [sflag:s11], $0x3E80  }
0x2b: {  	[sflag:s11] =	ssyncset.done $0x0  }
0x2c: {  	[sflag:s11] =	ssyncadd.s32 $0xFFFFC180  }
0x2d: {  	_ =	swait.ge [sflag:s20], $0x3E80  }
0x2e: {  	[sflag:s20] =	ssyncset.done $0x0  }
0x2f: {  	s30 =	simm.s32 $0x100;
	[sflag:s20] =	ssyncadd.s32 $0xFFFFC180  }
0x30: {  	[tilespmem:s17], [sflag:$0x1] =	stream.indirect.gather [hbm4b:s4+s16], $0x80, s30, s16, $0xb8;
	[tilespmem:$0x1E080] =	vst v63  }
0x31: {  	s31 =	simm.s32 $0x1480  }
0x32: {  	[spmem:s1] =	stream.indirect.scatter.add.f32 [tilespmem:s19], [sflag:$0x3], $0x80, s31, s16, $0xb8;
	[tilespmem:$0x1E080] =	vst v63  }
0x33: {  	_ =	swait.ge [sflag:s11], $0x3E80  }
0x34: {  	s25 =	simm.s32 $0x400;
	[sflag:s11] =	ssyncset.done $0x0  }
.LBB2_2:
0x35: {  	p1 =	sne.s32 s25, $0x4800  }
0x36: {  	[sflag:s11] =	ssyncadd.s32 $0xFFFFC180;
	s26 =	smov.u32 s25;
	s25 =	sadd.s32 $0x400, s25  }
0x37: {  	_ = 	snop  }
0x38: {  	_ =	swait.ge [sflag:s18], $0x3E80  }
0x39: {  	s26 =	sshra.s32 s26, $0x2;
	[sflag:s18] =	ssyncset.done $0x0  }
0x3a: {  	s28 =	sadd.s32 $0x80, s26;
	[sflag:s18] =	ssyncadd.s32 $0xFFFFC180  }
0x3b: {  	[tilespmem:s19], [sflag:$0x2] =	stream.indirect.gather [hbm4b:s4+s16], $0x80, s28, s16, $0xb8;
	[tilespmem:$0x1E080] =	vst v63  }
0x3c: {  	s28 =	sadd.s32 $0x1400, s26  }
0x3d: {  	[spmem:s1] =	stream.indirect.scatter.add.f32 [tilespmem:s17], [sflag:$0x3], $0x80, s28, s16, $0xb8;
	[tilespmem:$0x1E080] =	vst v63  }
0x3e: {  	_ =	swait.ge [sflag:s11], $0x3E80  }
0x3f: {  	[sflag:s11] =	ssyncset.done $0x0  }
0x40: {  	[sflag:s11] =	ssyncadd.s32 $0xFFFFC180  }
0x41: {  	_ =	swait.ge [sflag:s20], $0x3E80  }
0x42: {  	[sflag:s20] =	ssyncset.done $0x0  }
0x43: {  	s28 =	sadd.s32 $0x100, s26;
	[sflag:s20] =	ssyncadd.s32 $0xFFFFC180  }
0x44: {  	[tilespmem:s17], [sflag:$0x1] =	stream.indirect.gather [hbm4b:s4+s16], $0x80, s28, s16, $0xb8;
	[tilespmem:$0x1E080] =	vst v63  }
.Ltmp0:
0x45: {  	_ = 	snop;
	(pc) =	sbr.rel @p1 .LBB2_2-.Ltmp0, $4  }
0x46: {  	s26 =	sadd.s32 $0x1480, s26  }
0x47: {  	[spmem:s1] =	stream.indirect.scatter.add.f32 [tilespmem:s19], [sflag:$0x3], $0x80, s26, s16, $0xb8;
	[tilespmem:$0x1E080] =	vst v63  }
0x48: {  	_ =	swait.ge [sflag:s11], $0x3E80  }
0x49: {  	[sflag:s11] =	ssyncset.done $0x0  }
0x4a: {  	[sflag:s11] =	ssyncadd.s32 $0xFFFFC180  }
0x4b: {  	_ =	swait.ge [sflag:s18], $0x3E80  }
0x4c: {  	[sflag:s18] =	ssyncset.done $0x0  }
0x4d: {  	[sflag:s18] =	ssyncadd.s32 $0xFFFFC180  }
0x4e: {  	[tilespmem:s19], [sflag:$0x2] =	stream.indirect.gather [hbm4b:s4+s16], $0x80, s21, s16, $0xb8;
	[tilespmem:$0x1E080] =	vst v63  }
0x4f: {  	_ = 	snop  }
0x50: {  	[spmem:s1] =	stream.indirect.scatter.add.f32 [tilespmem:s17], [sflag:$0x3], $0x80, s22, s16, $0xb8;
	[tilespmem:$0x1E080] =	vst v63  }
0x51: {  	_ =	swait.ge [sflag:s11], $0x3E80  }
0x52: {  	[sflag:s11] =	ssyncset.done $0x0  }
0x53: {  	[sflag:s11] =	ssyncadd.s32 $0xFFFFC180  }
0x54: {  	_ =	swait.ge [sflag:s20], $0x3E80  }
0x55: {  	[sflag:s20] =	ssyncset.done $0x0  }
0x56: {  	[sflag:s20] =	ssyncadd.s32 $0xFFFFC180  }
0x57: {  	[spmem:s1] =	stream.indirect.scatter.add.f32 [tilespmem:s19], [sflag:$0x3], $0x80, s23, s16, $0xb8;
	[tilespmem:$0x1E080] =	vst v63  }
0x58: {  	_ =	swait.ge [sflag:s11], $0x3E80  }
0x59: {  	[sflag:s11] =	ssyncset.done $0x0  }
0x5a: {  	[sflag:s11] =	ssyncadd.s32 $0xFFFFC180  }
0x5b: {  	s25 =	sadd.s32 s3, s9;
	[bflag:$0x0] =	sbarrier.arrive $0xFFFF  }
0x5c: {  	[hbm:s25], [sflag:s13] =	dma.local [spmem:s14], $0x2700  }
0x5d: {  	_ =	swait.ge [sflag:s11], $0x2700  }
0x5e: {  	s24 =	sadd.s32 $0x1, s24;
	[sflag:s11] =	ssyncset.done $0x0  }
0x5f: {  	p1 =	sne.s32 s24, s10;
	s25 =	sadd.s32 @!p0 $0x27000, s9;
	[sflag:s11] =	ssyncadd.s32 $0xFFFFD900  }
0x60: {  	[hbm:s25], [sflag:s13] =	dma.local @!p0 [spmem:s15], $0x100  }
.Ltmp1:
0x61: {  	_ = 	snop;
	(pc) =	sbr.rel @p1 .LBB2_1-.Ltmp1, $4  }
0x62: {  	s25 =	simm.s32 @!p0 $0x3  }
0x63: {  	_ =	swait.ge @!p0 [sflag:s25], $0x100  }
0x64: {  	[sflag:s25] =	ssyncset.done @!p0 $0x0  }
0x65: {  	[sflag:s25] =	ssyncadd.s32 @!p0 $0xFFFFFF00  }
0x66: {  	_ =	sfence.sel $0x180000  }
0x67: {  	[bflag:$0x0] =	sbarrier.arrive $0xFFFF  }
0x68: {  	_ =	strace $0x90000059  }
0x69: {  	s0 =	sadd.s32 @!p0 $0x100000, s0;
	[bflag:$0x2] =	sbarrier.arrive $0xFFFF  }
0x6a: {  	[sflag:s0] =	ssyncadd.tile.s32 @!p0 $0x1;
	_ =	shalt  }
.Lfunc_end2:
_tile_overlayer_lowered:
.L_overlay_start_2:
0x6b: {  	(tag) =	ssettag $0x2  }
0x6c: {  	s0 =	rddreg [dreg:$0x0];
	s2 =	stileid.u32  }
0x6d: {  	s1 =	rddreg [dreg:$0x1];
	p0 =	sne.s32 s2, $0x0  }
0x6e: {  	s3 =	rddreg [dreg:$0x2];
	[bflag:$0x3] =	sbarrier.arrive $0xFFFF;
	s2 =	simm.s32 @!p0 $0x1C03  }
0x6f: {  	[timem:s3], [sflag:s2] =	dma.local @!p0 [hbm:s0], s1  }
0x70: {  	s0 =	simm.s32 @!p0 $0x3  }
0x71: {  	_ =	swait.ge @!p0 [sflag:s0], s1  }
0x72: {  	s1 =	ssub.s32 @!p0 $0x0, s1;
	[sflag:s0] =	ssyncset.done @!p0 $0x0  }
0x73: {  	[sflag:s0] =	ssyncadd.s32 @!p0 s1  }
0x74: {  	[bflag:$0x3] =	sbarrier.arrive $0xFFFF  }
0x75: {  	_ =	shalt  }

// kernel: kernel.27.cloned.1.call-start
scs
__scs_entry_jumppad:
0x0: {  	(pc) =	sbr.rel $0x88, $3  }
0x1: {  	(tag) =	ssettag $0x0;
	lr =	simm.s32 $0x1  }
0x2: {  	[smem:$0x3F90] =	sst lr;
	_ =	strace $0xD0000000  }
0x3: {  	_ = 	snop  }
0x4: {  	_ = 	snop  }
0x5: {  	_ = 	snop  }
0x6: {  	_ = 	snop  }
0x7: {  	_ = 	snop  }
__scs_overlays_trampoline_lowered:
0x8: {  	[smem:$0x3F9F] =	sst s0  }
0x9: {  	[smem:$0x3FA0] =	sst s1  }
0xa: {  	[smem:$0x3FA1] =	sst s2  }
0xb: {  	[smem:$0x3FA2] =	sst s3  }
0xc: {  	[smem:$0x3FA3] =	sst s4  }
0xd: {  	[smem:$0x3FA4] =	sst s5  }
0xe: {  	[smem:$0x3FA5] =	sst s6  }
0xf: {  	[smem:$0x3FA6] =	sst s7  }
0x10: {  	[smem:$0x3FA7] =	sst s8  }
0x11: {  	[smem:$0x3FA8] =	sst s9;
	s0 =	simm.s32 @!p0 $0x0  }
0x12: {  	s1 =	sld [smem:$0x3F8E];
	s0 =	simm.s32 @p0 $0x1  }
0x13: {  	[smem:$0x3FA9] =	sst s0;
	s0 =	simm.s32 @!p1 $0x0  }
0x14: {  	s2 =	sld [smem:$0x3F8D];
	s0 =	simm.s32 @p1 $0x1  }
0x15: {  	[smem:$0x3FAA] =	sst s0;
	s0 =	simm.s32 @!p2 $0x0  }
0x16: {  	s3 =	sld [smem:$0x3FDB];
	s0 =	simm.s32 @p2 $0x1  }
0x17: {  	s4 =	simm.s32 $0x1BF5;
	[smem:$0x3FAC] =	sst s0  }
0x18: {  	s0 =	sld [smem:$0x3F8F];
	_ =	swait.ge [sflag:s4], $0x0  }
0x19: {  	s7 =	sld [smem:$0x3F90]  }
0x1a: {  	s8 =	sadd.s32 $0xFFFFE003, lr  }
0x1b: {  	s9 =	sadd.s32 $0xFFFFFEF7, lr;
	s5 =	simm.s32 $0xFFFFFFFF;
	p2 =	slt.u32 s8, $0xFFFFF086  }
0x1c: {  	p1 =	slt.u32 s9, $0xF7A;
	s5 =	simm.s32 @!p2 $0x0  }
0x1d: {  	s5 =	simm.s32 @p1 $0x1;
	p0 =	seq.s32 s7, s2  }
0x1e: {  	s7 =	smul.u32 @!p0 $0xF7A, s2;
	p2 =	seq.s32 @!p0 s5, $0x0  }
0x1f: {  	s9 =	smul.u32 $0xF7A, s1;
	s8 =	simm.s32 @!p0 $0x1BF5;
	p2 =	por !p2, p0  }
0x20: {  	[sflag:s8] =	ssyncset.s32 @!p0 $0xFFFFF086;
	s6 =	sadd.s32 @!p0 s3, s7;
	s7 =	simm.s32 @!p0 $0x108  }
0x21: {  	s3 =	sadd.s32 s3, s9;
	s6 =	sadd.s32 @!p0 $0x88, s6;
	s7 =	simm.s32 @p2 $0x1082  }
0x22: {  	[simem:s7], [sflag:s8] =	dma.local @!p0 [hbm:s6], $0xF7A  }
0x23: {  	s9 =	sor.u32 $0xD0000000, s2;
	s6 =	simm.s32 $0x108;
	_ =	swait.ge @!p0 [sflag:s8], $0x0  }
0x24: {  	s3 =	sadd.s32 $0x88, s3;
	s6 =	simm.s32 @!p1 $0x1082;
	[sflag:s4] =	ssyncset.s32 $0xFFFFF086  }
0x25: {  	[simem:s6], [sflag:s4] =	dma.local [hbm:s3], $0xF7A  }
0x26: {  	[smem:$0x3F90] =	sst s1;
	(tag) =	ssettag s2;
	_ =	strace s9  }
0x27: {  	s1 =	sld [smem:$0x3FA0]  }
0x28: {  	s2 =	sld [smem:$0x3FA1]  }
0x29: {  	s4 =	sld [smem:$0x3FA3]  }
0x2a: {  	p0 =	seq.s32 s5, $0x0;
	s5 =	sld [smem:$0x3FA4]  }
0x2b: {  	s6 =	sld [smem:$0x3FA5]  }
0x2c: {  	s7 =	sld [smem:$0x3FA6]  }
0x2d: {  	s3 =	simm.s32 $0x108;
	s8 =	sld [smem:$0x3FA7]  }
0x2e: {  	s3 =	simm.s32 @!p0 $0x1082;
	s9 =	sld [smem:$0x3FA8]  }
0x2f: {  	lr =	sadd.s32 s0, s3;
	s0 =	sld [smem:$0x3F9F]  }
0x30: {  	s3 =	sld [smem:$0x3FA2]  }
0x31: {  	[smem:$0x3FAB] =	sst s10  }
0x32: {  	s10 =	sld [smem:$0x3FA9];
	_ =	sdelay $0x3  }
0x33: {  	p0 =	seq.s32 s10, $0x1;
	s10 =	sld [smem:$0x3FAB];
	_ =	sdelay $0x3  }
0x34: {  	[smem:$0x3FAB] =	sst s10  }
0x35: {  	s10 =	sld [smem:$0x3FAA];
	_ =	sdelay $0x3  }
0x36: {  	p1 =	seq.s32 s10, $0x1;
	s10 =	sld [smem:$0x3FAB];
	_ =	sdelay $0x3  }
0x37: {  	[smem:$0x3FAB] =	sst s10  }
0x38: {  	s10 =	sld [smem:$0x3FAC]  }
0x39: {  	_ = 	snop;
	(pc) =	sbr.ind lr, $3  }
0x3a: {  	_ = 	snop  }
0x3b: {  	_ = 	snop  }
0x3c: {  	p2 =	seq.s32 s10, $0x1;
	s10 =	sld [smem:$0x3FAB]  }
0x3d: {  	_ =	shalt  }
0x3e: {  	_ =	shalt  }
0x3f: {  	_ =	shalt  }
0x40: {  	_ =	shalt  }
0x41: {  	_ =	shalt  }
0x42: {  	_ =	shalt  }
0x43: {  	_ =	shalt  }
0x44: {  	_ =	shalt  }
0x45: {  	_ =	shalt  }
0x46: {  	_ =	shalt  }
0x47: {  	_ =	shalt  }
0x48: {  	_ =	shalt  }
0x49: {  	_ =	shalt  }
0x4a: {  	_ =	shalt  }
0x4b: {  	_ =	shalt  }
0x4c: {  	_ =	shalt  }
0x4d: {  	_ =	shalt  }
0x4e: {  	_ =	shalt  }
0x4f: {  	_ =	shalt  }
0x50: {  	_ =	shalt  }
0x51: {  	_ =	shalt  }
0x52: {  	_ =	shalt  }
0x53: {  	_ =	shalt  }
0x54: {  	_ =	shalt  }
0x55: {  	_ =	shalt  }
0x56: {  	_ =	shalt  }
0x57: {  	_ =	shalt  }
0x58: {  	_ =	shalt  }
0x59: {  	_ =	shalt  }
0x5a: {  	_ =	shalt  }
0x5b: {  	_ =	shalt  }
0x5c: {  	_ =	shalt  }
0x5d: {  	_ =	shalt  }
0x5e: {  	_ =	shalt  }
0x5f: {  	_ =	shalt  }
0x60: {  	_ =	shalt  }
0x61: {  	_ =	shalt  }
0x62: {  	_ =	shalt  }
0x63: {  	_ =	shalt  }
0x64: {  	_ =	shalt  }
0x65: {  	_ =	shalt  }
0x66: {  	_ =	shalt  }
0x67: {  	_ =	shalt  }
0x68: {  	_ =	shalt  }
0x69: {  	_ =	shalt  }
0x6a: {  	_ =	shalt  }
0x6b: {  	_ =	shalt  }
0x6c: {  	_ =	shalt  }
0x6d: {  	_ =	shalt  }
0x6e: {  	_ =	shalt  }
0x6f: {  	_ =	shalt  }
0x70: {  	_ =	shalt  }
0x71: {  	_ =	shalt  }
0x72: {  	_ =	shalt  }
0x73: {  	_ =	shalt  }
0x74: {  	_ =	shalt  }
0x75: {  	_ =	shalt  }
0x76: {  	_ =	shalt  }
0x77: {  	_ =	shalt  }
0x78: {  	_ =	shalt  }
0x79: {  	_ =	shalt  }
0x7a: {  	_ =	shalt  }
0x7b: {  	_ =	shalt  }
0x7c: {  	_ =	shalt  }
0x7d: {  	_ =	shalt  }
0x7e: {  	_ =	shalt  }
0x7f: {  	_ =	shalt  }
0x80: {  	_ =	shalt  }
0x81: {  	_ =	shalt  }
0x82: {  	_ =	shalt  }
0x83: {  	_ =	shalt  }
0x84: {  	_ =	shalt  }
0x85: {  	_ =	shalt  }
0x86: {  	_ =	shalt  }
0x87: {  	_ =	shalt  }
.Lfunc_end0:
.L_simem_size_0:
called_computation.4_lowered:
.L_overlay_start_0:
0x88: {  	s2 =	sld [smem:$0x3FD9]  }
0x89: {  	s3 =	sld [smem:$0x3FFE];
	_ =	sdelay $0x1  }
0x8a: {  	s1 =	srdreg.scid  }
0x8b: {  	s0 =	sand.u32 $0x1, s1  }
0x8c: {  	s15 =	sshll.u32 s0, $0xA;
	s2 =	sadd.s32 s3, s2  }
0x8d: {  	s2 =	sadd.s32 s2, s15  }
0x8e: {  	[smem:$0x3FB7] =	sst s2  }
0x8f: {  	_ = 	snop  }
0x90: {  	s2 =	sld [smem:$0x3FD0];
	_ =	sdelay $0x2  }
0x91: {  	s16 =	simm.s32 $0xD;
	s4 =	simm.s32 $0x10  }
0x92: {  	[smem:s4], [sflag:s16] =	dma.local [hbm:s2], $0x1  }
0x93: {  	_ =	swait.eq [sflag:s16], $0x1  }
0x94: {  	[sflag:s16] =	ssyncset.done $0x0  }
0x95: {  	[sflag:s16] =	ssyncadd.s32 $0xFFFFFFFF  }
0x96: {  	s17 =	sld [smem:$0x10];
	(tm) =	ssettm $0x1  }
0x97: {  	s18 =	sld [smem:$0x3FFB];
	_ =	sdelay $0x3  }
0x98: {  	_ =	strace s18  }
0x99: {  	s2 =	sld [smem:$0x3FFC];
	_ =	sdelay $0x3  }
0x9a: {  	_ =	strace s2  }
0x9b: {  	s2 =	sld [smem:$0x3FFD];
	_ =	sdelay $0x3  }
0x9c: {  	_ =	strace s2  }
0x9d: {  	_ =	strace $0x8FFFFFFF  }
0x9e: {  	s19 =	sld [smem:$0x3FDB];
	_ =	sdelay $0x1  }
0x9f: {  	s20 =	simm.s32 $_scs_section_size  }
0xa0: {  	s5 =	simm.s32 $_size__tile_overlayer_lowered;
	s6 =	simm.s32 $_tile_overlayer_lowered  }
0xa1: {  	s7 =	simm.s32 $0x1BFF;
	s21 =	sshll.u32 s6, $0x1;
	s4 =	sadd.s32 s20, s19  }
0xa2: {  	s22 =	simm.s32 $0x0;
	s5 =	sshll.u32 s5, $0x1;
	s6 =	sadd.s32 s21, s4  }
0xa3: {  	[timem:s22], [sflag:s7] =	dma.local [hbm:s6], s5  }
0xa4: {  	_ =	swait.ge [sflag:s7], s5  }
0xa5: {  	s5 =	ssub.s32 $0x0, s5;
	[sflag:s7] =	ssyncset.done $0x0  }
0xa6: {  	[sflag:s7] =	ssyncadd.s32 s5;
	_ =	sdelay $0x1  }
0xa7: {  	s23 =	simm.s32 $0x1B8B  }
0xa8: {  	_ =	swait.ge [sflag:s23], $0x1  }
0xa9: {  	[sflag:s23] =	ssyncset.done $0x0  }
0xaa: {  	[sflag:s23] =	ssyncadd.s32 $0xFFFFFFFF  }
0xab: {  	s5 =	sld [smem:$0x0]  }
0xac: {  	s6 =	sand.u32 $0xFFFFFFFE, s1  }
0xad: {  	p0 =	sne.s32 s1, s6  }
0xae: {  	s6 =	sshll.u32 @p0 s6, $0xE  }
0xaf: {  	s6 =	sadd.s32 @p0 $0x11B8D, s6;
	s7 =	sshll.u32 @p0 s5, $0x11  }
0xb0: {  	s6 =	sor.u32 @p0 s7, s6  }
0xb1: {  	[sflag:s6] =	ssyncadd.remote.s32 @p0 $0x1;
	_ =	sdelay $0x1  }
0xb2: {  	s6 =	simm.s32 @p0 $0x1B8D  }
0xb3: {  	_ =	swait.eq @p0 [sflag:s6], $0x1  }
0xb4: {  	[sflag:s6] =	ssyncadd.s32 @p0 $0xFFFFFFFF  }
0xb5: {  	s7 =	sshll.u32 @!p0 s1, $0xE  }
0xb6: {  	s7 =	sor.u32 @!p0 $0x4000, s7;
	s6 =	simm.s32 @!p0 $0x1B8D  }
0xb7: {  	s5 =	sshll.u32 @!p0 s5, $0x11;
	s7 =	sadd.s32 @!p0 $0x11B8D, s7;
	_ =	swait.eq @!p0 [sflag:s6], $0x1  }
0xb8: {  	s5 =	sor.u32 @!p0 s5, s7;
	[sflag:s6] =	ssyncadd.s32 @!p0 $0xFFFFFFFF  }
0xb9: {  	s25 =	simm.s32 $0x1B8E;
	s24 =	sld [smem:$0x3FFE];
	[sflag:s5] =	ssyncadd.remote.s32 @!p0 $0x1  }
0xba: {  	s26 =	simm.s32 $execute0_lowered;
	[smem:$0x3FD2] =	sst s25  }
0xbb: {  	s6 =	sshll.u32 s26, $0x1;
	_ =	strace $0x80000055;
	[dreg:$0x1] =	wrdreg $0xFFFFFFFF  }
0xbc: {  	s28 =	simm.s32 $_size_execute0_lowered;
	s4 =	sadd.s32 s4, s6;
	[dreg:$0x0] =	wrdreg $0x0  }
0xbd: {  	s6 =	sshll.u32 s28, $0x1;
	[dreg:$0x2] =	wrdreg s4  }
0xbe: {  	[dreg:$0x3] =	wrdreg s6  }
0xbf: {  	[dreg:$0x4] =	wrdreg $0xC0  }
0xc0: {  	_ =	task [dreg:s22], $0x5FFFF  }
0xc1: {  	[dreg:$0x1] =	wrdreg $0xFFFFFFFF  }
0xc2: {  	[dreg:$0x0] =	wrdreg $0x60  }
0xc3: {  	[dreg:$0x2] =	wrdreg s24  }
0xc4: {  	[dreg:$0x3] =	wrdreg s17  }
0xc5: {  	[dreg:$0x4] =	wrdreg $0xA8000  }
0xc6: {  	[dreg:$0x5] =	wrdreg $0xA  }
0xc7: {  	_ =	task.clear_ibuf [dreg:s22], $0x6FFFF;
	_ =	strace $0x90000055  }
0xc8: {  	s29 =	simm.s32 $0xA;
	_ =	strace $0x80000057  }
0xc9: {  	_ =	swait.ge [sflag:s29], $0x1  }
0xca: {  	[sflag:s29] =	ssyncadd.s32 $0xFFFFFFFF  }
0xcb: {  	_ =	strace $0x90000057  }
0xcc: {  	_ =	sfence  }
0xcd: {  	s30 =	sld [smem:$0x0];
	_ =	sdelay $0x2  }
0xce: {  	s31 =	sshll.u32 s1, $0xD;
	s1 =	sshrl.u32 s1, $0x2  }
0xcf: {  	s4 =	sand.u32 $0x4000, s31;
	s1 =	sadd.s32 s1, s30  }
0xd0: {  	s0 =	sor.u32 s4, s0;
	s1 =	sshll.u32 s1, $0x11  }
0xd1: {  	s0 =	sor.u32 s1, s0  }
0xd2: {  	s0 =	sadd.s32 $0x8F2B, s0  }
0xd3: {  	[sflag:s0] =	ssyncadd.remote.s32 $0x1  }
0xd4: {  	_ =	sfence.sel $0xFFFF  }
0xd5: {  	[dreg:$0x0] =	wrdreg $0xFFFFFFFF;
	(pc) =	sbr.abs _section_cstart, $3  }
0xd6: {  	[dreg:$0x1] =	wrdreg $0xFFFFFFFF  }
0xd7: {  	_ =	task.clear_ibuf [dreg:s22], $0x2FFFF;
	_ =	strace $0x9FFFFFFF  }
0xd8: {  	(tm) =	ssettm $0x7FFFFFFF  }
0xd9: {  	_ =	shalt  }
tec
execute0_lowered:
.L_overlay_start_1:
0x0: {  	(tag) =	ssettag $0x1  }
0x1: {  	s8 =	rddreg [dreg:$0x0]  }
0x2: {  	s0 =	srdreg.scid;
	s6 =	rddreg [dreg:$0x1]  }
0x3: {  	s13 =	stileid.u32;
	s1 =	rddreg [dreg:$0x2];
	s2 =	simm.s32 $0x0  }
0x4: {  	s17 =	simm.s32 $0x2800;
	s18 =	simm.s32 $0x1;
	s19 =	simm.s32 $0x6800  }
0x5: {  	s20 =	simm.s32 $0x2;
	s21 =	simm.s32 $0x1380;
	s22 =	simm.s32 $0x2700  }
0x6: {  	s23 =	simm.s32 $0x2780;
	s24 =	simm.s32 $0x0;
	s5 =	sand.u32 $0x1, s0  }
0x7: {  	[smem:$0x7FF] =	sst s2;
	s4 =	sadd.s32 $0xDC200, s8;
	s10 =	smul.u32 $0x4E000, s13  }
0x8: {  	s16 =	sadd.s32 $0x138000, s1;
	p0 =	sne.s32 s13, $0x0;
	s0 =	sshll.u32 s5, $0x4  }
0x9: {  	s9 =	smul.u32 $0x27100, s5;
	s5 =	ssub.s32 $0x2, s5;
	s3 =	sor.u32 s13, s0  }
0xa: {  	s0 =	rddreg [dreg:$0x3];
	_ =	strace $0x80000056;
	s7 =	smul.u32 $0x280, s3  }
0xb: {  	s14 =	sshrl.u32 s5, $0x1;
	s10 =	sshrl.u32 s10, $0x2;
	s3 =	smul.u32 $0x2700, s13  }
0xc: {  	s9 =	sadd.s32 s9, s8;
	s14 =	ssub.s32 s5, s14;
	s15 =	sadd.s32 s10, s1  }
0xd: {  	s13 =	sshll.u32 s13, $0x6;
	s9 =	sadd.s32 $0x214A00, s9;
	s10 =	smax.u32 s14, $0x1  }
0xe: {  	s13 =	sor.u32 $0x1C03, s13;
	s14 =	sshrl.u32 s15, $0x3;
	s15 =	sshrl.u32 @!p0 s16, $0x3  }
0xf: {  	s16 =	simm.s32 $0x7D;
	s11 =	sadd.s32 s7, s8;
	s12 =	sadd.s32 s3, s8  }
0x10: {  	s6 =	sadd.s32 s6, s7;
	s8 =	sadd.s32 $0x2B400, s8;
	s5 =	sadd.s32 $0x89000, s11  }
0x11: {  	s7 =	sadd.s32 $0x4400, s12;
	s11 =	simm.s32 $0x3;
	s12 =	simm.s32 $0x1400  }
.LBB2_1:
0x12: {  	[tilespmem:s2], [sflag:$0x3] =	stream.linear.gather [hbm4b:s5+s2], $0x1400, $0x38;
	[tilespmem:$0x1E080] =	vst v63  }
0x13: {  	_ =	swait.ge [sflag:s11], $0x1400  }
0x14: {  	[sflag:s11] =	ssyncset.done $0x0  }
0x15: {  	[sflag:s11] =	ssyncadd.s32 $0xFFFFEC00  }
0x16: {  	[tilespmem:s12], [sflag:$0x3] =	stream.linear.gather [hbm4b:s6+s2], $0x1400, $0x38;
	[tilespmem:$0x1E080] =	vst v63  }
0x17: {  	_ =	swait.ge [sflag:s11], $0x1400  }
0x18: {  	[sflag:s11] =	ssyncset.done $0x0  }
0x19: {  	[sflag:s11] =	ssyncadd.s32 $0xFFFFEC00  }
0x1a: {  	[spmem:s14], [sflag:s13] =	dma.local [hbm:s7], $0x2700  }
0x1b: {  	_ =	swait.ge [sflag:s11], $0x2700  }
0x1c: {  	[sflag:s11] =	ssyncset.done $0x0  }
0x1d: {  	s25 =	simm.s32 @!p0 $0x3;
	[sflag:s11] =	ssyncadd.s32 $0xFFFFD900  }
0x1e: {  	[spmem:s15], [sflag:s13] =	dma.local @!p0 [hbm:s8], $0x100  }
0x1f: {  	_ =	swait.ge @!p0 [sflag:s25], $0x100  }
0x20: {  	[sflag:s25] =	ssyncset.done @!p0 $0x0  }
0x21: {  	[sflag:s25] =	ssyncadd.s32 @!p0 $0xFFFFFF00  }
0x22: {  	[bflag:$0x0] =	sbarrier.arrive $0xFFFF  }
0x23: {  	[tilespmem:s17], [sflag:$0x1] =	stream.indirect.gather [hbm4b:s4+s16], $0x80, s2, s16, $0xb8;
	[tilespmem:$0x1E080] =	vst v63  }
0x24: {  	_ =	swait.ge [sflag:s18], $0x3E80  }
0x25: {  	[sflag:s18] =	ssyncset.done $0x0  }
0x26: {  	s28 =	simm.s32 $0x80;
	[sflag:s18] =	ssyncadd.s32 $0xFFFFC180  }
0x27: {  	[tilespmem:s19], [sflag:$0x2] =	stream.indirect.gather [hbm4b:s4+s16], $0x80, s28, s16, $0xb8;
	[tilespmem:$0x1E080] =	vst v63  }
0x28: {  	s29 =	simm.s32 $0x1400  }
0x29: {  	[spmem:s1] =	stream.indirect.scatter.add.f32 [tilespmem:s17], [sflag:$0x3], $0x80, s29, s16, $0xb8;
	[tilespmem:$0x1E080] =	vst v63  }
0x2a: {  	_ =	swait.ge [sflag:s11], $0x3E80  }
0x2b: {  	[sflag:s11] =	ssyncset.done $0x0  }
0x2c: {  	[sflag:s11] =	ssyncadd.s32 $0xFFFFC180  }
0x2d: {  	_ =	swait.ge [sflag:s20], $0x3E80  }
0x2e: {  	[sflag:s20] =	ssyncset.done $0x0  }
0x2f: {  	s30 =	simm.s32 $0x100;
	[sflag:s20] =	ssyncadd.s32 $0xFFFFC180  }
0x30: {  	[tilespmem:s17], [sflag:$0x1] =	stream.indirect.gather [hbm4b:s4+s16], $0x80, s30, s16, $0xb8;
	[tilespmem:$0x1E080] =	vst v63  }
0x31: {  	s31 =	simm.s32 $0x1480  }
0x32: {  	[spmem:s1] =	stream.indirect.scatter.add.f32 [tilespmem:s19], [sflag:$0x3], $0x80, s31, s16, $0xb8;
	[tilespmem:$0x1E080] =	vst v63  }
0x33: {  	_ =	swait.ge [sflag:s11], $0x3E80  }
0x34: {  	s25 =	simm.s32 $0x400;
	[sflag:s11] =	ssyncset.done $0x0  }
.LBB2_2:
0x35: {  	p1 =	sne.s32 s25, $0x4800  }
0x36: {  	[sflag:s11] =	ssyncadd.s32 $0xFFFFC180;
	s26 =	smov.u32 s25;
	s25 =	sadd.s32 $0x400, s25  }
0x37: {  	_ = 	snop  }
0x38: {  	_ =	swait.ge [sflag:s18], $0x3E80  }
0x39: {  	s26 =	sshra.s32 s26, $0x2;
	[sflag:s18] =	ssyncset.done $0x0  }
0x3a: {  	s28 =	sadd.s32 $0x80, s26;
	[sflag:s18] =	ssyncadd.s32 $0xFFFFC180  }
0x3b: {  	[tilespmem:s19], [sflag:$0x2] =	stream.indirect.gather [hbm4b:s4+s16], $0x80, s28, s16, $0xb8;
	[tilespmem:$0x1E080] =	vst v63  }
0x3c: {  	s28 =	sadd.s32 $0x1400, s26  }
0x3d: {  	[spmem:s1] =	stream.indirect.scatter.add.f32 [tilespmem:s17], [sflag:$0x3], $0x80, s28, s16, $0xb8;
	[tilespmem:$0x1E080] =	vst v63  }
0x3e: {  	_ =	swait.ge [sflag:s11], $0x3E80  }
0x3f: {  	[sflag:s11] =	ssyncset.done $0x0  }
0x40: {  	[sflag:s11] =	ssyncadd.s32 $0xFFFFC180  }
0x41: {  	_ =	swait.ge [sflag:s20], $0x3E80  }
0x42: {  	[sflag:s20] =	ssyncset.done $0x0  }
0x43: {  	s28 =	sadd.s32 $0x100, s26;
	[sflag:s20] =	ssyncadd.s32 $0xFFFFC180  }
0x44: {  	[tilespmem:s17], [sflag:$0x1] =	stream.indirect.gather [hbm4b:s4+s16], $0x80, s28, s16, $0xb8;
	[tilespmem:$0x1E080] =	vst v63  }
.Ltmp0:
0x45: {  	_ = 	snop;
	(pc) =	sbr.rel @p1 .LBB2_2-.Ltmp0, $4  }
0x46: {  	s26 =	sadd.s32 $0x1480, s26  }
0x47: {  	[spmem:s1] =	stream.indirect.scatter.add.f32 [tilespmem:s19], [sflag:$0x3], $0x80, s26, s16, $0xb8;
	[tilespmem:$0x1E080] =	vst v63  }
0x48: {  	_ =	swait.ge [sflag:s11], $0x3E80  }
0x49: {  	[sflag:s11] =	ssyncset.done $0x0  }
0x4a: {  	[sflag:s11] =	ssyncadd.s32 $0xFFFFC180  }
0x4b: {  	_ =	swait.ge [sflag:s18], $0x3E80  }
0x4c: {  	[sflag:s18] =	ssyncset.done $0x0  }
0x4d: {  	[sflag:s18] =	ssyncadd.s32 $0xFFFFC180  }
0x4e: {  	[tilespmem:s19], [sflag:$0x2] =	stream.indirect.gather [hbm4b:s4+s16], $0x80, s21, s16, $0xb8;
	[tilespmem:$0x1E080] =	vst v63  }
0x4f: {  	_ = 	snop  }
0x50: {  	[spmem:s1] =	stream.indirect.scatter.add.f32 [tilespmem:s17], [sflag:$0x3], $0x80, s22, s16, $0xb8;
	[tilespmem:$0x1E080] =	vst v63  }
0x51: {  	_ =	swait.ge [sflag:s11], $0x3E80  }
0x52: {  	[sflag:s11] =	ssyncset.done $0x0  }
0x53: {  	[sflag:s11] =	ssyncadd.s32 $0xFFFFC180  }
0x54: {  	_ =	swait.ge [sflag:s20], $0x3E80  }
0x55: {  	[sflag:s20] =	ssyncset.done $0x0  }
0x56: {  	[sflag:s20] =	ssyncadd.s32 $0xFFFFC180  }
0x57: {  	[spmem:s1] =	stream.indirect.scatter.add.f32 [tilespmem:s19], [sflag:$0x3], $0x80, s23, s16, $0xb8;
	[tilespmem:$0x1E080] =	vst v63  }
0x58: {  	_ =	swait.ge [sflag:s11], $0x3E80  }
0x59: {  	[sflag:s11] =	ssyncset.done $0x0  }
0x5a: {  	[sflag:s11] =	ssyncadd.s32 $0xFFFFC180  }
0x5b: {  	s25 =	sadd.s32 s3, s9;
	[bflag:$0x0] =	sbarrier.arrive $0xFFFF  }
0x5c: {  	[hbm:s25], [sflag:s13] =	dma.local [spmem:s14], $0x2700  }
0x5d: {  	_ =	swait.ge [sflag:s11], $0x2700  }
0x5e: {  	s24 =	sadd.s32 $0x1, s24;
	[sflag:s11] =	ssyncset.done $0x0  }
0x5f: {  	p1 =	sne.s32 s24, s10;
	s25 =	sadd.s32 @!p0 $0x27000, s9;
	[sflag:s11] =	ssyncadd.s32 $0xFFFFD900  }
0x60: {  	[hbm:s25], [sflag:s13] =	dma.local @!p0 [spmem:s15], $0x100  }
.Ltmp1:
0x61: {  	_ = 	snop;
	(pc) =	sbr.rel @p1 .LBB2_1-.Ltmp1, $4  }
0x62: {  	s25 =	simm.s32 @!p0 $0x3  }
0x63: {  	_ =	swait.ge @!p0 [sflag:s25], $0x100  }
0x64: {  	[sflag:s25] =	ssyncset.done @!p0 $0x0  }
0x65: {  	[sflag:s25] =	ssyncadd.s32 @!p0 $0xFFFFFF00  }
0x66: {  	_ =	sfence.sel $0x180000  }
0x67: {  	[bflag:$0x0] =	sbarrier.arrive $0xFFFF  }
0x68: {  	_ =	strace $0x90000056  }
0x69: {  	s0 =	sadd.s32 @!p0 $0x100000, s0;
	[bflag:$0x2] =	sbarrier.arrive $0xFFFF  }
0x6a: {  	[sflag:s0] =	ssyncadd.tile.s32 @!p0 $0x1;
	_ =	shalt  }
.Lfunc_end2:
_tile_overlayer_lowered:
.L_overlay_start_2:
0x6b: {  	(tag) =	ssettag $0x2  }
0x6c: {  	s0 =	rddreg [dreg:$0x0];
	s2 =	stileid.u32  }
0x6d: {  	s1 =	rddreg [dreg:$0x1];
	p0 =	sne.s32 s2, $0x0  }
0x6e: {  	s3 =	rddreg [dreg:$0x2];
	[bflag:$0x3] =	sbarrier.arrive $0xFFFF;
	s2 =	simm.s32 @!p0 $0x1C03  }
0x6f: {  	[timem:s3], [sflag:s2] =	dma.local @!p0 [hbm:s0], s1  }
0x70: {  	s0 =	simm.s32 @!p0 $0x3  }
0x71: {  	_ =	swait.ge @!p0 [sflag:s0], s1  }
0x72: {  	s1 =	ssub.s32 @!p0 $0x0, s1;
	[sflag:s0] =	ssyncset.done @!p0 $0x0  }
0x73: {  	[sflag:s0] =	ssyncadd.s32 @!p0 s1  }
0x74: {  	[bflag:$0x3] =	sbarrier.arrive $0xFFFF  }
0x75: {  	_ =	shalt  }

// kernel: kernel.30.cloned.1.call-start
scs
__scs_entry_jumppad:
0x0: {  	(pc) =	sbr.rel $0x88, $3  }
0x1: {  	(tag) =	ssettag $0x0;
	lr =	simm.s32 $0x1  }
0x2: {  	[smem:$0x3F90] =	sst lr;
	_ =	strace $0xD0000000  }
0x3: {  	_ = 	snop  }
0x4: {  	_ = 	snop  }
0x5: {  	_ = 	snop  }
0x6: {  	_ = 	snop  }
0x7: {  	_ = 	snop  }
__scs_overlays_trampoline_lowered:
0x8: {  	[smem:$0x3F9F] =	sst s0  }
0x9: {  	[smem:$0x3FA0] =	sst s1  }
0xa: {  	[smem:$0x3FA1] =	sst s2  }
0xb: {  	[smem:$0x3FA2] =	sst s3  }
0xc: {  	[smem:$0x3FA3] =	sst s4  }
0xd: {  	[smem:$0x3FA4] =	sst s5  }
0xe: {  	[smem:$0x3FA5] =	sst s6  }
0xf: {  	[smem:$0x3FA6] =	sst s7  }
0x10: {  	[smem:$0x3FA7] =	sst s8  }
0x11: {  	[smem:$0x3FA8] =	sst s9;
	s0 =	simm.s32 @!p0 $0x0  }
0x12: {  	s1 =	sld [smem:$0x3F8E];
	s0 =	simm.s32 @p0 $0x1  }
0x13: {  	[smem:$0x3FA9] =	sst s0;
	s0 =	simm.s32 @!p1 $0x0  }
0x14: {  	s2 =	sld [smem:$0x3F8D];
	s0 =	simm.s32 @p1 $0x1  }
0x15: {  	[smem:$0x3FAA] =	sst s0;
	s0 =	simm.s32 @!p2 $0x0  }
0x16: {  	s3 =	sld [smem:$0x3FDB];
	s0 =	simm.s32 @p2 $0x1  }
0x17: {  	s4 =	simm.s32 $0x1BF5;
	[smem:$0x3FAC] =	sst s0  }
0x18: {  	s0 =	sld [smem:$0x3F8F];
	_ =	swait.ge [sflag:s4], $0x0  }
0x19: {  	s7 =	sld [smem:$0x3F90]  }
0x1a: {  	s8 =	sadd.s32 $0xFFFFE003, lr  }
0x1b: {  	s9 =	sadd.s32 $0xFFFFFEF7, lr;
	s5 =	simm.s32 $0xFFFFFFFF;
	p2 =	slt.u32 s8, $0xFFFFF086  }
0x1c: {  	p1 =	slt.u32 s9, $0xF7A;
	s5 =	simm.s32 @!p2 $0x0  }
0x1d: {  	s5 =	simm.s32 @p1 $0x1;
	p0 =	seq.s32 s7, s2  }
0x1e: {  	s7 =	smul.u32 @!p0 $0xF7A, s2;
	p2 =	seq.s32 @!p0 s5, $0x0  }
0x1f: {  	s9 =	smul.u32 $0xF7A, s1;
	s8 =	simm.s32 @!p0 $0x1BF5;
	p2 =	por !p2, p0  }
0x20: {  	[sflag:s8] =	ssyncset.s32 @!p0 $0xFFFFF086;
	s6 =	sadd.s32 @!p0 s3, s7;
	s7 =	simm.s32 @!p0 $0x108  }
0x21: {  	s3 =	sadd.s32 s3, s9;
	s6 =	sadd.s32 @!p0 $0x88, s6;
	s7 =	simm.s32 @p2 $0x1082  }
0x22: {  	[simem:s7], [sflag:s8] =	dma.local @!p0 [hbm:s6], $0xF7A  }
0x23: {  	s9 =	sor.u32 $0xD0000000, s2;
	s6 =	simm.s32 $0x108;
	_ =	swait.ge @!p0 [sflag:s8], $0x0  }
0x24: {  	s3 =	sadd.s32 $0x88, s3;
	s6 =	simm.s32 @!p1 $0x1082;
	[sflag:s4] =	ssyncset.s32 $0xFFFFF086  }
0x25: {  	[simem:s6], [sflag:s4] =	dma.local [hbm:s3], $0xF7A  }
0x26: {  	[smem:$0x3F90] =	sst s1;
	(tag) =	ssettag s2;
	_ =	strace s9  }
0x27: {  	s1 =	sld [smem:$0x3FA0]  }
0x28: {  	s2 =	sld [smem:$0x3FA1]  }
0x29: {  	s4 =	sld [smem:$0x3FA3]  }
0x2a: {  	p0 =	seq.s32 s5, $0x0;
	s5 =	sld [smem:$0x3FA4]  }
0x2b: {  	s6 =	sld [smem:$0x3FA5]  }
0x2c: {  	s7 =	sld [smem:$0x3FA6]  }
0x2d: {  	s3 =	simm.s32 $0x108;
	s8 =	sld [smem:$0x3FA7]  }
0x2e: {  	s3 =	simm.s32 @!p0 $0x1082;
	s9 =	sld [smem:$0x3FA8]  }
0x2f: {  	lr =	sadd.s32 s0, s3;
	s0 =	sld [smem:$0x3F9F]  }
0x30: {  	s3 =	sld [smem:$0x3FA2]  }
0x31: {  	[smem:$0x3FAB] =	sst s10  }
0x32: {  	s10 =	sld [smem:$0x3FA9];
	_ =	sdelay $0x3  }
0x33: {  	p0 =	seq.s32 s10, $0x1;
	s10 =	sld [smem:$0x3FAB];
	_ =	sdelay $0x3  }
0x34: {  	[smem:$0x3FAB] =	sst s10  }
0x35: {  	s10 =	sld [smem:$0x3FAA];
	_ =	sdelay $0x3  }
0x36: {  	p1 =	seq.s32 s10, $0x1;
	s10 =	sld [smem:$0x3FAB];
	_ =	sdelay $0x3  }
0x37: {  	[smem:$0x3FAB] =	sst s10  }
0x38: {  	s10 =	sld [smem:$0x3FAC]  }
0x39: {  	_ = 	snop;
	(pc) =	sbr.ind lr, $3  }
0x3a: {  	_ = 	snop  }
0x3b: {  	_ = 	snop  }
0x3c: {  	p2 =	seq.s32 s10, $0x1;
	s10 =	sld [smem:$0x3FAB]  }
0x3d: {  	_ =	shalt  }
0x3e: {  	_ =	shalt  }
0x3f: {  	_ =	shalt  }
0x40: {  	_ =	shalt  }
0x41: {  	_ =	shalt  }
0x42: {  	_ =	shalt  }
0x43: {  	_ =	shalt  }
0x44: {  	_ =	shalt  }
0x45: {  	_ =	shalt  }
0x46: {  	_ =	shalt  }
0x47: {  	_ =	shalt  }
0x48: {  	_ =	shalt  }
0x49: {  	_ =	shalt  }
0x4a: {  	_ =	shalt  }
0x4b: {  	_ =	shalt  }
0x4c: {  	_ =	shalt  }
0x4d: {  	_ =	shalt  }
0x4e: {  	_ =	shalt  }
0x4f: {  	_ =	shalt  }
0x50: {  	_ =	shalt  }
0x51: {  	_ =	shalt  }
0x52: {  	_ =	shalt  }
0x53: {  	_ =	shalt  }
0x54: {  	_ =	shalt  }
0x55: {  	_ =	shalt  }
0x56: {  	_ =	shalt  }
0x57: {  	_ =	shalt  }
0x58: {  	_ =	shalt  }
0x59: {  	_ =	shalt  }
0x5a: {  	_ =	shalt  }
0x5b: {  	_ =	shalt  }
0x5c: {  	_ =	shalt  }
0x5d: {  	_ =	shalt  }
0x5e: {  	_ =	shalt  }
0x5f: {  	_ =	shalt  }
0x60: {  	_ =	shalt  }
0x61: {  	_ =	shalt  }
0x62: {  	_ =	shalt  }
0x63: {  	_ =	shalt  }
0x64: {  	_ =	shalt  }
0x65: {  	_ =	shalt  }
0x66: {  	_ =	shalt  }
0x67: {  	_ =	shalt  }
0x68: {  	_ =	shalt  }
0x69: {  	_ =	shalt  }
0x6a: {  	_ =	shalt  }
0x6b: {  	_ =	shalt  }
0x6c: {  	_ =	shalt  }
0x6d: {  	_ =	shalt  }
0x6e: {  	_ =	shalt  }
0x6f: {  	_ =	shalt  }
0x70: {  	_ =	shalt  }
0x71: {  	_ =	shalt  }
0x72: {  	_ =	shalt  }
0x73: {  	_ =	shalt  }
0x74: {  	_ =	shalt  }
0x75: {  	_ =	shalt  }
0x76: {  	_ =	shalt  }
0x77: {  	_ =	shalt  }
0x78: {  	_ =	shalt  }
0x79: {  	_ =	shalt  }
0x7a: {  	_ =	shalt  }
0x7b: {  	_ =	shalt  }
0x7c: {  	_ =	shalt  }
0x7d: {  	_ =	shalt  }
0x7e: {  	_ =	shalt  }
0x7f: {  	_ =	shalt  }
0x80: {  	_ =	shalt  }
0x81: {  	_ =	shalt  }
0x82: {  	_ =	shalt  }
0x83: {  	_ =	shalt  }
0x84: {  	_ =	shalt  }
0x85: {  	_ =	shalt  }
0x86: {  	_ =	shalt  }
0x87: {  	_ =	shalt  }
.Lfunc_end0:
.L_simem_size_0:
called_computation.5_lowered:
.L_overlay_start_0:
0x88: {  	s2 =	sld [smem:$0x3FD9]  }
0x89: {  	s3 =	sld [smem:$0x3FFE];
	_ =	sdelay $0x1  }
0x8a: {  	s1 =	srdreg.scid  }
0x8b: {  	s0 =	sand.u32 $0x1, s1  }
0x8c: {  	s15 =	sshll.u32 s0, $0xA;
	s2 =	sadd.s32 s3, s2  }
0x8d: {  	s2 =	sadd.s32 s2, s15  }
0x8e: {  	[smem:$0x3FB7] =	sst s2  }
0x8f: {  	_ = 	snop  }
0x90: {  	s2 =	sld [smem:$0x3FD0];
	_ =	sdelay $0x2  }
0x91: {  	s16 =	simm.s32 $0xD;
	s4 =	simm.s32 $0x10  }
0x92: {  	[smem:s4], [sflag:s16] =	dma.local [hbm:s2], $0x1  }
0x93: {  	_ =	swait.eq [sflag:s16], $0x1  }
0x94: {  	[sflag:s16] =	ssyncset.done $0x0  }
0x95: {  	[sflag:s16] =	ssyncadd.s32 $0xFFFFFFFF  }
0x96: {  	s17 =	sld [smem:$0x10];
	(tm) =	ssettm $0x1  }
0x97: {  	s18 =	sld [smem:$0x3FFB];
	_ =	sdelay $0x3  }
0x98: {  	_ =	strace s18  }
0x99: {  	s2 =	sld [smem:$0x3FFC];
	_ =	sdelay $0x3  }
0x9a: {  	_ =	strace s2  }
0x9b: {  	s2 =	sld [smem:$0x3FFD];
	_ =	sdelay $0x3  }
0x9c: {  	_ =	strace s2  }
0x9d: {  	_ =	strace $0x8FFFFFFF  }
0x9e: {  	s19 =	sld [smem:$0x3FDB];
	_ =	sdelay $0x1  }
0x9f: {  	s20 =	simm.s32 $_scs_section_size  }
0xa0: {  	s5 =	simm.s32 $_size__tile_overlayer_lowered;
	s6 =	simm.s32 $_tile_overlayer_lowered  }
0xa1: {  	s7 =	simm.s32 $0x1BFF;
	s21 =	sshll.u32 s6, $0x1;
	s4 =	sadd.s32 s20, s19  }
0xa2: {  	s22 =	simm.s32 $0x0;
	s5 =	sshll.u32 s5, $0x1;
	s6 =	sadd.s32 s21, s4  }
0xa3: {  	[timem:s22], [sflag:s7] =	dma.local [hbm:s6], s5  }
0xa4: {  	_ =	swait.ge [sflag:s7], s5  }
0xa5: {  	s5 =	ssub.s32 $0x0, s5;
	[sflag:s7] =	ssyncset.done $0x0  }
0xa6: {  	[sflag:s7] =	ssyncadd.s32 s5;
	_ =	sdelay $0x1  }
0xa7: {  	s23 =	simm.s32 $0x1B8B  }
0xa8: {  	_ =	swait.ge [sflag:s23], $0x1  }
0xa9: {  	[sflag:s23] =	ssyncset.done $0x0  }
0xaa: {  	[sflag:s23] =	ssyncadd.s32 $0xFFFFFFFF  }
0xab: {  	s5 =	sld [smem:$0x0]  }
0xac: {  	s6 =	sand.u32 $0xFFFFFFFE, s1  }
0xad: {  	p0 =	sne.s32 s1, s6  }
0xae: {  	s6 =	sshll.u32 @p0 s6, $0xE  }
0xaf: {  	s6 =	sadd.s32 @p0 $0x11B8D, s6;
	s7 =	sshll.u32 @p0 s5, $0x11  }
0xb0: {  	s6 =	sor.u32 @p0 s7, s6  }
0xb1: {  	[sflag:s6] =	ssyncadd.remote.s32 @p0 $0x1;
	_ =	sdelay $0x1  }
0xb2: {  	s6 =	simm.s32 @p0 $0x1B8D  }
0xb3: {  	_ =	swait.eq @p0 [sflag:s6], $0x1  }
0xb4: {  	[sflag:s6] =	ssyncadd.s32 @p0 $0xFFFFFFFF  }
0xb5: {  	s7 =	sshll.u32 @!p0 s1, $0xE  }
0xb6: {  	s7 =	sor.u32 @!p0 $0x4000, s7;
	s6 =	simm.s32 @!p0 $0x1B8D  }
0xb7: {  	s5 =	sshll.u32 @!p0 s5, $0x11;
	s7 =	sadd.s32 @!p0 $0x11B8D, s7;
	_ =	swait.eq @!p0 [sflag:s6], $0x1  }
0xb8: {  	s5 =	sor.u32 @!p0 s5, s7;
	[sflag:s6] =	ssyncadd.s32 @!p0 $0xFFFFFFFF  }
0xb9: {  	s25 =	simm.s32 $0x1B8E;
	s24 =	sld [smem:$0x3FFE];
	[sflag:s5] =	ssyncadd.remote.s32 @!p0 $0x1  }
0xba: {  	s26 =	simm.s32 $execute0_lowered;
	[smem:$0x3FD2] =	sst s25  }
0xbb: {  	s6 =	sshll.u32 s26, $0x1;
	_ =	strace $0x80000052;
	[dreg:$0x1] =	wrdreg $0xFFFFFFFF  }
0xbc: {  	s28 =	simm.s32 $_size_execute0_lowered;
	s4 =	sadd.s32 s4, s6;
	[dreg:$0x0] =	wrdreg $0x0  }
0xbd: {  	s6 =	sshll.u32 s28, $0x1;
	[dreg:$0x2] =	wrdreg s4  }
0xbe: {  	[dreg:$0x3] =	wrdreg s6  }
0xbf: {  	[dreg:$0x4] =	wrdreg $0xC0  }
0xc0: {  	_ =	task [dreg:s22], $0x5FFFF  }
0xc1: {  	[dreg:$0x1] =	wrdreg $0xFFFFFFFF  }
0xc2: {  	[dreg:$0x0] =	wrdreg $0x60  }
0xc3: {  	[dreg:$0x2] =	wrdreg s24  }
0xc4: {  	[dreg:$0x3] =	wrdreg s17  }
0xc5: {  	[dreg:$0x4] =	wrdreg $0xA8000  }
0xc6: {  	[dreg:$0x5] =	wrdreg $0xB  }
0xc7: {  	_ =	task.clear_ibuf [dreg:s22], $0x6FFFF;
	_ =	strace $0x90000052  }
0xc8: {  	s29 =	simm.s32 $0xB;
	_ =	strace $0x80000054  }
0xc9: {  	_ =	swait.ge [sflag:s29], $0x1  }
0xca: {  	[sflag:s29] =	ssyncadd.s32 $0xFFFFFFFF  }
0xcb: {  	_ =	strace $0x90000054  }
0xcc: {  	_ =	sfence  }
0xcd: {  	s30 =	sld [smem:$0x0];
	_ =	sdelay $0x2  }
0xce: {  	s31 =	sshll.u32 s1, $0xD;
	s1 =	sshrl.u32 s1, $0x2  }
0xcf: {  	s4 =	sand.u32 $0x4000, s31;
	s1 =	sadd.s32 s1, s30  }
0xd0: {  	s0 =	sor.u32 s4, s0;
	s1 =	sshll.u32 s1, $0x11  }
0xd1: {  	s0 =	sor.u32 s1, s0  }
0xd2: {  	s0 =	sadd.s32 $0x8F2B, s0  }
0xd3: {  	[sflag:s0] =	ssyncadd.remote.s32 $0x1  }
0xd4: {  	_ =	sfence.sel $0xFFFF  }
0xd5: {  	[dreg:$0x0] =	wrdreg $0xFFFFFFFF;
	(pc) =	sbr.abs _section_cstart, $3  }
0xd6: {  	[dreg:$0x1] =	wrdreg $0xFFFFFFFF  }
0xd7: {  	_ =	task.clear_ibuf [dreg:s22], $0x2FFFF;
	_ =	strace $0x9FFFFFFF  }
0xd8: {  	(tm) =	ssettm $0x7FFFFFFF  }
0xd9: {  	_ =	shalt  }
tec
execute0_lowered:
.L_overlay_start_1:
0x0: {  	(tag) =	ssettag $0x1  }
0x1: {  	s8 =	rddreg [dreg:$0x0]  }
0x2: {  	s0 =	srdreg.scid;
	s6 =	rddreg [dreg:$0x1]  }
0x3: {  	s13 =	stileid.u32;
	s1 =	rddreg [dreg:$0x2];
	s2 =	simm.s32 $0x0  }
0x4: {  	s17 =	simm.s32 $0x2800;
	s18 =	simm.s32 $0x1;
	s19 =	simm.s32 $0x6800  }
0x5: {  	s20 =	simm.s32 $0x2;
	s21 =	simm.s32 $0x1380;
	s22 =	simm.s32 $0x2700  }
0x6: {  	s23 =	simm.s32 $0x2780;
	s24 =	simm.s32 $0x0;
	s5 =	sand.u32 $0x1, s0  }
0x7: {  	[smem:$0x7FF] =	sst s2;
	s4 =	sadd.s32 $0xDC200, s8;
	s10 =	smul.u32 $0x4E000, s13  }
0x8: {  	s16 =	sadd.s32 $0x138000, s1;
	p0 =	sne.s32 s13, $0x0;
	s0 =	sshll.u32 s5, $0x4  }
0x9: {  	s9 =	smul.u32 $0x27100, s5;
	s5 =	ssub.s32 $0x2, s5;
	s3 =	sor.u32 s13, s0  }
0xa: {  	s0 =	rddreg [dreg:$0x3];
	_ =	strace $0x80000053;
	s7 =	smul.u32 $0x280, s3  }
0xb: {  	s14 =	sshrl.u32 s5, $0x1;
	s10 =	sshrl.u32 s10, $0x2;
	s3 =	smul.u32 $0x2700, s13  }
0xc: {  	s9 =	sadd.s32 s9, s8;
	s14 =	ssub.s32 s5, s14;
	s15 =	sadd.s32 s10, s1  }
0xd: {  	s13 =	sshll.u32 s13, $0x6;
	s9 =	sadd.s32 $0x2B600, s9;
	s10 =	smax.u32 s14, $0x1  }
0xe: {  	s13 =	sor.u32 $0x1C03, s13;
	s14 =	sshrl.u32 s15, $0x3;
	s15 =	sshrl.u32 @!p0 s16, $0x3  }
0xf: {  	s16 =	simm.s32 $0x7D;
	s11 =	sadd.s32 s7, s8;
	s12 =	sadd.s32 s3, s8  }
0x10: {  	s6 =	sadd.s32 s6, s7;
	s8 =	sadd.s32 $0x2B400, s8;
	s5 =	sadd.s32 $0x84000, s11  }
0x11: {  	s7 =	sadd.s32 $0x4400, s12;
	s11 =	simm.s32 $0x3;
	s12 =	simm.s32 $0x1400  }
.LBB2_1:
0x12: {  	[tilespmem:s2], [sflag:$0x3] =	stream.linear.gather [hbm4b:s5+s2], $0x1400, $0x38;
	[tilespmem:$0x1E080] =	vst v63  }
0x13: {  	_ =	swait.ge [sflag:s11], $0x1400  }
0x14: {  	[sflag:s11] =	ssyncset.done $0x0  }
0x15: {  	[sflag:s11] =	ssyncadd.s32 $0xFFFFEC00  }
0x16: {  	[tilespmem:s12], [sflag:$0x3] =	stream.linear.gather [hbm4b:s6+s2], $0x1400, $0x38;
	[tilespmem:$0x1E080] =	vst v63  }
0x17: {  	_ =	swait.ge [sflag:s11], $0x1400  }
0x18: {  	[sflag:s11] =	ssyncset.done $0x0  }
0x19: {  	[sflag:s11] =	ssyncadd.s32 $0xFFFFEC00  }
0x1a: {  	[spmem:s14], [sflag:s13] =	dma.local [hbm:s7], $0x2700  }
0x1b: {  	_ =	swait.ge [sflag:s11], $0x2700  }
0x1c: {  	[sflag:s11] =	ssyncset.done $0x0  }
0x1d: {  	s25 =	simm.s32 @!p0 $0x3;
	[sflag:s11] =	ssyncadd.s32 $0xFFFFD900  }
0x1e: {  	[spmem:s15], [sflag:s13] =	dma.local @!p0 [hbm:s8], $0x100  }
0x1f: {  	_ =	swait.ge @!p0 [sflag:s25], $0x100  }
0x20: {  	[sflag:s25] =	ssyncset.done @!p0 $0x0  }
0x21: {  	[sflag:s25] =	ssyncadd.s32 @!p0 $0xFFFFFF00  }
0x22: {  	[bflag:$0x0] =	sbarrier.arrive $0xFFFF  }
0x23: {  	[tilespmem:s17], [sflag:$0x1] =	stream.indirect.gather [hbm4b:s4+s16], $0x80, s2, s16, $0xb8;
	[tilespmem:$0x1E080] =	vst v63  }
0x24: {  	_ =	swait.ge [sflag:s18], $0x3E80  }
0x25: {  	[sflag:s18] =	ssyncset.done $0x0  }
0x26: {  	s28 =	simm.s32 $0x80;
	[sflag:s18] =	ssyncadd.s32 $0xFFFFC180  }
0x27: {  	[tilespmem:s19], [sflag:$0x2] =	stream.indirect.gather [hbm4b:s4+s16], $0x80, s28, s16, $0xb8;
	[tilespmem:$0x1E080] =	vst v63  }
0x28: {  	s29 =	simm.s32 $0x1400  }
0x29: {  	[spmem:s1] =	stream.indirect.scatter.add.f32 [tilespmem:s17], [sflag:$0x3], $0x80, s29, s16, $0xb8;
	[tilespmem:$0x1E080] =	vst v63  }
0x2a: {  	_ =	swait.ge [sflag:s11], $0x3E80  }
0x2b: {  	[sflag:s11] =	ssyncset.done $0x0  }
0x2c: {  	[sflag:s11] =	ssyncadd.s32 $0xFFFFC180  }
0x2d: {  	_ =	swait.ge [sflag:s20], $0x3E80  }
0x2e: {  	[sflag:s20] =	ssyncset.done $0x0  }
0x2f: {  	s30 =	simm.s32 $0x100;
	[sflag:s20] =	ssyncadd.s32 $0xFFFFC180  }
0x30: {  	[tilespmem:s17], [sflag:$0x1] =	stream.indirect.gather [hbm4b:s4+s16], $0x80, s30, s16, $0xb8;
	[tilespmem:$0x1E080] =	vst v63  }
0x31: {  	s31 =	simm.s32 $0x1480  }
0x32: {  	[spmem:s1] =	stream.indirect.scatter.add.f32 [tilespmem:s19], [sflag:$0x3], $0x80, s31, s16, $0xb8;
	[tilespmem:$0x1E080] =	vst v63  }
0x33: {  	_ =	swait.ge [sflag:s11], $0x3E80  }
0x34: {  	s25 =	simm.s32 $0x400;
	[sflag:s11] =	ssyncset.done $0x0  }
.LBB2_2:
0x35: {  	p1 =	sne.s32 s25, $0x4800  }
0x36: {  	[sflag:s11] =	ssyncadd.s32 $0xFFFFC180;
	s26 =	smov.u32 s25;
	s25 =	sadd.s32 $0x400, s25  }
0x37: {  	_ = 	snop  }
0x38: {  	_ =	swait.ge [sflag:s18], $0x3E80  }
0x39: {  	s26 =	sshra.s32 s26, $0x2;
	[sflag:s18] =	ssyncset.done $0x0  }
0x3a: {  	s28 =	sadd.s32 $0x80, s26;
	[sflag:s18] =	ssyncadd.s32 $0xFFFFC180  }
0x3b: {  	[tilespmem:s19], [sflag:$0x2] =	stream.indirect.gather [hbm4b:s4+s16], $0x80, s28, s16, $0xb8;
	[tilespmem:$0x1E080] =	vst v63  }
0x3c: {  	s28 =	sadd.s32 $0x1400, s26  }
0x3d: {  	[spmem:s1] =	stream.indirect.scatter.add.f32 [tilespmem:s17], [sflag:$0x3], $0x80, s28, s16, $0xb8;
	[tilespmem:$0x1E080] =	vst v63  }
0x3e: {  	_ =	swait.ge [sflag:s11], $0x3E80  }
0x3f: {  	[sflag:s11] =	ssyncset.done $0x0  }
0x40: {  	[sflag:s11] =	ssyncadd.s32 $0xFFFFC180  }
0x41: {  	_ =	swait.ge [sflag:s20], $0x3E80  }
0x42: {  	[sflag:s20] =	ssyncset.done $0x0  }
0x43: {  	s28 =	sadd.s32 $0x100, s26;
	[sflag:s20] =	ssyncadd.s32 $0xFFFFC180  }
0x44: {  	[tilespmem:s17], [sflag:$0x1] =	stream.indirect.gather [hbm4b:s4+s16], $0x80, s28, s16, $0xb8;
	[tilespmem:$0x1E080] =	vst v63  }
.Ltmp0:
0x45: {  	_ = 	snop;
	(pc) =	sbr.rel @p1 .LBB2_2-.Ltmp0, $4  }
0x46: {  	s26 =	sadd.s32 $0x1480, s26  }
0x47: {  	[spmem:s1] =	stream.indirect.scatter.add.f32 [tilespmem:s19], [sflag:$0x3], $0x80, s26, s16, $0xb8;
	[tilespmem:$0x1E080] =	vst v63  }
0x48: {  	_ =	swait.ge [sflag:s11], $0x3E80  }
0x49: {  	[sflag:s11] =	ssyncset.done $0x0  }
0x4a: {  	[sflag:s11] =	ssyncadd.s32 $0xFFFFC180  }
0x4b: {  	_ =	swait.ge [sflag:s18], $0x3E80  }
0x4c: {  	[sflag:s18] =	ssyncset.done $0x0  }
0x4d: {  	[sflag:s18] =	ssyncadd.s32 $0xFFFFC180  }
0x4e: {  	[tilespmem:s19], [sflag:$0x2] =	stream.indirect.gather [hbm4b:s4+s16], $0x80, s21, s16, $0xb8;
	[tilespmem:$0x1E080] =	vst v63  }
0x4f: {  	_ = 	snop  }
0x50: {  	[spmem:s1] =	stream.indirect.scatter.add.f32 [tilespmem:s17], [sflag:$0x3], $0x80, s22, s16, $0xb8;
	[tilespmem:$0x1E080] =	vst v63  }
0x51: {  	_ =	swait.ge [sflag:s11], $0x3E80  }
0x52: {  	[sflag:s11] =	ssyncset.done $0x0  }
0x53: {  	[sflag:s11] =	ssyncadd.s32 $0xFFFFC180  }
0x54: {  	_ =	swait.ge [sflag:s20], $0x3E80  }
0x55: {  	[sflag:s20] =	ssyncset.done $0x0  }
0x56: {  	[sflag:s20] =	ssyncadd.s32 $0xFFFFC180  }
0x57: {  	[spmem:s1] =	stream.indirect.scatter.add.f32 [tilespmem:s19], [sflag:$0x3], $0x80, s23, s16, $0xb8;
	[tilespmem:$0x1E080] =	vst v63  }
0x58: {  	_ =	swait.ge [sflag:s11], $0x3E80  }
0x59: {  	[sflag:s11] =	ssyncset.done $0x0  }
0x5a: {  	[sflag:s11] =	ssyncadd.s32 $0xFFFFC180  }
0x5b: {  	s25 =	sadd.s32 s3, s9;
	[bflag:$0x0] =	sbarrier.arrive $0xFFFF  }
0x5c: {  	[hbm:s25], [sflag:s13] =	dma.local [spmem:s14], $0x2700  }
0x5d: {  	_ =	swait.ge [sflag:s11], $0x2700  }
0x5e: {  	s24 =	sadd.s32 $0x1, s24;
	[sflag:s11] =	ssyncset.done $0x0  }
0x5f: {  	p1 =	sne.s32 s24, s10;
	s25 =	sadd.s32 @!p0 $0x27000, s9;
	[sflag:s11] =	ssyncadd.s32 $0xFFFFD900  }
0x60: {  	[hbm:s25], [sflag:s13] =	dma.local @!p0 [spmem:s15], $0x100  }
.Ltmp1:
0x61: {  	_ = 	snop;
	(pc) =	sbr.rel @p1 .LBB2_1-.Ltmp1, $4  }
0x62: {  	s25 =	simm.s32 @!p0 $0x3  }
0x63: {  	_ =	swait.ge @!p0 [sflag:s25], $0x100  }
0x64: {  	[sflag:s25] =	ssyncset.done @!p0 $0x0  }
0x65: {  	[sflag:s25] =	ssyncadd.s32 @!p0 $0xFFFFFF00  }
0x66: {  	_ =	sfence.sel $0x180000  }
0x67: {  	[bflag:$0x0] =	sbarrier.arrive $0xFFFF  }
0x68: {  	_ =	strace $0x90000053  }
0x69: {  	s0 =	sadd.s32 @!p0 $0x100000, s0;
	[bflag:$0x2] =	sbarrier.arrive $0xFFFF  }
0x6a: {  	[sflag:s0] =	ssyncadd.tile.s32 @!p0 $0x1;
	_ =	shalt  }
.Lfunc_end2:
_tile_overlayer_lowered:
.L_overlay_start_2:
0x6b: {  	(tag) =	ssettag $0x2  }
0x6c: {  	s0 =	rddreg [dreg:$0x0];
	s2 =	stileid.u32  }
0x6d: {  	s1 =	rddreg [dreg:$0x1];
	p0 =	sne.s32 s2, $0x0  }
0x6e: {  	s3 =	rddreg [dreg:$0x2];
	[bflag:$0x3] =	sbarrier.arrive $0xFFFF;
	s2 =	simm.s32 @!p0 $0x1C03  }
0x6f: {  	[timem:s3], [sflag:s2] =	dma.local @!p0 [hbm:s0], s1  }
0x70: {  	s0 =	simm.s32 @!p0 $0x3  }
0x71: {  	_ =	swait.ge @!p0 [sflag:s0], s1  }
0x72: {  	s1 =	ssub.s32 @!p0 $0x0, s1;
	[sflag:s0] =	ssyncset.done @!p0 $0x0  }
0x73: {  	[sflag:s0] =	ssyncadd.s32 @!p0 s1  }
0x74: {  	[bflag:$0x3] =	sbarrier.arrive $0xFFFF  }
0x75: {  	_ =	shalt  }

// kernel: kernel.33.cloned.1.call-start
scs
__scs_entry_jumppad:
0x0: {  	(pc) =	sbr.rel $0x88, $3  }
0x1: {  	(tag) =	ssettag $0x0;
	lr =	simm.s32 $0x1  }
0x2: {  	[smem:$0x3F90] =	sst lr;
	_ =	strace $0xD0000000  }
0x3: {  	_ = 	snop  }
0x4: {  	_ = 	snop  }
0x5: {  	_ = 	snop  }
0x6: {  	_ = 	snop  }
0x7: {  	_ = 	snop  }
__scs_overlays_trampoline_lowered:
0x8: {  	[smem:$0x3F9F] =	sst s0  }
0x9: {  	[smem:$0x3FA0] =	sst s1  }
0xa: {  	[smem:$0x3FA1] =	sst s2  }
0xb: {  	[smem:$0x3FA2] =	sst s3  }
0xc: {  	[smem:$0x3FA3] =	sst s4  }
0xd: {  	[smem:$0x3FA4] =	sst s5  }
0xe: {  	[smem:$0x3FA5] =	sst s6  }
0xf: {  	[smem:$0x3FA6] =	sst s7  }
0x10: {  	[smem:$0x3FA7] =	sst s8  }
0x11: {  	[smem:$0x3FA8] =	sst s9;
	s0 =	simm.s32 @!p0 $0x0  }
0x12: {  	s1 =	sld [smem:$0x3F8E];
	s0 =	simm.s32 @p0 $0x1  }
0x13: {  	[smem:$0x3FA9] =	sst s0;
	s0 =	simm.s32 @!p1 $0x0  }
0x14: {  	s2 =	sld [smem:$0x3F8D];
	s0 =	simm.s32 @p1 $0x1  }
0x15: {  	[smem:$0x3FAA] =	sst s0;
	s0 =	simm.s32 @!p2 $0x0  }
0x16: {  	s3 =	sld [smem:$0x3FDB];
	s0 =	simm.s32 @p2 $0x1  }
0x17: {  	s4 =	simm.s32 $0x1BF5;
	[smem:$0x3FAC] =	sst s0  }
0x18: {  	s0 =	sld [smem:$0x3F8F];
	_ =	swait.ge [sflag:s4], $0x0  }
0x19: {  	s7 =	sld [smem:$0x3F90]  }
0x1a: {  	s8 =	sadd.s32 $0xFFFFE003, lr  }
0x1b: {  	s9 =	sadd.s32 $0xFFFFFEF7, lr;
	s5 =	simm.s32 $0xFFFFFFFF;
	p2 =	slt.u32 s8, $0xFFFFF086  }
0x1c: {  	p1 =	slt.u32 s9, $0xF7A;
	s5 =	simm.s32 @!p2 $0x0  }
0x1d: {  	s5 =	simm.s32 @p1 $0x1;
	p0 =	seq.s32 s7, s2  }
0x1e: {  	s7 =	smul.u32 @!p0 $0xF7A, s2;
	p2 =	seq.s32 @!p0 s5, $0x0  }
0x1f: {  	s9 =	smul.u32 $0xF7A, s1;
	s8 =	simm.s32 @!p0 $0x1BF5;
	p2 =	por !p2, p0  }
0x20: {  	[sflag:s8] =	ssyncset.s32 @!p0 $0xFFFFF086;
	s6 =	sadd.s32 @!p0 s3, s7;
	s7 =	simm.s32 @!p0 $0x108  }
0x21: {  	s3 =	sadd.s32 s3, s9;
	s6 =	sadd.s32 @!p0 $0x88, s6;
	s7 =	simm.s32 @p2 $0x1082  }
0x22: {  	[simem:s7], [sflag:s8] =	dma.local @!p0 [hbm:s6], $0xF7A  }
0x23: {  	s9 =	sor.u32 $0xD0000000, s2;
	s6 =	simm.s32 $0x108;
	_ =	swait.ge @!p0 [sflag:s8], $0x0  }
0x24: {  	s3 =	sadd.s32 $0x88, s3;
	s6 =	simm.s32 @!p1 $0x1082;
	[sflag:s4] =	ssyncset.s32 $0xFFFFF086  }
0x25: {  	[simem:s6], [sflag:s4] =	dma.local [hbm:s3], $0xF7A  }
0x26: {  	[smem:$0x3F90] =	sst s1;
	(tag) =	ssettag s2;
	_ =	strace s9  }
0x27: {  	s1 =	sld [smem:$0x3FA0]  }
0x28: {  	s2 =	sld [smem:$0x3FA1]  }
0x29: {  	s4 =	sld [smem:$0x3FA3]  }
0x2a: {  	p0 =	seq.s32 s5, $0x0;
	s5 =	sld [smem:$0x3FA4]  }
0x2b: {  	s6 =	sld [smem:$0x3FA5]  }
0x2c: {  	s7 =	sld [smem:$0x3FA6]  }
0x2d: {  	s3 =	simm.s32 $0x108;
	s8 =	sld [smem:$0x3FA7]  }
0x2e: {  	s3 =	simm.s32 @!p0 $0x1082;
	s9 =	sld [smem:$0x3FA8]  }
0x2f: {  	lr =	sadd.s32 s0, s3;
	s0 =	sld [smem:$0x3F9F]  }
0x30: {  	s3 =	sld [smem:$0x3FA2]  }
0x31: {  	[smem:$0x3FAB] =	sst s10  }
0x32: {  	s10 =	sld [smem:$0x3FA9];
	_ =	sdelay $0x3  }
0x33: {  	p0 =	seq.s32 s10, $0x1;
	s10 =	sld [smem:$0x3FAB];
	_ =	sdelay $0x3  }
0x34: {  	[smem:$0x3FAB] =	sst s10  }
0x35: {  	s10 =	sld [smem:$0x3FAA];
	_ =	sdelay $0x3  }
0x36: {  	p1 =	seq.s32 s10, $0x1;
	s10 =	sld [smem:$0x3FAB];
	_ =	sdelay $0x3  }
0x37: {  	[smem:$0x3FAB] =	sst s10  }
0x38: {  	s10 =	sld [smem:$0x3FAC]  }
0x39: {  	_ = 	snop;
	(pc) =	sbr.ind lr, $3  }
0x3a: {  	_ = 	snop  }
0x3b: {  	_ = 	snop  }
0x3c: {  	p2 =	seq.s32 s10, $0x1;
	s10 =	sld [smem:$0x3FAB]  }
0x3d: {  	_ =	shalt  }
0x3e: {  	_ =	shalt  }
0x3f: {  	_ =	shalt  }
0x40: {  	_ =	shalt  }
0x41: {  	_ =	shalt  }
0x42: {  	_ =	shalt  }
0x43: {  	_ =	shalt  }
0x44: {  	_ =	shalt  }
0x45: {  	_ =	shalt  }
0x46: {  	_ =	shalt  }
0x47: {  	_ =	shalt  }
0x48: {  	_ =	shalt  }
0x49: {  	_ =	shalt  }
0x4a: {  	_ =	shalt  }
0x4b: {  	_ =	shalt  }
0x4c: {  	_ =	shalt  }
0x4d: {  	_ =	shalt  }
0x4e: {  	_ =	shalt  }
0x4f: {  	_ =	shalt  }
0x50: {  	_ =	shalt  }
0x51: {  	_ =	shalt  }
0x52: {  	_ =	shalt  }
0x53: {  	_ =	shalt  }
0x54: {  	_ =	shalt  }
0x55: {  	_ =	shalt  }
0x56: {  	_ =	shalt  }
0x57: {  	_ =	shalt  }
0x58: {  	_ =	shalt  }
0x59: {  	_ =	shalt  }
0x5a: {  	_ =	shalt  }
0x5b: {  	_ =	shalt  }
0x5c: {  	_ =	shalt  }
0x5d: {  	_ =	shalt  }
0x5e: {  	_ =	shalt  }
0x5f: {  	_ =	shalt  }
0x60: {  	_ =	shalt  }
0x61: {  	_ =	shalt  }
0x62: {  	_ =	shalt  }
0x63: {  	_ =	shalt  }
0x64: {  	_ =	shalt  }
0x65: {  	_ =	shalt  }
0x66: {  	_ =	shalt  }
0x67: {  	_ =	shalt  }
0x68: {  	_ =	shalt  }
0x69: {  	_ =	shalt  }
0x6a: {  	_ =	shalt  }
0x6b: {  	_ =	shalt  }
0x6c: {  	_ =	shalt  }
0x6d: {  	_ =	shalt  }
0x6e: {  	_ =	shalt  }
0x6f: {  	_ =	shalt  }
0x70: {  	_ =	shalt  }
0x71: {  	_ =	shalt  }
0x72: {  	_ =	shalt  }
0x73: {  	_ =	shalt  }
0x74: {  	_ =	shalt  }
0x75: {  	_ =	shalt  }
0x76: {  	_ =	shalt  }
0x77: {  	_ =	shalt  }
0x78: {  	_ =	shalt  }
0x79: {  	_ =	shalt  }
0x7a: {  	_ =	shalt  }
0x7b: {  	_ =	shalt  }
0x7c: {  	_ =	shalt  }
0x7d: {  	_ =	shalt  }
0x7e: {  	_ =	shalt  }
0x7f: {  	_ =	shalt  }
0x80: {  	_ =	shalt  }
0x81: {  	_ =	shalt  }
0x82: {  	_ =	shalt  }
0x83: {  	_ =	shalt  }
0x84: {  	_ =	shalt  }
0x85: {  	_ =	shalt  }
0x86: {  	_ =	shalt  }
0x87: {  	_ =	shalt  }
.Lfunc_end0:
.L_simem_size_0:
called_computation.6_lowered:
.L_overlay_start_0:
0x88: {  	s2 =	sld [smem:$0x3FD9]  }
0x89: {  	s3 =	sld [smem:$0x3FFE];
	_ =	sdelay $0x1  }
0x8a: {  	s1 =	srdreg.scid  }
0x8b: {  	s0 =	sand.u32 $0x1, s1  }
0x8c: {  	s14 =	sshll.u32 s0, $0xA;
	s2 =	sadd.s32 s3, s2  }
0x8d: {  	s2 =	sadd.s32 s2, s14  }
0x8e: {  	[smem:$0x3FB7] =	sst s2  }
0x8f: {  	_ = 	snop  }
0x90: {  	s2 =	sld [smem:$0x3FD0];
	_ =	sdelay $0x2  }
0x91: {  	s15 =	simm.s32 $0xD;
	s4 =	simm.s32 $0x10  }
0x92: {  	[smem:s4], [sflag:s15] =	dma.local [hbm:s2], $0x1  }
0x93: {  	_ =	swait.eq [sflag:s15], $0x1  }
0x94: {  	[sflag:s15] =	ssyncset.done $0x0  }
0x95: {  	[sflag:s15] =	ssyncadd.s32 $0xFFFFFFFF  }
0x96: {  	s16 =	sld [smem:$0x10];
	(tm) =	ssettm $0x1  }
0x97: {  	s17 =	sld [smem:$0x3FFB];
	_ =	sdelay $0x3  }
0x98: {  	_ =	strace s17  }
0x99: {  	s3 =	sld [smem:$0x3FFC];
	_ =	sdelay $0x3  }
0x9a: {  	_ =	strace s3  }
0x9b: {  	s3 =	sld [smem:$0x3FFD];
	_ =	sdelay $0x3  }
0x9c: {  	_ =	strace s3  }
0x9d: {  	_ =	strace $0x8FFFFFFF  }
0x9e: {  	s18 =	sld [smem:$0x3FDB];
	_ =	sdelay $0x1  }
0x9f: {  	s19 =	simm.s32 $_scs_section_size  }
0xa0: {  	s5 =	simm.s32 $_size__tile_overlayer_lowered;
	s6 =	simm.s32 $_tile_overlayer_lowered  }
0xa1: {  	s22 =	simm.s32 $0x1BFF;
	s21 =	sshll.u32 s6, $0x1;
	s3 =	sadd.s32 s19, s18  }
0xa2: {  	s7 =	simm.s32 $0x0;
	s20 =	sshll.u32 s5, $0x1;
	s5 =	sadd.s32 s21, s3  }
0xa3: {  	[timem:s7], [sflag:s22] =	dma.local [hbm:s5], s20  }
0xa4: {  	_ =	swait.ge [sflag:s22], s20  }
0xa5: {  	s4 =	ssub.s32 $0x0, s20;
	[sflag:s22] =	ssyncset.done $0x0  }
0xa6: {  	[sflag:s22] =	ssyncadd.s32 s4;
	_ =	sdelay $0x1  }
0xa7: {  	s23 =	simm.s32 $0x1B8B  }
0xa8: {  	_ =	swait.ge [sflag:s23], $0x1  }
0xa9: {  	[sflag:s23] =	ssyncset.done $0x0  }
0xaa: {  	s25 =	simm.s32 $0x1B8E;
	s24 =	sld [smem:$0x3FFE];
	[sflag:s23] =	ssyncadd.s32 $0xFFFFFFFF  }
0xab: {  	s26 =	simm.s32 $execute0_lowered;
	[smem:$0x3FD2] =	sst s25  }
0xac: {  	s5 =	sshll.u32 s26, $0x1;
	_ =	strace $0x8000004F;
	[dreg:$0x1] =	wrdreg $0xFFFFFFFF  }
0xad: {  	s28 =	simm.s32 $_size_execute0_lowered;
	s3 =	sadd.s32 s3, s5;
	[dreg:$0x0] =	wrdreg $0x0  }
0xae: {  	s5 =	sshll.u32 s28, $0x1;
	[dreg:$0x2] =	wrdreg s3  }
0xaf: {  	[dreg:$0x3] =	wrdreg s5  }
0xb0: {  	[dreg:$0x4] =	wrdreg $0xC0  }
0xb1: {  	_ =	task [dreg:s7], $0x5FFFF  }
0xb2: {  	[dreg:$0x1] =	wrdreg $0xFFFFFFFF  }
0xb3: {  	[dreg:$0x0] =	wrdreg $0x60  }
0xb4: {  	[dreg:$0x2] =	wrdreg s24  }
0xb5: {  	[dreg:$0x3] =	wrdreg s16  }
0xb6: {  	[dreg:$0x4] =	wrdreg $0xA8000  }
0xb7: {  	[dreg:$0x5] =	wrdreg $0xC  }
0xb8: {  	_ =	task.clear_ibuf [dreg:s7], $0x6FFFF;
	_ =	strace $0x9000004F  }
0xb9: {  	s29 =	simm.s32 $0xC;
	_ =	strace $0x80000051  }
0xba: {  	_ =	swait.ge [sflag:s29], $0x1  }
0xbb: {  	[sflag:s29] =	ssyncadd.s32 $0xFFFFFFFF  }
0xbc: {  	_ =	strace $0x90000051  }
0xbd: {  	_ =	sfence  }
0xbe: {  	s30 =	sld [smem:$0x0];
	_ =	sdelay $0x2  }
0xbf: {  	s31 =	sshll.u32 s1, $0xD;
	s1 =	sshrl.u32 s1, $0x2  }
0xc0: {  	s3 =	sand.u32 $0x4000, s31;
	s1 =	sadd.s32 s1, s30  }
0xc1: {  	s0 =	sor.u32 s3, s0;
	s1 =	sshll.u32 s1, $0x11  }
0xc2: {  	s0 =	sor.u32 s1, s0  }
0xc3: {  	s0 =	sadd.s32 $0x8F2B, s0  }
0xc4: {  	[sflag:s0] =	ssyncadd.remote.s32 $0x1  }
0xc5: {  	_ =	sfence.sel $0xFFFF  }
0xc6: {  	[dreg:$0x0] =	wrdreg $0xFFFFFFFF;
	(pc) =	sbr.abs _section_cstart, $3  }
0xc7: {  	[dreg:$0x1] =	wrdreg $0xFFFFFFFF  }
0xc8: {  	_ =	task.clear_ibuf [dreg:s7], $0x2FFFF;
	_ =	strace $0x9FFFFFFF  }
0xc9: {  	(tm) =	ssettm $0x7FFFFFFF  }
tec
execute0_lowered:
.L_overlay_start_1:
0x0: {  	(tag) =	ssettag $0x1  }
0x1: {  	s8 =	rddreg [dreg:$0x0]  }
0x2: {  	s0 =	srdreg.scid;
	s6 =	rddreg [dreg:$0x1]  }
0x3: {  	s13 =	stileid.u32;
	s1 =	rddreg [dreg:$0x2];
	s2 =	simm.s32 $0x0  }
0x4: {  	s17 =	simm.s32 $0x2800;
	s18 =	simm.s32 $0x1;
	s19 =	simm.s32 $0x6800  }
0x5: {  	s20 =	simm.s32 $0x2;
	s21 =	simm.s32 $0x1380;
	s22 =	simm.s32 $0x2700  }
0x6: {  	s23 =	simm.s32 $0x2780;
	s24 =	simm.s32 $0x0;
	s5 =	sand.u32 $0x1, s0  }
0x7: {  	[smem:$0x7FF] =	sst s2;
	s4 =	sadd.s32 $0xDC200, s8;
	s10 =	smul.u32 $0x4E000, s13  }
0x8: {  	s16 =	sadd.s32 $0x138000, s1;
	p0 =	sne.s32 s13, $0x0;
	s0 =	sshll.u32 s5, $0x4  }
0x9: {  	s9 =	smul.u32 $0x27100, s5;
	s5 =	ssub.s32 $0x2, s5;
	s3 =	sor.u32 s13, s0  }
0xa: {  	s0 =	rddreg [dreg:$0x3];
	_ =	strace $0x80000050;
	s7 =	smul.u32 $0x280, s3  }
0xb: {  	s14 =	sshrl.u32 s5, $0x1;
	s10 =	sshrl.u32 s10, $0x2;
	s3 =	smul.u32 $0x2700, s13  }
0xc: {  	s9 =	sadd.s32 s9, s8;
	s14 =	ssub.s32 s5, s14;
	s15 =	sadd.s32 s10, s1  }
0xd: {  	s13 =	sshll.u32 s13, $0x6;
	s9 =	sadd.s32 $0x8E000, s9;
	s10 =	smax.u32 s14, $0x1  }
0xe: {  	s13 =	sor.u32 $0x1C03, s13;
	s14 =	sshrl.u32 s15, $0x3;
	s15 =	sshrl.u32 @!p0 s16, $0x3  }
0xf: {  	s16 =	simm.s32 $0x7D;
	s11 =	sadd.s32 s7, s8;
	s12 =	sadd.s32 s3, s8  }
0x10: {  	s6 =	sadd.s32 s6, s7;
	s8 =	sadd.s32 $0x2B400, s8;
	s5 =	sadd.s32 $0x7F000, s11  }
0x11: {  	s7 =	sadd.s32 $0x4400, s12;
	s11 =	simm.s32 $0x3;
	s12 =	simm.s32 $0x1400  }
.LBB2_1:
0x12: {  	[tilespmem:s2], [sflag:$0x3] =	stream.linear.gather [hbm4b:s5+s2], $0x1400, $0x38;
	[tilespmem:$0x1E080] =	vst v63  }
0x13: {  	_ =	swait.ge [sflag:s11], $0x1400  }
0x14: {  	[sflag:s11] =	ssyncset.done $0x0  }
0x15: {  	[sflag:s11] =	ssyncadd.s32 $0xFFFFEC00  }
0x16: {  	[tilespmem:s12], [sflag:$0x3] =	stream.linear.gather [hbm4b:s6+s2], $0x1400, $0x38;
	[tilespmem:$0x1E080] =	vst v63  }
0x17: {  	_ =	swait.ge [sflag:s11], $0x1400  }
0x18: {  	[sflag:s11] =	ssyncset.done $0x0  }
0x19: {  	[sflag:s11] =	ssyncadd.s32 $0xFFFFEC00  }
0x1a: {  	[spmem:s14], [sflag:s13] =	dma.local [hbm:s7], $0x2700  }
0x1b: {  	_ =	swait.ge [sflag:s11], $0x2700  }
0x1c: {  	[sflag:s11] =	ssyncset.done $0x0  }
0x1d: {  	s25 =	simm.s32 @!p0 $0x3;
	[sflag:s11] =	ssyncadd.s32 $0xFFFFD900  }
0x1e: {  	[spmem:s15], [sflag:s13] =	dma.local @!p0 [hbm:s8], $0x100  }
0x1f: {  	_ =	swait.ge @!p0 [sflag:s25], $0x100  }
0x20: {  	[sflag:s25] =	ssyncset.done @!p0 $0x0  }
0x21: {  	[sflag:s25] =	ssyncadd.s32 @!p0 $0xFFFFFF00  }
0x22: {  	[bflag:$0x0] =	sbarrier.arrive $0xFFFF  }
0x23: {  	[tilespmem:s17], [sflag:$0x1] =	stream.indirect.gather [hbm4b:s4+s16], $0x80, s2, s16, $0xb8;
	[tilespmem:$0x1E080] =	vst v63  }
0x24: {  	_ =	swait.ge [sflag:s18], $0x3E80  }
0x25: {  	[sflag:s18] =	ssyncset.done $0x0  }
0x26: {  	s28 =	simm.s32 $0x80;
	[sflag:s18] =	ssyncadd.s32 $0xFFFFC180  }
0x27: {  	[tilespmem:s19], [sflag:$0x2] =	stream.indirect.gather [hbm4b:s4+s16], $0x80, s28, s16, $0xb8;
	[tilespmem:$0x1E080] =	vst v63  }
0x28: {  	s29 =	simm.s32 $0x1400  }
0x29: {  	[spmem:s1] =	stream.indirect.scatter.add.f32 [tilespmem:s17], [sflag:$0x3], $0x80, s29, s16, $0xb8;
	[tilespmem:$0x1E080] =	vst v63  }
0x2a: {  	_ =	swait.ge [sflag:s11], $0x3E80  }
0x2b: {  	[sflag:s11] =	ssyncset.done $0x0  }
0x2c: {  	[sflag:s11] =	ssyncadd.s32 $0xFFFFC180  }
0x2d: {  	_ =	swait.ge [sflag:s20], $0x3E80  }
0x2e: {  	[sflag:s20] =	ssyncset.done $0x0  }
0x2f: {  	s30 =	simm.s32 $0x100;
	[sflag:s20] =	ssyncadd.s32 $0xFFFFC180  }
0x30: {  	[tilespmem:s17], [sflag:$0x1] =	stream.indirect.gather [hbm4b:s4+s16], $0x80, s30, s16, $0xb8;
	[tilespmem:$0x1E080] =	vst v63  }
0x31: {  	s31 =	simm.s32 $0x1480  }
0x32: {  	[spmem:s1] =	stream.indirect.scatter.add.f32 [tilespmem:s19], [sflag:$0x3], $0x80, s31, s16, $0xb8;
	[tilespmem:$0x1E080] =	vst v63  }
0x33: {  	_ =	swait.ge [sflag:s11], $0x3E80  }
0x34: {  	s25 =	simm.s32 $0x400;
	[sflag:s11] =	ssyncset.done $0x0  }
.LBB2_2:
0x35: {  	p1 =	sne.s32 s25, $0x4800  }
0x36: {  	[sflag:s11] =	ssyncadd.s32 $0xFFFFC180;
	s26 =	smov.u32 s25;
	s25 =	sadd.s32 $0x400, s25  }
0x37: {  	_ = 	snop  }
0x38: {  	_ =	swait.ge [sflag:s18], $0x3E80  }
0x39: {  	s26 =	sshra.s32 s26, $0x2;
	[sflag:s18] =	ssyncset.done $0x0  }
0x3a: {  	s28 =	sadd.s32 $0x80, s26;
	[sflag:s18] =	ssyncadd.s32 $0xFFFFC180  }
0x3b: {  	[tilespmem:s19], [sflag:$0x2] =	stream.indirect.gather [hbm4b:s4+s16], $0x80, s28, s16, $0xb8;
	[tilespmem:$0x1E080] =	vst v63  }
0x3c: {  	s28 =	sadd.s32 $0x1400, s26  }
0x3d: {  	[spmem:s1] =	stream.indirect.scatter.add.f32 [tilespmem:s17], [sflag:$0x3], $0x80, s28, s16, $0xb8;
	[tilespmem:$0x1E080] =	vst v63  }
0x3e: {  	_ =	swait.ge [sflag:s11], $0x3E80  }
0x3f: {  	[sflag:s11] =	ssyncset.done $0x0  }
0x40: {  	[sflag:s11] =	ssyncadd.s32 $0xFFFFC180  }
0x41: {  	_ =	swait.ge [sflag:s20], $0x3E80  }
0x42: {  	[sflag:s20] =	ssyncset.done $0x0  }
0x43: {  	s28 =	sadd.s32 $0x100, s26;
	[sflag:s20] =	ssyncadd.s32 $0xFFFFC180  }
0x44: {  	[tilespmem:s17], [sflag:$0x1] =	stream.indirect.gather [hbm4b:s4+s16], $0x80, s28, s16, $0xb8;
	[tilespmem:$0x1E080] =	vst v63  }
.Ltmp0:
0x45: {  	_ = 	snop;
	(pc) =	sbr.rel @p1 .LBB2_2-.Ltmp0, $4  }
0x46: {  	s26 =	sadd.s32 $0x1480, s26  }
0x47: {  	[spmem:s1] =	stream.indirect.scatter.add.f32 [tilespmem:s19], [sflag:$0x3], $0x80, s26, s16, $0xb8;
	[tilespmem:$0x1E080] =	vst v63  }
0x48: {  	_ =	swait.ge [sflag:s11], $0x3E80  }
0x49: {  	[sflag:s11] =	ssyncset.done $0x0  }
0x4a: {  	[sflag:s11] =	ssyncadd.s32 $0xFFFFC180  }
0x4b: {  	_ =	swait.ge [sflag:s18], $0x3E80  }
0x4c: {  	[sflag:s18] =	ssyncset.done $0x0  }
0x4d: {  	[sflag:s18] =	ssyncadd.s32 $0xFFFFC180  }
0x4e: {  	[tilespmem:s19], [sflag:$0x2] =	stream.indirect.gather [hbm4b:s4+s16], $0x80, s21, s16, $0xb8;
	[tilespmem:$0x1E080] =	vst v63  }
0x4f: {  	_ = 	snop  }
0x50: {  	[spmem:s1] =	stream.indirect.scatter.add.f32 [tilespmem:s17], [sflag:$0x3], $0x80, s22, s16, $0xb8;
	[tilespmem:$0x1E080] =	vst v63  }
0x51: {  	_ =	swait.ge [sflag:s11], $0x3E80  }
0x52: {  	[sflag:s11] =	ssyncset.done $0x0  }
0x53: {  	[sflag:s11] =	ssyncadd.s32 $0xFFFFC180  }
0x54: {  	_ =	swait.ge [sflag:s20], $0x3E80  }
0x55: {  	[sflag:s20] =	ssyncset.done $0x0  }
0x56: {  	[sflag:s20] =	ssyncadd.s32 $0xFFFFC180  }
0x57: {  	[spmem:s1] =	stream.indirect.scatter.add.f32 [tilespmem:s19], [sflag:$0x3], $0x80, s23, s16, $0xb8;
	[tilespmem:$0x1E080] =	vst v63  }
0x58: {  	_ =	swait.ge [sflag:s11], $0x3E80  }
0x59: {  	[sflag:s11] =	ssyncset.done $0x0  }
0x5a: {  	[sflag:s11] =	ssyncadd.s32 $0xFFFFC180  }
0x5b: {  	s25 =	sadd.s32 s3, s9;
	[bflag:$0x0] =	sbarrier.arrive $0xFFFF  }
0x5c: {  	[hbm:s25], [sflag:s13] =	dma.local [spmem:s14], $0x2700  }
0x5d: {  	_ =	swait.ge [sflag:s11], $0x2700  }
0x5e: {  	s24 =	sadd.s32 $0x1, s24;
	[sflag:s11] =	ssyncset.done $0x0  }
0x5f: {  	p1 =	sne.s32 s24, s10;
	s25 =	sadd.s32 @!p0 $0x27000, s9;
	[sflag:s11] =	ssyncadd.s32 $0xFFFFD900  }
0x60: {  	[hbm:s25], [sflag:s13] =	dma.local @!p0 [spmem:s15], $0x100  }
.Ltmp1:
0x61: {  	_ = 	snop;
	(pc) =	sbr.rel @p1 .LBB2_1-.Ltmp1, $4  }
0x62: {  	s25 =	simm.s32 @!p0 $0x3  }
0x63: {  	_ =	swait.ge @!p0 [sflag:s25], $0x100  }
0x64: {  	[sflag:s25] =	ssyncset.done @!p0 $0x0  }
0x65: {  	[sflag:s25] =	ssyncadd.s32 @!p0 $0xFFFFFF00  }
0x66: {  	_ =	sfence.sel $0x180000  }
0x67: {  	[bflag:$0x0] =	sbarrier.arrive $0xFFFF  }
0x68: {  	_ =	strace $0x90000050  }
0x69: {  	s0 =	sadd.s32 @!p0 $0x100000, s0;
	[bflag:$0x2] =	sbarrier.arrive $0xFFFF  }
0x6a: {  	[sflag:s0] =	ssyncadd.tile.s32 @!p0 $0x1;
	_ =	shalt  }
.Lfunc_end2:
_tile_overlayer_lowered:
.L_overlay_start_2:
0x6b: {  	(tag) =	ssettag $0x2  }
0x6c: {  	s0 =	rddreg [dreg:$0x0];
	s2 =	stileid.u32  }
0x6d: {  	s1 =	rddreg [dreg:$0x1];
	p0 =	sne.s32 s2, $0x0  }
0x6e: {  	s3 =	rddreg [dreg:$0x2];
	[bflag:$0x3] =	sbarrier.arrive $0xFFFF;
	s2 =	simm.s32 @!p0 $0x1C03  }
0x6f: {  	[timem:s3], [sflag:s2] =	dma.local @!p0 [hbm:s0], s1  }
0x70: {  	s0 =	simm.s32 @!p0 $0x3  }
0x71: {  	_ =	swait.ge @!p0 [sflag:s0], s1  }
0x72: {  	s1 =	ssub.s32 @!p0 $0x0, s1;
	[sflag:s0] =	ssyncset.done @!p0 $0x0  }
0x73: {  	[sflag:s0] =	ssyncadd.s32 @!p0 s1  }
0x74: {  	[bflag:$0x3] =	sbarrier.arrive $0xFFFF  }
0x75: {  	_ =	shalt  }

</sc_bundles>
